<compile_context>
chip_gen: v7x
topology: tpu7x:2x2x1
jax: 0.10.2.dev20260603
libtpu: 0.0.44.dev20260713+nightly
codegen_flags: <defaults>
</compile_context>

<pallas_src>
import jax
import jax.numpy as jnp
from jax import lax
from jax.experimental import pallas as pl
from jax.experimental.pallas import tpu as pltpu
from jax.experimental.pallas import tpu_sc as plsc

WAY = 5
SHOT_SP = 5 * 512
S = 512
HW = 512 * 512
Q = 25
NQ_SP = Q * S
D = 128

NC = 2
NS = 16
NW = NC * NS
L = 16
PIX_PER_W = HW // NW
GROUPS = PIX_PER_W // L
STAGE_W = PIX_PER_W * WAY


def _predict_body(feat_ref, lab_ref, out_ref):
    shot = feat_ref[:SHOT_SP, :]
    query = feat_ref[SHOT_SP:, :]
    lab = lab_ref[...]
    onehot = (lab == lax.broadcasted_iota(jnp.int32, (SHOT_SP, WAY), 1))
    onehot = onehot.astype(jnp.float32)
    proto_sum = lax.dot_general(
        onehot, shot, (((0,), (0,)), ((), ())),
        preferred_element_type=jnp.float32,
        precision=lax.Precision.HIGHEST)
    counts = jnp.sum(onehot, axis=0)
    protos = proto_sum / jnp.maximum(counts, 1.0)[:, None]
    p2 = jnp.sum(protos * protos, axis=1)[:, None]
    qp = lax.dot_general(
        protos, query, (((1,), (1,)), ((), ())),
        preferred_element_type=jnp.float32,
        precision=lax.Precision.HIGHEST)
    z = 2.0 * qp - p2
    z = z - jnp.max(z, axis=0, keepdims=True)
    e = jnp.exp(z)
    out_ref[...] = e / jnp.sum(e, axis=0, keepdims=True)


def _compute_predict_p(feature_superpixel, label_shot):
    lab2d = label_shot.astype(jnp.int32).reshape(SHOT_SP, 1)
    return pl.pallas_call(
        _predict_body,
        out_shape=jax.ShapeDtypeStruct((WAY, NQ_SP), jnp.float32),
    )(feature_superpixel, lab2d)


def _sc_scatter_body(tbl_hbm, seg_hbm, out_hbm,
                     tbl_v0, tbl_v1, seg_v0, seg_v1, stage_v0, stage_v1,
                     sem_in, sem_out):
    tbl_v = (tbl_v0, tbl_v1)
    seg_v = (seg_v0, seg_v1)
    stage_v = (stage_v0, stage_v1)
    wid = lax.axis_index("s") * NC + lax.axis_index("c")

    def in_copies(q, b):
        cps = [pltpu.make_async_copy(
            tbl_hbm.at[:, pl.ds(q * S, S)], tbl_v[b], sem_in.at[b])]
        cps.append(pltpu.make_async_copy(
            seg_hbm.at[pl.ds((5 + q) * HW + wid * PIX_PER_W, PIX_PER_W)],
            seg_v[b], sem_in.at[b]))
        return cps

    def out_copies(q, b):
        return [pltpu.make_async_copy(
            stage_v[b].at[pl.ds(c * PIX_PER_W, PIX_PER_W)],
            out_hbm.at[pl.ds((q * WAY + c) * HW + wid * PIX_PER_W, PIX_PER_W)],
            sem_out.at[b]) for c in range(WAY)]

    def compute(b):
        cvecs = [jnp.full((L,), c, jnp.int32) for c in range(WAY)]

        @plsc.parallel_loop(0, GROUPS, unroll=4)
        def per_group(g):
            seg = seg_v[b][pl.ds(g * L, L)]
            for c in range(WAY):
                vals = plsc.load_gather(tbl_v[b], [cvecs[c], seg])
                stage_v[b][pl.ds(c * PIX_PER_W + g * L, L)] = vals

    def start(cps):
        for cp in cps:
            cp.start()

    def wait(cps):
        for cp in cps:
            cp.wait()

    start(in_copies(0, 0))
    start(in_copies(1, 1))
    wait(in_copies(0, 0))
    compute(0)
    start(out_copies(0, 0))
    start(in_copies(2, 0))
    wait(in_copies(1, 1))
    compute(1)
    start(out_copies(1, 1))
    start(in_copies(3, 1))

    def pair(i, carry):
        q0 = 2 * i
        q1 = q0 + 1
        wait(in_copies(q0, 0))
        wait(out_copies(q0 - 2, 0))
        compute(0)
        start(out_copies(q0, 0))
        start(in_copies(q0 + 2, 0))
        wait(in_copies(q1, 1))
        wait(out_copies(q1 - 2, 1))
        compute(1)
        start(out_copies(q1, 1))
        start(in_copies(q1 + 2, 1))
        return carry

    lax.fori_loop(1, 11, pair, 0)
    for q, b in ((22, 0), (23, 1), (24, 0)):
        wait(in_copies(q, b))
        wait(out_copies(q - 2, b))
        compute(b)
        start(out_copies(q, b))
        if q == 22:
            start(in_copies(24, 0))
    wait(out_copies(24, 0))
    wait(out_copies(23, 1))


def _scatter_masks(predict_flat, slic_flat):
    mesh = plsc.VectorSubcoreMesh(core_axis_name="c", subcore_axis_name="s")
    f = pl.kernel(
        _sc_scatter_body,
        mesh=mesh,
        out_type=jax.ShapeDtypeStruct((Q * HW * WAY,), jnp.float32),
        scratch_types=[
            pltpu.VMEM((WAY, S), jnp.float32),
            pltpu.VMEM((WAY, S), jnp.float32),
            pltpu.VMEM((PIX_PER_W,), jnp.int32),
            pltpu.VMEM((PIX_PER_W,), jnp.int32),
            pltpu.VMEM((STAGE_W,), jnp.float32),
            pltpu.VMEM((STAGE_W,), jnp.float32),
            pltpu.SemaphoreType.DMA((2,)),
            pltpu.SemaphoreType.DMA((2,)),
        ],
        compiler_params=pltpu.CompilerParams(needs_layout_passes=False),
    )
    return f(predict_flat, slic_flat)


def kernel(feature_superpixel, label_superpixel_shot, label_superpixel_query, slic_npy):
    predict_t = _compute_predict_p(feature_superpixel, label_superpixel_shot)
    predict_p = predict_t.T
    seg_phys = (slic_npy.astype(jnp.int32)
                .reshape(30, 64, 8, 4, 128)
                .transpose(0, 1, 3, 2, 4)
                .reshape(-1))
    out_flat = _scatter_masks(predict_t, seg_phys)
    out = (out_flat.reshape(Q, WAY, 64, 4, 8, 128)
           .transpose(0, 2, 4, 3, 5, 1)
           .reshape(Q, 512, 512, WAY))
    return out, predict_p

# --- scband reference (transcript-rebuilt; emitter-appended) ---
"""Pipeline reference for scband-mgcn-tpn-classifier-55310588838069 (READ-ONLY COPY).

The authoritative reference and input builder live on the scoring server;
editing this copy changes nothing except your own understanding.
"""

import jax, jax.numpy as jnp
import numpy as np

WAY = 5
SHOT = 5
S = 512      # superpixels per image
SIZE = 512   # image side
N_IMG = 30   # shot images (SHOT) + query images (25)
D = 128


def setup_inputs(seed: int = 0) -> dict:
    key = jax.random.key(seed)
    k1, k2, k3, k4 = jax.random.split(key, 4)
    n_total = N_IMG * S
    n_shot = SHOT * S
    feature_superpixel = jax.random.normal(k1, (n_total, D), dtype=jnp.float32)
    label_superpixel_shot = jax.random.randint(k2, (n_shot,), 0, WAY, dtype=jnp.int64)
    label_superpixel_query = jax.random.randint(k3, (n_total - n_shot,), 0, WAY, dtype=jnp.int64)
    slic_npy = jax.random.randint(k4, (N_IMG, SIZE, SIZE), 0, S, dtype=jnp.int64)
    return {
        "feature_superpixel": feature_superpixel,
        "label_superpixel_shot": label_superpixel_shot,
        "label_superpixel_query": label_superpixel_query,
        "slic_npy": slic_npy,
    }


def reference(feature_superpixel, label_superpixel_shot, label_superpixel_query, slic_npy):
    # --- MGCN_LabelPropagation_A_TPN_Proto core (prototype classifier over superpixels) ---
    n_shot = label_superpixel_shot.shape[0]
    shot_feats = feature_superpixel[:n_shot]
    query_feats = feature_superpixel[n_shot:]
    # class prototypes via scatter-add (segment_sum) over support superpixel labels
    proto_sum = jax.ops.segment_sum(shot_feats, label_superpixel_shot, num_segments=WAY)
    counts = jax.ops.segment_sum(jnp.ones((n_shot,), jnp.float32), label_superpixel_shot, num_segments=WAY)
    protos = proto_sum / jnp.maximum(counts, 1.0)[:, None]
    # squared-euclidean logits to prototypes
    q2 = jnp.sum(query_feats * query_feats, axis=1, keepdims=True)
    p2 = jnp.sum(protos * protos, axis=1)[None, :]
    d2 = q2 - 2.0 * (query_feats @ protos.T) + p2
    predict_p = jax.nn.softmax(-d2, axis=1)  # [N_query_sp, WAY]
    # --- label_to_mask: scatter each superpixel's logits to all its pixels ---
    # segments[i] takes values 0..S-1 (all present), so the torch loop with
    # np.unique and a running index is equivalent to: out[i,h,w] = predict_p[i*S + segments[i,h,w]]
    segments = slic_npy[SHOT:]                      # [Q, SIZE, SIZE]
    Q = segments.shape[0]
    idx = segments + (jnp.arange(Q) * S)[:, None, None]
    output = jnp.take(predict_p, idx, axis=0)       # [Q, SIZE, SIZE, WAY]
    return (output, predict_p)

if __name__ == "__main__":
    import jax
    _d = setup_inputs()
    print(jax.jit(kernel)(*tuple(_d.values())))

</pallas_src>

<mosaic_0001>
#map = affine_map<(d0, d1) -> (0, 0)>
#map1 = affine_map<(d0, d1) -> (0)>
module attributes {stable_mosaic.version = 14 : i64} {
  func.func @_sc_scatter_body(%arg0: i32, %arg1: i32, %arg2: memref<5x12800xf32, #tpu.memory_space<hbm>>, %arg3: memref<7864320xi32, #tpu.memory_space<hbm>>, %arg4: memref<32768000xf32, #tpu.memory_space<hbm>>, %arg5: memref<5x512xf32, #tpu.memory_space<vmem>>, %arg6: memref<5x512xf32, #tpu.memory_space<vmem>>, %arg7: memref<8192xi32, #tpu.memory_space<vmem>>, %arg8: memref<8192xi32, #tpu.memory_space<vmem>>, %arg9: memref<40960xf32, #tpu.memory_space<vmem>>, %arg10: memref<40960xf32, #tpu.memory_space<vmem>>, %arg11: memref<2x!tpu.dma_semaphore, #tpu.memory_space<semaphore_mem>>, %arg12: memref<2x!tpu.dma_semaphore, #tpu.memory_space<semaphore_mem>>) attributes {dimension_semantics = [#tpu.dimension_semantics<core_parallel>, #tpu.dimension_semantics<subcore_parallel>], iteration_bounds = array<i64: 2, 16>, scalar_prefetch = 0 : i64, scratch_operands = 8 : i64, tpu.core_type = #tpu.core_type<sc_vector_subcore>, window_params = [{transform_indices = #map}, {transform_indices = #map1}, {transform_indices = #map1}]} {
    %mul3A = arith.constant 2 : i32
    %mul3A_0 = arith.muli %arg1, %mul3A : i32
    %add3A = arith.addi %mul3A_0, %arg0 : i32
    %mul3A_1 = arith.constant 8192 : i32
    %mul3A_2 = arith.muli %add3A, %mul3A_1 : i32
    %add3A_3 = arith.constant 1310720 : i32
    %add3A_4 = arith.addi %add3A_3, %mul3A_2 : i32
    %dma_start3A = arith.constant 0 : i32
    %dma_start3A_5 = arith.constant 0 : i32
    %dma_start3A_6 = arith.constant 0 : i32
    %dma_start3A_7 = tpu.memref_slice %arg2[%dma_start3A_5, %dma_start3A_6] : memref<5x12800xf32, #tpu.memory_space<hbm>> -> memref<5x512xf32, #tpu.memory_space<hbm>>
    %dma_start3A_8 = tpu.memref_slice %arg11[%dma_start3A] : memref<2x!tpu.dma_semaphore, #tpu.memory_space<semaphore_mem>> -> memref<1x!tpu.dma_semaphore, #tpu.memory_space<semaphore_mem>>
    %dma_start3A_9 = tpu.memref_squeeze %dma_start3A_8 : memref<1x!tpu.dma_semaphore, #tpu.memory_space<semaphore_mem>> -> memref<!tpu.dma_semaphore, #tpu.memory_space<semaphore_mem>>
    %dma_start3A_10 = arith.constant 0 : i32
    %dma_start3A_11 = arith.constant 0 : i32
    %dma_start3A_12 = tpu.memref_slice %arg2[%dma_start3A_10, %dma_start3A_11] : memref<5x12800xf32, #tpu.memory_space<hbm>> -> memref<5x512xf32, #tpu.memory_space<hbm>>
    tpu.enqueue_dma source(%dma_start3A_12 : memref<5x512xf32, #tpu.memory_space<hbm>>) target(%arg5 : memref<5x512xf32, #tpu.memory_space<vmem>>) target_semaphore(%dma_start3A_9 : memref<!tpu.dma_semaphore, #tpu.memory_space<semaphore_mem>>)
    %dma_start3A_13 = arith.constant 0 : i32
    %dma_start3A_14 = tpu.memref_slice %arg3[%add3A_4] : memref<7864320xi32, #tpu.memory_space<hbm>> -> memref<8192xi32, #tpu.memory_space<hbm>>
    %dma_start3A_15 = tpu.memref_slice %arg11[%dma_start3A_13] : memref<2x!tpu.dma_semaphore, #tpu.memory_space<semaphore_mem>> -> memref<1x!tpu.dma_semaphore, #tpu.memory_space<semaphore_mem>>
    %dma_start3A_16 = tpu.memref_squeeze %dma_start3A_15 : memref<1x!tpu.dma_semaphore, #tpu.memory_space<semaphore_mem>> -> memref<!tpu.dma_semaphore, #tpu.memory_space<semaphore_mem>>
    %dma_start3A_17 = tpu.memref_slice %arg3[%add3A_4] : memref<7864320xi32, #tpu.memory_space<hbm>> -> memref<8192xi32, #tpu.memory_space<hbm>>
    tpu.enqueue_dma source(%dma_start3A_17 : memref<8192xi32, #tpu.memory_space<hbm>>) target(%arg7 : memref<8192xi32, #tpu.memory_space<vmem>>) target_semaphore(%dma_start3A_16 : memref<!tpu.dma_semaphore, #tpu.memory_space<semaphore_mem>>)
    %mul3A_18 = arith.constant 8192 : i32
    %mul3A_19 = arith.muli %add3A, %mul3A_18 : i32
    %add3A_20 = arith.constant 1572864 : i32
    %add3A_21 = arith.addi %add3A_20, %mul3A_19 : i32
    %dma_start3A_22 = arith.constant 1 : i32
    %dma_start3A_23 = arith.constant 0 : i32
    %dma_start3A_24 = arith.constant 512 : i32
    %dma_start3A_25 = tpu.memref_slice %arg2[%dma_start3A_23, %dma_start3A_24] : memref<5x12800xf32, #tpu.memory_space<hbm>> -> memref<5x512xf32, #tpu.memory_space<hbm>>
    %dma_start3A_26 = tpu.memref_slice %arg11[%dma_start3A_22] : memref<2x!tpu.dma_semaphore, #tpu.memory_space<semaphore_mem>> -> memref<1x!tpu.dma_semaphore, #tpu.memory_space<semaphore_mem>>
    %dma_start3A_27 = tpu.memref_squeeze %dma_start3A_26 : memref<1x!tpu.dma_semaphore, #tpu.memory_space<semaphore_mem>> -> memref<!tpu.dma_semaphore, #tpu.memory_space<semaphore_mem>>
    %dma_start3A_28 = arith.constant 0 : i32
    %dma_start3A_29 = arith.constant 512 : i32
    %dma_start3A_30 = tpu.memref_slice %arg2[%dma_start3A_28, %dma_start3A_29] : memref<5x12800xf32, #tpu.memory_space<hbm>> -> memref<5x512xf32, #tpu.memory_space<hbm>>
    tpu.enqueue_dma source(%dma_start3A_30 : memref<5x512xf32, #tpu.memory_space<hbm>>) target(%arg6 : memref<5x512xf32, #tpu.memory_space<vmem>>) target_semaphore(%dma_start3A_27 : memref<!tpu.dma_semaphore, #tpu.memory_space<semaphore_mem>>)
    %dma_start3A_31 = arith.constant 1 : i32
    %dma_start3A_32 = tpu.memref_slice %arg3[%add3A_21] : memref<7864320xi32, #tpu.memory_space<hbm>> -> memref<8192xi32, #tpu.memory_space<hbm>>
    %dma_start3A_33 = tpu.memref_slice %arg11[%dma_start3A_31] : memref<2x!tpu.dma_semaphore, #tpu.memory_space<semaphore_mem>> -> memref<1x!tpu.dma_semaphore, #tpu.memory_space<semaphore_mem>>
    %dma_start3A_34 = tpu.memref_squeeze %dma_start3A_33 : memref<1x!tpu.dma_semaphore, #tpu.memory_space<semaphore_mem>> -> memref<!tpu.dma_semaphore, #tpu.memory_space<semaphore_mem>>
    %dma_start3A_35 = tpu.memref_slice %arg3[%add3A_21] : memref<7864320xi32, #tpu.memory_space<hbm>> -> memref<8192xi32, #tpu.memory_space<hbm>>
    tpu.enqueue_dma source(%dma_start3A_35 : memref<8192xi32, #tpu.memory_space<hbm>>) target(%arg8 : memref<8192xi32, #tpu.memory_space<vmem>>) target_semaphore(%dma_start3A_34 : memref<!tpu.dma_semaphore, #tpu.memory_space<semaphore_mem>>)
    %mul3A_36 = arith.constant 8192 : i32
    %mul3A_37 = arith.muli %add3A, %mul3A_36 : i32
    %add3A_38 = arith.constant 1310720 : i32
    %add3A_39 = arith.addi %add3A_38, %mul3A_37 : i32
    %dma_wait3A = arith.constant 0 : i32
    %dma_wait3A_40 = arith.constant 0 : i32
    %dma_wait3A_41 = arith.constant 0 : i32
    %dma_wait3A_42 = tpu.memref_slice %arg2[%dma_wait3A_40, %dma_wait3A_41] : memref<5x12800xf32, #tpu.memory_space<hbm>> -> memref<5x512xf32, #tpu.memory_space<hbm>>
    %dma_wait3A_43 = tpu.memref_slice %arg11[%dma_wait3A] : memref<2x!tpu.dma_semaphore, #tpu.memory_space<semaphore_mem>> -> memref<1x!tpu.dma_semaphore, #tpu.memory_space<semaphore_mem>>
    %dma_wait3A_44 = tpu.memref_squeeze %dma_wait3A_43 : memref<1x!tpu.dma_semaphore, #tpu.memory_space<semaphore_mem>> -> memref<!tpu.dma_semaphore, #tpu.memory_space<semaphore_mem>>
    %dma_wait3A_45 = arith.constant 0 : i32
    %dma_wait3A_46 = arith.constant 0 : i32
    %dma_wait3A_47 = tpu.memref_slice %arg2[%dma_wait3A_45, %dma_wait3A_46] : memref<5x12800xf32, #tpu.memory_space<hbm>> -> memref<5x512xf32, #tpu.memory_space<hbm>>
    tpu.wait_dma2 semaphore(%dma_wait3A_44 : memref<!tpu.dma_semaphore, #tpu.memory_space<semaphore_mem>>) src(%dma_wait3A_47 : memref<5x512xf32, #tpu.memory_space<hbm>>) dst(%arg5 : memref<5x512xf32, #tpu.memory_space<vmem>>)
    %dma_wait3A_48 = arith.constant 0 : i32
    %dma_wait3A_49 = tpu.memref_slice %arg3[%add3A_39] : memref<7864320xi32, #tpu.memory_space<hbm>> -> memref<8192xi32, #tpu.memory_space<hbm>>
    %dma_wait3A_50 = tpu.memref_slice %arg11[%dma_wait3A_48] : memref<2x!tpu.dma_semaphore, #tpu.memory_space<semaphore_mem>> -> memref<1x!tpu.dma_semaphore, #tpu.memory_space<semaphore_mem>>
    %dma_wait3A_51 = tpu.memref_squeeze %dma_wait3A_50 : memref<1x!tpu.dma_semaphore, #tpu.memory_space<semaphore_mem>> -> memref<!tpu.dma_semaphore, #tpu.memory_space<semaphore_mem>>
    %dma_wait3A_52 = tpu.memref_slice %arg3[%add3A_39] : memref<7864320xi32, #tpu.memory_space<hbm>> -> memref<8192xi32, #tpu.memory_space<hbm>>
    tpu.wait_dma2 semaphore(%dma_wait3A_51 : memref<!tpu.dma_semaphore, #tpu.memory_space<semaphore_mem>>) src(%dma_wait3A_52 : memref<8192xi32, #tpu.memory_space<hbm>>) dst(%arg7 : memref<8192xi32, #tpu.memory_space<vmem>>)
    %broadcast_in_dim3A = arith.constant 0 : i32
    %broadcast_in_dim3A_53 = vector.broadcast %broadcast_in_dim3A : i32 to vector<16xi32>
    %broadcast_in_dim3A_54 = arith.constant 1 : i32
    %broadcast_in_dim3A_55 = vector.broadcast %broadcast_in_dim3A_54 : i32 to vector<16xi32>
    %broadcast_in_dim3A_56 = arith.constant 2 : i32
    %broadcast_in_dim3A_57 = vector.broadcast %broadcast_in_dim3A_56 : i32 to vector<16xi32>
    %broadcast_in_dim3A_58 = arith.constant 3 : i32
    %broadcast_in_dim3A_59 = vector.broadcast %broadcast_in_dim3A_58 : i32 to vector<16xi32>
    %broadcast_in_dim3A_60 = arith.constant 4 : i32
    %broadcast_in_dim3A_61 = vector.broadcast %broadcast_in_dim3A_60 : i32 to vector<16xi32>
    %parallel_loop3A = arith.constant 0 : i32
    %parallel_loop3A_62 = arith.constant 512 : i32
    %parallel_loop3A_63 = arith.constant 1 : i32
    scf.for %parallel_loop3A_897 = %parallel_loop3A to %parallel_loop3A_62 step %parallel_loop3A_63  : i32 {
      %parallel_loop3A_898 = arith.constant 16 : i32
      %parallel_loop3A_899 = arith.muli %parallel_loop3A_897, %parallel_loop3A_898 : i32
      %parallel_loop3A_900 = arith.index_cast %parallel_loop3A_899 : i32 to index
      %parallel_loop3A_901 = tpu.vector_load %arg7[%parallel_loop3A_900] {strides = array<i32>} : memref<8192xi32, #tpu.memory_space<vmem>>, vector<16xi32>,
      %parallel_loop3A_902 = tpu.vector_load_idx %arg5[%broadcast_in_dim3A_53, %parallel_loop3A_901] : memref<5x512xf32, #tpu.memory_space<vmem>>[vector<16xi32>, vector<16xi32>], vector<16xf32>,
      %parallel_loop3A_903 = arith.constant 16 : i32
      %parallel_loop3A_904 = arith.muli %parallel_loop3A_897, %parallel_loop3A_903 : i32
      %parallel_loop3A_905 = arith.constant 0 : i32
      %parallel_loop3A_906 = arith.addi %parallel_loop3A_905, %parallel_loop3A_904 : i32
      %parallel_loop3A_907 = arith.index_cast %parallel_loop3A_906 : i32 to index
      %parallel_loop3A_908 = tpu.vector_load %arg9[%parallel_loop3A_907] {strides = array<i32>} : memref<40960xf32, #tpu.memory_space<vmem>>, vector<16xf32>,
      tpu.vector_store %arg9[%parallel_loop3A_907], %parallel_loop3A_902 {strides = array<i32>} : memref<40960xf32, #tpu.memory_space<vmem>>, vector<16xf32>,
      %parallel_loop3A_909 = tpu.vector_load_idx %arg5[%broadcast_in_dim3A_55, %parallel_loop3A_901] : memref<5x512xf32, #tpu.memory_space<vmem>>[vector<16xi32>, vector<16xi32>], vector<16xf32>,
      %parallel_loop3A_910 = arith.constant 16 : i32
      %parallel_loop3A_911 = arith.muli %parallel_loop3A_897, %parallel_loop3A_910 : i32
      %parallel_loop3A_912 = arith.constant 8192 : i32
      %parallel_loop3A_913 = arith.addi %parallel_loop3A_912, %parallel_loop3A_911 : i32
      %parallel_loop3A_914 = arith.index_cast %parallel_loop3A_913 : i32 to index
      %parallel_loop3A_915 = tpu.vector_load %arg9[%parallel_loop3A_914] {strides = array<i32>} : memref<40960xf32, #tpu.memory_space<vmem>>, vector<16xf32>,
      tpu.vector_store %arg9[%parallel_loop3A_914], %parallel_loop3A_909 {strides = array<i32>} : memref<40960xf32, #tpu.memory_space<vmem>>, vector<16xf32>,
      %parallel_loop3A_916 = tpu.vector_load_idx %arg5[%broadcast_in_dim3A_57, %parallel_loop3A_901] : memref<5x512xf32, #tpu.memory_space<vmem>>[vector<16xi32>, vector<16xi32>], vector<16xf32>,
      %parallel_loop3A_917 = arith.constant 16 : i32
      %parallel_loop3A_918 = arith.muli %parallel_loop3A_897, %parallel_loop3A_917 : i32
      %parallel_loop3A_919 = arith.constant 16384 : i32
      %parallel_loop3A_920 = arith.addi %parallel_loop3A_919, %parallel_loop3A_918 : i32
      %parallel_loop3A_921 = arith.index_cast %parallel_loop3A_920 : i32 to index
      %parallel_loop3A_922 = tpu.vector_load %arg9[%parallel_loop3A_921] {strides = array<i32>} : memref<40960xf32, #tpu.memory_space<vmem>>, vector<16xf32>,
      tpu.vector_store %arg9[%parallel_loop3A_921], %parallel_loop3A_916 {strides = array<i32>} : memref<40960xf32, #tpu.memory_space<vmem>>, vector<16xf32>,
      %parallel_loop3A_923 = tpu.vector_load_idx %arg5[%broadcast_in_dim3A_59, %parallel_loop3A_901] : memref<5x512xf32, #tpu.memory_space<vmem>>[vector<16xi32>, vector<16xi32>], vector<16xf32>,
      %parallel_loop3A_924 = arith.constant 16 : i32
      %parallel_loop3A_925 = arith.muli %parallel_loop3A_897, %parallel_loop3A_924 : i32
      %parallel_loop3A_926 = arith.constant 24576 : i32
      %parallel_loop3A_927 = arith.addi %parallel_loop3A_926, %parallel_loop3A_925 : i32
      %parallel_loop3A_928 = arith.index_cast %parallel_loop3A_927 : i32 to index
      %parallel_loop3A_929 = tpu.vector_load %arg9[%parallel_loop3A_928] {strides = array<i32>} : memref<40960xf32, #tpu.memory_space<vmem>>, vector<16xf32>,
      tpu.vector_store %arg9[%parallel_loop3A_928], %parallel_loop3A_923 {strides = array<i32>} : memref<40960xf32, #tpu.memory_space<vmem>>, vector<16xf32>,
      %parallel_loop3A_930 = tpu.vector_load_idx %arg5[%broadcast_in_dim3A_61, %parallel_loop3A_901] : memref<5x512xf32, #tpu.memory_space<vmem>>[vector<16xi32>, vector<16xi32>], vector<16xf32>,
      %parallel_loop3A_931 = arith.constant 16 : i32
      %parallel_loop3A_932 = arith.muli %parallel_loop3A_897, %parallel_loop3A_931 : i32
      %parallel_loop3A_933 = arith.constant 32768 : i32
      %parallel_loop3A_934 = arith.addi %parallel_loop3A_933, %parallel_loop3A_932 : i32
      %parallel_loop3A_935 = arith.index_cast %parallel_loop3A_934 : i32 to index
      %parallel_loop3A_936 = tpu.vector_load %arg9[%parallel_loop3A_935] {strides = array<i32>} : memref<40960xf32, #tpu.memory_space<vmem>>, vector<16xf32>,
      tpu.vector_store %arg9[%parallel_loop3A_935], %parallel_loop3A_930 {strides = array<i32>} : memref<40960xf32, #tpu.memory_space<vmem>>, vector<16xf32>,
    } {sc.loop_unroll_factor = 4 : i64, sc.parallel_access}
    %mul3A_64 = arith.constant 8192 : i32
    %mul3A_65 = arith.muli %add3A, %mul3A_64 : i32
    %add3A_66 = arith.constant 0 : i32
    %add3A_67 = arith.addi %add3A_66, %mul3A_65 : i32
    %mul3A_68 = arith.constant 8192 : i32
    %mul3A_69 = arith.muli %add3A, %mul3A_68 : i32
    %add3A_70 = arith.constant 262144 : i32
    %add3A_71 = arith.addi %add3A_70, %mul3A_69 : i32
    %mul3A_72 = arith.constant 8192 : i32
    %mul3A_73 = arith.muli %add3A, %mul3A_72 : i32
    %add3A_74 = arith.constant 524288 : i32
    %add3A_75 = arith.addi %add3A_74, %mul3A_73 : i32
    %mul3A_76 = arith.constant 8192 : i32
    %mul3A_77 = arith.muli %add3A, %mul3A_76 : i32
    %add3A_78 = arith.constant 786432 : i32
    %add3A_79 = arith.addi %add3A_78, %mul3A_77 : i32
    %mul3A_80 = arith.constant 8192 : i32
    %mul3A_81 = arith.muli %add3A, %mul3A_80 : i32
    %add3A_82 = arith.constant 1048576 : i32
    %add3A_83 = arith.addi %add3A_82, %mul3A_81 : i32
    %dma_start3A_84 = arith.constant 0 : i32
    %dma_start3A_85 = arith.constant 0 : i32
    %dma_start3A_86 = tpu.memref_slice %arg9[%dma_start3A_85] : memref<40960xf32, #tpu.memory_space<vmem>> -> memref<8192xf32, #tpu.memory_space<vmem>>
    %dma_start3A_87 = tpu.memref_slice %arg4[%add3A_67] : memref<32768000xf32, #tpu.memory_space<hbm>> -> memref<8192xf32, #tpu.memory_space<hbm>>
    %dma_start3A_88 = tpu.memref_slice %arg12[%dma_start3A_84] : memref<2x!tpu.dma_semaphore, #tpu.memory_space<semaphore_mem>> -> memref<1x!tpu.dma_semaphore, #tpu.memory_space<semaphore_mem>>
    %dma_start3A_89 = tpu.memref_squeeze %dma_start3A_88 : memref<1x!tpu.dma_semaphore, #tpu.memory_space<semaphore_mem>> -> memref<!tpu.dma_semaphore, #tpu.memory_space<semaphore_mem>>
    %dma_start3A_90 = tpu.memref_slice %arg4[%add3A_67] : memref<32768000xf32, #tpu.memory_space<hbm>> -> memref<8192xf32, #tpu.memory_space<hbm>>
    %dma_start3A_91 = arith.constant 0 : i32
    %dma_start3A_92 = tpu.memref_slice %arg9[%dma_start3A_91] : memref<40960xf32, #tpu.memory_space<vmem>> -> memref<8192xf32, #tpu.memory_space<vmem>>
    tpu.enqueue_dma source(%dma_start3A_92 : memref<8192xf32, #tpu.memory_space<vmem>>) target(%dma_start3A_90 : memref<8192xf32, #tpu.memory_space<hbm>>) target_semaphore(%dma_start3A_89 : memref<!tpu.dma_semaphore, #tpu.memory_space<semaphore_mem>>)
    %dma_start3A_93 = arith.constant 0 : i32
    %dma_start3A_94 = arith.constant 8192 : i32
    %dma_start3A_95 = tpu.memref_slice %arg9[%dma_start3A_94] : memref<40960xf32, #tpu.memory_space<vmem>> -> memref<8192xf32, #tpu.memory_space<vmem>>
    %dma_start3A_96 = tpu.memref_slice %arg4[%add3A_71] : memref<32768000xf32, #tpu.memory_space<hbm>> -> memref<8192xf32, #tpu.memory_space<hbm>>
    %dma_start3A_97 = tpu.memref_slice %arg12[%dma_start3A_93] : memref<2x!tpu.dma_semaphore, #tpu.memory_space<semaphore_mem>> -> memref<1x!tpu.dma_semaphore, #tpu.memory_space<semaphore_mem>>
    %dma_start3A_98 = tpu.memref_squeeze %dma_start3A_97 : memref<1x!tpu.dma_semaphore, #tpu.memory_space<semaphore_mem>> -> memref<!tpu.dma_semaphore, #tpu.memory_space<semaphore_mem>>
    %dma_start3A_99 = tpu.memref_slice %arg4[%add3A_71] : memref<32768000xf32, #tpu.memory_space<hbm>> -> memref<8192xf32, #tpu.memory_space<hbm>>
    %dma_start3A_100 = arith.constant 8192 : i32
    %dma_start3A_101 = tpu.memref_slice %arg9[%dma_start3A_100] : memref<40960xf32, #tpu.memory_space<vmem>> -> memref<8192xf32, #tpu.memory_space<vmem>>
    tpu.enqueue_dma source(%dma_start3A_101 : memref<8192xf32, #tpu.memory_space<vmem>>) target(%dma_start3A_99 : memref<8192xf32, #tpu.memory_space<hbm>>) target_semaphore(%dma_start3A_98 : memref<!tpu.dma_semaphore, #tpu.memory_space<semaphore_mem>>)
    %dma_start3A_102 = arith.constant 0 : i32
    %dma_start3A_103 = arith.constant 16384 : i32
    %dma_start3A_104 = tpu.memref_slice %arg9[%dma_start3A_103] : memref<40960xf32, #tpu.memory_space<vmem>> -> memref<8192xf32, #tpu.memory_space<vmem>>
    %dma_start3A_105 = tpu.memref_slice %arg4[%add3A_75] : memref<32768000xf32, #tpu.memory_space<hbm>> -> memref<8192xf32, #tpu.memory_space<hbm>>
    %dma_start3A_106 = tpu.memref_slice %arg12[%dma_start3A_102] : memref<2x!tpu.dma_semaphore, #tpu.memory_space<semaphore_mem>> -> memref<1x!tpu.dma_semaphore, #tpu.memory_space<semaphore_mem>>
    %dma_start3A_107 = tpu.memref_squeeze %dma_start3A_106 : memref<1x!tpu.dma_semaphore, #tpu.memory_space<semaphore_mem>> -> memref<!tpu.dma_semaphore, #tpu.memory_space<semaphore_mem>>
    %dma_start3A_108 = tpu.memref_slice %arg4[%add3A_75] : memref<32768000xf32, #tpu.memory_space<hbm>> -> memref<8192xf32, #tpu.memory_space<hbm>>
    %dma_start3A_109 = arith.constant 16384 : i32
    %dma_start3A_110 = tpu.memref_slice %arg9[%dma_start3A_109] : memref<40960xf32, #tpu.memory_space<vmem>> -> memref<8192xf32, #tpu.memory_space<vmem>>
    tpu.enqueue_dma source(%dma_start3A_110 : memref<8192xf32, #tpu.memory_space<vmem>>) target(%dma_start3A_108 : memref<8192xf32, #tpu.memory_space<hbm>>) target_semaphore(%dma_start3A_107 : memref<!tpu.dma_semaphore, #tpu.memory_space<semaphore_mem>>)
    %dma_start3A_111 = arith.constant 0 : i32
    %dma_start3A_112 = arith.constant 24576 : i32
    %dma_start3A_113 = tpu.memref_slice %arg9[%dma_start3A_112] : memref<40960xf32, #tpu.memory_space<vmem>> -> memref<8192xf32, #tpu.memory_space<vmem>>
    %dma_start3A_114 = tpu.memref_slice %arg4[%add3A_79] : memref<32768000xf32, #tpu.memory_space<hbm>> -> memref<8192xf32, #tpu.memory_space<hbm>>
    %dma_start3A_115 = tpu.memref_slice %arg12[%dma_start3A_111] : memref<2x!tpu.dma_semaphore, #tpu.memory_space<semaphore_mem>> -> memref<1x!tpu.dma_semaphore, #tpu.memory_space<semaphore_mem>>
    %dma_start3A_116 = tpu.memref_squeeze %dma_start3A_115 : memref<1x!tpu.dma_semaphore, #tpu.memory_space<semaphore_mem>> -> memref<!tpu.dma_semaphore, #tpu.memory_space<semaphore_mem>>
    %dma_start3A_117 = tpu.memref_slice %arg4[%add3A_79] : memref<32768000xf32, #tpu.memory_space<hbm>> -> memref<8192xf32, #tpu.memory_space<hbm>>
    %dma_start3A_118 = arith.constant 24576 : i32
    %dma_start3A_119 = tpu.memref_slice %arg9[%dma_start3A_118] : memref<40960xf32, #tpu.memory_space<vmem>> -> memref<8192xf32, #tpu.memory_space<vmem>>
    tpu.enqueue_dma source(%dma_start3A_119 : memref<8192xf32, #tpu.memory_space<vmem>>) target(%dma_start3A_117 : memref<8192xf32, #tpu.memory_space<hbm>>) target_semaphore(%dma_start3A_116 : memref<!tpu.dma_semaphore, #tpu.memory_space<semaphore_mem>>)
    %dma_start3A_120 = arith.constant 0 : i32
    %dma_start3A_121 = arith.constant 32768 : i32
    %dma_start3A_122 = tpu.memref_slice %arg9[%dma_start3A_121] : memref<40960xf32, #tpu.memory_space<vmem>> -> memref<8192xf32, #tpu.memory_space<vmem>>
    %dma_start3A_123 = tpu.memref_slice %arg4[%add3A_83] : memref<32768000xf32, #tpu.memory_space<hbm>> -> memref<8192xf32, #tpu.memory_space<hbm>>
    %dma_start3A_124 = tpu.memref_slice %arg12[%dma_start3A_120] : memref<2x!tpu.dma_semaphore, #tpu.memory_space<semaphore_mem>> -> memref<1x!tpu.dma_semaphore, #tpu.memory_space<semaphore_mem>>
    %dma_start3A_125 = tpu.memref_squeeze %dma_start3A_124 : memref<1x!tpu.dma_semaphore, #tpu.memory_space<semaphore_mem>> -> memref<!tpu.dma_semaphore, #tpu.memory_space<semaphore_mem>>
    %dma_start3A_126 = tpu.memref_slice %arg4[%add3A_83] : memref<32768000xf32, #tpu.memory_space<hbm>> -> memref<8192xf32, #tpu.memory_space<hbm>>
    %dma_start3A_127 = arith.constant 32768 : i32
    %dma_start3A_128 = tpu.memref_slice %arg9[%dma_start3A_127] : memref<40960xf32, #tpu.memory_space<vmem>> -> memref<8192xf32, #tpu.memory_space<vmem>>
    tpu.enqueue_dma source(%dma_start3A_128 : memref<8192xf32, #tpu.memory_space<vmem>>) target(%dma_start3A_126 : memref<8192xf32, #tpu.memory_space<hbm>>) target_semaphore(%dma_start3A_125 : memref<!tpu.dma_semaphore, #tpu.memory_space<semaphore_mem>>)
    %mul3A_129 = arith.constant 8192 : i32
    %mul3A_130 = arith.muli %add3A, %mul3A_129 : i32
    %add3A_131 = arith.constant 1835008 : i32
    %add3A_132 = arith.addi %add3A_131, %mul3A_130 : i32
    %dma_start3A_133 = arith.constant 0 : i32
    %dma_start3A_134 = arith.constant 0 : i32
    %dma_start3A_135 = arith.constant 1024 : i32
    %dma_start3A_136 = tpu.memref_slice %arg2[%dma_start3A_134, %dma_start3A_135] : memref<5x12800xf32, #tpu.memory_space<hbm>> -> memref<5x512xf32, #tpu.memory_space<hbm>>
    %dma_start3A_137 = tpu.memref_slice %arg11[%dma_start3A_133] : memref<2x!tpu.dma_semaphore, #tpu.memory_space<semaphore_mem>> -> memref<1x!tpu.dma_semaphore, #tpu.memory_space<semaphore_mem>>
    %dma_start3A_138 = tpu.memref_squeeze %dma_start3A_137 : memref<1x!tpu.dma_semaphore, #tpu.memory_space<semaphore_mem>> -> memref<!tpu.dma_semaphore, #tpu.memory_space<semaphore_mem>>
    %dma_start3A_139 = arith.constant 0 : i32
    %dma_start3A_140 = arith.constant 1024 : i32
    %dma_start3A_141 = tpu.memref_slice %arg2[%dma_start3A_139, %dma_start3A_140] : memref<5x12800xf32, #tpu.memory_space<hbm>> -> memref<5x512xf32, #tpu.memory_space<hbm>>
    tpu.enqueue_dma source(%dma_start3A_141 : memref<5x512xf32, #tpu.memory_space<hbm>>) target(%arg5 : memref<5x512xf32, #tpu.memory_space<vmem>>) target_semaphore(%dma_start3A_138 : memref<!tpu.dma_semaphore, #tpu.memory_space<semaphore_mem>>)
    %dma_start3A_142 = arith.constant 0 : i32
    %dma_start3A_143 = tpu.memref_slice %arg3[%add3A_132] : memref<7864320xi32, #tpu.memory_space<hbm>> -> memref<8192xi32, #tpu.memory_space<hbm>>
    %dma_start3A_144 = tpu.memref_slice %arg11[%dma_start3A_142] : memref<2x!tpu.dma_semaphore, #tpu.memory_space<semaphore_mem>> -> memref<1x!tpu.dma_semaphore, #tpu.memory_space<semaphore_mem>>
    %dma_start3A_145 = tpu.memref_squeeze %dma_start3A_144 : memref<1x!tpu.dma_semaphore, #tpu.memory_space<semaphore_mem>> -> memref<!tpu.dma_semaphore, #tpu.memory_space<semaphore_mem>>
    %dma_start3A_146 = tpu.memref_slice %arg3[%add3A_132] : memref<7864320xi32, #tpu.memory_space<hbm>> -> memref<8192xi32, #tpu.memory_space<hbm>>
    tpu.enqueue_dma source(%dma_start3A_146 : memref<8192xi32, #tpu.memory_space<hbm>>) target(%arg7 : memref<8192xi32, #tpu.memory_space<vmem>>) target_semaphore(%dma_start3A_145 : memref<!tpu.dma_semaphore, #tpu.memory_space<semaphore_mem>>)
    %mul3A_147 = arith.constant 8192 : i32
    %mul3A_148 = arith.muli %add3A, %mul3A_147 : i32
    %add3A_149 = arith.constant 1572864 : i32
    %add3A_150 = arith.addi %add3A_149, %mul3A_148 : i32
    %dma_wait3A_151 = arith.constant 1 : i32
    %dma_wait3A_152 = arith.constant 0 : i32
    %dma_wait3A_153 = arith.constant 512 : i32
    %dma_wait3A_154 = tpu.memref_slice %arg2[%dma_wait3A_152, %dma_wait3A_153] : memref<5x12800xf32, #tpu.memory_space<hbm>> -> memref<5x512xf32, #tpu.memory_space<hbm>>
    %dma_wait3A_155 = tpu.memref_slice %arg11[%dma_wait3A_151] : memref<2x!tpu.dma_semaphore, #tpu.memory_space<semaphore_mem>> -> memref<1x!tpu.dma_semaphore, #tpu.memory_space<semaphore_mem>>
    %dma_wait3A_156 = tpu.memref_squeeze %dma_wait3A_155 : memref<1x!tpu.dma_semaphore, #tpu.memory_space<semaphore_mem>> -> memref<!tpu.dma_semaphore, #tpu.memory_space<semaphore_mem>>
    %dma_wait3A_157 = arith.constant 0 : i32
    %dma_wait3A_158 = arith.constant 512 : i32
    %dma_wait3A_159 = tpu.memref_slice %arg2[%dma_wait3A_157, %dma_wait3A_158] : memref<5x12800xf32, #tpu.memory_space<hbm>> -> memref<5x512xf32, #tpu.memory_space<hbm>>
    tpu.wait_dma2 semaphore(%dma_wait3A_156 : memref<!tpu.dma_semaphore, #tpu.memory_space<semaphore_mem>>) src(%dma_wait3A_159 : memref<5x512xf32, #tpu.memory_space<hbm>>) dst(%arg6 : memref<5x512xf32, #tpu.memory_space<vmem>>)
    %dma_wait3A_160 = arith.constant 1 : i32
    %dma_wait3A_161 = tpu.memref_slice %arg3[%add3A_150] : memref<7864320xi32, #tpu.memory_space<hbm>> -> memref<8192xi32, #tpu.memory_space<hbm>>
    %dma_wait3A_162 = tpu.memref_slice %arg11[%dma_wait3A_160] : memref<2x!tpu.dma_semaphore, #tpu.memory_space<semaphore_mem>> -> memref<1x!tpu.dma_semaphore, #tpu.memory_space<semaphore_mem>>
    %dma_wait3A_163 = tpu.memref_squeeze %dma_wait3A_162 : memref<1x!tpu.dma_semaphore, #tpu.memory_space<semaphore_mem>> -> memref<!tpu.dma_semaphore, #tpu.memory_space<semaphore_mem>>
    %dma_wait3A_164 = tpu.memref_slice %arg3[%add3A_150] : memref<7864320xi32, #tpu.memory_space<hbm>> -> memref<8192xi32, #tpu.memory_space<hbm>>
    tpu.wait_dma2 semaphore(%dma_wait3A_163 : memref<!tpu.dma_semaphore, #tpu.memory_space<semaphore_mem>>) src(%dma_wait3A_164 : memref<8192xi32, #tpu.memory_space<hbm>>) dst(%arg8 : memref<8192xi32, #tpu.memory_space<vmem>>)
    %broadcast_in_dim3A_165 = arith.constant 0 : i32
    %broadcast_in_dim3A_166 = vector.broadcast %broadcast_in_dim3A_165 : i32 to vector<16xi32>
    %broadcast_in_dim3A_167 = arith.constant 1 : i32
    %broadcast_in_dim3A_168 = vector.broadcast %broadcast_in_dim3A_167 : i32 to vector<16xi32>
    %broadcast_in_dim3A_169 = arith.constant 2 : i32
    %broadcast_in_dim3A_170 = vector.broadcast %broadcast_in_dim3A_169 : i32 to vector<16xi32>
    %broadcast_in_dim3A_171 = arith.constant 3 : i32
    %broadcast_in_dim3A_172 = vector.broadcast %broadcast_in_dim3A_171 : i32 to vector<16xi32>
    %broadcast_in_dim3A_173 = arith.constant 4 : i32
    %broadcast_in_dim3A_174 = vector.broadcast %broadcast_in_dim3A_173 : i32 to vector<16xi32>
    %parallel_loop3A_175 = arith.constant 0 : i32
    %parallel_loop3A_176 = arith.constant 512 : i32
    %parallel_loop3A_177 = arith.constant 1 : i32
    scf.for %parallel_loop3A_897 = %parallel_loop3A_175 to %parallel_loop3A_176 step %parallel_loop3A_177  : i32 {
      %parallel_loop3A_898 = arith.constant 16 : i32
      %parallel_loop3A_899 = arith.muli %parallel_loop3A_897, %parallel_loop3A_898 : i32
      %parallel_loop3A_900 = arith.index_cast %parallel_loop3A_899 : i32 to index
      %parallel_loop3A_901 = tpu.vector_load %arg8[%parallel_loop3A_900] {strides = array<i32>} : memref<8192xi32, #tpu.memory_space<vmem>>, vector<16xi32>,
      %parallel_loop3A_902 = tpu.vector_load_idx %arg6[%broadcast_in_dim3A_166, %parallel_loop3A_901] : memref<5x512xf32, #tpu.memory_space<vmem>>[vector<16xi32>, vector<16xi32>], vector<16xf32>,
      %parallel_loop3A_903 = arith.constant 16 : i32
      %parallel_loop3A_904 = arith.muli %parallel_loop3A_897, %parallel_loop3A_903 : i32
      %parallel_loop3A_905 = arith.constant 0 : i32
      %parallel_loop3A_906 = arith.addi %parallel_loop3A_905, %parallel_loop3A_904 : i32
      %parallel_loop3A_907 = arith.index_cast %parallel_loop3A_906 : i32 to index
      %parallel_loop3A_908 = tpu.vector_load %arg10[%parallel_loop3A_907] {strides = array<i32>} : memref<40960xf32, #tpu.memory_space<vmem>>, vector<16xf32>,
      tpu.vector_store %arg10[%parallel_loop3A_907], %parallel_loop3A_902 {strides = array<i32>} : memref<40960xf32, #tpu.memory_space<vmem>>, vector<16xf32>,
      %parallel_loop3A_909 = tpu.vector_load_idx %arg6[%broadcast_in_dim3A_168, %parallel_loop3A_901] : memref<5x512xf32, #tpu.memory_space<vmem>>[vector<16xi32>, vector<16xi32>], vector<16xf32>,
      %parallel_loop3A_910 = arith.constant 16 : i32
      %parallel_loop3A_911 = arith.muli %parallel_loop3A_897, %parallel_loop3A_910 : i32
      %parallel_loop3A_912 = arith.constant 8192 : i32
      %parallel_loop3A_913 = arith.addi %parallel_loop3A_912, %parallel_loop3A_911 : i32
      %parallel_loop3A_914 = arith.index_cast %parallel_loop3A_913 : i32 to index
      %parallel_loop3A_915 = tpu.vector_load %arg10[%parallel_loop3A_914] {strides = array<i32>} : memref<40960xf32, #tpu.memory_space<vmem>>, vector<16xf32>,
      tpu.vector_store %arg10[%parallel_loop3A_914], %parallel_loop3A_909 {strides = array<i32>} : memref<40960xf32, #tpu.memory_space<vmem>>, vector<16xf32>,
      %parallel_loop3A_916 = tpu.vector_load_idx %arg6[%broadcast_in_dim3A_170, %parallel_loop3A_901] : memref<5x512xf32, #tpu.memory_space<vmem>>[vector<16xi32>, vector<16xi32>], vector<16xf32>,
      %parallel_loop3A_917 = arith.constant 16 : i32
      %parallel_loop3A_918 = arith.muli %parallel_loop3A_897, %parallel_loop3A_917 : i32
      %parallel_loop3A_919 = arith.constant 16384 : i32
      %parallel_loop3A_920 = arith.addi %parallel_loop3A_919, %parallel_loop3A_918 : i32
      %parallel_loop3A_921 = arith.index_cast %parallel_loop3A_920 : i32 to index
      %parallel_loop3A_922 = tpu.vector_load %arg10[%parallel_loop3A_921] {strides = array<i32>} : memref<40960xf32, #tpu.memory_space<vmem>>, vector<16xf32>,
      tpu.vector_store %arg10[%parallel_loop3A_921], %parallel_loop3A_916 {strides = array<i32>} : memref<40960xf32, #tpu.memory_space<vmem>>, vector<16xf32>,
      %parallel_loop3A_923 = tpu.vector_load_idx %arg6[%broadcast_in_dim3A_172, %parallel_loop3A_901] : memref<5x512xf32, #tpu.memory_space<vmem>>[vector<16xi32>, vector<16xi32>], vector<16xf32>,
      %parallel_loop3A_924 = arith.constant 16 : i32
      %parallel_loop3A_925 = arith.muli %parallel_loop3A_897, %parallel_loop3A_924 : i32
      %parallel_loop3A_926 = arith.constant 24576 : i32
      %parallel_loop3A_927 = arith.addi %parallel_loop3A_926, %parallel_loop3A_925 : i32
      %parallel_loop3A_928 = arith.index_cast %parallel_loop3A_927 : i32 to index
      %parallel_loop3A_929 = tpu.vector_load %arg10[%parallel_loop3A_928] {strides = array<i32>} : memref<40960xf32, #tpu.memory_space<vmem>>, vector<16xf32>,
      tpu.vector_store %arg10[%parallel_loop3A_928], %parallel_loop3A_923 {strides = array<i32>} : memref<40960xf32, #tpu.memory_space<vmem>>, vector<16xf32>,
      %parallel_loop3A_930 = tpu.vector_load_idx %arg6[%broadcast_in_dim3A_174, %parallel_loop3A_901] : memref<5x512xf32, #tpu.memory_space<vmem>>[vector<16xi32>, vector<16xi32>], vector<16xf32>,
      %parallel_loop3A_931 = arith.constant 16 : i32
      %parallel_loop3A_932 = arith.muli %parallel_loop3A_897, %parallel_loop3A_931 : i32
      %parallel_loop3A_933 = arith.constant 32768 : i32
      %parallel_loop3A_934 = arith.addi %parallel_loop3A_933, %parallel_loop3A_932 : i32
      %parallel_loop3A_935 = arith.index_cast %parallel_loop3A_934 : i32 to index
      %parallel_loop3A_936 = tpu.vector_load %arg10[%parallel_loop3A_935] {strides = array<i32>} : memref<40960xf32, #tpu.memory_space<vmem>>, vector<16xf32>,
      tpu.vector_store %arg10[%parallel_loop3A_935], %parallel_loop3A_930 {strides = array<i32>} : memref<40960xf32, #tpu.memory_space<vmem>>, vector<16xf32>,
    } {sc.loop_unroll_factor = 4 : i64, sc.parallel_access}
    %mul3A_178 = arith.constant 8192 : i32
    %mul3A_179 = arith.muli %add3A, %mul3A_178 : i32
    %add3A_180 = arith.constant 1310720 : i32
    %add3A_181 = arith.addi %add3A_180, %mul3A_179 : i32
    %mul3A_182 = arith.constant 8192 : i32
    %mul3A_183 = arith.muli %add3A, %mul3A_182 : i32
    %add3A_184 = arith.constant 1572864 : i32
    %add3A_185 = arith.addi %add3A_184, %mul3A_183 : i32
    %mul3A_186 = arith.constant 8192 : i32
    %mul3A_187 = arith.muli %add3A, %mul3A_186 : i32
    %add3A_188 = arith.constant 1835008 : i32
    %add3A_189 = arith.addi %add3A_188, %mul3A_187 : i32
    %mul3A_190 = arith.constant 8192 : i32
    %mul3A_191 = arith.muli %add3A, %mul3A_190 : i32
    %add3A_192 = arith.constant 2097152 : i32
    %add3A_193 = arith.addi %add3A_192, %mul3A_191 : i32
    %mul3A_194 = arith.constant 8192 : i32
    %mul3A_195 = arith.muli %add3A, %mul3A_194 : i32
    %add3A_196 = arith.constant 2359296 : i32
    %add3A_197 = arith.addi %add3A_196, %mul3A_195 : i32
    %dma_start3A_198 = arith.constant 1 : i32
    %dma_start3A_199 = arith.constant 0 : i32
    %dma_start3A_200 = tpu.memref_slice %arg10[%dma_start3A_199] : memref<40960xf32, #tpu.memory_space<vmem>> -> memref<8192xf32, #tpu.memory_space<vmem>>
    %dma_start3A_201 = tpu.memref_slice %arg4[%add3A_181] : memref<32768000xf32, #tpu.memory_space<hbm>> -> memref<8192xf32, #tpu.memory_space<hbm>>
    %dma_start3A_202 = tpu.memref_slice %arg12[%dma_start3A_198] : memref<2x!tpu.dma_semaphore, #tpu.memory_space<semaphore_mem>> -> memref<1x!tpu.dma_semaphore, #tpu.memory_space<semaphore_mem>>
    %dma_start3A_203 = tpu.memref_squeeze %dma_start3A_202 : memref<1x!tpu.dma_semaphore, #tpu.memory_space<semaphore_mem>> -> memref<!tpu.dma_semaphore, #tpu.memory_space<semaphore_mem>>
    %dma_start3A_204 = tpu.memref_slice %arg4[%add3A_181] : memref<32768000xf32, #tpu.memory_space<hbm>> -> memref<8192xf32, #tpu.memory_space<hbm>>
    %dma_start3A_205 = arith.constant 0 : i32
    %dma_start3A_206 = tpu.memref_slice %arg10[%dma_start3A_205] : memref<40960xf32, #tpu.memory_space<vmem>> -> memref<8192xf32, #tpu.memory_space<vmem>>
    tpu.enqueue_dma source(%dma_start3A_206 : memref<8192xf32, #tpu.memory_space<vmem>>) target(%dma_start3A_204 : memref<8192xf32, #tpu.memory_space<hbm>>) target_semaphore(%dma_start3A_203 : memref<!tpu.dma_semaphore, #tpu.memory_space<semaphore_mem>>)
    %dma_start3A_207 = arith.constant 1 : i32
    %dma_start3A_208 = arith.constant 8192 : i32
    %dma_start3A_209 = tpu.memref_slice %arg10[%dma_start3A_208] : memref<40960xf32, #tpu.memory_space<vmem>> -> memref<8192xf32, #tpu.memory_space<vmem>>
    %dma_start3A_210 = tpu.memref_slice %arg4[%add3A_185] : memref<32768000xf32, #tpu.memory_space<hbm>> -> memref<8192xf32, #tpu.memory_space<hbm>>
    %dma_start3A_211 = tpu.memref_slice %arg12[%dma_start3A_207] : memref<2x!tpu.dma_semaphore, #tpu.memory_space<semaphore_mem>> -> memref<1x!tpu.dma_semaphore, #tpu.memory_space<semaphore_mem>>
    %dma_start3A_212 = tpu.memref_squeeze %dma_start3A_211 : memref<1x!tpu.dma_semaphore, #tpu.memory_space<semaphore_mem>> -> memref<!tpu.dma_semaphore, #tpu.memory_space<semaphore_mem>>
    %dma_start3A_213 = tpu.memref_slice %arg4[%add3A_185] : memref<32768000xf32, #tpu.memory_space<hbm>> -> memref<8192xf32, #tpu.memory_space<hbm>>
    %dma_start3A_214 = arith.constant 8192 : i32
    %dma_start3A_215 = tpu.memref_slice %arg10[%dma_start3A_214] : memref<40960xf32, #tpu.memory_space<vmem>> -> memref<8192xf32, #tpu.memory_space<vmem>>
    tpu.enqueue_dma source(%dma_start3A_215 : memref<8192xf32, #tpu.memory_space<vmem>>) target(%dma_start3A_213 : memref<8192xf32, #tpu.memory_space<hbm>>) target_semaphore(%dma_start3A_212 : memref<!tpu.dma_semaphore, #tpu.memory_space<semaphore_mem>>)
    %dma_start3A_216 = arith.constant 1 : i32
    %dma_start3A_217 = arith.constant 16384 : i32
    %dma_start3A_218 = tpu.memref_slice %arg10[%dma_start3A_217] : memref<40960xf32, #tpu.memory_space<vmem>> -> memref<8192xf32, #tpu.memory_space<vmem>>
    %dma_start3A_219 = tpu.memref_slice %arg4[%add3A_189] : memref<32768000xf32, #tpu.memory_space<hbm>> -> memref<8192xf32, #tpu.memory_space<hbm>>
    %dma_start3A_220 = tpu.memref_slice %arg12[%dma_start3A_216] : memref<2x!tpu.dma_semaphore, #tpu.memory_space<semaphore_mem>> -> memref<1x!tpu.dma_semaphore, #tpu.memory_space<semaphore_mem>>
    %dma_start3A_221 = tpu.memref_squeeze %dma_start3A_220 : memref<1x!tpu.dma_semaphore, #tpu.memory_space<semaphore_mem>> -> memref<!tpu.dma_semaphore, #tpu.memory_space<semaphore_mem>>
    %dma_start3A_222 = tpu.memref_slice %arg4[%add3A_189] : memref<32768000xf32, #tpu.memory_space<hbm>> -> memref<8192xf32, #tpu.memory_space<hbm>>
    %dma_start3A_223 = arith.constant 16384 : i32
    %dma_start3A_224 = tpu.memref_slice %arg10[%dma_start3A_223] : memref<40960xf32, #tpu.memory_space<vmem>> -> memref<8192xf32, #tpu.memory_space<vmem>>
    tpu.enqueue_dma source(%dma_start3A_224 : memref<8192xf32, #tpu.memory_space<vmem>>) target(%dma_start3A_222 : memref<8192xf32, #tpu.memory_space<hbm>>) target_semaphore(%dma_start3A_221 : memref<!tpu.dma_semaphore, #tpu.memory_space<semaphore_mem>>)
    %dma_start3A_225 = arith.constant 1 : i32
    %dma_start3A_226 = arith.constant 24576 : i32
    %dma_start3A_227 = tpu.memref_slice %arg10[%dma_start3A_226] : memref<40960xf32, #tpu.memory_space<vmem>> -> memref<8192xf32, #tpu.memory_space<vmem>>
    %dma_start3A_228 = tpu.memref_slice %arg4[%add3A_193] : memref<32768000xf32, #tpu.memory_space<hbm>> -> memref<8192xf32, #tpu.memory_space<hbm>>
    %dma_start3A_229 = tpu.memref_slice %arg12[%dma_start3A_225] : memref<2x!tpu.dma_semaphore, #tpu.memory_space<semaphore_mem>> -> memref<1x!tpu.dma_semaphore, #tpu.memory_space<semaphore_mem>>
    %dma_start3A_230 = tpu.memref_squeeze %dma_start3A_229 : memref<1x!tpu.dma_semaphore, #tpu.memory_space<semaphore_mem>> -> memref<!tpu.dma_semaphore, #tpu.memory_space<semaphore_mem>>
    %dma_start3A_231 = tpu.memref_slice %arg4[%add3A_193] : memref<32768000xf32, #tpu.memory_space<hbm>> -> memref<8192xf32, #tpu.memory_space<hbm>>
    %dma_start3A_232 = arith.constant 24576 : i32
    %dma_start3A_233 = tpu.memref_slice %arg10[%dma_start3A_232] : memref<40960xf32, #tpu.memory_space<vmem>> -> memref<8192xf32, #tpu.memory_space<vmem>>
    tpu.enqueue_dma source(%dma_start3A_233 : memref<8192xf32, #tpu.memory_space<vmem>>) target(%dma_start3A_231 : memref<8192xf32, #tpu.memory_space<hbm>>) target_semaphore(%dma_start3A_230 : memref<!tpu.dma_semaphore, #tpu.memory_space<semaphore_mem>>)
    %dma_start3A_234 = arith.constant 1 : i32
    %dma_start3A_235 = arith.constant 32768 : i32
    %dma_start3A_236 = tpu.memref_slice %arg10[%dma_start3A_235] : memref<40960xf32, #tpu.memory_space<vmem>> -> memref<8192xf32, #tpu.memory_space<vmem>>
    %dma_start3A_237 = tpu.memref_slice %arg4[%add3A_197] : memref<32768000xf32, #tpu.memory_space<hbm>> -> memref<8192xf32, #tpu.memory_space<hbm>>
    %dma_start3A_238 = tpu.memref_slice %arg12[%dma_start3A_234] : memref<2x!tpu.dma_semaphore, #tpu.memory_space<semaphore_mem>> -> memref<1x!tpu.dma_semaphore, #tpu.memory_space<semaphore_mem>>
    %dma_start3A_239 = tpu.memref_squeeze %dma_start3A_238 : memref<1x!tpu.dma_semaphore, #tpu.memory_space<semaphore_mem>> -> memref<!tpu.dma_semaphore, #tpu.memory_space<semaphore_mem>>
    %dma_start3A_240 = tpu.memref_slice %arg4[%add3A_197] : memref<32768000xf32, #tpu.memory_space<hbm>> -> memref<8192xf32, #tpu.memory_space<hbm>>
    %dma_start3A_241 = arith.constant 32768 : i32
    %dma_start3A_242 = tpu.memref_slice %arg10[%dma_start3A_241] : memref<40960xf32, #tpu.memory_space<vmem>> -> memref<8192xf32, #tpu.memory_space<vmem>>
    tpu.enqueue_dma source(%dma_start3A_242 : memref<8192xf32, #tpu.memory_space<vmem>>) target(%dma_start3A_240 : memref<8192xf32, #tpu.memory_space<hbm>>) target_semaphore(%dma_start3A_239 : memref<!tpu.dma_semaphore, #tpu.memory_space<semaphore_mem>>)
    %mul3A_243 = arith.constant 8192 : i32
    %mul3A_244 = arith.muli %add3A, %mul3A_243 : i32
    %add3A_245 = arith.constant 2097152 : i32
    %add3A_246 = arith.addi %add3A_245, %mul3A_244 : i32
    %dma_start3A_247 = arith.constant 1 : i32
    %dma_start3A_248 = arith.constant 0 : i32
    %dma_start3A_249 = arith.constant 1536 : i32
    %dma_start3A_250 = tpu.memref_slice %arg2[%dma_start3A_248, %dma_start3A_249] : memref<5x12800xf32, #tpu.memory_space<hbm>> -> memref<5x512xf32, #tpu.memory_space<hbm>>
    %dma_start3A_251 = tpu.memref_slice %arg11[%dma_start3A_247] : memref<2x!tpu.dma_semaphore, #tpu.memory_space<semaphore_mem>> -> memref<1x!tpu.dma_semaphore, #tpu.memory_space<semaphore_mem>>
    %dma_start3A_252 = tpu.memref_squeeze %dma_start3A_251 : memref<1x!tpu.dma_semaphore, #tpu.memory_space<semaphore_mem>> -> memref<!tpu.dma_semaphore, #tpu.memory_space<semaphore_mem>>
    %dma_start3A_253 = arith.constant 0 : i32
    %dma_start3A_254 = arith.constant 1536 : i32
    %dma_start3A_255 = tpu.memref_slice %arg2[%dma_start3A_253, %dma_start3A_254] : memref<5x12800xf32, #tpu.memory_space<hbm>> -> memref<5x512xf32, #tpu.memory_space<hbm>>
    tpu.enqueue_dma source(%dma_start3A_255 : memref<5x512xf32, #tpu.memory_space<hbm>>) target(%arg6 : memref<5x512xf32, #tpu.memory_space<vmem>>) target_semaphore(%dma_start3A_252 : memref<!tpu.dma_semaphore, #tpu.memory_space<semaphore_mem>>)
    %dma_start3A_256 = arith.constant 1 : i32
    %dma_start3A_257 = tpu.memref_slice %arg3[%add3A_246] : memref<7864320xi32, #tpu.memory_space<hbm>> -> memref<8192xi32, #tpu.memory_space<hbm>>
    %dma_start3A_258 = tpu.memref_slice %arg11[%dma_start3A_256] : memref<2x!tpu.dma_semaphore, #tpu.memory_space<semaphore_mem>> -> memref<1x!tpu.dma_semaphore, #tpu.memory_space<semaphore_mem>>
    %dma_start3A_259 = tpu.memref_squeeze %dma_start3A_258 : memref<1x!tpu.dma_semaphore, #tpu.memory_space<semaphore_mem>> -> memref<!tpu.dma_semaphore, #tpu.memory_space<semaphore_mem>>
    %dma_start3A_260 = tpu.memref_slice %arg3[%add3A_246] : memref<7864320xi32, #tpu.memory_space<hbm>> -> memref<8192xi32, #tpu.memory_space<hbm>>
    tpu.enqueue_dma source(%dma_start3A_260 : memref<8192xi32, #tpu.memory_space<hbm>>) target(%arg8 : memref<8192xi32, #tpu.memory_space<vmem>>) target_semaphore(%dma_start3A_259 : memref<!tpu.dma_semaphore, #tpu.memory_space<semaphore_mem>>)
    %scan3A = arith.constant 0 : i32
    %scan3A_261 = arith.constant 1 : i32
    %scan3A_262 = arith.constant 10 : i32
    %scan3A_263 = arith.addi %scan3A_261, %scan3A_262 : i32
    %scan3A_264 = arith.constant 1 : i32
    scf.for %scan3A_897 = %scan3A_261 to %scan3A_263 step %scan3A_264  : i32 {
      %mul3A_898 = arith.constant 2 : i32
      %mul3A_899 = arith.muli %mul3A_898, %scan3A_897 : i32
      %add3A_900 = arith.constant 1 : i32
      %add3A_901 = arith.addi %mul3A_899, %add3A_900 : i32
      %mul3A_902 = arith.constant 512 : i32
      %mul3A_903 = arith.muli %mul3A_899, %mul3A_902 : i32
      %add3A_904 = arith.constant 5 : i32
      %add3A_905 = arith.addi %add3A_904, %mul3A_899 : i32
      %mul3A_906 = arith.constant 262144 : i32
      %mul3A_907 = arith.muli %add3A_905, %mul3A_906 : i32
      %mul3A_908 = arith.constant 8192 : i32
      %mul3A_909 = arith.muli %add3A, %mul3A_908 : i32
      %add3A_910 = arith.addi %mul3A_907, %mul3A_909 : i32
      %dma_wait3A_911 = arith.constant 0 : i32
      %dma_wait3A_912 = arith.constant 0 : i32
      %dma_wait3A_913 = tpu.memref_slice %arg2[%dma_wait3A_912, %mul3A_903] : memref<5x12800xf32, #tpu.memory_space<hbm>> -> memref<5x512xf32, #tpu.memory_space<hbm>>
      %dma_wait3A_914 = tpu.memref_slice %arg11[%dma_wait3A_911] : memref<2x!tpu.dma_semaphore, #tpu.memory_space<semaphore_mem>> -> memref<1x!tpu.dma_semaphore, #tpu.memory_space<semaphore_mem>>
      %dma_wait3A_915 = tpu.memref_squeeze %dma_wait3A_914 : memref<1x!tpu.dma_semaphore, #tpu.memory_space<semaphore_mem>> -> memref<!tpu.dma_semaphore, #tpu.memory_space<semaphore_mem>>
      %dma_wait3A_916 = arith.constant 0 : i32
      %dma_wait3A_917 = tpu.memref_slice %arg2[%dma_wait3A_916, %mul3A_903] : memref<5x12800xf32, #tpu.memory_space<hbm>> -> memref<5x512xf32, #tpu.memory_space<hbm>>
      tpu.wait_dma2 semaphore(%dma_wait3A_915 : memref<!tpu.dma_semaphore, #tpu.memory_space<semaphore_mem>>) src(%dma_wait3A_917 : memref<5x512xf32, #tpu.memory_space<hbm>>) dst(%arg5 : memref<5x512xf32, #tpu.memory_space<vmem>>)
      %dma_wait3A_918 = arith.constant 0 : i32
      %dma_wait3A_919 = tpu.memref_slice %arg3[%add3A_910] : memref<7864320xi32, #tpu.memory_space<hbm>> -> memref<8192xi32, #tpu.memory_space<hbm>>
      %dma_wait3A_920 = tpu.memref_slice %arg11[%dma_wait3A_918] : memref<2x!tpu.dma_semaphore, #tpu.memory_space<semaphore_mem>> -> memref<1x!tpu.dma_semaphore, #tpu.memory_space<semaphore_mem>>
      %dma_wait3A_921 = tpu.memref_squeeze %dma_wait3A_920 : memref<1x!tpu.dma_semaphore, #tpu.memory_space<semaphore_mem>> -> memref<!tpu.dma_semaphore, #tpu.memory_space<semaphore_mem>>
      %dma_wait3A_922 = tpu.memref_slice %arg3[%add3A_910] : memref<7864320xi32, #tpu.memory_space<hbm>> -> memref<8192xi32, #tpu.memory_space<hbm>>
      tpu.wait_dma2 semaphore(%dma_wait3A_921 : memref<!tpu.dma_semaphore, #tpu.memory_space<semaphore_mem>>) src(%dma_wait3A_922 : memref<8192xi32, #tpu.memory_space<hbm>>) dst(%arg7 : memref<8192xi32, #tpu.memory_space<vmem>>)
      %sub3A = arith.constant 2 : i32
      %sub3A_923 = arith.subi %mul3A_899, %sub3A : i32
      %mul3A_924 = arith.constant 5 : i32
      %mul3A_925 = arith.muli %sub3A_923, %mul3A_924 : i32
      %add3A_926 = arith.constant 0 : i32
      %add3A_927 = arith.addi %mul3A_925, %add3A_926 : i32
      %mul3A_928 = arith.constant 262144 : i32
      %mul3A_929 = arith.muli %add3A_927, %mul3A_928 : i32
      %mul3A_930 = arith.constant 8192 : i32
      %mul3A_931 = arith.muli %add3A, %mul3A_930 : i32
      %add3A_932 = arith.addi %mul3A_929, %mul3A_931 : i32
      %mul3A_933 = arith.constant 5 : i32
      %mul3A_934 = arith.muli %sub3A_923, %mul3A_933 : i32
      %add3A_935 = arith.constant 1 : i32
      %add3A_936 = arith.addi %mul3A_934, %add3A_935 : i32
      %mul3A_937 = arith.constant 262144 : i32
      %mul3A_938 = arith.muli %add3A_936, %mul3A_937 : i32
      %mul3A_939 = arith.constant 8192 : i32
      %mul3A_940 = arith.muli %add3A, %mul3A_939 : i32
      %add3A_941 = arith.addi %mul3A_938, %mul3A_940 : i32
      %mul3A_942 = arith.constant 5 : i32
      %mul3A_943 = arith.muli %sub3A_923, %mul3A_942 : i32
      %add3A_944 = arith.constant 2 : i32
      %add3A_945 = arith.addi %mul3A_943, %add3A_944 : i32
      %mul3A_946 = arith.constant 262144 : i32
      %mul3A_947 = arith.muli %add3A_945, %mul3A_946 : i32
      %mul3A_948 = arith.constant 8192 : i32
      %mul3A_949 = arith.muli %add3A, %mul3A_948 : i32
      %add3A_950 = arith.addi %mul3A_947, %mul3A_949 : i32
      %mul3A_951 = arith.constant 5 : i32
      %mul3A_952 = arith.muli %sub3A_923, %mul3A_951 : i32
      %add3A_953 = arith.constant 3 : i32
      %add3A_954 = arith.addi %mul3A_952, %add3A_953 : i32
      %mul3A_955 = arith.constant 262144 : i32
      %mul3A_956 = arith.muli %add3A_954, %mul3A_955 : i32
      %mul3A_957 = arith.constant 8192 : i32
      %mul3A_958 = arith.muli %add3A, %mul3A_957 : i32
      %add3A_959 = arith.addi %mul3A_956, %mul3A_958 : i32
      %mul3A_960 = arith.constant 5 : i32
      %mul3A_961 = arith.muli %sub3A_923, %mul3A_960 : i32
      %add3A_962 = arith.constant 4 : i32
      %add3A_963 = arith.addi %mul3A_961, %add3A_962 : i32
      %mul3A_964 = arith.constant 262144 : i32
      %mul3A_965 = arith.muli %add3A_963, %mul3A_964 : i32
      %mul3A_966 = arith.constant 8192 : i32
      %mul3A_967 = arith.muli %add3A, %mul3A_966 : i32
      %add3A_968 = arith.addi %mul3A_965, %mul3A_967 : i32
      %dma_wait3A_969 = arith.constant 0 : i32
      %dma_wait3A_970 = arith.constant 0 : i32
      %dma_wait3A_971 = tpu.memref_slice %arg9[%dma_wait3A_970] : memref<40960xf32, #tpu.memory_space<vmem>> -> memref<8192xf32, #tpu.memory_space<vmem>>
      %dma_wait3A_972 = tpu.memref_slice %arg4[%add3A_932] : memref<32768000xf32, #tpu.memory_space<hbm>> -> memref<8192xf32, #tpu.memory_space<hbm>>
      %dma_wait3A_973 = tpu.memref_slice %arg12[%dma_wait3A_969] : memref<2x!tpu.dma_semaphore, #tpu.memory_space<semaphore_mem>> -> memref<1x!tpu.dma_semaphore, #tpu.memory_space<semaphore_mem>>
      %dma_wait3A_974 = tpu.memref_squeeze %dma_wait3A_973 : memref<1x!tpu.dma_semaphore, #tpu.memory_space<semaphore_mem>> -> memref<!tpu.dma_semaphore, #tpu.memory_space<semaphore_mem>>
      %dma_wait3A_975 = tpu.memref_slice %arg4[%add3A_932] : memref<32768000xf32, #tpu.memory_space<hbm>> -> memref<8192xf32, #tpu.memory_space<hbm>>
      %dma_wait3A_976 = arith.constant 0 : i32
      %dma_wait3A_977 = tpu.memref_slice %arg9[%dma_wait3A_976] : memref<40960xf32, #tpu.memory_space<vmem>> -> memref<8192xf32, #tpu.memory_space<vmem>>
      tpu.wait_dma2 semaphore(%dma_wait3A_974 : memref<!tpu.dma_semaphore, #tpu.memory_space<semaphore_mem>>) src(%dma_wait3A_977 : memref<8192xf32, #tpu.memory_space<vmem>>) dst(%dma_wait3A_975 : memref<8192xf32, #tpu.memory_space<hbm>>)
      %dma_wait3A_978 = arith.constant 0 : i32
      %dma_wait3A_979 = arith.constant 8192 : i32
      %dma_wait3A_980 = tpu.memref_slice %arg9[%dma_wait3A_979] : memref<40960xf32, #tpu.memory_space<vmem>> -> memref<8192xf32, #tpu.memory_space<vmem>>
      %dma_wait3A_981 = tpu.memref_slice %arg4[%add3A_941] : memref<32768000xf32, #tpu.memory_space<hbm>> -> memref<8192xf32, #tpu.memory_space<hbm>>
      %dma_wait3A_982 = tpu.memref_slice %arg12[%dma_wait3A_978] : memref<2x!tpu.dma_semaphore, #tpu.memory_space<semaphore_mem>> -> memref<1x!tpu.dma_semaphore, #tpu.memory_space<semaphore_mem>>
      %dma_wait3A_983 = tpu.memref_squeeze %dma_wait3A_982 : memref<1x!tpu.dma_semaphore, #tpu.memory_space<semaphore_mem>> -> memref<!tpu.dma_semaphore, #tpu.memory_space<semaphore_mem>>
      %dma_wait3A_984 = tpu.memref_slice %arg4[%add3A_941] : memref<32768000xf32, #tpu.memory_space<hbm>> -> memref<8192xf32, #tpu.memory_space<hbm>>
      %dma_wait3A_985 = arith.constant 8192 : i32
      %dma_wait3A_986 = tpu.memref_slice %arg9[%dma_wait3A_985] : memref<40960xf32, #tpu.memory_space<vmem>> -> memref<8192xf32, #tpu.memory_space<vmem>>
      tpu.wait_dma2 semaphore(%dma_wait3A_983 : memref<!tpu.dma_semaphore, #tpu.memory_space<semaphore_mem>>) src(%dma_wait3A_986 : memref<8192xf32, #tpu.memory_space<vmem>>) dst(%dma_wait3A_984 : memref<8192xf32, #tpu.memory_space<hbm>>)
      %dma_wait3A_987 = arith.constant 0 : i32
      %dma_wait3A_988 = arith.constant 16384 : i32
      %dma_wait3A_989 = tpu.memref_slice %arg9[%dma_wait3A_988] : memref<40960xf32, #tpu.memory_space<vmem>> -> memref<8192xf32, #tpu.memory_space<vmem>>
      %dma_wait3A_990 = tpu.memref_slice %arg4[%add3A_950] : memref<32768000xf32, #tpu.memory_space<hbm>> -> memref<8192xf32, #tpu.memory_space<hbm>>
      %dma_wait3A_991 = tpu.memref_slice %arg12[%dma_wait3A_987] : memref<2x!tpu.dma_semaphore, #tpu.memory_space<semaphore_mem>> -> memref<1x!tpu.dma_semaphore, #tpu.memory_space<semaphore_mem>>
      %dma_wait3A_992 = tpu.memref_squeeze %dma_wait3A_991 : memref<1x!tpu.dma_semaphore, #tpu.memory_space<semaphore_mem>> -> memref<!tpu.dma_semaphore, #tpu.memory_space<semaphore_mem>>
      %dma_wait3A_993 = tpu.memref_slice %arg4[%add3A_950] : memref<32768000xf32, #tpu.memory_space<hbm>> -> memref<8192xf32, #tpu.memory_space<hbm>>
      %dma_wait3A_994 = arith.constant 16384 : i32
      %dma_wait3A_995 = tpu.memref_slice %arg9[%dma_wait3A_994] : memref<40960xf32, #tpu.memory_space<vmem>> -> memref<8192xf32, #tpu.memory_space<vmem>>
      tpu.wait_dma2 semaphore(%dma_wait3A_992 : memref<!tpu.dma_semaphore, #tpu.memory_space<semaphore_mem>>) src(%dma_wait3A_995 : memref<8192xf32, #tpu.memory_space<vmem>>) dst(%dma_wait3A_993 : memref<8192xf32, #tpu.memory_space<hbm>>)
      %dma_wait3A_996 = arith.constant 0 : i32
      %dma_wait3A_997 = arith.constant 24576 : i32
      %dma_wait3A_998 = tpu.memref_slice %arg9[%dma_wait3A_997] : memref<40960xf32, #tpu.memory_space<vmem>> -> memref<8192xf32, #tpu.memory_space<vmem>>
      %dma_wait3A_999 = tpu.memref_slice %arg4[%add3A_959] : memref<32768000xf32, #tpu.memory_space<hbm>> -> memref<8192xf32, #tpu.memory_space<hbm>>
      %dma_wait3A_1000 = tpu.memref_slice %arg12[%dma_wait3A_996] : memref<2x!tpu.dma_semaphore, #tpu.memory_space<semaphore_mem>> -> memref<1x!tpu.dma_semaphore, #tpu.memory_space<semaphore_mem>>
      %dma_wait3A_1001 = tpu.memref_squeeze %dma_wait3A_1000 : memref<1x!tpu.dma_semaphore, #tpu.memory_space<semaphore_mem>> -> memref<!tpu.dma_semaphore, #tpu.memory_space<semaphore_mem>>
      %dma_wait3A_1002 = tpu.memref_slice %arg4[%add3A_959] : memref<32768000xf32, #tpu.memory_space<hbm>> -> memref<8192xf32, #tpu.memory_space<hbm>>
      %dma_wait3A_1003 = arith.constant 24576 : i32
      %dma_wait3A_1004 = tpu.memref_slice %arg9[%dma_wait3A_1003] : memref<40960xf32, #tpu.memory_space<vmem>> -> memref<8192xf32, #tpu.memory_space<vmem>>
      tpu.wait_dma2 semaphore(%dma_wait3A_1001 : memref<!tpu.dma_semaphore, #tpu.memory_space<semaphore_mem>>) src(%dma_wait3A_1004 : memref<8192xf32, #tpu.memory_space<vmem>>) dst(%dma_wait3A_1002 : memref<8192xf32, #tpu.memory_space<hbm>>)
      %dma_wait3A_1005 = arith.constant 0 : i32
      %dma_wait3A_1006 = arith.constant 32768 : i32
      %dma_wait3A_1007 = tpu.memref_slice %arg9[%dma_wait3A_1006] : memref<40960xf32, #tpu.memory_space<vmem>> -> memref<8192xf32, #tpu.memory_space<vmem>>
      %dma_wait3A_1008 = tpu.memref_slice %arg4[%add3A_968] : memref<32768000xf32, #tpu.memory_space<hbm>> -> memref<8192xf32, #tpu.memory_space<hbm>>
      %dma_wait3A_1009 = tpu.memref_slice %arg12[%dma_wait3A_1005] : memref<2x!tpu.dma_semaphore, #tpu.memory_space<semaphore_mem>> -> memref<1x!tpu.dma_semaphore, #tpu.memory_space<semaphore_mem>>
      %dma_wait3A_1010 = tpu.memref_squeeze %dma_wait3A_1009 : memref<1x!tpu.dma_semaphore, #tpu.memory_space<semaphore_mem>> -> memref<!tpu.dma_semaphore, #tpu.memory_space<semaphore_mem>>
      %dma_wait3A_1011 = tpu.memref_slice %arg4[%add3A_968] : memref<32768000xf32, #tpu.memory_space<hbm>> -> memref<8192xf32, #tpu.memory_space<hbm>>
      %dma_wait3A_1012 = arith.constant 32768 : i32
      %dma_wait3A_1013 = tpu.memref_slice %arg9[%dma_wait3A_1012] : memref<40960xf32, #tpu.memory_space<vmem>> -> memref<8192xf32, #tpu.memory_space<vmem>>
      tpu.wait_dma2 semaphore(%dma_wait3A_1010 : memref<!tpu.dma_semaphore, #tpu.memory_space<semaphore_mem>>) src(%dma_wait3A_1013 : memref<8192xf32, #tpu.memory_space<vmem>>) dst(%dma_wait3A_1011 : memref<8192xf32, #tpu.memory_space<hbm>>)
      %broadcast_in_dim3A_1014 = arith.constant 0 : i32
      %broadcast_in_dim3A_1015 = vector.broadcast %broadcast_in_dim3A_1014 : i32 to vector<16xi32>
      %broadcast_in_dim3A_1016 = arith.constant 1 : i32
      %broadcast_in_dim3A_1017 = vector.broadcast %broadcast_in_dim3A_1016 : i32 to vector<16xi32>
      %broadcast_in_dim3A_1018 = arith.constant 2 : i32
      %broadcast_in_dim3A_1019 = vector.broadcast %broadcast_in_dim3A_1018 : i32 to vector<16xi32>
      %broadcast_in_dim3A_1020 = arith.constant 3 : i32
      %broadcast_in_dim3A_1021 = vector.broadcast %broadcast_in_dim3A_1020 : i32 to vector<16xi32>
      %broadcast_in_dim3A_1022 = arith.constant 4 : i32
      %broadcast_in_dim3A_1023 = vector.broadcast %broadcast_in_dim3A_1022 : i32 to vector<16xi32>
      %parallel_loop3A_1024 = arith.constant 0 : i32
      %parallel_loop3A_1025 = arith.constant 512 : i32
      %parallel_loop3A_1026 = arith.constant 1 : i32
      scf.for %parallel_loop3A_1379 = %parallel_loop3A_1024 to %parallel_loop3A_1025 step %parallel_loop3A_1026  : i32 {
        %parallel_loop3A_1380 = arith.constant 16 : i32
        %parallel_loop3A_1381 = arith.muli %parallel_loop3A_1379, %parallel_loop3A_1380 : i32
        %parallel_loop3A_1382 = arith.index_cast %parallel_loop3A_1381 : i32 to index
        %parallel_loop3A_1383 = tpu.vector_load %arg7[%parallel_loop3A_1382] {strides = array<i32>} : memref<8192xi32, #tpu.memory_space<vmem>>, vector<16xi32>,
        %parallel_loop3A_1384 = tpu.vector_load_idx %arg5[%broadcast_in_dim3A_1015, %parallel_loop3A_1383] : memref<5x512xf32, #tpu.memory_space<vmem>>[vector<16xi32>, vector<16xi32>], vector<16xf32>,
        %parallel_loop3A_1385 = arith.constant 16 : i32
        %parallel_loop3A_1386 = arith.muli %parallel_loop3A_1379, %parallel_loop3A_1385 : i32
        %parallel_loop3A_1387 = arith.constant 0 : i32
        %parallel_loop3A_1388 = arith.addi %parallel_loop3A_1387, %parallel_loop3A_1386 : i32
        %parallel_loop3A_1389 = arith.index_cast %parallel_loop3A_1388 : i32 to index
        %parallel_loop3A_1390 = tpu.vector_load %arg9[%parallel_loop3A_1389] {strides = array<i32>} : memref<40960xf32, #tpu.memory_space<vmem>>, vector<16xf32>,
        tpu.vector_store %arg9[%parallel_loop3A_1389], %parallel_loop3A_1384 {strides = array<i32>} : memref<40960xf32, #tpu.memory_space<vmem>>, vector<16xf32>,
        %parallel_loop3A_1391 = tpu.vector_load_idx %arg5[%broadcast_in_dim3A_1017, %parallel_loop3A_1383] : memref<5x512xf32, #tpu.memory_space<vmem>>[vector<16xi32>, vector<16xi32>], vector<16xf32>,
        %parallel_loop3A_1392 = arith.constant 16 : i32
        %parallel_loop3A_1393 = arith.muli %parallel_loop3A_1379, %parallel_loop3A_1392 : i32
        %parallel_loop3A_1394 = arith.constant 8192 : i32
        %parallel_loop3A_1395 = arith.addi %parallel_loop3A_1394, %parallel_loop3A_1393 : i32
        %parallel_loop3A_1396 = arith.index_cast %parallel_loop3A_1395 : i32 to index
        %parallel_loop3A_1397 = tpu.vector_load %arg9[%parallel_loop3A_1396] {strides = array<i32>} : memref<40960xf32, #tpu.memory_space<vmem>>, vector<16xf32>,
        tpu.vector_store %arg9[%parallel_loop3A_1396], %parallel_loop3A_1391 {strides = array<i32>} : memref<40960xf32, #tpu.memory_space<vmem>>, vector<16xf32>,
        %parallel_loop3A_1398 = tpu.vector_load_idx %arg5[%broadcast_in_dim3A_1019, %parallel_loop3A_1383] : memref<5x512xf32, #tpu.memory_space<vmem>>[vector<16xi32>, vector<16xi32>], vector<16xf32>,
        %parallel_loop3A_1399 = arith.constant 16 : i32
        %parallel_loop3A_1400 = arith.muli %parallel_loop3A_1379, %parallel_loop3A_1399 : i32
        %parallel_loop3A_1401 = arith.constant 16384 : i32
        %parallel_loop3A_1402 = arith.addi %parallel_loop3A_1401, %parallel_loop3A_1400 : i32
        %parallel_loop3A_1403 = arith.index_cast %parallel_loop3A_1402 : i32 to index
        %parallel_loop3A_1404 = tpu.vector_load %arg9[%parallel_loop3A_1403] {strides = array<i32>} : memref<40960xf32, #tpu.memory_space<vmem>>, vector<16xf32>,
        tpu.vector_store %arg9[%parallel_loop3A_1403], %parallel_loop3A_1398 {strides = array<i32>} : memref<40960xf32, #tpu.memory_space<vmem>>, vector<16xf32>,
        %parallel_loop3A_1405 = tpu.vector_load_idx %arg5[%broadcast_in_dim3A_1021, %parallel_loop3A_1383] : memref<5x512xf32, #tpu.memory_space<vmem>>[vector<16xi32>, vector<16xi32>], vector<16xf32>,
        %parallel_loop3A_1406 = arith.constant 16 : i32
        %parallel_loop3A_1407 = arith.muli %parallel_loop3A_1379, %parallel_loop3A_1406 : i32
        %parallel_loop3A_1408 = arith.constant 24576 : i32
        %parallel_loop3A_1409 = arith.addi %parallel_loop3A_1408, %parallel_loop3A_1407 : i32
        %parallel_loop3A_1410 = arith.index_cast %parallel_loop3A_1409 : i32 to index
        %parallel_loop3A_1411 = tpu.vector_load %arg9[%parallel_loop3A_1410] {strides = array<i32>} : memref<40960xf32, #tpu.memory_space<vmem>>, vector<16xf32>,
        tpu.vector_store %arg9[%parallel_loop3A_1410], %parallel_loop3A_1405 {strides = array<i32>} : memref<40960xf32, #tpu.memory_space<vmem>>, vector<16xf32>,
        %parallel_loop3A_1412 = tpu.vector_load_idx %arg5[%broadcast_in_dim3A_1023, %parallel_loop3A_1383] : memref<5x512xf32, #tpu.memory_space<vmem>>[vector<16xi32>, vector<16xi32>], vector<16xf32>,
        %parallel_loop3A_1413 = arith.constant 16 : i32
        %parallel_loop3A_1414 = arith.muli %parallel_loop3A_1379, %parallel_loop3A_1413 : i32
        %parallel_loop3A_1415 = arith.constant 32768 : i32
        %parallel_loop3A_1416 = arith.addi %parallel_loop3A_1415, %parallel_loop3A_1414 : i32
        %parallel_loop3A_1417 = arith.index_cast %parallel_loop3A_1416 : i32 to index
        %parallel_loop3A_1418 = tpu.vector_load %arg9[%parallel_loop3A_1417] {strides = array<i32>} : memref<40960xf32, #tpu.memory_space<vmem>>, vector<16xf32>,
        tpu.vector_store %arg9[%parallel_loop3A_1417], %parallel_loop3A_1412 {strides = array<i32>} : memref<40960xf32, #tpu.memory_space<vmem>>, vector<16xf32>,
      } {sc.loop_unroll_factor = 4 : i64, sc.parallel_access}
      %mul3A_1027 = arith.constant 5 : i32
      %mul3A_1028 = arith.muli %mul3A_899, %mul3A_1027 : i32
      %add3A_1029 = arith.constant 0 : i32
      %add3A_1030 = arith.addi %mul3A_1028, %add3A_1029 : i32
      %mul3A_1031 = arith.constant 262144 : i32
      %mul3A_1032 = arith.muli %add3A_1030, %mul3A_1031 : i32
      %mul3A_1033 = arith.constant 8192 : i32
      %mul3A_1034 = arith.muli %add3A, %mul3A_1033 : i32
      %add3A_1035 = arith.addi %mul3A_1032, %mul3A_1034 : i32
      %mul3A_1036 = arith.constant 5 : i32
      %mul3A_1037 = arith.muli %mul3A_899, %mul3A_1036 : i32
      %add3A_1038 = arith.constant 1 : i32
      %add3A_1039 = arith.addi %mul3A_1037, %add3A_1038 : i32
      %mul3A_1040 = arith.constant 262144 : i32
      %mul3A_1041 = arith.muli %add3A_1039, %mul3A_1040 : i32
      %mul3A_1042 = arith.constant 8192 : i32
      %mul3A_1043 = arith.muli %add3A, %mul3A_1042 : i32
      %add3A_1044 = arith.addi %mul3A_1041, %mul3A_1043 : i32
      %mul3A_1045 = arith.constant 5 : i32
      %mul3A_1046 = arith.muli %mul3A_899, %mul3A_1045 : i32
      %add3A_1047 = arith.constant 2 : i32
      %add3A_1048 = arith.addi %mul3A_1046, %add3A_1047 : i32
      %mul3A_1049 = arith.constant 262144 : i32
      %mul3A_1050 = arith.muli %add3A_1048, %mul3A_1049 : i32
      %mul3A_1051 = arith.constant 8192 : i32
      %mul3A_1052 = arith.muli %add3A, %mul3A_1051 : i32
      %add3A_1053 = arith.addi %mul3A_1050, %mul3A_1052 : i32
      %mul3A_1054 = arith.constant 5 : i32
      %mul3A_1055 = arith.muli %mul3A_899, %mul3A_1054 : i32
      %add3A_1056 = arith.constant 3 : i32
      %add3A_1057 = arith.addi %mul3A_1055, %add3A_1056 : i32
      %mul3A_1058 = arith.constant 262144 : i32
      %mul3A_1059 = arith.muli %add3A_1057, %mul3A_1058 : i32
      %mul3A_1060 = arith.constant 8192 : i32
      %mul3A_1061 = arith.muli %add3A, %mul3A_1060 : i32
      %add3A_1062 = arith.addi %mul3A_1059, %mul3A_1061 : i32
      %mul3A_1063 = arith.constant 5 : i32
      %mul3A_1064 = arith.muli %mul3A_899, %mul3A_1063 : i32
      %add3A_1065 = arith.constant 4 : i32
      %add3A_1066 = arith.addi %mul3A_1064, %add3A_1065 : i32
      %mul3A_1067 = arith.constant 262144 : i32
      %mul3A_1068 = arith.muli %add3A_1066, %mul3A_1067 : i32
      %mul3A_1069 = arith.constant 8192 : i32
      %mul3A_1070 = arith.muli %add3A, %mul3A_1069 : i32
      %add3A_1071 = arith.addi %mul3A_1068, %mul3A_1070 : i32
      %dma_start3A_1072 = arith.constant 0 : i32
      %dma_start3A_1073 = arith.constant 0 : i32
      %dma_start3A_1074 = tpu.memref_slice %arg9[%dma_start3A_1073] : memref<40960xf32, #tpu.memory_space<vmem>> -> memref<8192xf32, #tpu.memory_space<vmem>>
      %dma_start3A_1075 = tpu.memref_slice %arg4[%add3A_1035] : memref<32768000xf32, #tpu.memory_space<hbm>> -> memref<8192xf32, #tpu.memory_space<hbm>>
      %dma_start3A_1076 = tpu.memref_slice %arg12[%dma_start3A_1072] : memref<2x!tpu.dma_semaphore, #tpu.memory_space<semaphore_mem>> -> memref<1x!tpu.dma_semaphore, #tpu.memory_space<semaphore_mem>>
      %dma_start3A_1077 = tpu.memref_squeeze %dma_start3A_1076 : memref<1x!tpu.dma_semaphore, #tpu.memory_space<semaphore_mem>> -> memref<!tpu.dma_semaphore, #tpu.memory_space<semaphore_mem>>
      %dma_start3A_1078 = tpu.memref_slice %arg4[%add3A_1035] : memref<32768000xf32, #tpu.memory_space<hbm>> -> memref<8192xf32, #tpu.memory_space<hbm>>
      %dma_start3A_1079 = arith.constant 0 : i32
      %dma_start3A_1080 = tpu.memref_slice %arg9[%dma_start3A_1079] : memref<40960xf32, #tpu.memory_space<vmem>> -> memref<8192xf32, #tpu.memory_space<vmem>>
      tpu.enqueue_dma source(%dma_start3A_1080 : memref<8192xf32, #tpu.memory_space<vmem>>) target(%dma_start3A_1078 : memref<8192xf32, #tpu.memory_space<hbm>>) target_semaphore(%dma_start3A_1077 : memref<!tpu.dma_semaphore, #tpu.memory_space<semaphore_mem>>)
      %dma_start3A_1081 = arith.constant 0 : i32
      %dma_start3A_1082 = arith.constant 8192 : i32
      %dma_start3A_1083 = tpu.memref_slice %arg9[%dma_start3A_1082] : memref<40960xf32, #tpu.memory_space<vmem>> -> memref<8192xf32, #tpu.memory_space<vmem>>
      %dma_start3A_1084 = tpu.memref_slice %arg4[%add3A_1044] : memref<32768000xf32, #tpu.memory_space<hbm>> -> memref<8192xf32, #tpu.memory_space<hbm>>
      %dma_start3A_1085 = tpu.memref_slice %arg12[%dma_start3A_1081] : memref<2x!tpu.dma_semaphore, #tpu.memory_space<semaphore_mem>> -> memref<1x!tpu.dma_semaphore, #tpu.memory_space<semaphore_mem>>
      %dma_start3A_1086 = tpu.memref_squeeze %dma_start3A_1085 : memref<1x!tpu.dma_semaphore, #tpu.memory_space<semaphore_mem>> -> memref<!tpu.dma_semaphore, #tpu.memory_space<semaphore_mem>>
      %dma_start3A_1087 = tpu.memref_slice %arg4[%add3A_1044] : memref<32768000xf32, #tpu.memory_space<hbm>> -> memref<8192xf32, #tpu.memory_space<hbm>>
      %dma_start3A_1088 = arith.constant 8192 : i32
      %dma_start3A_1089 = tpu.memref_slice %arg9[%dma_start3A_1088] : memref<40960xf32, #tpu.memory_space<vmem>> -> memref<8192xf32, #tpu.memory_space<vmem>>
      tpu.enqueue_dma source(%dma_start3A_1089 : memref<8192xf32, #tpu.memory_space<vmem>>) target(%dma_start3A_1087 : memref<8192xf32, #tpu.memory_space<hbm>>) target_semaphore(%dma_start3A_1086 : memref<!tpu.dma_semaphore, #tpu.memory_space<semaphore_mem>>)
      %dma_start3A_1090 = arith.constant 0 : i32
      %dma_start3A_1091 = arith.constant 16384 : i32
      %dma_start3A_1092 = tpu.memref_slice %arg9[%dma_start3A_1091] : memref<40960xf32, #tpu.memory_space<vmem>> -> memref<8192xf32, #tpu.memory_space<vmem>>
      %dma_start3A_1093 = tpu.memref_slice %arg4[%add3A_1053] : memref<32768000xf32, #tpu.memory_space<hbm>> -> memref<8192xf32, #tpu.memory_space<hbm>>
      %dma_start3A_1094 = tpu.memref_slice %arg12[%dma_start3A_1090] : memref<2x!tpu.dma_semaphore, #tpu.memory_space<semaphore_mem>> -> memref<1x!tpu.dma_semaphore, #tpu.memory_space<semaphore_mem>>
      %dma_start3A_1095 = tpu.memref_squeeze %dma_start3A_1094 : memref<1x!tpu.dma_semaphore, #tpu.memory_space<semaphore_mem>> -> memref<!tpu.dma_semaphore, #tpu.memory_space<semaphore_mem>>
      %dma_start3A_1096 = tpu.memref_slice %arg4[%add3A_1053] : memref<32768000xf32, #tpu.memory_space<hbm>> -> memref<8192xf32, #tpu.memory_space<hbm>>
      %dma_start3A_1097 = arith.constant 16384 : i32
      %dma_start3A_1098 = tpu.memref_slice %arg9[%dma_start3A_1097] : memref<40960xf32, #tpu.memory_space<vmem>> -> memref<8192xf32, #tpu.memory_space<vmem>>
      tpu.enqueue_dma source(%dma_start3A_1098 : memref<8192xf32, #tpu.memory_space<vmem>>) target(%dma_start3A_1096 : memref<8192xf32, #tpu.memory_space<hbm>>) target_semaphore(%dma_start3A_1095 : memref<!tpu.dma_semaphore, #tpu.memory_space<semaphore_mem>>)
      %dma_start3A_1099 = arith.constant 0 : i32
      %dma_start3A_1100 = arith.constant 24576 : i32
      %dma_start3A_1101 = tpu.memref_slice %arg9[%dma_start3A_1100] : memref<40960xf32, #tpu.memory_space<vmem>> -> memref<8192xf32, #tpu.memory_space<vmem>>
      %dma_start3A_1102 = tpu.memref_slice %arg4[%add3A_1062] : memref<32768000xf32, #tpu.memory_space<hbm>> -> memref<8192xf32, #tpu.memory_space<hbm>>
      %dma_start3A_1103 = tpu.memref_slice %arg12[%dma_start3A_1099] : memref<2x!tpu.dma_semaphore, #tpu.memory_space<semaphore_mem>> -> memref<1x!tpu.dma_semaphore, #tpu.memory_space<semaphore_mem>>
      %dma_start3A_1104 = tpu.memref_squeeze %dma_start3A_1103 : memref<1x!tpu.dma_semaphore, #tpu.memory_space<semaphore_mem>> -> memref<!tpu.dma_semaphore, #tpu.memory_space<semaphore_mem>>
      %dma_start3A_1105 = tpu.memref_slice %arg4[%add3A_1062] : memref<32768000xf32, #tpu.memory_space<hbm>> -> memref<8192xf32, #tpu.memory_space<hbm>>
      %dma_start3A_1106 = arith.constant 24576 : i32
      %dma_start3A_1107 = tpu.memref_slice %arg9[%dma_start3A_1106] : memref<40960xf32, #tpu.memory_space<vmem>> -> memref<8192xf32, #tpu.memory_space<vmem>>
      tpu.enqueue_dma source(%dma_start3A_1107 : memref<8192xf32, #tpu.memory_space<vmem>>) target(%dma_start3A_1105 : memref<8192xf32, #tpu.memory_space<hbm>>) target_semaphore(%dma_start3A_1104 : memref<!tpu.dma_semaphore, #tpu.memory_space<semaphore_mem>>)
      %dma_start3A_1108 = arith.constant 0 : i32
      %dma_start3A_1109 = arith.constant 32768 : i32
      %dma_start3A_1110 = tpu.memref_slice %arg9[%dma_start3A_1109] : memref<40960xf32, #tpu.memory_space<vmem>> -> memref<8192xf32, #tpu.memory_space<vmem>>
      %dma_start3A_1111 = tpu.memref_slice %arg4[%add3A_1071] : memref<32768000xf32, #tpu.memory_space<hbm>> -> memref<8192xf32, #tpu.memory_space<hbm>>
      %dma_start3A_1112 = tpu.memref_slice %arg12[%dma_start3A_1108] : memref<2x!tpu.dma_semaphore, #tpu.memory_space<semaphore_mem>> -> memref<1x!tpu.dma_semaphore, #tpu.memory_space<semaphore_mem>>
      %dma_start3A_1113 = tpu.memref_squeeze %dma_start3A_1112 : memref<1x!tpu.dma_semaphore, #tpu.memory_space<semaphore_mem>> -> memref<!tpu.dma_semaphore, #tpu.memory_space<semaphore_mem>>
      %dma_start3A_1114 = tpu.memref_slice %arg4[%add3A_1071] : memref<32768000xf32, #tpu.memory_space<hbm>> -> memref<8192xf32, #tpu.memory_space<hbm>>
      %dma_start3A_1115 = arith.constant 32768 : i32
      %dma_start3A_1116 = tpu.memref_slice %arg9[%dma_start3A_1115] : memref<40960xf32, #tpu.memory_space<vmem>> -> memref<8192xf32, #tpu.memory_space<vmem>>
      tpu.enqueue_dma source(%dma_start3A_1116 : memref<8192xf32, #tpu.memory_space<vmem>>) target(%dma_start3A_1114 : memref<8192xf32, #tpu.memory_space<hbm>>) target_semaphore(%dma_start3A_1113 : memref<!tpu.dma_semaphore, #tpu.memory_space<semaphore_mem>>)
      %add3A_1117 = arith.constant 2 : i32
      %add3A_1118 = arith.addi %mul3A_899, %add3A_1117 : i32
      %mul3A_1119 = arith.constant 512 : i32
      %mul3A_1120 = arith.muli %add3A_1118, %mul3A_1119 : i32
      %add3A_1121 = arith.constant 5 : i32
      %add3A_1122 = arith.addi %add3A_1121, %add3A_1118 : i32
      %mul3A_1123 = arith.constant 262144 : i32
      %mul3A_1124 = arith.muli %add3A_1122, %mul3A_1123 : i32
      %mul3A_1125 = arith.constant 8192 : i32
      %mul3A_1126 = arith.muli %add3A, %mul3A_1125 : i32
      %add3A_1127 = arith.addi %mul3A_1124, %mul3A_1126 : i32
      %dma_start3A_1128 = arith.constant 0 : i32
      %dma_start3A_1129 = arith.constant 0 : i32
      %dma_start3A_1130 = tpu.memref_slice %arg2[%dma_start3A_1129, %mul3A_1120] : memref<5x12800xf32, #tpu.memory_space<hbm>> -> memref<5x512xf32, #tpu.memory_space<hbm>>
      %dma_start3A_1131 = tpu.memref_slice %arg11[%dma_start3A_1128] : memref<2x!tpu.dma_semaphore, #tpu.memory_space<semaphore_mem>> -> memref<1x!tpu.dma_semaphore, #tpu.memory_space<semaphore_mem>>
      %dma_start3A_1132 = tpu.memref_squeeze %dma_start3A_1131 : memref<1x!tpu.dma_semaphore, #tpu.memory_space<semaphore_mem>> -> memref<!tpu.dma_semaphore, #tpu.memory_space<semaphore_mem>>
      %dma_start3A_1133 = arith.constant 0 : i32
      %dma_start3A_1134 = tpu.memref_slice %arg2[%dma_start3A_1133, %mul3A_1120] : memref<5x12800xf32, #tpu.memory_space<hbm>> -> memref<5x512xf32, #tpu.memory_space<hbm>>
      tpu.enqueue_dma source(%dma_start3A_1134 : memref<5x512xf32, #tpu.memory_space<hbm>>) target(%arg5 : memref<5x512xf32, #tpu.memory_space<vmem>>) target_semaphore(%dma_start3A_1132 : memref<!tpu.dma_semaphore, #tpu.memory_space<semaphore_mem>>)
      %dma_start3A_1135 = arith.constant 0 : i32
      %dma_start3A_1136 = tpu.memref_slice %arg3[%add3A_1127] : memref<7864320xi32, #tpu.memory_space<hbm>> -> memref<8192xi32, #tpu.memory_space<hbm>>
      %dma_start3A_1137 = tpu.memref_slice %arg11[%dma_start3A_1135] : memref<2x!tpu.dma_semaphore, #tpu.memory_space<semaphore_mem>> -> memref<1x!tpu.dma_semaphore, #tpu.memory_space<semaphore_mem>>
      %dma_start3A_1138 = tpu.memref_squeeze %dma_start3A_1137 : memref<1x!tpu.dma_semaphore, #tpu.memory_space<semaphore_mem>> -> memref<!tpu.dma_semaphore, #tpu.memory_space<semaphore_mem>>
      %dma_start3A_1139 = tpu.memref_slice %arg3[%add3A_1127] : memref<7864320xi32, #tpu.memory_space<hbm>> -> memref<8192xi32, #tpu.memory_space<hbm>>
      tpu.enqueue_dma source(%dma_start3A_1139 : memref<8192xi32, #tpu.memory_space<hbm>>) target(%arg7 : memref<8192xi32, #tpu.memory_space<vmem>>) target_semaphore(%dma_start3A_1138 : memref<!tpu.dma_semaphore, #tpu.memory_space<semaphore_mem>>)
      %mul3A_1140 = arith.constant 512 : i32
      %mul3A_1141 = arith.muli %add3A_901, %mul3A_1140 : i32
      %add3A_1142 = arith.constant 5 : i32
      %add3A_1143 = arith.addi %add3A_1142, %add3A_901 : i32
      %mul3A_1144 = arith.constant 262144 : i32
      %mul3A_1145 = arith.muli %add3A_1143, %mul3A_1144 : i32
      %mul3A_1146 = arith.constant 8192 : i32
      %mul3A_1147 = arith.muli %add3A, %mul3A_1146 : i32
      %add3A_1148 = arith.addi %mul3A_1145, %mul3A_1147 : i32
      %dma_wait3A_1149 = arith.constant 1 : i32
      %dma_wait3A_1150 = arith.constant 0 : i32
      %dma_wait3A_1151 = tpu.memref_slice %arg2[%dma_wait3A_1150, %mul3A_1141] : memref<5x12800xf32, #tpu.memory_space<hbm>> -> memref<5x512xf32, #tpu.memory_space<hbm>>
      %dma_wait3A_1152 = tpu.memref_slice %arg11[%dma_wait3A_1149] : memref<2x!tpu.dma_semaphore, #tpu.memory_space<semaphore_mem>> -> memref<1x!tpu.dma_semaphore, #tpu.memory_space<semaphore_mem>>
      %dma_wait3A_1153 = tpu.memref_squeeze %dma_wait3A_1152 : memref<1x!tpu.dma_semaphore, #tpu.memory_space<semaphore_mem>> -> memref<!tpu.dma_semaphore, #tpu.memory_space<semaphore_mem>>
      %dma_wait3A_1154 = arith.constant 0 : i32
      %dma_wait3A_1155 = tpu.memref_slice %arg2[%dma_wait3A_1154, %mul3A_1141] : memref<5x12800xf32, #tpu.memory_space<hbm>> -> memref<5x512xf32, #tpu.memory_space<hbm>>
      tpu.wait_dma2 semaphore(%dma_wait3A_1153 : memref<!tpu.dma_semaphore, #tpu.memory_space<semaphore_mem>>) src(%dma_wait3A_1155 : memref<5x512xf32, #tpu.memory_space<hbm>>) dst(%arg6 : memref<5x512xf32, #tpu.memory_space<vmem>>)
      %dma_wait3A_1156 = arith.constant 1 : i32
      %dma_wait3A_1157 = tpu.memref_slice %arg3[%add3A_1148] : memref<7864320xi32, #tpu.memory_space<hbm>> -> memref<8192xi32, #tpu.memory_space<hbm>>
      %dma_wait3A_1158 = tpu.memref_slice %arg11[%dma_wait3A_1156] : memref<2x!tpu.dma_semaphore, #tpu.memory_space<semaphore_mem>> -> memref<1x!tpu.dma_semaphore, #tpu.memory_space<semaphore_mem>>
      %dma_wait3A_1159 = tpu.memref_squeeze %dma_wait3A_1158 : memref<1x!tpu.dma_semaphore, #tpu.memory_space<semaphore_mem>> -> memref<!tpu.dma_semaphore, #tpu.memory_space<semaphore_mem>>
      %dma_wait3A_1160 = tpu.memref_slice %arg3[%add3A_1148] : memref<7864320xi32, #tpu.memory_space<hbm>> -> memref<8192xi32, #tpu.memory_space<hbm>>
      tpu.wait_dma2 semaphore(%dma_wait3A_1159 : memref<!tpu.dma_semaphore, #tpu.memory_space<semaphore_mem>>) src(%dma_wait3A_1160 : memref<8192xi32, #tpu.memory_space<hbm>>) dst(%arg8 : memref<8192xi32, #tpu.memory_space<vmem>>)
      %sub3A_1161 = arith.constant 2 : i32
      %sub3A_1162 = arith.subi %add3A_901, %sub3A_1161 : i32
      %mul3A_1163 = arith.constant 5 : i32
      %mul3A_1164 = arith.muli %sub3A_1162, %mul3A_1163 : i32
      %add3A_1165 = arith.constant 0 : i32
      %add3A_1166 = arith.addi %mul3A_1164, %add3A_1165 : i32
      %mul3A_1167 = arith.constant 262144 : i32
      %mul3A_1168 = arith.muli %add3A_1166, %mul3A_1167 : i32
      %mul3A_1169 = arith.constant 8192 : i32
      %mul3A_1170 = arith.muli %add3A, %mul3A_1169 : i32
      %add3A_1171 = arith.addi %mul3A_1168, %mul3A_1170 : i32
      %mul3A_1172 = arith.constant 5 : i32
      %mul3A_1173 = arith.muli %sub3A_1162, %mul3A_1172 : i32
      %add3A_1174 = arith.constant 1 : i32
      %add3A_1175 = arith.addi %mul3A_1173, %add3A_1174 : i32
      %mul3A_1176 = arith.constant 262144 : i32
      %mul3A_1177 = arith.muli %add3A_1175, %mul3A_1176 : i32
      %mul3A_1178 = arith.constant 8192 : i32
      %mul3A_1179 = arith.muli %add3A, %mul3A_1178 : i32
      %add3A_1180 = arith.addi %mul3A_1177, %mul3A_1179 : i32
      %mul3A_1181 = arith.constant 5 : i32
      %mul3A_1182 = arith.muli %sub3A_1162, %mul3A_1181 : i32
      %add3A_1183 = arith.constant 2 : i32
      %add3A_1184 = arith.addi %mul3A_1182, %add3A_1183 : i32
      %mul3A_1185 = arith.constant 262144 : i32
      %mul3A_1186 = arith.muli %add3A_1184, %mul3A_1185 : i32
      %mul3A_1187 = arith.constant 8192 : i32
      %mul3A_1188 = arith.muli %add3A, %mul3A_1187 : i32
      %add3A_1189 = arith.addi %mul3A_1186, %mul3A_1188 : i32
      %mul3A_1190 = arith.constant 5 : i32
      %mul3A_1191 = arith.muli %sub3A_1162, %mul3A_1190 : i32
      %add3A_1192 = arith.constant 3 : i32
      %add3A_1193 = arith.addi %mul3A_1191, %add3A_1192 : i32
      %mul3A_1194 = arith.constant 262144 : i32
      %mul3A_1195 = arith.muli %add3A_1193, %mul3A_1194 : i32
      %mul3A_1196 = arith.constant 8192 : i32
      %mul3A_1197 = arith.muli %add3A, %mul3A_1196 : i32
      %add3A_1198 = arith.addi %mul3A_1195, %mul3A_1197 : i32
      %mul3A_1199 = arith.constant 5 : i32
      %mul3A_1200 = arith.muli %sub3A_1162, %mul3A_1199 : i32
      %add3A_1201 = arith.constant 4 : i32
      %add3A_1202 = arith.addi %mul3A_1200, %add3A_1201 : i32
      %mul3A_1203 = arith.constant 262144 : i32
      %mul3A_1204 = arith.muli %add3A_1202, %mul3A_1203 : i32
      %mul3A_1205 = arith.constant 8192 : i32
      %mul3A_1206 = arith.muli %add3A, %mul3A_1205 : i32
      %add3A_1207 = arith.addi %mul3A_1204, %mul3A_1206 : i32
      %dma_wait3A_1208 = arith.constant 1 : i32
      %dma_wait3A_1209 = arith.constant 0 : i32
      %dma_wait3A_1210 = tpu.memref_slice %arg10[%dma_wait3A_1209] : memref<40960xf32, #tpu.memory_space<vmem>> -> memref<8192xf32, #tpu.memory_space<vmem>>
      %dma_wait3A_1211 = tpu.memref_slice %arg4[%add3A_1171] : memref<32768000xf32, #tpu.memory_space<hbm>> -> memref<8192xf32, #tpu.memory_space<hbm>>
      %dma_wait3A_1212 = tpu.memref_slice %arg12[%dma_wait3A_1208] : memref<2x!tpu.dma_semaphore, #tpu.memory_space<semaphore_mem>> -> memref<1x!tpu.dma_semaphore, #tpu.memory_space<semaphore_mem>>
      %dma_wait3A_1213 = tpu.memref_squeeze %dma_wait3A_1212 : memref<1x!tpu.dma_semaphore, #tpu.memory_space<semaphore_mem>> -> memref<!tpu.dma_semaphore, #tpu.memory_space<semaphore_mem>>
      %dma_wait3A_1214 = tpu.memref_slice %arg4[%add3A_1171] : memref<32768000xf32, #tpu.memory_space<hbm>> -> memref<8192xf32, #tpu.memory_space<hbm>>
      %dma_wait3A_1215 = arith.constant 0 : i32
      %dma_wait3A_1216 = tpu.memref_slice %arg10[%dma_wait3A_1215] : memref<40960xf32, #tpu.memory_space<vmem>> -> memref<8192xf32, #tpu.memory_space<vmem>>
      tpu.wait_dma2 semaphore(%dma_wait3A_1213 : memref<!tpu.dma_semaphore, #tpu.memory_space<semaphore_mem>>) src(%dma_wait3A_1216 : memref<8192xf32, #tpu.memory_space<vmem>>) dst(%dma_wait3A_1214 : memref<8192xf32, #tpu.memory_space<hbm>>)
      %dma_wait3A_1217 = arith.constant 1 : i32
      %dma_wait3A_1218 = arith.constant 8192 : i32
      %dma_wait3A_1219 = tpu.memref_slice %arg10[%dma_wait3A_1218] : memref<40960xf32, #tpu.memory_space<vmem>> -> memref<8192xf32, #tpu.memory_space<vmem>>
      %dma_wait3A_1220 = tpu.memref_slice %arg4[%add3A_1180] : memref<32768000xf32, #tpu.memory_space<hbm>> -> memref<8192xf32, #tpu.memory_space<hbm>>
      %dma_wait3A_1221 = tpu.memref_slice %arg12[%dma_wait3A_1217] : memref<2x!tpu.dma_semaphore, #tpu.memory_space<semaphore_mem>> -> memref<1x!tpu.dma_semaphore, #tpu.memory_space<semaphore_mem>>
      %dma_wait3A_1222 = tpu.memref_squeeze %dma_wait3A_1221 : memref<1x!tpu.dma_semaphore, #tpu.memory_space<semaphore_mem>> -> memref<!tpu.dma_semaphore, #tpu.memory_space<semaphore_mem>>
      %dma_wait3A_1223 = tpu.memref_slice %arg4[%add3A_1180] : memref<32768000xf32, #tpu.memory_space<hbm>> -> memref<8192xf32, #tpu.memory_space<hbm>>
      %dma_wait3A_1224 = arith.constant 8192 : i32
      %dma_wait3A_1225 = tpu.memref_slice %arg10[%dma_wait3A_1224] : memref<40960xf32, #tpu.memory_space<vmem>> -> memref<8192xf32, #tpu.memory_space<vmem>>
      tpu.wait_dma2 semaphore(%dma_wait3A_1222 : memref<!tpu.dma_semaphore, #tpu.memory_space<semaphore_mem>>) src(%dma_wait3A_1225 : memref<8192xf32, #tpu.memory_space<vmem>>) dst(%dma_wait3A_1223 : memref<8192xf32, #tpu.memory_space<hbm>>)
      %dma_wait3A_1226 = arith.constant 1 : i32
      %dma_wait3A_1227 = arith.constant 16384 : i32
      %dma_wait3A_1228 = tpu.memref_slice %arg10[%dma_wait3A_1227] : memref<40960xf32, #tpu.memory_space<vmem>> -> memref<8192xf32, #tpu.memory_space<vmem>>
      %dma_wait3A_1229 = tpu.memref_slice %arg4[%add3A_1189] : memref<32768000xf32, #tpu.memory_space<hbm>> -> memref<8192xf32, #tpu.memory_space<hbm>>
      %dma_wait3A_1230 = tpu.memref_slice %arg12[%dma_wait3A_1226] : memref<2x!tpu.dma_semaphore, #tpu.memory_space<semaphore_mem>> -> memref<1x!tpu.dma_semaphore, #tpu.memory_space<semaphore_mem>>
      %dma_wait3A_1231 = tpu.memref_squeeze %dma_wait3A_1230 : memref<1x!tpu.dma_semaphore, #tpu.memory_space<semaphore_mem>> -> memref<!tpu.dma_semaphore, #tpu.memory_space<semaphore_mem>>
      %dma_wait3A_1232 = tpu.memref_slice %arg4[%add3A_1189] : memref<32768000xf32, #tpu.memory_space<hbm>> -> memref<8192xf32, #tpu.memory_space<hbm>>
      %dma_wait3A_1233 = arith.constant 16384 : i32
      %dma_wait3A_1234 = tpu.memref_slice %arg10[%dma_wait3A_1233] : memref<40960xf32, #tpu.memory_space<vmem>> -> memref<8192xf32, #tpu.memory_space<vmem>>
      tpu.wait_dma2 semaphore(%dma_wait3A_1231 : memref<!tpu.dma_semaphore, #tpu.memory_space<semaphore_mem>>) src(%dma_wait3A_1234 : memref<8192xf32, #tpu.memory_space<vmem>>) dst(%dma_wait3A_1232 : memref<8192xf32, #tpu.memory_space<hbm>>)
      %dma_wait3A_1235 = arith.constant 1 : i32
      %dma_wait3A_1236 = arith.constant 24576 : i32
      %dma_wait3A_1237 = tpu.memref_slice %arg10[%dma_wait3A_1236] : memref<40960xf32, #tpu.memory_space<vmem>> -> memref<8192xf32, #tpu.memory_space<vmem>>
      %dma_wait3A_1238 = tpu.memref_slice %arg4[%add3A_1198] : memref<32768000xf32, #tpu.memory_space<hbm>> -> memref<8192xf32, #tpu.memory_space<hbm>>
      %dma_wait3A_1239 = tpu.memref_slice %arg12[%dma_wait3A_1235] : memref<2x!tpu.dma_semaphore, #tpu.memory_space<semaphore_mem>> -> memref<1x!tpu.dma_semaphore, #tpu.memory_space<semaphore_mem>>
      %dma_wait3A_1240 = tpu.memref_squeeze %dma_wait3A_1239 : memref<1x!tpu.dma_semaphore, #tpu.memory_space<semaphore_mem>> -> memref<!tpu.dma_semaphore, #tpu.memory_space<semaphore_mem>>
      %dma_wait3A_1241 = tpu.memref_slice %arg4[%add3A_1198] : memref<32768000xf32, #tpu.memory_space<hbm>> -> memref<8192xf32, #tpu.memory_space<hbm>>
      %dma_wait3A_1242 = arith.constant 24576 : i32
      %dma_wait3A_1243 = tpu.memref_slice %arg10[%dma_wait3A_1242] : memref<40960xf32, #tpu.memory_space<vmem>> -> memref<8192xf32, #tpu.memory_space<vmem>>
      tpu.wait_dma2 semaphore(%dma_wait3A_1240 : memref<!tpu.dma_semaphore, #tpu.memory_space<semaphore_mem>>) src(%dma_wait3A_1243 : memref<8192xf32, #tpu.memory_space<vmem>>) dst(%dma_wait3A_1241 : memref<8192xf32, #tpu.memory_space<hbm>>)
      %dma_wait3A_1244 = arith.constant 1 : i32
      %dma_wait3A_1245 = arith.constant 32768 : i32
      %dma_wait3A_1246 = tpu.memref_slice %arg10[%dma_wait3A_1245] : memref<40960xf32, #tpu.memory_space<vmem>> -> memref<8192xf32, #tpu.memory_space<vmem>>
      %dma_wait3A_1247 = tpu.memref_slice %arg4[%add3A_1207] : memref<32768000xf32, #tpu.memory_space<hbm>> -> memref<8192xf32, #tpu.memory_space<hbm>>
      %dma_wait3A_1248 = tpu.memref_slice %arg12[%dma_wait3A_1244] : memref<2x!tpu.dma_semaphore, #tpu.memory_space<semaphore_mem>> -> memref<1x!tpu.dma_semaphore, #tpu.memory_space<semaphore_mem>>
      %dma_wait3A_1249 = tpu.memref_squeeze %dma_wait3A_1248 : memref<1x!tpu.dma_semaphore, #tpu.memory_space<semaphore_mem>> -> memref<!tpu.dma_semaphore, #tpu.memory_space<semaphore_mem>>
      %dma_wait3A_1250 = tpu.memref_slice %arg4[%add3A_1207] : memref<32768000xf32, #tpu.memory_space<hbm>> -> memref<8192xf32, #tpu.memory_space<hbm>>
      %dma_wait3A_1251 = arith.constant 32768 : i32
      %dma_wait3A_1252 = tpu.memref_slice %arg10[%dma_wait3A_1251] : memref<40960xf32, #tpu.memory_space<vmem>> -> memref<8192xf32, #tpu.memory_space<vmem>>
      tpu.wait_dma2 semaphore(%dma_wait3A_1249 : memref<!tpu.dma_semaphore, #tpu.memory_space<semaphore_mem>>) src(%dma_wait3A_1252 : memref<8192xf32, #tpu.memory_space<vmem>>) dst(%dma_wait3A_1250 : memref<8192xf32, #tpu.memory_space<hbm>>)
      %broadcast_in_dim3A_1253 = arith.constant 0 : i32
      %broadcast_in_dim3A_1254 = vector.broadcast %broadcast_in_dim3A_1253 : i32 to vector<16xi32>
      %broadcast_in_dim3A_1255 = arith.constant 1 : i32
      %broadcast_in_dim3A_1256 = vector.broadcast %broadcast_in_dim3A_1255 : i32 to vector<16xi32>
      %broadcast_in_dim3A_1257 = arith.constant 2 : i32
      %broadcast_in_dim3A_1258 = vector.broadcast %broadcast_in_dim3A_1257 : i32 to vector<16xi32>
      %broadcast_in_dim3A_1259 = arith.constant 3 : i32
      %broadcast_in_dim3A_1260 = vector.broadcast %broadcast_in_dim3A_1259 : i32 to vector<16xi32>
      %broadcast_in_dim3A_1261 = arith.constant 4 : i32
      %broadcast_in_dim3A_1262 = vector.broadcast %broadcast_in_dim3A_1261 : i32 to vector<16xi32>
      %parallel_loop3A_1263 = arith.constant 0 : i32
      %parallel_loop3A_1264 = arith.constant 512 : i32
      %parallel_loop3A_1265 = arith.constant 1 : i32
      scf.for %parallel_loop3A_1379 = %parallel_loop3A_1263 to %parallel_loop3A_1264 step %parallel_loop3A_1265  : i32 {
        %parallel_loop3A_1380 = arith.constant 16 : i32
        %parallel_loop3A_1381 = arith.muli %parallel_loop3A_1379, %parallel_loop3A_1380 : i32
        %parallel_loop3A_1382 = arith.index_cast %parallel_loop3A_1381 : i32 to index
        %parallel_loop3A_1383 = tpu.vector_load %arg8[%parallel_loop3A_1382] {strides = array<i32>} : memref<8192xi32, #tpu.memory_space<vmem>>, vector<16xi32>,
        %parallel_loop3A_1384 = tpu.vector_load_idx %arg6[%broadcast_in_dim3A_1254, %parallel_loop3A_1383] : memref<5x512xf32, #tpu.memory_space<vmem>>[vector<16xi32>, vector<16xi32>], vector<16xf32>,
        %parallel_loop3A_1385 = arith.constant 16 : i32
        %parallel_loop3A_1386 = arith.muli %parallel_loop3A_1379, %parallel_loop3A_1385 : i32
        %parallel_loop3A_1387 = arith.constant 0 : i32
        %parallel_loop3A_1388 = arith.addi %parallel_loop3A_1387, %parallel_loop3A_1386 : i32
        %parallel_loop3A_1389 = arith.index_cast %parallel_loop3A_1388 : i32 to index
        %parallel_loop3A_1390 = tpu.vector_load %arg10[%parallel_loop3A_1389] {strides = array<i32>} : memref<40960xf32, #tpu.memory_space<vmem>>, vector<16xf32>,
        tpu.vector_store %arg10[%parallel_loop3A_1389], %parallel_loop3A_1384 {strides = array<i32>} : memref<40960xf32, #tpu.memory_space<vmem>>, vector<16xf32>,
        %parallel_loop3A_1391 = tpu.vector_load_idx %arg6[%broadcast_in_dim3A_1256, %parallel_loop3A_1383] : memref<5x512xf32, #tpu.memory_space<vmem>>[vector<16xi32>, vector<16xi32>], vector<16xf32>,
        %parallel_loop3A_1392 = arith.constant 16 : i32
        %parallel_loop3A_1393 = arith.muli %parallel_loop3A_1379, %parallel_loop3A_1392 : i32
        %parallel_loop3A_1394 = arith.constant 8192 : i32
        %parallel_loop3A_1395 = arith.addi %parallel_loop3A_1394, %parallel_loop3A_1393 : i32
        %parallel_loop3A_1396 = arith.index_cast %parallel_loop3A_1395 : i32 to index
        %parallel_loop3A_1397 = tpu.vector_load %arg10[%parallel_loop3A_1396] {strides = array<i32>} : memref<40960xf32, #tpu.memory_space<vmem>>, vector<16xf32>,
        tpu.vector_store %arg10[%parallel_loop3A_1396], %parallel_loop3A_1391 {strides = array<i32>} : memref<40960xf32, #tpu.memory_space<vmem>>, vector<16xf32>,
        %parallel_loop3A_1398 = tpu.vector_load_idx %arg6[%broadcast_in_dim3A_1258, %parallel_loop3A_1383] : memref<5x512xf32, #tpu.memory_space<vmem>>[vector<16xi32>, vector<16xi32>], vector<16xf32>,
        %parallel_loop3A_1399 = arith.constant 16 : i32
        %parallel_loop3A_1400 = arith.muli %parallel_loop3A_1379, %parallel_loop3A_1399 : i32
        %parallel_loop3A_1401 = arith.constant 16384 : i32
        %parallel_loop3A_1402 = arith.addi %parallel_loop3A_1401, %parallel_loop3A_1400 : i32
        %parallel_loop3A_1403 = arith.index_cast %parallel_loop3A_1402 : i32 to index
        %parallel_loop3A_1404 = tpu.vector_load %arg10[%parallel_loop3A_1403] {strides = array<i32>} : memref<40960xf32, #tpu.memory_space<vmem>>, vector<16xf32>,
        tpu.vector_store %arg10[%parallel_loop3A_1403], %parallel_loop3A_1398 {strides = array<i32>} : memref<40960xf32, #tpu.memory_space<vmem>>, vector<16xf32>,
        %parallel_loop3A_1405 = tpu.vector_load_idx %arg6[%broadcast_in_dim3A_1260, %parallel_loop3A_1383] : memref<5x512xf32, #tpu.memory_space<vmem>>[vector<16xi32>, vector<16xi32>], vector<16xf32>,
        %parallel_loop3A_1406 = arith.constant 16 : i32
        %parallel_loop3A_1407 = arith.muli %parallel_loop3A_1379, %parallel_loop3A_1406 : i32
        %parallel_loop3A_1408 = arith.constant 24576 : i32
        %parallel_loop3A_1409 = arith.addi %parallel_loop3A_1408, %parallel_loop3A_1407 : i32
        %parallel_loop3A_1410 = arith.index_cast %parallel_loop3A_1409 : i32 to index
        %parallel_loop3A_1411 = tpu.vector_load %arg10[%parallel_loop3A_1410] {strides = array<i32>} : memref<40960xf32, #tpu.memory_space<vmem>>, vector<16xf32>,
        tpu.vector_store %arg10[%parallel_loop3A_1410], %parallel_loop3A_1405 {strides = array<i32>} : memref<40960xf32, #tpu.memory_space<vmem>>, vector<16xf32>,
        %parallel_loop3A_1412 = tpu.vector_load_idx %arg6[%broadcast_in_dim3A_1262, %parallel_loop3A_1383] : memref<5x512xf32, #tpu.memory_space<vmem>>[vector<16xi32>, vector<16xi32>], vector<16xf32>,
        %parallel_loop3A_1413 = arith.constant 16 : i32
        %parallel_loop3A_1414 = arith.muli %parallel_loop3A_1379, %parallel_loop3A_1413 : i32
        %parallel_loop3A_1415 = arith.constant 32768 : i32
        %parallel_loop3A_1416 = arith.addi %parallel_loop3A_1415, %parallel_loop3A_1414 : i32
        %parallel_loop3A_1417 = arith.index_cast %parallel_loop3A_1416 : i32 to index
        %parallel_loop3A_1418 = tpu.vector_load %arg10[%parallel_loop3A_1417] {strides = array<i32>} : memref<40960xf32, #tpu.memory_space<vmem>>, vector<16xf32>,
        tpu.vector_store %arg10[%parallel_loop3A_1417], %parallel_loop3A_1412 {strides = array<i32>} : memref<40960xf32, #tpu.memory_space<vmem>>, vector<16xf32>,
      } {sc.loop_unroll_factor = 4 : i64, sc.parallel_access}
      %mul3A_1266 = arith.constant 5 : i32
      %mul3A_1267 = arith.muli %add3A_901, %mul3A_1266 : i32
      %add3A_1268 = arith.constant 0 : i32
      %add3A_1269 = arith.addi %mul3A_1267, %add3A_1268 : i32
      %mul3A_1270 = arith.constant 262144 : i32
      %mul3A_1271 = arith.muli %add3A_1269, %mul3A_1270 : i32
      %mul3A_1272 = arith.constant 8192 : i32
      %mul3A_1273 = arith.muli %add3A, %mul3A_1272 : i32
      %add3A_1274 = arith.addi %mul3A_1271, %mul3A_1273 : i32
      %mul3A_1275 = arith.constant 5 : i32
      %mul3A_1276 = arith.muli %add3A_901, %mul3A_1275 : i32
      %add3A_1277 = arith.constant 1 : i32
      %add3A_1278 = arith.addi %mul3A_1276, %add3A_1277 : i32
      %mul3A_1279 = arith.constant 262144 : i32
      %mul3A_1280 = arith.muli %add3A_1278, %mul3A_1279 : i32
      %mul3A_1281 = arith.constant 8192 : i32
      %mul3A_1282 = arith.muli %add3A, %mul3A_1281 : i32
      %add3A_1283 = arith.addi %mul3A_1280, %mul3A_1282 : i32
      %mul3A_1284 = arith.constant 5 : i32
      %mul3A_1285 = arith.muli %add3A_901, %mul3A_1284 : i32
      %add3A_1286 = arith.constant 2 : i32
      %add3A_1287 = arith.addi %mul3A_1285, %add3A_1286 : i32
      %mul3A_1288 = arith.constant 262144 : i32
      %mul3A_1289 = arith.muli %add3A_1287, %mul3A_1288 : i32
      %mul3A_1290 = arith.constant 8192 : i32
      %mul3A_1291 = arith.muli %add3A, %mul3A_1290 : i32
      %add3A_1292 = arith.addi %mul3A_1289, %mul3A_1291 : i32
      %mul3A_1293 = arith.constant 5 : i32
      %mul3A_1294 = arith.muli %add3A_901, %mul3A_1293 : i32
      %add3A_1295 = arith.constant 3 : i32
      %add3A_1296 = arith.addi %mul3A_1294, %add3A_1295 : i32
      %mul3A_1297 = arith.constant 262144 : i32
      %mul3A_1298 = arith.muli %add3A_1296, %mul3A_1297 : i32
      %mul3A_1299 = arith.constant 8192 : i32
      %mul3A_1300 = arith.muli %add3A, %mul3A_1299 : i32
      %add3A_1301 = arith.addi %mul3A_1298, %mul3A_1300 : i32
      %mul3A_1302 = arith.constant 5 : i32
      %mul3A_1303 = arith.muli %add3A_901, %mul3A_1302 : i32
      %add3A_1304 = arith.constant 4 : i32
      %add3A_1305 = arith.addi %mul3A_1303, %add3A_1304 : i32
      %mul3A_1306 = arith.constant 262144 : i32
      %mul3A_1307 = arith.muli %add3A_1305, %mul3A_1306 : i32
      %mul3A_1308 = arith.constant 8192 : i32
      %mul3A_1309 = arith.muli %add3A, %mul3A_1308 : i32
      %add3A_1310 = arith.addi %mul3A_1307, %mul3A_1309 : i32
      %dma_start3A_1311 = arith.constant 1 : i32
      %dma_start3A_1312 = arith.constant 0 : i32
      %dma_start3A_1313 = tpu.memref_slice %arg10[%dma_start3A_1312] : memref<40960xf32, #tpu.memory_space<vmem>> -> memref<8192xf32, #tpu.memory_space<vmem>>
      %dma_start3A_1314 = tpu.memref_slice %arg4[%add3A_1274] : memref<32768000xf32, #tpu.memory_space<hbm>> -> memref<8192xf32, #tpu.memory_space<hbm>>
      %dma_start3A_1315 = tpu.memref_slice %arg12[%dma_start3A_1311] : memref<2x!tpu.dma_semaphore, #tpu.memory_space<semaphore_mem>> -> memref<1x!tpu.dma_semaphore, #tpu.memory_space<semaphore_mem>>
      %dma_start3A_1316 = tpu.memref_squeeze %dma_start3A_1315 : memref<1x!tpu.dma_semaphore, #tpu.memory_space<semaphore_mem>> -> memref<!tpu.dma_semaphore, #tpu.memory_space<semaphore_mem>>
      %dma_start3A_1317 = tpu.memref_slice %arg4[%add3A_1274] : memref<32768000xf32, #tpu.memory_space<hbm>> -> memref<8192xf32, #tpu.memory_space<hbm>>
      %dma_start3A_1318 = arith.constant 0 : i32
      %dma_start3A_1319 = tpu.memref_slice %arg10[%dma_start3A_1318] : memref<40960xf32, #tpu.memory_space<vmem>> -> memref<8192xf32, #tpu.memory_space<vmem>>
      tpu.enqueue_dma source(%dma_start3A_1319 : memref<8192xf32, #tpu.memory_space<vmem>>) target(%dma_start3A_1317 : memref<8192xf32, #tpu.memory_space<hbm>>) target_semaphore(%dma_start3A_1316 : memref<!tpu.dma_semaphore, #tpu.memory_space<semaphore_mem>>)
      %dma_start3A_1320 = arith.constant 1 : i32
      %dma_start3A_1321 = arith.constant 8192 : i32
      %dma_start3A_1322 = tpu.memref_slice %arg10[%dma_start3A_1321] : memref<40960xf32, #tpu.memory_space<vmem>> -> memref<8192xf32, #tpu.memory_space<vmem>>
      %dma_start3A_1323 = tpu.memref_slice %arg4[%add3A_1283] : memref<32768000xf32, #tpu.memory_space<hbm>> -> memref<8192xf32, #tpu.memory_space<hbm>>
      %dma_start3A_1324 = tpu.memref_slice %arg12[%dma_start3A_1320] : memref<2x!tpu.dma_semaphore, #tpu.memory_space<semaphore_mem>> -> memref<1x!tpu.dma_semaphore, #tpu.memory_space<semaphore_mem>>
      %dma_start3A_1325 = tpu.memref_squeeze %dma_start3A_1324 : memref<1x!tpu.dma_semaphore, #tpu.memory_space<semaphore_mem>> -> memref<!tpu.dma_semaphore, #tpu.memory_space<semaphore_mem>>
      %dma_start3A_1326 = tpu.memref_slice %arg4[%add3A_1283] : memref<32768000xf32, #tpu.memory_space<hbm>> -> memref<8192xf32, #tpu.memory_space<hbm>>
      %dma_start3A_1327 = arith.constant 8192 : i32
      %dma_start3A_1328 = tpu.memref_slice %arg10[%dma_start3A_1327] : memref<40960xf32, #tpu.memory_space<vmem>> -> memref<8192xf32, #tpu.memory_space<vmem>>
      tpu.enqueue_dma source(%dma_start3A_1328 : memref<8192xf32, #tpu.memory_space<vmem>>) target(%dma_start3A_1326 : memref<8192xf32, #tpu.memory_space<hbm>>) target_semaphore(%dma_start3A_1325 : memref<!tpu.dma_semaphore, #tpu.memory_space<semaphore_mem>>)
      %dma_start3A_1329 = arith.constant 1 : i32
      %dma_start3A_1330 = arith.constant 16384 : i32
      %dma_start3A_1331 = tpu.memref_slice %arg10[%dma_start3A_1330] : memref<40960xf32, #tpu.memory_space<vmem>> -> memref<8192xf32, #tpu.memory_space<vmem>>
      %dma_start3A_1332 = tpu.memref_slice %arg4[%add3A_1292] : memref<32768000xf32, #tpu.memory_space<hbm>> -> memref<8192xf32, #tpu.memory_space<hbm>>
      %dma_start3A_1333 = tpu.memref_slice %arg12[%dma_start3A_1329] : memref<2x!tpu.dma_semaphore, #tpu.memory_space<semaphore_mem>> -> memref<1x!tpu.dma_semaphore, #tpu.memory_space<semaphore_mem>>
      %dma_start3A_1334 = tpu.memref_squeeze %dma_start3A_1333 : memref<1x!tpu.dma_semaphore, #tpu.memory_space<semaphore_mem>> -> memref<!tpu.dma_semaphore, #tpu.memory_space<semaphore_mem>>
      %dma_start3A_1335 = tpu.memref_slice %arg4[%add3A_1292] : memref<32768000xf32, #tpu.memory_space<hbm>> -> memref<8192xf32, #tpu.memory_space<hbm>>
      %dma_start3A_1336 = arith.constant 16384 : i32
      %dma_start3A_1337 = tpu.memref_slice %arg10[%dma_start3A_1336] : memref<40960xf32, #tpu.memory_space<vmem>> -> memref<8192xf32, #tpu.memory_space<vmem>>
      tpu.enqueue_dma source(%dma_start3A_1337 : memref<8192xf32, #tpu.memory_space<vmem>>) target(%dma_start3A_1335 : memref<8192xf32, #tpu.memory_space<hbm>>) target_semaphore(%dma_start3A_1334 : memref<!tpu.dma_semaphore, #tpu.memory_space<semaphore_mem>>)
      %dma_start3A_1338 = arith.constant 1 : i32
      %dma_start3A_1339 = arith.constant 24576 : i32
      %dma_start3A_1340 = tpu.memref_slice %arg10[%dma_start3A_1339] : memref<40960xf32, #tpu.memory_space<vmem>> -> memref<8192xf32, #tpu.memory_space<vmem>>
      %dma_start3A_1341 = tpu.memref_slice %arg4[%add3A_1301] : memref<32768000xf32, #tpu.memory_space<hbm>> -> memref<8192xf32, #tpu.memory_space<hbm>>
      %dma_start3A_1342 = tpu.memref_slice %arg12[%dma_start3A_1338] : memref<2x!tpu.dma_semaphore, #tpu.memory_space<semaphore_mem>> -> memref<1x!tpu.dma_semaphore, #tpu.memory_space<semaphore_mem>>
      %dma_start3A_1343 = tpu.memref_squeeze %dma_start3A_1342 : memref<1x!tpu.dma_semaphore, #tpu.memory_space<semaphore_mem>> -> memref<!tpu.dma_semaphore, #tpu.memory_space<semaphore_mem>>
      %dma_start3A_1344 = tpu.memref_slice %arg4[%add3A_1301] : memref<32768000xf32, #tpu.memory_space<hbm>> -> memref<8192xf32, #tpu.memory_space<hbm>>
      %dma_start3A_1345 = arith.constant 24576 : i32
      %dma_start3A_1346 = tpu.memref_slice %arg10[%dma_start3A_1345] : memref<40960xf32, #tpu.memory_space<vmem>> -> memref<8192xf32, #tpu.memory_space<vmem>>
      tpu.enqueue_dma source(%dma_start3A_1346 : memref<8192xf32, #tpu.memory_space<vmem>>) target(%dma_start3A_1344 : memref<8192xf32, #tpu.memory_space<hbm>>) target_semaphore(%dma_start3A_1343 : memref<!tpu.dma_semaphore, #tpu.memory_space<semaphore_mem>>)
      %dma_start3A_1347 = arith.constant 1 : i32
      %dma_start3A_1348 = arith.constant 32768 : i32
      %dma_start3A_1349 = tpu.memref_slice %arg10[%dma_start3A_1348] : memref<40960xf32, #tpu.memory_space<vmem>> -> memref<8192xf32, #tpu.memory_space<vmem>>
      %dma_start3A_1350 = tpu.memref_slice %arg4[%add3A_1310] : memref<32768000xf32, #tpu.memory_space<hbm>> -> memref<8192xf32, #tpu.memory_space<hbm>>
      %dma_start3A_1351 = tpu.memref_slice %arg12[%dma_start3A_1347] : memref<2x!tpu.dma_semaphore, #tpu.memory_space<semaphore_mem>> -> memref<1x!tpu.dma_semaphore, #tpu.memory_space<semaphore_mem>>
      %dma_start3A_1352 = tpu.memref_squeeze %dma_start3A_1351 : memref<1x!tpu.dma_semaphore, #tpu.memory_space<semaphore_mem>> -> memref<!tpu.dma_semaphore, #tpu.memory_space<semaphore_mem>>
      %dma_start3A_1353 = tpu.memref_slice %arg4[%add3A_1310] : memref<32768000xf32, #tpu.memory_space<hbm>> -> memref<8192xf32, #tpu.memory_space<hbm>>
      %dma_start3A_1354 = arith.constant 32768 : i32
      %dma_start3A_1355 = tpu.memref_slice %arg10[%dma_start3A_1354] : memref<40960xf32, #tpu.memory_space<vmem>> -> memref<8192xf32, #tpu.memory_space<vmem>>
      tpu.enqueue_dma source(%dma_start3A_1355 : memref<8192xf32, #tpu.memory_space<vmem>>) target(%dma_start3A_1353 : memref<8192xf32, #tpu.memory_space<hbm>>) target_semaphore(%dma_start3A_1352 : memref<!tpu.dma_semaphore, #tpu.memory_space<semaphore_mem>>)
      %add3A_1356 = arith.constant 2 : i32
      %add3A_1357 = arith.addi %add3A_901, %add3A_1356 : i32
      %mul3A_1358 = arith.constant 512 : i32
      %mul3A_1359 = arith.muli %add3A_1357, %mul3A_1358 : i32
      %add3A_1360 = arith.constant 5 : i32
      %add3A_1361 = arith.addi %add3A_1360, %add3A_1357 : i32
      %mul3A_1362 = arith.constant 262144 : i32
      %mul3A_1363 = arith.muli %add3A_1361, %mul3A_1362 : i32
      %mul3A_1364 = arith.constant 8192 : i32
      %mul3A_1365 = arith.muli %add3A, %mul3A_1364 : i32
      %add3A_1366 = arith.addi %mul3A_1363, %mul3A_1365 : i32
      %dma_start3A_1367 = arith.constant 1 : i32
      %dma_start3A_1368 = arith.constant 0 : i32
      %dma_start3A_1369 = tpu.memref_slice %arg2[%dma_start3A_1368, %mul3A_1359] : memref<5x12800xf32, #tpu.memory_space<hbm>> -> memref<5x512xf32, #tpu.memory_space<hbm>>
      %dma_start3A_1370 = tpu.memref_slice %arg11[%dma_start3A_1367] : memref<2x!tpu.dma_semaphore, #tpu.memory_space<semaphore_mem>> -> memref<1x!tpu.dma_semaphore, #tpu.memory_space<semaphore_mem>>
      %dma_start3A_1371 = tpu.memref_squeeze %dma_start3A_1370 : memref<1x!tpu.dma_semaphore, #tpu.memory_space<semaphore_mem>> -> memref<!tpu.dma_semaphore, #tpu.memory_space<semaphore_mem>>
      %dma_start3A_1372 = arith.constant 0 : i32
      %dma_start3A_1373 = tpu.memref_slice %arg2[%dma_start3A_1372, %mul3A_1359] : memref<5x12800xf32, #tpu.memory_space<hbm>> -> memref<5x512xf32, #tpu.memory_space<hbm>>
      tpu.enqueue_dma source(%dma_start3A_1373 : memref<5x512xf32, #tpu.memory_space<hbm>>) target(%arg6 : memref<5x512xf32, #tpu.memory_space<vmem>>) target_semaphore(%dma_start3A_1371 : memref<!tpu.dma_semaphore, #tpu.memory_space<semaphore_mem>>)
      %dma_start3A_1374 = arith.constant 1 : i32
      %dma_start3A_1375 = tpu.memref_slice %arg3[%add3A_1366] : memref<7864320xi32, #tpu.memory_space<hbm>> -> memref<8192xi32, #tpu.memory_space<hbm>>
      %dma_start3A_1376 = tpu.memref_slice %arg11[%dma_start3A_1374] : memref<2x!tpu.dma_semaphore, #tpu.memory_space<semaphore_mem>> -> memref<1x!tpu.dma_semaphore, #tpu.memory_space<semaphore_mem>>
      %dma_start3A_1377 = tpu.memref_squeeze %dma_start3A_1376 : memref<1x!tpu.dma_semaphore, #tpu.memory_space<semaphore_mem>> -> memref<!tpu.dma_semaphore, #tpu.memory_space<semaphore_mem>>
      %dma_start3A_1378 = tpu.memref_slice %arg3[%add3A_1366] : memref<7864320xi32, #tpu.memory_space<hbm>> -> memref<8192xi32, #tpu.memory_space<hbm>>
      tpu.enqueue_dma source(%dma_start3A_1378 : memref<8192xi32, #tpu.memory_space<hbm>>) target(%arg8 : memref<8192xi32, #tpu.memory_space<vmem>>) target_semaphore(%dma_start3A_1377 : memref<!tpu.dma_semaphore, #tpu.memory_space<semaphore_mem>>)
    }
    %scan3A_265 = arith.constant 10 : i32
    %mul3A_266 = arith.constant 8192 : i32
    %mul3A_267 = arith.muli %add3A, %mul3A_266 : i32
    %add3A_268 = arith.constant 7077888 : i32
    %add3A_269 = arith.addi %add3A_268, %mul3A_267 : i32
    %dma_wait3A_270 = arith.constant 0 : i32
    %dma_wait3A_271 = arith.constant 0 : i32
    %dma_wait3A_272 = arith.constant 11264 : i32
    %dma_wait3A_273 = tpu.memref_slice %arg2[%dma_wait3A_271, %dma_wait3A_272] : memref<5x12800xf32, #tpu.memory_space<hbm>> -> memref<5x512xf32, #tpu.memory_space<hbm>>
    %dma_wait3A_274 = tpu.memref_slice %arg11[%dma_wait3A_270] : memref<2x!tpu.dma_semaphore, #tpu.memory_space<semaphore_mem>> -> memref<1x!tpu.dma_semaphore, #tpu.memory_space<semaphore_mem>>
    %dma_wait3A_275 = tpu.memref_squeeze %dma_wait3A_274 : memref<1x!tpu.dma_semaphore, #tpu.memory_space<semaphore_mem>> -> memref<!tpu.dma_semaphore, #tpu.memory_space<semaphore_mem>>
    %dma_wait3A_276 = arith.constant 0 : i32
    %dma_wait3A_277 = arith.constant 11264 : i32
    %dma_wait3A_278 = tpu.memref_slice %arg2[%dma_wait3A_276, %dma_wait3A_277] : memref<5x12800xf32, #tpu.memory_space<hbm>> -> memref<5x512xf32, #tpu.memory_space<hbm>>
    tpu.wait_dma2 semaphore(%dma_wait3A_275 : memref<!tpu.dma_semaphore, #tpu.memory_space<semaphore_mem>>) src(%dma_wait3A_278 : memref<5x512xf32, #tpu.memory_space<hbm>>) dst(%arg5 : memref<5x512xf32, #tpu.memory_space<vmem>>)
    %dma_wait3A_279 = arith.constant 0 : i32
    %dma_wait3A_280 = tpu.memref_slice %arg3[%add3A_269] : memref<7864320xi32, #tpu.memory_space<hbm>> -> memref<8192xi32, #tpu.memory_space<hbm>>
    %dma_wait3A_281 = tpu.memref_slice %arg11[%dma_wait3A_279] : memref<2x!tpu.dma_semaphore, #tpu.memory_space<semaphore_mem>> -> memref<1x!tpu.dma_semaphore, #tpu.memory_space<semaphore_mem>>
    %dma_wait3A_282 = tpu.memref_squeeze %dma_wait3A_281 : memref<1x!tpu.dma_semaphore, #tpu.memory_space<semaphore_mem>> -> memref<!tpu.dma_semaphore, #tpu.memory_space<semaphore_mem>>
    %dma_wait3A_283 = tpu.memref_slice %arg3[%add3A_269] : memref<7864320xi32, #tpu.memory_space<hbm>> -> memref<8192xi32, #tpu.memory_space<hbm>>
    tpu.wait_dma2 semaphore(%dma_wait3A_282 : memref<!tpu.dma_semaphore, #tpu.memory_space<semaphore_mem>>) src(%dma_wait3A_283 : memref<8192xi32, #tpu.memory_space<hbm>>) dst(%arg7 : memref<8192xi32, #tpu.memory_space<vmem>>)
    %mul3A_284 = arith.constant 8192 : i32
    %mul3A_285 = arith.muli %add3A, %mul3A_284 : i32
    %add3A_286 = arith.constant 26214400 : i32
    %add3A_287 = arith.addi %add3A_286, %mul3A_285 : i32
    %mul3A_288 = arith.constant 8192 : i32
    %mul3A_289 = arith.muli %add3A, %mul3A_288 : i32
    %add3A_290 = arith.constant 26476544 : i32
    %add3A_291 = arith.addi %add3A_290, %mul3A_289 : i32
    %mul3A_292 = arith.constant 8192 : i32
    %mul3A_293 = arith.muli %add3A, %mul3A_292 : i32
    %add3A_294 = arith.constant 26738688 : i32
    %add3A_295 = arith.addi %add3A_294, %mul3A_293 : i32
    %mul3A_296 = arith.constant 8192 : i32
    %mul3A_297 = arith.muli %add3A, %mul3A_296 : i32
    %add3A_298 = arith.constant 27000832 : i32
    %add3A_299 = arith.addi %add3A_298, %mul3A_297 : i32
    %mul3A_300 = arith.constant 8192 : i32
    %mul3A_301 = arith.muli %add3A, %mul3A_300 : i32
    %add3A_302 = arith.constant 27262976 : i32
    %add3A_303 = arith.addi %add3A_302, %mul3A_301 : i32
    %dma_wait3A_304 = arith.constant 0 : i32
    %dma_wait3A_305 = arith.constant 0 : i32
    %dma_wait3A_306 = tpu.memref_slice %arg9[%dma_wait3A_305] : memref<40960xf32, #tpu.memory_space<vmem>> -> memref<8192xf32, #tpu.memory_space<vmem>>
    %dma_wait3A_307 = tpu.memref_slice %arg4[%add3A_287] : memref<32768000xf32, #tpu.memory_space<hbm>> -> memref<8192xf32, #tpu.memory_space<hbm>>
    %dma_wait3A_308 = tpu.memref_slice %arg12[%dma_wait3A_304] : memref<2x!tpu.dma_semaphore, #tpu.memory_space<semaphore_mem>> -> memref<1x!tpu.dma_semaphore, #tpu.memory_space<semaphore_mem>>
    %dma_wait3A_309 = tpu.memref_squeeze %dma_wait3A_308 : memref<1x!tpu.dma_semaphore, #tpu.memory_space<semaphore_mem>> -> memref<!tpu.dma_semaphore, #tpu.memory_space<semaphore_mem>>
    %dma_wait3A_310 = tpu.memref_slice %arg4[%add3A_287] : memref<32768000xf32, #tpu.memory_space<hbm>> -> memref<8192xf32, #tpu.memory_space<hbm>>
    %dma_wait3A_311 = arith.constant 0 : i32
    %dma_wait3A_312 = tpu.memref_slice %arg9[%dma_wait3A_311] : memref<40960xf32, #tpu.memory_space<vmem>> -> memref<8192xf32, #tpu.memory_space<vmem>>
    tpu.wait_dma2 semaphore(%dma_wait3A_309 : memref<!tpu.dma_semaphore, #tpu.memory_space<semaphore_mem>>) src(%dma_wait3A_312 : memref<8192xf32, #tpu.memory_space<vmem>>) dst(%dma_wait3A_310 : memref<8192xf32, #tpu.memory_space<hbm>>)
    %dma_wait3A_313 = arith.constant 0 : i32
    %dma_wait3A_314 = arith.constant 8192 : i32
    %dma_wait3A_315 = tpu.memref_slice %arg9[%dma_wait3A_314] : memref<40960xf32, #tpu.memory_space<vmem>> -> memref<8192xf32, #tpu.memory_space<vmem>>
    %dma_wait3A_316 = tpu.memref_slice %arg4[%add3A_291] : memref<32768000xf32, #tpu.memory_space<hbm>> -> memref<8192xf32, #tpu.memory_space<hbm>>
    %dma_wait3A_317 = tpu.memref_slice %arg12[%dma_wait3A_313] : memref<2x!tpu.dma_semaphore, #tpu.memory_space<semaphore_mem>> -> memref<1x!tpu.dma_semaphore, #tpu.memory_space<semaphore_mem>>
    %dma_wait3A_318 = tpu.memref_squeeze %dma_wait3A_317 : memref<1x!tpu.dma_semaphore, #tpu.memory_space<semaphore_mem>> -> memref<!tpu.dma_semaphore, #tpu.memory_space<semaphore_mem>>
    %dma_wait3A_319 = tpu.memref_slice %arg4[%add3A_291] : memref<32768000xf32, #tpu.memory_space<hbm>> -> memref<8192xf32, #tpu.memory_space<hbm>>
    %dma_wait3A_320 = arith.constant 8192 : i32
    %dma_wait3A_321 = tpu.memref_slice %arg9[%dma_wait3A_320] : memref<40960xf32, #tpu.memory_space<vmem>> -> memref<8192xf32, #tpu.memory_space<vmem>>
    tpu.wait_dma2 semaphore(%dma_wait3A_318 : memref<!tpu.dma_semaphore, #tpu.memory_space<semaphore_mem>>) src(%dma_wait3A_321 : memref<8192xf32, #tpu.memory_space<vmem>>) dst(%dma_wait3A_319 : memref<8192xf32, #tpu.memory_space<hbm>>)
    %dma_wait3A_322 = arith.constant 0 : i32
    %dma_wait3A_323 = arith.constant 16384 : i32
    %dma_wait3A_324 = tpu.memref_slice %arg9[%dma_wait3A_323] : memref<40960xf32, #tpu.memory_space<vmem>> -> memref<8192xf32, #tpu.memory_space<vmem>>
    %dma_wait3A_325 = tpu.memref_slice %arg4[%add3A_295] : memref<32768000xf32, #tpu.memory_space<hbm>> -> memref<8192xf32, #tpu.memory_space<hbm>>
    %dma_wait3A_326 = tpu.memref_slice %arg12[%dma_wait3A_322] : memref<2x!tpu.dma_semaphore, #tpu.memory_space<semaphore_mem>> -> memref<1x!tpu.dma_semaphore, #tpu.memory_space<semaphore_mem>>
    %dma_wait3A_327 = tpu.memref_squeeze %dma_wait3A_326 : memref<1x!tpu.dma_semaphore, #tpu.memory_space<semaphore_mem>> -> memref<!tpu.dma_semaphore, #tpu.memory_space<semaphore_mem>>
    %dma_wait3A_328 = tpu.memref_slice %arg4[%add3A_295] : memref<32768000xf32, #tpu.memory_space<hbm>> -> memref<8192xf32, #tpu.memory_space<hbm>>
    %dma_wait3A_329 = arith.constant 16384 : i32
    %dma_wait3A_330 = tpu.memref_slice %arg9[%dma_wait3A_329] : memref<40960xf32, #tpu.memory_space<vmem>> -> memref<8192xf32, #tpu.memory_space<vmem>>
    tpu.wait_dma2 semaphore(%dma_wait3A_327 : memref<!tpu.dma_semaphore, #tpu.memory_space<semaphore_mem>>) src(%dma_wait3A_330 : memref<8192xf32, #tpu.memory_space<vmem>>) dst(%dma_wait3A_328 : memref<8192xf32, #tpu.memory_space<hbm>>)
    %dma_wait3A_331 = arith.constant 0 : i32
    %dma_wait3A_332 = arith.constant 24576 : i32
    %dma_wait3A_333 = tpu.memref_slice %arg9[%dma_wait3A_332] : memref<40960xf32, #tpu.memory_space<vmem>> -> memref<8192xf32, #tpu.memory_space<vmem>>
    %dma_wait3A_334 = tpu.memref_slice %arg4[%add3A_299] : memref<32768000xf32, #tpu.memory_space<hbm>> -> memref<8192xf32, #tpu.memory_space<hbm>>
    %dma_wait3A_335 = tpu.memref_slice %arg12[%dma_wait3A_331] : memref<2x!tpu.dma_semaphore, #tpu.memory_space<semaphore_mem>> -> memref<1x!tpu.dma_semaphore, #tpu.memory_space<semaphore_mem>>
    %dma_wait3A_336 = tpu.memref_squeeze %dma_wait3A_335 : memref<1x!tpu.dma_semaphore, #tpu.memory_space<semaphore_mem>> -> memref<!tpu.dma_semaphore, #tpu.memory_space<semaphore_mem>>
    %dma_wait3A_337 = tpu.memref_slice %arg4[%add3A_299] : memref<32768000xf32, #tpu.memory_space<hbm>> -> memref<8192xf32, #tpu.memory_space<hbm>>
    %dma_wait3A_338 = arith.constant 24576 : i32
    %dma_wait3A_339 = tpu.memref_slice %arg9[%dma_wait3A_338] : memref<40960xf32, #tpu.memory_space<vmem>> -> memref<8192xf32, #tpu.memory_space<vmem>>
    tpu.wait_dma2 semaphore(%dma_wait3A_336 : memref<!tpu.dma_semaphore, #tpu.memory_space<semaphore_mem>>) src(%dma_wait3A_339 : memref<8192xf32, #tpu.memory_space<vmem>>) dst(%dma_wait3A_337 : memref<8192xf32, #tpu.memory_space<hbm>>)
    %dma_wait3A_340 = arith.constant 0 : i32
    %dma_wait3A_341 = arith.constant 32768 : i32
    %dma_wait3A_342 = tpu.memref_slice %arg9[%dma_wait3A_341] : memref<40960xf32, #tpu.memory_space<vmem>> -> memref<8192xf32, #tpu.memory_space<vmem>>
    %dma_wait3A_343 = tpu.memref_slice %arg4[%add3A_303] : memref<32768000xf32, #tpu.memory_space<hbm>> -> memref<8192xf32, #tpu.memory_space<hbm>>
    %dma_wait3A_344 = tpu.memref_slice %arg12[%dma_wait3A_340] : memref<2x!tpu.dma_semaphore, #tpu.memory_space<semaphore_mem>> -> memref<1x!tpu.dma_semaphore, #tpu.memory_space<semaphore_mem>>
    %dma_wait3A_345 = tpu.memref_squeeze %dma_wait3A_344 : memref<1x!tpu.dma_semaphore, #tpu.memory_space<semaphore_mem>> -> memref<!tpu.dma_semaphore, #tpu.memory_space<semaphore_mem>>
    %dma_wait3A_346 = tpu.memref_slice %arg4[%add3A_303] : memref<32768000xf32, #tpu.memory_space<hbm>> -> memref<8192xf32, #tpu.memory_space<hbm>>
    %dma_wait3A_347 = arith.constant 32768 : i32
    %dma_wait3A_348 = tpu.memref_slice %arg9[%dma_wait3A_347] : memref<40960xf32, #tpu.memory_space<vmem>> -> memref<8192xf32, #tpu.memory_space<vmem>>
    tpu.wait_dma2 semaphore(%dma_wait3A_345 : memref<!tpu.dma_semaphore, #tpu.memory_space<semaphore_mem>>) src(%dma_wait3A_348 : memref<8192xf32, #tpu.memory_space<vmem>>) dst(%dma_wait3A_346 : memref<8192xf32, #tpu.memory_space<hbm>>)
    %broadcast_in_dim3A_349 = arith.constant 0 : i32
    %broadcast_in_dim3A_350 = vector.broadcast %broadcast_in_dim3A_349 : i32 to vector<16xi32>
    %broadcast_in_dim3A_351 = arith.constant 1 : i32
    %broadcast_in_dim3A_352 = vector.broadcast %broadcast_in_dim3A_351 : i32 to vector<16xi32>
    %broadcast_in_dim3A_353 = arith.constant 2 : i32
    %broadcast_in_dim3A_354 = vector.broadcast %broadcast_in_dim3A_353 : i32 to vector<16xi32>
    %broadcast_in_dim3A_355 = arith.constant 3 : i32
    %broadcast_in_dim3A_356 = vector.broadcast %broadcast_in_dim3A_355 : i32 to vector<16xi32>
    %broadcast_in_dim3A_357 = arith.constant 4 : i32
    %broadcast_in_dim3A_358 = vector.broadcast %broadcast_in_dim3A_357 : i32 to vector<16xi32>
    %parallel_loop3A_359 = arith.constant 0 : i32
    %parallel_loop3A_360 = arith.constant 512 : i32
    %parallel_loop3A_361 = arith.constant 1 : i32
    scf.for %parallel_loop3A_897 = %parallel_loop3A_359 to %parallel_loop3A_360 step %parallel_loop3A_361  : i32 {
      %parallel_loop3A_898 = arith.constant 16 : i32
      %parallel_loop3A_899 = arith.muli %parallel_loop3A_897, %parallel_loop3A_898 : i32
      %parallel_loop3A_900 = arith.index_cast %parallel_loop3A_899 : i32 to index
      %parallel_loop3A_901 = tpu.vector_load %arg7[%parallel_loop3A_900] {strides = array<i32>} : memref<8192xi32, #tpu.memory_space<vmem>>, vector<16xi32>,
      %parallel_loop3A_902 = tpu.vector_load_idx %arg5[%broadcast_in_dim3A_350, %parallel_loop3A_901] : memref<5x512xf32, #tpu.memory_space<vmem>>[vector<16xi32>, vector<16xi32>], vector<16xf32>,
      %parallel_loop3A_903 = arith.constant 16 : i32
      %parallel_loop3A_904 = arith.muli %parallel_loop3A_897, %parallel_loop3A_903 : i32
      %parallel_loop3A_905 = arith.constant 0 : i32
      %parallel_loop3A_906 = arith.addi %parallel_loop3A_905, %parallel_loop3A_904 : i32
      %parallel_loop3A_907 = arith.index_cast %parallel_loop3A_906 : i32 to index
      %parallel_loop3A_908 = tpu.vector_load %arg9[%parallel_loop3A_907] {strides = array<i32>} : memref<40960xf32, #tpu.memory_space<vmem>>, vector<16xf32>,
      tpu.vector_store %arg9[%parallel_loop3A_907], %parallel_loop3A_902 {strides = array<i32>} : memref<40960xf32, #tpu.memory_space<vmem>>, vector<16xf32>,
      %parallel_loop3A_909 = tpu.vector_load_idx %arg5[%broadcast_in_dim3A_352, %parallel_loop3A_901] : memref<5x512xf32, #tpu.memory_space<vmem>>[vector<16xi32>, vector<16xi32>], vector<16xf32>,
      %parallel_loop3A_910 = arith.constant 16 : i32
      %parallel_loop3A_911 = arith.muli %parallel_loop3A_897, %parallel_loop3A_910 : i32
      %parallel_loop3A_912 = arith.constant 8192 : i32
      %parallel_loop3A_913 = arith.addi %parallel_loop3A_912, %parallel_loop3A_911 : i32
      %parallel_loop3A_914 = arith.index_cast %parallel_loop3A_913 : i32 to index
      %parallel_loop3A_915 = tpu.vector_load %arg9[%parallel_loop3A_914] {strides = array<i32>} : memref<40960xf32, #tpu.memory_space<vmem>>, vector<16xf32>,
      tpu.vector_store %arg9[%parallel_loop3A_914], %parallel_loop3A_909 {strides = array<i32>} : memref<40960xf32, #tpu.memory_space<vmem>>, vector<16xf32>,
      %parallel_loop3A_916 = tpu.vector_load_idx %arg5[%broadcast_in_dim3A_354, %parallel_loop3A_901] : memref<5x512xf32, #tpu.memory_space<vmem>>[vector<16xi32>, vector<16xi32>], vector<16xf32>,
      %parallel_loop3A_917 = arith.constant 16 : i32
      %parallel_loop3A_918 = arith.muli %parallel_loop3A_897, %parallel_loop3A_917 : i32
      %parallel_loop3A_919 = arith.constant 16384 : i32
      %parallel_loop3A_920 = arith.addi %parallel_loop3A_919, %parallel_loop3A_918 : i32
      %parallel_loop3A_921 = arith.index_cast %parallel_loop3A_920 : i32 to index
      %parallel_loop3A_922 = tpu.vector_load %arg9[%parallel_loop3A_921] {strides = array<i32>} : memref<40960xf32, #tpu.memory_space<vmem>>, vector<16xf32>,
      tpu.vector_store %arg9[%parallel_loop3A_921], %parallel_loop3A_916 {strides = array<i32>} : memref<40960xf32, #tpu.memory_space<vmem>>, vector<16xf32>,
      %parallel_loop3A_923 = tpu.vector_load_idx %arg5[%broadcast_in_dim3A_356, %parallel_loop3A_901] : memref<5x512xf32, #tpu.memory_space<vmem>>[vector<16xi32>, vector<16xi32>], vector<16xf32>,
      %parallel_loop3A_924 = arith.constant 16 : i32
      %parallel_loop3A_925 = arith.muli %parallel_loop3A_897, %parallel_loop3A_924 : i32
      %parallel_loop3A_926 = arith.constant 24576 : i32
      %parallel_loop3A_927 = arith.addi %parallel_loop3A_926, %parallel_loop3A_925 : i32
      %parallel_loop3A_928 = arith.index_cast %parallel_loop3A_927 : i32 to index
      %parallel_loop3A_929 = tpu.vector_load %arg9[%parallel_loop3A_928] {strides = array<i32>} : memref<40960xf32, #tpu.memory_space<vmem>>, vector<16xf32>,
      tpu.vector_store %arg9[%parallel_loop3A_928], %parallel_loop3A_923 {strides = array<i32>} : memref<40960xf32, #tpu.memory_space<vmem>>, vector<16xf32>,
      %parallel_loop3A_930 = tpu.vector_load_idx %arg5[%broadcast_in_dim3A_358, %parallel_loop3A_901] : memref<5x512xf32, #tpu.memory_space<vmem>>[vector<16xi32>, vector<16xi32>], vector<16xf32>,
      %parallel_loop3A_931 = arith.constant 16 : i32
      %parallel_loop3A_932 = arith.muli %parallel_loop3A_897, %parallel_loop3A_931 : i32
      %parallel_loop3A_933 = arith.constant 32768 : i32
      %parallel_loop3A_934 = arith.addi %parallel_loop3A_933, %parallel_loop3A_932 : i32
      %parallel_loop3A_935 = arith.index_cast %parallel_loop3A_934 : i32 to index
      %parallel_loop3A_936 = tpu.vector_load %arg9[%parallel_loop3A_935] {strides = array<i32>} : memref<40960xf32, #tpu.memory_space<vmem>>, vector<16xf32>,
      tpu.vector_store %arg9[%parallel_loop3A_935], %parallel_loop3A_930 {strides = array<i32>} : memref<40960xf32, #tpu.memory_space<vmem>>, vector<16xf32>,
    } {sc.loop_unroll_factor = 4 : i64, sc.parallel_access}
    %mul3A_362 = arith.constant 8192 : i32
    %mul3A_363 = arith.muli %add3A, %mul3A_362 : i32
    %add3A_364 = arith.constant 28835840 : i32
    %add3A_365 = arith.addi %add3A_364, %mul3A_363 : i32
    %mul3A_366 = arith.constant 8192 : i32
    %mul3A_367 = arith.muli %add3A, %mul3A_366 : i32
    %add3A_368 = arith.constant 29097984 : i32
    %add3A_369 = arith.addi %add3A_368, %mul3A_367 : i32
    %mul3A_370 = arith.constant 8192 : i32
    %mul3A_371 = arith.muli %add3A, %mul3A_370 : i32
    %add3A_372 = arith.constant 29360128 : i32
    %add3A_373 = arith.addi %add3A_372, %mul3A_371 : i32
    %mul3A_374 = arith.constant 8192 : i32
    %mul3A_375 = arith.muli %add3A, %mul3A_374 : i32
    %add3A_376 = arith.constant 29622272 : i32
    %add3A_377 = arith.addi %add3A_376, %mul3A_375 : i32
    %mul3A_378 = arith.constant 8192 : i32
    %mul3A_379 = arith.muli %add3A, %mul3A_378 : i32
    %add3A_380 = arith.constant 29884416 : i32
    %add3A_381 = arith.addi %add3A_380, %mul3A_379 : i32
    %dma_start3A_382 = arith.constant 0 : i32
    %dma_start3A_383 = arith.constant 0 : i32
    %dma_start3A_384 = tpu.memref_slice %arg9[%dma_start3A_383] : memref<40960xf32, #tpu.memory_space<vmem>> -> memref<8192xf32, #tpu.memory_space<vmem>>
    %dma_start3A_385 = tpu.memref_slice %arg4[%add3A_365] : memref<32768000xf32, #tpu.memory_space<hbm>> -> memref<8192xf32, #tpu.memory_space<hbm>>
    %dma_start3A_386 = tpu.memref_slice %arg12[%dma_start3A_382] : memref<2x!tpu.dma_semaphore, #tpu.memory_space<semaphore_mem>> -> memref<1x!tpu.dma_semaphore, #tpu.memory_space<semaphore_mem>>
    %dma_start3A_387 = tpu.memref_squeeze %dma_start3A_386 : memref<1x!tpu.dma_semaphore, #tpu.memory_space<semaphore_mem>> -> memref<!tpu.dma_semaphore, #tpu.memory_space<semaphore_mem>>
    %dma_start3A_388 = tpu.memref_slice %arg4[%add3A_365] : memref<32768000xf32, #tpu.memory_space<hbm>> -> memref<8192xf32, #tpu.memory_space<hbm>>
    %dma_start3A_389 = arith.constant 0 : i32
    %dma_start3A_390 = tpu.memref_slice %arg9[%dma_start3A_389] : memref<40960xf32, #tpu.memory_space<vmem>> -> memref<8192xf32, #tpu.memory_space<vmem>>
    tpu.enqueue_dma source(%dma_start3A_390 : memref<8192xf32, #tpu.memory_space<vmem>>) target(%dma_start3A_388 : memref<8192xf32, #tpu.memory_space<hbm>>) target_semaphore(%dma_start3A_387 : memref<!tpu.dma_semaphore, #tpu.memory_space<semaphore_mem>>)
    %dma_start3A_391 = arith.constant 0 : i32
    %dma_start3A_392 = arith.constant 8192 : i32
    %dma_start3A_393 = tpu.memref_slice %arg9[%dma_start3A_392] : memref<40960xf32, #tpu.memory_space<vmem>> -> memref<8192xf32, #tpu.memory_space<vmem>>
    %dma_start3A_394 = tpu.memref_slice %arg4[%add3A_369] : memref<32768000xf32, #tpu.memory_space<hbm>> -> memref<8192xf32, #tpu.memory_space<hbm>>
    %dma_start3A_395 = tpu.memref_slice %arg12[%dma_start3A_391] : memref<2x!tpu.dma_semaphore, #tpu.memory_space<semaphore_mem>> -> memref<1x!tpu.dma_semaphore, #tpu.memory_space<semaphore_mem>>
    %dma_start3A_396 = tpu.memref_squeeze %dma_start3A_395 : memref<1x!tpu.dma_semaphore, #tpu.memory_space<semaphore_mem>> -> memref<!tpu.dma_semaphore, #tpu.memory_space<semaphore_mem>>
    %dma_start3A_397 = tpu.memref_slice %arg4[%add3A_369] : memref<32768000xf32, #tpu.memory_space<hbm>> -> memref<8192xf32, #tpu.memory_space<hbm>>
    %dma_start3A_398 = arith.constant 8192 : i32
    %dma_start3A_399 = tpu.memref_slice %arg9[%dma_start3A_398] : memref<40960xf32, #tpu.memory_space<vmem>> -> memref<8192xf32, #tpu.memory_space<vmem>>
    tpu.enqueue_dma source(%dma_start3A_399 : memref<8192xf32, #tpu.memory_space<vmem>>) target(%dma_start3A_397 : memref<8192xf32, #tpu.memory_space<hbm>>) target_semaphore(%dma_start3A_396 : memref<!tpu.dma_semaphore, #tpu.memory_space<semaphore_mem>>)
    %dma_start3A_400 = arith.constant 0 : i32
    %dma_start3A_401 = arith.constant 16384 : i32
    %dma_start3A_402 = tpu.memref_slice %arg9[%dma_start3A_401] : memref<40960xf32, #tpu.memory_space<vmem>> -> memref<8192xf32, #tpu.memory_space<vmem>>
    %dma_start3A_403 = tpu.memref_slice %arg4[%add3A_373] : memref<32768000xf32, #tpu.memory_space<hbm>> -> memref<8192xf32, #tpu.memory_space<hbm>>
    %dma_start3A_404 = tpu.memref_slice %arg12[%dma_start3A_400] : memref<2x!tpu.dma_semaphore, #tpu.memory_space<semaphore_mem>> -> memref<1x!tpu.dma_semaphore, #tpu.memory_space<semaphore_mem>>
    %dma_start3A_405 = tpu.memref_squeeze %dma_start3A_404 : memref<1x!tpu.dma_semaphore, #tpu.memory_space<semaphore_mem>> -> memref<!tpu.dma_semaphore, #tpu.memory_space<semaphore_mem>>
    %dma_start3A_406 = tpu.memref_slice %arg4[%add3A_373] : memref<32768000xf32, #tpu.memory_space<hbm>> -> memref<8192xf32, #tpu.memory_space<hbm>>
    %dma_start3A_407 = arith.constant 16384 : i32
    %dma_start3A_408 = tpu.memref_slice %arg9[%dma_start3A_407] : memref<40960xf32, #tpu.memory_space<vmem>> -> memref<8192xf32, #tpu.memory_space<vmem>>
    tpu.enqueue_dma source(%dma_start3A_408 : memref<8192xf32, #tpu.memory_space<vmem>>) target(%dma_start3A_406 : memref<8192xf32, #tpu.memory_space<hbm>>) target_semaphore(%dma_start3A_405 : memref<!tpu.dma_semaphore, #tpu.memory_space<semaphore_mem>>)
    %dma_start3A_409 = arith.constant 0 : i32
    %dma_start3A_410 = arith.constant 24576 : i32
    %dma_start3A_411 = tpu.memref_slice %arg9[%dma_start3A_410] : memref<40960xf32, #tpu.memory_space<vmem>> -> memref<8192xf32, #tpu.memory_space<vmem>>
    %dma_start3A_412 = tpu.memref_slice %arg4[%add3A_377] : memref<32768000xf32, #tpu.memory_space<hbm>> -> memref<8192xf32, #tpu.memory_space<hbm>>
    %dma_start3A_413 = tpu.memref_slice %arg12[%dma_start3A_409] : memref<2x!tpu.dma_semaphore, #tpu.memory_space<semaphore_mem>> -> memref<1x!tpu.dma_semaphore, #tpu.memory_space<semaphore_mem>>
    %dma_start3A_414 = tpu.memref_squeeze %dma_start3A_413 : memref<1x!tpu.dma_semaphore, #tpu.memory_space<semaphore_mem>> -> memref<!tpu.dma_semaphore, #tpu.memory_space<semaphore_mem>>
    %dma_start3A_415 = tpu.memref_slice %arg4[%add3A_377] : memref<32768000xf32, #tpu.memory_space<hbm>> -> memref<8192xf32, #tpu.memory_space<hbm>>
    %dma_start3A_416 = arith.constant 24576 : i32
    %dma_start3A_417 = tpu.memref_slice %arg9[%dma_start3A_416] : memref<40960xf32, #tpu.memory_space<vmem>> -> memref<8192xf32, #tpu.memory_space<vmem>>
    tpu.enqueue_dma source(%dma_start3A_417 : memref<8192xf32, #tpu.memory_space<vmem>>) target(%dma_start3A_415 : memref<8192xf32, #tpu.memory_space<hbm>>) target_semaphore(%dma_start3A_414 : memref<!tpu.dma_semaphore, #tpu.memory_space<semaphore_mem>>)
    %dma_start3A_418 = arith.constant 0 : i32
    %dma_start3A_419 = arith.constant 32768 : i32
    %dma_start3A_420 = tpu.memref_slice %arg9[%dma_start3A_419] : memref<40960xf32, #tpu.memory_space<vmem>> -> memref<8192xf32, #tpu.memory_space<vmem>>
    %dma_start3A_421 = tpu.memref_slice %arg4[%add3A_381] : memref<32768000xf32, #tpu.memory_space<hbm>> -> memref<8192xf32, #tpu.memory_space<hbm>>
    %dma_start3A_422 = tpu.memref_slice %arg12[%dma_start3A_418] : memref<2x!tpu.dma_semaphore, #tpu.memory_space<semaphore_mem>> -> memref<1x!tpu.dma_semaphore, #tpu.memory_space<semaphore_mem>>
    %dma_start3A_423 = tpu.memref_squeeze %dma_start3A_422 : memref<1x!tpu.dma_semaphore, #tpu.memory_space<semaphore_mem>> -> memref<!tpu.dma_semaphore, #tpu.memory_space<semaphore_mem>>
    %dma_start3A_424 = tpu.memref_slice %arg4[%add3A_381] : memref<32768000xf32, #tpu.memory_space<hbm>> -> memref<8192xf32, #tpu.memory_space<hbm>>
    %dma_start3A_425 = arith.constant 32768 : i32
    %dma_start3A_426 = tpu.memref_slice %arg9[%dma_start3A_425] : memref<40960xf32, #tpu.memory_space<vmem>> -> memref<8192xf32, #tpu.memory_space<vmem>>
    tpu.enqueue_dma source(%dma_start3A_426 : memref<8192xf32, #tpu.memory_space<vmem>>) target(%dma_start3A_424 : memref<8192xf32, #tpu.memory_space<hbm>>) target_semaphore(%dma_start3A_423 : memref<!tpu.dma_semaphore, #tpu.memory_space<semaphore_mem>>)
    %mul3A_427 = arith.constant 8192 : i32
    %mul3A_428 = arith.muli %add3A, %mul3A_427 : i32
    %add3A_429 = arith.constant 7602176 : i32
    %add3A_430 = arith.addi %add3A_429, %mul3A_428 : i32
    %dma_start3A_431 = arith.constant 0 : i32
    %dma_start3A_432 = arith.constant 0 : i32
    %dma_start3A_433 = arith.constant 12288 : i32
    %dma_start3A_434 = tpu.memref_slice %arg2[%dma_start3A_432, %dma_start3A_433] : memref<5x12800xf32, #tpu.memory_space<hbm>> -> memref<5x512xf32, #tpu.memory_space<hbm>>
    %dma_start3A_435 = tpu.memref_slice %arg11[%dma_start3A_431] : memref<2x!tpu.dma_semaphore, #tpu.memory_space<semaphore_mem>> -> memref<1x!tpu.dma_semaphore, #tpu.memory_space<semaphore_mem>>
    %dma_start3A_436 = tpu.memref_squeeze %dma_start3A_435 : memref<1x!tpu.dma_semaphore, #tpu.memory_space<semaphore_mem>> -> memref<!tpu.dma_semaphore, #tpu.memory_space<semaphore_mem>>
    %dma_start3A_437 = arith.constant 0 : i32
    %dma_start3A_438 = arith.constant 12288 : i32
    %dma_start3A_439 = tpu.memref_slice %arg2[%dma_start3A_437, %dma_start3A_438] : memref<5x12800xf32, #tpu.memory_space<hbm>> -> memref<5x512xf32, #tpu.memory_space<hbm>>
    tpu.enqueue_dma source(%dma_start3A_439 : memref<5x512xf32, #tpu.memory_space<hbm>>) target(%arg5 : memref<5x512xf32, #tpu.memory_space<vmem>>) target_semaphore(%dma_start3A_436 : memref<!tpu.dma_semaphore, #tpu.memory_space<semaphore_mem>>)
    %dma_start3A_440 = arith.constant 0 : i32
    %dma_start3A_441 = tpu.memref_slice %arg3[%add3A_430] : memref<7864320xi32, #tpu.memory_space<hbm>> -> memref<8192xi32, #tpu.memory_space<hbm>>
    %dma_start3A_442 = tpu.memref_slice %arg11[%dma_start3A_440] : memref<2x!tpu.dma_semaphore, #tpu.memory_space<semaphore_mem>> -> memref<1x!tpu.dma_semaphore, #tpu.memory_space<semaphore_mem>>
    %dma_start3A_443 = tpu.memref_squeeze %dma_start3A_442 : memref<1x!tpu.dma_semaphore, #tpu.memory_space<semaphore_mem>> -> memref<!tpu.dma_semaphore, #tpu.memory_space<semaphore_mem>>
    %dma_start3A_444 = tpu.memref_slice %arg3[%add3A_430] : memref<7864320xi32, #tpu.memory_space<hbm>> -> memref<8192xi32, #tpu.memory_space<hbm>>
    tpu.enqueue_dma source(%dma_start3A_444 : memref<8192xi32, #tpu.memory_space<hbm>>) target(%arg7 : memref<8192xi32, #tpu.memory_space<vmem>>) target_semaphore(%dma_start3A_443 : memref<!tpu.dma_semaphore, #tpu.memory_space<semaphore_mem>>)
    %mul3A_445 = arith.constant 8192 : i32
    %mul3A_446 = arith.muli %add3A, %mul3A_445 : i32
    %add3A_447 = arith.constant 7340032 : i32
    %add3A_448 = arith.addi %add3A_447, %mul3A_446 : i32
    %dma_wait3A_449 = arith.constant 1 : i32
    %dma_wait3A_450 = arith.constant 0 : i32
    %dma_wait3A_451 = arith.constant 11776 : i32
    %dma_wait3A_452 = tpu.memref_slice %arg2[%dma_wait3A_450, %dma_wait3A_451] : memref<5x12800xf32, #tpu.memory_space<hbm>> -> memref<5x512xf32, #tpu.memory_space<hbm>>
    %dma_wait3A_453 = tpu.memref_slice %arg11[%dma_wait3A_449] : memref<2x!tpu.dma_semaphore, #tpu.memory_space<semaphore_mem>> -> memref<1x!tpu.dma_semaphore, #tpu.memory_space<semaphore_mem>>
    %dma_wait3A_454 = tpu.memref_squeeze %dma_wait3A_453 : memref<1x!tpu.dma_semaphore, #tpu.memory_space<semaphore_mem>> -> memref<!tpu.dma_semaphore, #tpu.memory_space<semaphore_mem>>
    %dma_wait3A_455 = arith.constant 0 : i32
    %dma_wait3A_456 = arith.constant 11776 : i32
    %dma_wait3A_457 = tpu.memref_slice %arg2[%dma_wait3A_455, %dma_wait3A_456] : memref<5x12800xf32, #tpu.memory_space<hbm>> -> memref<5x512xf32, #tpu.memory_space<hbm>>
    tpu.wait_dma2 semaphore(%dma_wait3A_454 : memref<!tpu.dma_semaphore, #tpu.memory_space<semaphore_mem>>) src(%dma_wait3A_457 : memref<5x512xf32, #tpu.memory_space<hbm>>) dst(%arg6 : memref<5x512xf32, #tpu.memory_space<vmem>>)
    %dma_wait3A_458 = arith.constant 1 : i32
    %dma_wait3A_459 = tpu.memref_slice %arg3[%add3A_448] : memref<7864320xi32, #tpu.memory_space<hbm>> -> memref<8192xi32, #tpu.memory_space<hbm>>
    %dma_wait3A_460 = tpu.memref_slice %arg11[%dma_wait3A_458] : memref<2x!tpu.dma_semaphore, #tpu.memory_space<semaphore_mem>> -> memref<1x!tpu.dma_semaphore, #tpu.memory_space<semaphore_mem>>
    %dma_wait3A_461 = tpu.memref_squeeze %dma_wait3A_460 : memref<1x!tpu.dma_semaphore, #tpu.memory_space<semaphore_mem>> -> memref<!tpu.dma_semaphore, #tpu.memory_space<semaphore_mem>>
    %dma_wait3A_462 = tpu.memref_slice %arg3[%add3A_448] : memref<7864320xi32, #tpu.memory_space<hbm>> -> memref<8192xi32, #tpu.memory_space<hbm>>
    tpu.wait_dma2 semaphore(%dma_wait3A_461 : memref<!tpu.dma_semaphore, #tpu.memory_space<semaphore_mem>>) src(%dma_wait3A_462 : memref<8192xi32, #tpu.memory_space<hbm>>) dst(%arg8 : memref<8192xi32, #tpu.memory_space<vmem>>)
    %mul3A_463 = arith.constant 8192 : i32
    %mul3A_464 = arith.muli %add3A, %mul3A_463 : i32
    %add3A_465 = arith.constant 27525120 : i32
    %add3A_466 = arith.addi %add3A_465, %mul3A_464 : i32
    %mul3A_467 = arith.constant 8192 : i32
    %mul3A_468 = arith.muli %add3A, %mul3A_467 : i32
    %add3A_469 = arith.constant 27787264 : i32
    %add3A_470 = arith.addi %add3A_469, %mul3A_468 : i32
    %mul3A_471 = arith.constant 8192 : i32
    %mul3A_472 = arith.muli %add3A, %mul3A_471 : i32
    %add3A_473 = arith.constant 28049408 : i32
    %add3A_474 = arith.addi %add3A_473, %mul3A_472 : i32
    %mul3A_475 = arith.constant 8192 : i32
    %mul3A_476 = arith.muli %add3A, %mul3A_475 : i32
    %add3A_477 = arith.constant 28311552 : i32
    %add3A_478 = arith.addi %add3A_477, %mul3A_476 : i32
    %mul3A_479 = arith.constant 8192 : i32
    %mul3A_480 = arith.muli %add3A, %mul3A_479 : i32
    %add3A_481 = arith.constant 28573696 : i32
    %add3A_482 = arith.addi %add3A_481, %mul3A_480 : i32
    %dma_wait3A_483 = arith.constant 1 : i32
    %dma_wait3A_484 = arith.constant 0 : i32
    %dma_wait3A_485 = tpu.memref_slice %arg10[%dma_wait3A_484] : memref<40960xf32, #tpu.memory_space<vmem>> -> memref<8192xf32, #tpu.memory_space<vmem>>
    %dma_wait3A_486 = tpu.memref_slice %arg4[%add3A_466] : memref<32768000xf32, #tpu.memory_space<hbm>> -> memref<8192xf32, #tpu.memory_space<hbm>>
    %dma_wait3A_487 = tpu.memref_slice %arg12[%dma_wait3A_483] : memref<2x!tpu.dma_semaphore, #tpu.memory_space<semaphore_mem>> -> memref<1x!tpu.dma_semaphore, #tpu.memory_space<semaphore_mem>>
    %dma_wait3A_488 = tpu.memref_squeeze %dma_wait3A_487 : memref<1x!tpu.dma_semaphore, #tpu.memory_space<semaphore_mem>> -> memref<!tpu.dma_semaphore, #tpu.memory_space<semaphore_mem>>
    %dma_wait3A_489 = tpu.memref_slice %arg4[%add3A_466] : memref<32768000xf32, #tpu.memory_space<hbm>> -> memref<8192xf32, #tpu.memory_space<hbm>>
    %dma_wait3A_490 = arith.constant 0 : i32
    %dma_wait3A_491 = tpu.memref_slice %arg10[%dma_wait3A_490] : memref<40960xf32, #tpu.memory_space<vmem>> -> memref<8192xf32, #tpu.memory_space<vmem>>
    tpu.wait_dma2 semaphore(%dma_wait3A_488 : memref<!tpu.dma_semaphore, #tpu.memory_space<semaphore_mem>>) src(%dma_wait3A_491 : memref<8192xf32, #tpu.memory_space<vmem>>) dst(%dma_wait3A_489 : memref<8192xf32, #tpu.memory_space<hbm>>)
    %dma_wait3A_492 = arith.constant 1 : i32
    %dma_wait3A_493 = arith.constant 8192 : i32
    %dma_wait3A_494 = tpu.memref_slice %arg10[%dma_wait3A_493] : memref<40960xf32, #tpu.memory_space<vmem>> -> memref<8192xf32, #tpu.memory_space<vmem>>
    %dma_wait3A_495 = tpu.memref_slice %arg4[%add3A_470] : memref<32768000xf32, #tpu.memory_space<hbm>> -> memref<8192xf32, #tpu.memory_space<hbm>>
    %dma_wait3A_496 = tpu.memref_slice %arg12[%dma_wait3A_492] : memref<2x!tpu.dma_semaphore, #tpu.memory_space<semaphore_mem>> -> memref<1x!tpu.dma_semaphore, #tpu.memory_space<semaphore_mem>>
    %dma_wait3A_497 = tpu.memref_squeeze %dma_wait3A_496 : memref<1x!tpu.dma_semaphore, #tpu.memory_space<semaphore_mem>> -> memref<!tpu.dma_semaphore, #tpu.memory_space<semaphore_mem>>
    %dma_wait3A_498 = tpu.memref_slice %arg4[%add3A_470] : memref<32768000xf32, #tpu.memory_space<hbm>> -> memref<8192xf32, #tpu.memory_space<hbm>>
    %dma_wait3A_499 = arith.constant 8192 : i32
    %dma_wait3A_500 = tpu.memref_slice %arg10[%dma_wait3A_499] : memref<40960xf32, #tpu.memory_space<vmem>> -> memref<8192xf32, #tpu.memory_space<vmem>>
    tpu.wait_dma2 semaphore(%dma_wait3A_497 : memref<!tpu.dma_semaphore, #tpu.memory_space<semaphore_mem>>) src(%dma_wait3A_500 : memref<8192xf32, #tpu.memory_space<vmem>>) dst(%dma_wait3A_498 : memref<8192xf32, #tpu.memory_space<hbm>>)
    %dma_wait3A_501 = arith.constant 1 : i32
    %dma_wait3A_502 = arith.constant 16384 : i32
    %dma_wait3A_503 = tpu.memref_slice %arg10[%dma_wait3A_502] : memref<40960xf32, #tpu.memory_space<vmem>> -> memref<8192xf32, #tpu.memory_space<vmem>>
    %dma_wait3A_504 = tpu.memref_slice %arg4[%add3A_474] : memref<32768000xf32, #tpu.memory_space<hbm>> -> memref<8192xf32, #tpu.memory_space<hbm>>
    %dma_wait3A_505 = tpu.memref_slice %arg12[%dma_wait3A_501] : memref<2x!tpu.dma_semaphore, #tpu.memory_space<semaphore_mem>> -> memref<1x!tpu.dma_semaphore, #tpu.memory_space<semaphore_mem>>
    %dma_wait3A_506 = tpu.memref_squeeze %dma_wait3A_505 : memref<1x!tpu.dma_semaphore, #tpu.memory_space<semaphore_mem>> -> memref<!tpu.dma_semaphore, #tpu.memory_space<semaphore_mem>>
    %dma_wait3A_507 = tpu.memref_slice %arg4[%add3A_474] : memref<32768000xf32, #tpu.memory_space<hbm>> -> memref<8192xf32, #tpu.memory_space<hbm>>
    %dma_wait3A_508 = arith.constant 16384 : i32
    %dma_wait3A_509 = tpu.memref_slice %arg10[%dma_wait3A_508] : memref<40960xf32, #tpu.memory_space<vmem>> -> memref<8192xf32, #tpu.memory_space<vmem>>
    tpu.wait_dma2 semaphore(%dma_wait3A_506 : memref<!tpu.dma_semaphore, #tpu.memory_space<semaphore_mem>>) src(%dma_wait3A_509 : memref<8192xf32, #tpu.memory_space<vmem>>) dst(%dma_wait3A_507 : memref<8192xf32, #tpu.memory_space<hbm>>)
    %dma_wait3A_510 = arith.constant 1 : i32
    %dma_wait3A_511 = arith.constant 24576 : i32
    %dma_wait3A_512 = tpu.memref_slice %arg10[%dma_wait3A_511] : memref<40960xf32, #tpu.memory_space<vmem>> -> memref<8192xf32, #tpu.memory_space<vmem>>
    %dma_wait3A_513 = tpu.memref_slice %arg4[%add3A_478] : memref<32768000xf32, #tpu.memory_space<hbm>> -> memref<8192xf32, #tpu.memory_space<hbm>>
    %dma_wait3A_514 = tpu.memref_slice %arg12[%dma_wait3A_510] : memref<2x!tpu.dma_semaphore, #tpu.memory_space<semaphore_mem>> -> memref<1x!tpu.dma_semaphore, #tpu.memory_space<semaphore_mem>>
    %dma_wait3A_515 = tpu.memref_squeeze %dma_wait3A_514 : memref<1x!tpu.dma_semaphore, #tpu.memory_space<semaphore_mem>> -> memref<!tpu.dma_semaphore, #tpu.memory_space<semaphore_mem>>
    %dma_wait3A_516 = tpu.memref_slice %arg4[%add3A_478] : memref<32768000xf32, #tpu.memory_space<hbm>> -> memref<8192xf32, #tpu.memory_space<hbm>>
    %dma_wait3A_517 = arith.constant 24576 : i32
    %dma_wait3A_518 = tpu.memref_slice %arg10[%dma_wait3A_517] : memref<40960xf32, #tpu.memory_space<vmem>> -> memref<8192xf32, #tpu.memory_space<vmem>>
    tpu.wait_dma2 semaphore(%dma_wait3A_515 : memref<!tpu.dma_semaphore, #tpu.memory_space<semaphore_mem>>) src(%dma_wait3A_518 : memref<8192xf32, #tpu.memory_space<vmem>>) dst(%dma_wait3A_516 : memref<8192xf32, #tpu.memory_space<hbm>>)
    %dma_wait3A_519 = arith.constant 1 : i32
    %dma_wait3A_520 = arith.constant 32768 : i32
    %dma_wait3A_521 = tpu.memref_slice %arg10[%dma_wait3A_520] : memref<40960xf32, #tpu.memory_space<vmem>> -> memref<8192xf32, #tpu.memory_space<vmem>>
    %dma_wait3A_522 = tpu.memref_slice %arg4[%add3A_482] : memref<32768000xf32, #tpu.memory_space<hbm>> -> memref<8192xf32, #tpu.memory_space<hbm>>
    %dma_wait3A_523 = tpu.memref_slice %arg12[%dma_wait3A_519] : memref<2x!tpu.dma_semaphore, #tpu.memory_space<semaphore_mem>> -> memref<1x!tpu.dma_semaphore, #tpu.memory_space<semaphore_mem>>
    %dma_wait3A_524 = tpu.memref_squeeze %dma_wait3A_523 : memref<1x!tpu.dma_semaphore, #tpu.memory_space<semaphore_mem>> -> memref<!tpu.dma_semaphore, #tpu.memory_space<semaphore_mem>>
    %dma_wait3A_525 = tpu.memref_slice %arg4[%add3A_482] : memref<32768000xf32, #tpu.memory_space<hbm>> -> memref<8192xf32, #tpu.memory_space<hbm>>
    %dma_wait3A_526 = arith.constant 32768 : i32
    %dma_wait3A_527 = tpu.memref_slice %arg10[%dma_wait3A_526] : memref<40960xf32, #tpu.memory_space<vmem>> -> memref<8192xf32, #tpu.memory_space<vmem>>
    tpu.wait_dma2 semaphore(%dma_wait3A_524 : memref<!tpu.dma_semaphore, #tpu.memory_space<semaphore_mem>>) src(%dma_wait3A_527 : memref<8192xf32, #tpu.memory_space<vmem>>) dst(%dma_wait3A_525 : memref<8192xf32, #tpu.memory_space<hbm>>)
    %broadcast_in_dim3A_528 = arith.constant 0 : i32
    %broadcast_in_dim3A_529 = vector.broadcast %broadcast_in_dim3A_528 : i32 to vector<16xi32>
    %broadcast_in_dim3A_530 = arith.constant 1 : i32
    %broadcast_in_dim3A_531 = vector.broadcast %broadcast_in_dim3A_530 : i32 to vector<16xi32>
    %broadcast_in_dim3A_532 = arith.constant 2 : i32
    %broadcast_in_dim3A_533 = vector.broadcast %broadcast_in_dim3A_532 : i32 to vector<16xi32>
    %broadcast_in_dim3A_534 = arith.constant 3 : i32
    %broadcast_in_dim3A_535 = vector.broadcast %broadcast_in_dim3A_534 : i32 to vector<16xi32>
    %broadcast_in_dim3A_536 = arith.constant 4 : i32
    %broadcast_in_dim3A_537 = vector.broadcast %broadcast_in_dim3A_536 : i32 to vector<16xi32>
    %parallel_loop3A_538 = arith.constant 0 : i32
    %parallel_loop3A_539 = arith.constant 512 : i32
    %parallel_loop3A_540 = arith.constant 1 : i32
    scf.for %parallel_loop3A_897 = %parallel_loop3A_538 to %parallel_loop3A_539 step %parallel_loop3A_540  : i32 {
      %parallel_loop3A_898 = arith.constant 16 : i32
      %parallel_loop3A_899 = arith.muli %parallel_loop3A_897, %parallel_loop3A_898 : i32
      %parallel_loop3A_900 = arith.index_cast %parallel_loop3A_899 : i32 to index
      %parallel_loop3A_901 = tpu.vector_load %arg8[%parallel_loop3A_900] {strides = array<i32>} : memref<8192xi32, #tpu.memory_space<vmem>>, vector<16xi32>,
      %parallel_loop3A_902 = tpu.vector_load_idx %arg6[%broadcast_in_dim3A_529, %parallel_loop3A_901] : memref<5x512xf32, #tpu.memory_space<vmem>>[vector<16xi32>, vector<16xi32>], vector<16xf32>,
      %parallel_loop3A_903 = arith.constant 16 : i32
      %parallel_loop3A_904 = arith.muli %parallel_loop3A_897, %parallel_loop3A_903 : i32
      %parallel_loop3A_905 = arith.constant 0 : i32
      %parallel_loop3A_906 = arith.addi %parallel_loop3A_905, %parallel_loop3A_904 : i32
      %parallel_loop3A_907 = arith.index_cast %parallel_loop3A_906 : i32 to index
      %parallel_loop3A_908 = tpu.vector_load %arg10[%parallel_loop3A_907] {strides = array<i32>} : memref<40960xf32, #tpu.memory_space<vmem>>, vector<16xf32>,
      tpu.vector_store %arg10[%parallel_loop3A_907], %parallel_loop3A_902 {strides = array<i32>} : memref<40960xf32, #tpu.memory_space<vmem>>, vector<16xf32>,
      %parallel_loop3A_909 = tpu.vector_load_idx %arg6[%broadcast_in_dim3A_531, %parallel_loop3A_901] : memref<5x512xf32, #tpu.memory_space<vmem>>[vector<16xi32>, vector<16xi32>], vector<16xf32>,
      %parallel_loop3A_910 = arith.constant 16 : i32
      %parallel_loop3A_911 = arith.muli %parallel_loop3A_897, %parallel_loop3A_910 : i32
      %parallel_loop3A_912 = arith.constant 8192 : i32
      %parallel_loop3A_913 = arith.addi %parallel_loop3A_912, %parallel_loop3A_911 : i32
      %parallel_loop3A_914 = arith.index_cast %parallel_loop3A_913 : i32 to index
      %parallel_loop3A_915 = tpu.vector_load %arg10[%parallel_loop3A_914] {strides = array<i32>} : memref<40960xf32, #tpu.memory_space<vmem>>, vector<16xf32>,
      tpu.vector_store %arg10[%parallel_loop3A_914], %parallel_loop3A_909 {strides = array<i32>} : memref<40960xf32, #tpu.memory_space<vmem>>, vector<16xf32>,
      %parallel_loop3A_916 = tpu.vector_load_idx %arg6[%broadcast_in_dim3A_533, %parallel_loop3A_901] : memref<5x512xf32, #tpu.memory_space<vmem>>[vector<16xi32>, vector<16xi32>], vector<16xf32>,
      %parallel_loop3A_917 = arith.constant 16 : i32
      %parallel_loop3A_918 = arith.muli %parallel_loop3A_897, %parallel_loop3A_917 : i32
      %parallel_loop3A_919 = arith.constant 16384 : i32
      %parallel_loop3A_920 = arith.addi %parallel_loop3A_919, %parallel_loop3A_918 : i32
      %parallel_loop3A_921 = arith.index_cast %parallel_loop3A_920 : i32 to index
      %parallel_loop3A_922 = tpu.vector_load %arg10[%parallel_loop3A_921] {strides = array<i32>} : memref<40960xf32, #tpu.memory_space<vmem>>, vector<16xf32>,
      tpu.vector_store %arg10[%parallel_loop3A_921], %parallel_loop3A_916 {strides = array<i32>} : memref<40960xf32, #tpu.memory_space<vmem>>, vector<16xf32>,
      %parallel_loop3A_923 = tpu.vector_load_idx %arg6[%broadcast_in_dim3A_535, %parallel_loop3A_901] : memref<5x512xf32, #tpu.memory_space<vmem>>[vector<16xi32>, vector<16xi32>], vector<16xf32>,
      %parallel_loop3A_924 = arith.constant 16 : i32
      %parallel_loop3A_925 = arith.muli %parallel_loop3A_897, %parallel_loop3A_924 : i32
      %parallel_loop3A_926 = arith.constant 24576 : i32
      %parallel_loop3A_927 = arith.addi %parallel_loop3A_926, %parallel_loop3A_925 : i32
      %parallel_loop3A_928 = arith.index_cast %parallel_loop3A_927 : i32 to index
      %parallel_loop3A_929 = tpu.vector_load %arg10[%parallel_loop3A_928] {strides = array<i32>} : memref<40960xf32, #tpu.memory_space<vmem>>, vector<16xf32>,
      tpu.vector_store %arg10[%parallel_loop3A_928], %parallel_loop3A_923 {strides = array<i32>} : memref<40960xf32, #tpu.memory_space<vmem>>, vector<16xf32>,
      %parallel_loop3A_930 = tpu.vector_load_idx %arg6[%broadcast_in_dim3A_537, %parallel_loop3A_901] : memref<5x512xf32, #tpu.memory_space<vmem>>[vector<16xi32>, vector<16xi32>], vector<16xf32>,
      %parallel_loop3A_931 = arith.constant 16 : i32
      %parallel_loop3A_932 = arith.muli %parallel_loop3A_897, %parallel_loop3A_931 : i32
      %parallel_loop3A_933 = arith.constant 32768 : i32
      %parallel_loop3A_934 = arith.addi %parallel_loop3A_933, %parallel_loop3A_932 : i32
      %parallel_loop3A_935 = arith.index_cast %parallel_loop3A_934 : i32 to index
      %parallel_loop3A_936 = tpu.vector_load %arg10[%parallel_loop3A_935] {strides = array<i32>} : memref<40960xf32, #tpu.memory_space<vmem>>, vector<16xf32>,
      tpu.vector_store %arg10[%parallel_loop3A_935], %parallel_loop3A_930 {strides = array<i32>} : memref<40960xf32, #tpu.memory_space<vmem>>, vector<16xf32>,
    } {sc.loop_unroll_factor = 4 : i64, sc.parallel_access}
    %mul3A_541 = arith.constant 8192 : i32
    %mul3A_542 = arith.muli %add3A, %mul3A_541 : i32
    %add3A_543 = arith.constant 30146560 : i32
    %add3A_544 = arith.addi %add3A_543, %mul3A_542 : i32
    %mul3A_545 = arith.constant 8192 : i32
    %mul3A_546 = arith.muli %add3A, %mul3A_545 : i32
    %add3A_547 = arith.constant 30408704 : i32
    %add3A_548 = arith.addi %add3A_547, %mul3A_546 : i32
    %mul3A_549 = arith.constant 8192 : i32
    %mul3A_550 = arith.muli %add3A, %mul3A_549 : i32
    %add3A_551 = arith.constant 30670848 : i32
    %add3A_552 = arith.addi %add3A_551, %mul3A_550 : i32
    %mul3A_553 = arith.constant 8192 : i32
    %mul3A_554 = arith.muli %add3A, %mul3A_553 : i32
    %add3A_555 = arith.constant 30932992 : i32
    %add3A_556 = arith.addi %add3A_555, %mul3A_554 : i32
    %mul3A_557 = arith.constant 8192 : i32
    %mul3A_558 = arith.muli %add3A, %mul3A_557 : i32
    %add3A_559 = arith.constant 31195136 : i32
    %add3A_560 = arith.addi %add3A_559, %mul3A_558 : i32
    %dma_start3A_561 = arith.constant 1 : i32
    %dma_start3A_562 = arith.constant 0 : i32
    %dma_start3A_563 = tpu.memref_slice %arg10[%dma_start3A_562] : memref<40960xf32, #tpu.memory_space<vmem>> -> memref<8192xf32, #tpu.memory_space<vmem>>
    %dma_start3A_564 = tpu.memref_slice %arg4[%add3A_544] : memref<32768000xf32, #tpu.memory_space<hbm>> -> memref<8192xf32, #tpu.memory_space<hbm>>
    %dma_start3A_565 = tpu.memref_slice %arg12[%dma_start3A_561] : memref<2x!tpu.dma_semaphore, #tpu.memory_space<semaphore_mem>> -> memref<1x!tpu.dma_semaphore, #tpu.memory_space<semaphore_mem>>
    %dma_start3A_566 = tpu.memref_squeeze %dma_start3A_565 : memref<1x!tpu.dma_semaphore, #tpu.memory_space<semaphore_mem>> -> memref<!tpu.dma_semaphore, #tpu.memory_space<semaphore_mem>>
    %dma_start3A_567 = tpu.memref_slice %arg4[%add3A_544] : memref<32768000xf32, #tpu.memory_space<hbm>> -> memref<8192xf32, #tpu.memory_space<hbm>>
    %dma_start3A_568 = arith.constant 0 : i32
    %dma_start3A_569 = tpu.memref_slice %arg10[%dma_start3A_568] : memref<40960xf32, #tpu.memory_space<vmem>> -> memref<8192xf32, #tpu.memory_space<vmem>>
    tpu.enqueue_dma source(%dma_start3A_569 : memref<8192xf32, #tpu.memory_space<vmem>>) target(%dma_start3A_567 : memref<8192xf32, #tpu.memory_space<hbm>>) target_semaphore(%dma_start3A_566 : memref<!tpu.dma_semaphore, #tpu.memory_space<semaphore_mem>>)
    %dma_start3A_570 = arith.constant 1 : i32
    %dma_start3A_571 = arith.constant 8192 : i32
    %dma_start3A_572 = tpu.memref_slice %arg10[%dma_start3A_571] : memref<40960xf32, #tpu.memory_space<vmem>> -> memref<8192xf32, #tpu.memory_space<vmem>>
    %dma_start3A_573 = tpu.memref_slice %arg4[%add3A_548] : memref<32768000xf32, #tpu.memory_space<hbm>> -> memref<8192xf32, #tpu.memory_space<hbm>>
    %dma_start3A_574 = tpu.memref_slice %arg12[%dma_start3A_570] : memref<2x!tpu.dma_semaphore, #tpu.memory_space<semaphore_mem>> -> memref<1x!tpu.dma_semaphore, #tpu.memory_space<semaphore_mem>>
    %dma_start3A_575 = tpu.memref_squeeze %dma_start3A_574 : memref<1x!tpu.dma_semaphore, #tpu.memory_space<semaphore_mem>> -> memref<!tpu.dma_semaphore, #tpu.memory_space<semaphore_mem>>
    %dma_start3A_576 = tpu.memref_slice %arg4[%add3A_548] : memref<32768000xf32, #tpu.memory_space<hbm>> -> memref<8192xf32, #tpu.memory_space<hbm>>
    %dma_start3A_577 = arith.constant 8192 : i32
    %dma_start3A_578 = tpu.memref_slice %arg10[%dma_start3A_577] : memref<40960xf32, #tpu.memory_space<vmem>> -> memref<8192xf32, #tpu.memory_space<vmem>>
    tpu.enqueue_dma source(%dma_start3A_578 : memref<8192xf32, #tpu.memory_space<vmem>>) target(%dma_start3A_576 : memref<8192xf32, #tpu.memory_space<hbm>>) target_semaphore(%dma_start3A_575 : memref<!tpu.dma_semaphore, #tpu.memory_space<semaphore_mem>>)
    %dma_start3A_579 = arith.constant 1 : i32
    %dma_start3A_580 = arith.constant 16384 : i32
    %dma_start3A_581 = tpu.memref_slice %arg10[%dma_start3A_580] : memref<40960xf32, #tpu.memory_space<vmem>> -> memref<8192xf32, #tpu.memory_space<vmem>>
    %dma_start3A_582 = tpu.memref_slice %arg4[%add3A_552] : memref<32768000xf32, #tpu.memory_space<hbm>> -> memref<8192xf32, #tpu.memory_space<hbm>>
    %dma_start3A_583 = tpu.memref_slice %arg12[%dma_start3A_579] : memref<2x!tpu.dma_semaphore, #tpu.memory_space<semaphore_mem>> -> memref<1x!tpu.dma_semaphore, #tpu.memory_space<semaphore_mem>>
    %dma_start3A_584 = tpu.memref_squeeze %dma_start3A_583 : memref<1x!tpu.dma_semaphore, #tpu.memory_space<semaphore_mem>> -> memref<!tpu.dma_semaphore, #tpu.memory_space<semaphore_mem>>
    %dma_start3A_585 = tpu.memref_slice %arg4[%add3A_552] : memref<32768000xf32, #tpu.memory_space<hbm>> -> memref<8192xf32, #tpu.memory_space<hbm>>
    %dma_start3A_586 = arith.constant 16384 : i32
    %dma_start3A_587 = tpu.memref_slice %arg10[%dma_start3A_586] : memref<40960xf32, #tpu.memory_space<vmem>> -> memref<8192xf32, #tpu.memory_space<vmem>>
    tpu.enqueue_dma source(%dma_start3A_587 : memref<8192xf32, #tpu.memory_space<vmem>>) target(%dma_start3A_585 : memref<8192xf32, #tpu.memory_space<hbm>>) target_semaphore(%dma_start3A_584 : memref<!tpu.dma_semaphore, #tpu.memory_space<semaphore_mem>>)
    %dma_start3A_588 = arith.constant 1 : i32
    %dma_start3A_589 = arith.constant 24576 : i32
    %dma_start3A_590 = tpu.memref_slice %arg10[%dma_start3A_589] : memref<40960xf32, #tpu.memory_space<vmem>> -> memref<8192xf32, #tpu.memory_space<vmem>>
    %dma_start3A_591 = tpu.memref_slice %arg4[%add3A_556] : memref<32768000xf32, #tpu.memory_space<hbm>> -> memref<8192xf32, #tpu.memory_space<hbm>>
    %dma_start3A_592 = tpu.memref_slice %arg12[%dma_start3A_588] : memref<2x!tpu.dma_semaphore, #tpu.memory_space<semaphore_mem>> -> memref<1x!tpu.dma_semaphore, #tpu.memory_space<semaphore_mem>>
    %dma_start3A_593 = tpu.memref_squeeze %dma_start3A_592 : memref<1x!tpu.dma_semaphore, #tpu.memory_space<semaphore_mem>> -> memref<!tpu.dma_semaphore, #tpu.memory_space<semaphore_mem>>
    %dma_start3A_594 = tpu.memref_slice %arg4[%add3A_556] : memref<32768000xf32, #tpu.memory_space<hbm>> -> memref<8192xf32, #tpu.memory_space<hbm>>
    %dma_start3A_595 = arith.constant 24576 : i32
    %dma_start3A_596 = tpu.memref_slice %arg10[%dma_start3A_595] : memref<40960xf32, #tpu.memory_space<vmem>> -> memref<8192xf32, #tpu.memory_space<vmem>>
    tpu.enqueue_dma source(%dma_start3A_596 : memref<8192xf32, #tpu.memory_space<vmem>>) target(%dma_start3A_594 : memref<8192xf32, #tpu.memory_space<hbm>>) target_semaphore(%dma_start3A_593 : memref<!tpu.dma_semaphore, #tpu.memory_space<semaphore_mem>>)
    %dma_start3A_597 = arith.constant 1 : i32
    %dma_start3A_598 = arith.constant 32768 : i32
    %dma_start3A_599 = tpu.memref_slice %arg10[%dma_start3A_598] : memref<40960xf32, #tpu.memory_space<vmem>> -> memref<8192xf32, #tpu.memory_space<vmem>>
    %dma_start3A_600 = tpu.memref_slice %arg4[%add3A_560] : memref<32768000xf32, #tpu.memory_space<hbm>> -> memref<8192xf32, #tpu.memory_space<hbm>>
    %dma_start3A_601 = tpu.memref_slice %arg12[%dma_start3A_597] : memref<2x!tpu.dma_semaphore, #tpu.memory_space<semaphore_mem>> -> memref<1x!tpu.dma_semaphore, #tpu.memory_space<semaphore_mem>>
    %dma_start3A_602 = tpu.memref_squeeze %dma_start3A_601 : memref<1x!tpu.dma_semaphore, #tpu.memory_space<semaphore_mem>> -> memref<!tpu.dma_semaphore, #tpu.memory_space<semaphore_mem>>
    %dma_start3A_603 = tpu.memref_slice %arg4[%add3A_560] : memref<32768000xf32, #tpu.memory_space<hbm>> -> memref<8192xf32, #tpu.memory_space<hbm>>
    %dma_start3A_604 = arith.constant 32768 : i32
    %dma_start3A_605 = tpu.memref_slice %arg10[%dma_start3A_604] : memref<40960xf32, #tpu.memory_space<vmem>> -> memref<8192xf32, #tpu.memory_space<vmem>>
    tpu.enqueue_dma source(%dma_start3A_605 : memref<8192xf32, #tpu.memory_space<vmem>>) target(%dma_start3A_603 : memref<8192xf32, #tpu.memory_space<hbm>>) target_semaphore(%dma_start3A_602 : memref<!tpu.dma_semaphore, #tpu.memory_space<semaphore_mem>>)
    %mul3A_606 = arith.constant 8192 : i32
    %mul3A_607 = arith.muli %add3A, %mul3A_606 : i32
    %add3A_608 = arith.constant 7602176 : i32
    %add3A_609 = arith.addi %add3A_608, %mul3A_607 : i32
    %dma_wait3A_610 = arith.constant 0 : i32
    %dma_wait3A_611 = arith.constant 0 : i32
    %dma_wait3A_612 = arith.constant 12288 : i32
    %dma_wait3A_613 = tpu.memref_slice %arg2[%dma_wait3A_611, %dma_wait3A_612] : memref<5x12800xf32, #tpu.memory_space<hbm>> -> memref<5x512xf32, #tpu.memory_space<hbm>>
    %dma_wait3A_614 = tpu.memref_slice %arg11[%dma_wait3A_610] : memref<2x!tpu.dma_semaphore, #tpu.memory_space<semaphore_mem>> -> memref<1x!tpu.dma_semaphore, #tpu.memory_space<semaphore_mem>>
    %dma_wait3A_615 = tpu.memref_squeeze %dma_wait3A_614 : memref<1x!tpu.dma_semaphore, #tpu.memory_space<semaphore_mem>> -> memref<!tpu.dma_semaphore, #tpu.memory_space<semaphore_mem>>
    %dma_wait3A_616 = arith.constant 0 : i32
    %dma_wait3A_617 = arith.constant 12288 : i32
    %dma_wait3A_618 = tpu.memref_slice %arg2[%dma_wait3A_616, %dma_wait3A_617] : memref<5x12800xf32, #tpu.memory_space<hbm>> -> memref<5x512xf32, #tpu.memory_space<hbm>>
    tpu.wait_dma2 semaphore(%dma_wait3A_615 : memref<!tpu.dma_semaphore, #tpu.memory_space<semaphore_mem>>) src(%dma_wait3A_618 : memref<5x512xf32, #tpu.memory_space<hbm>>) dst(%arg5 : memref<5x512xf32, #tpu.memory_space<vmem>>)
    %dma_wait3A_619 = arith.constant 0 : i32
    %dma_wait3A_620 = tpu.memref_slice %arg3[%add3A_609] : memref<7864320xi32, #tpu.memory_space<hbm>> -> memref<8192xi32, #tpu.memory_space<hbm>>
    %dma_wait3A_621 = tpu.memref_slice %arg11[%dma_wait3A_619] : memref<2x!tpu.dma_semaphore, #tpu.memory_space<semaphore_mem>> -> memref<1x!tpu.dma_semaphore, #tpu.memory_space<semaphore_mem>>
    %dma_wait3A_622 = tpu.memref_squeeze %dma_wait3A_621 : memref<1x!tpu.dma_semaphore, #tpu.memory_space<semaphore_mem>> -> memref<!tpu.dma_semaphore, #tpu.memory_space<semaphore_mem>>
    %dma_wait3A_623 = tpu.memref_slice %arg3[%add3A_609] : memref<7864320xi32, #tpu.memory_space<hbm>> -> memref<8192xi32, #tpu.memory_space<hbm>>
    tpu.wait_dma2 semaphore(%dma_wait3A_622 : memref<!tpu.dma_semaphore, #tpu.memory_space<semaphore_mem>>) src(%dma_wait3A_623 : memref<8192xi32, #tpu.memory_space<hbm>>) dst(%arg7 : memref<8192xi32, #tpu.memory_space<vmem>>)
    %mul3A_624 = arith.constant 8192 : i32
    %mul3A_625 = arith.muli %add3A, %mul3A_624 : i32
    %add3A_626 = arith.constant 28835840 : i32
    %add3A_627 = arith.addi %add3A_626, %mul3A_625 : i32
    %mul3A_628 = arith.constant 8192 : i32
    %mul3A_629 = arith.muli %add3A, %mul3A_628 : i32
    %add3A_630 = arith.constant 29097984 : i32
    %add3A_631 = arith.addi %add3A_630, %mul3A_629 : i32
    %mul3A_632 = arith.constant 8192 : i32
    %mul3A_633 = arith.muli %add3A, %mul3A_632 : i32
    %add3A_634 = arith.constant 29360128 : i32
    %add3A_635 = arith.addi %add3A_634, %mul3A_633 : i32
    %mul3A_636 = arith.constant 8192 : i32
    %mul3A_637 = arith.muli %add3A, %mul3A_636 : i32
    %add3A_638 = arith.constant 29622272 : i32
    %add3A_639 = arith.addi %add3A_638, %mul3A_637 : i32
    %mul3A_640 = arith.constant 8192 : i32
    %mul3A_641 = arith.muli %add3A, %mul3A_640 : i32
    %add3A_642 = arith.constant 29884416 : i32
    %add3A_643 = arith.addi %add3A_642, %mul3A_641 : i32
    %dma_wait3A_644 = arith.constant 0 : i32
    %dma_wait3A_645 = arith.constant 0 : i32
    %dma_wait3A_646 = tpu.memref_slice %arg9[%dma_wait3A_645] : memref<40960xf32, #tpu.memory_space<vmem>> -> memref<8192xf32, #tpu.memory_space<vmem>>
    %dma_wait3A_647 = tpu.memref_slice %arg4[%add3A_627] : memref<32768000xf32, #tpu.memory_space<hbm>> -> memref<8192xf32, #tpu.memory_space<hbm>>
    %dma_wait3A_648 = tpu.memref_slice %arg12[%dma_wait3A_644] : memref<2x!tpu.dma_semaphore, #tpu.memory_space<semaphore_mem>> -> memref<1x!tpu.dma_semaphore, #tpu.memory_space<semaphore_mem>>
    %dma_wait3A_649 = tpu.memref_squeeze %dma_wait3A_648 : memref<1x!tpu.dma_semaphore, #tpu.memory_space<semaphore_mem>> -> memref<!tpu.dma_semaphore, #tpu.memory_space<semaphore_mem>>
    %dma_wait3A_650 = tpu.memref_slice %arg4[%add3A_627] : memref<32768000xf32, #tpu.memory_space<hbm>> -> memref<8192xf32, #tpu.memory_space<hbm>>
    %dma_wait3A_651 = arith.constant 0 : i32
    %dma_wait3A_652 = tpu.memref_slice %arg9[%dma_wait3A_651] : memref<40960xf32, #tpu.memory_space<vmem>> -> memref<8192xf32, #tpu.memory_space<vmem>>
    tpu.wait_dma2 semaphore(%dma_wait3A_649 : memref<!tpu.dma_semaphore, #tpu.memory_space<semaphore_mem>>) src(%dma_wait3A_652 : memref<8192xf32, #tpu.memory_space<vmem>>) dst(%dma_wait3A_650 : memref<8192xf32, #tpu.memory_space<hbm>>)
    %dma_wait3A_653 = arith.constant 0 : i32
    %dma_wait3A_654 = arith.constant 8192 : i32
    %dma_wait3A_655 = tpu.memref_slice %arg9[%dma_wait3A_654] : memref<40960xf32, #tpu.memory_space<vmem>> -> memref<8192xf32, #tpu.memory_space<vmem>>
    %dma_wait3A_656 = tpu.memref_slice %arg4[%add3A_631] : memref<32768000xf32, #tpu.memory_space<hbm>> -> memref<8192xf32, #tpu.memory_space<hbm>>
    %dma_wait3A_657 = tpu.memref_slice %arg12[%dma_wait3A_653] : memref<2x!tpu.dma_semaphore, #tpu.memory_space<semaphore_mem>> -> memref<1x!tpu.dma_semaphore, #tpu.memory_space<semaphore_mem>>
    %dma_wait3A_658 = tpu.memref_squeeze %dma_wait3A_657 : memref<1x!tpu.dma_semaphore, #tpu.memory_space<semaphore_mem>> -> memref<!tpu.dma_semaphore, #tpu.memory_space<semaphore_mem>>
    %dma_wait3A_659 = tpu.memref_slice %arg4[%add3A_631] : memref<32768000xf32, #tpu.memory_space<hbm>> -> memref<8192xf32, #tpu.memory_space<hbm>>
    %dma_wait3A_660 = arith.constant 8192 : i32
    %dma_wait3A_661 = tpu.memref_slice %arg9[%dma_wait3A_660] : memref<40960xf32, #tpu.memory_space<vmem>> -> memref<8192xf32, #tpu.memory_space<vmem>>
    tpu.wait_dma2 semaphore(%dma_wait3A_658 : memref<!tpu.dma_semaphore, #tpu.memory_space<semaphore_mem>>) src(%dma_wait3A_661 : memref<8192xf32, #tpu.memory_space<vmem>>) dst(%dma_wait3A_659 : memref<8192xf32, #tpu.memory_space<hbm>>)
    %dma_wait3A_662 = arith.constant 0 : i32
    %dma_wait3A_663 = arith.constant 16384 : i32
    %dma_wait3A_664 = tpu.memref_slice %arg9[%dma_wait3A_663] : memref<40960xf32, #tpu.memory_space<vmem>> -> memref<8192xf32, #tpu.memory_space<vmem>>
    %dma_wait3A_665 = tpu.memref_slice %arg4[%add3A_635] : memref<32768000xf32, #tpu.memory_space<hbm>> -> memref<8192xf32, #tpu.memory_space<hbm>>
    %dma_wait3A_666 = tpu.memref_slice %arg12[%dma_wait3A_662] : memref<2x!tpu.dma_semaphore, #tpu.memory_space<semaphore_mem>> -> memref<1x!tpu.dma_semaphore, #tpu.memory_space<semaphore_mem>>
    %dma_wait3A_667 = tpu.memref_squeeze %dma_wait3A_666 : memref<1x!tpu.dma_semaphore, #tpu.memory_space<semaphore_mem>> -> memref<!tpu.dma_semaphore, #tpu.memory_space<semaphore_mem>>
    %dma_wait3A_668 = tpu.memref_slice %arg4[%add3A_635] : memref<32768000xf32, #tpu.memory_space<hbm>> -> memref<8192xf32, #tpu.memory_space<hbm>>
    %dma_wait3A_669 = arith.constant 16384 : i32
    %dma_wait3A_670 = tpu.memref_slice %arg9[%dma_wait3A_669] : memref<40960xf32, #tpu.memory_space<vmem>> -> memref<8192xf32, #tpu.memory_space<vmem>>
    tpu.wait_dma2 semaphore(%dma_wait3A_667 : memref<!tpu.dma_semaphore, #tpu.memory_space<semaphore_mem>>) src(%dma_wait3A_670 : memref<8192xf32, #tpu.memory_space<vmem>>) dst(%dma_wait3A_668 : memref<8192xf32, #tpu.memory_space<hbm>>)
    %dma_wait3A_671 = arith.constant 0 : i32
    %dma_wait3A_672 = arith.constant 24576 : i32
    %dma_wait3A_673 = tpu.memref_slice %arg9[%dma_wait3A_672] : memref<40960xf32, #tpu.memory_space<vmem>> -> memref<8192xf32, #tpu.memory_space<vmem>>
    %dma_wait3A_674 = tpu.memref_slice %arg4[%add3A_639] : memref<32768000xf32, #tpu.memory_space<hbm>> -> memref<8192xf32, #tpu.memory_space<hbm>>
    %dma_wait3A_675 = tpu.memref_slice %arg12[%dma_wait3A_671] : memref<2x!tpu.dma_semaphore, #tpu.memory_space<semaphore_mem>> -> memref<1x!tpu.dma_semaphore, #tpu.memory_space<semaphore_mem>>
    %dma_wait3A_676 = tpu.memref_squeeze %dma_wait3A_675 : memref<1x!tpu.dma_semaphore, #tpu.memory_space<semaphore_mem>> -> memref<!tpu.dma_semaphore, #tpu.memory_space<semaphore_mem>>
    %dma_wait3A_677 = tpu.memref_slice %arg4[%add3A_639] : memref<32768000xf32, #tpu.memory_space<hbm>> -> memref<8192xf32, #tpu.memory_space<hbm>>
    %dma_wait3A_678 = arith.constant 24576 : i32
    %dma_wait3A_679 = tpu.memref_slice %arg9[%dma_wait3A_678] : memref<40960xf32, #tpu.memory_space<vmem>> -> memref<8192xf32, #tpu.memory_space<vmem>>
    tpu.wait_dma2 semaphore(%dma_wait3A_676 : memref<!tpu.dma_semaphore, #tpu.memory_space<semaphore_mem>>) src(%dma_wait3A_679 : memref<8192xf32, #tpu.memory_space<vmem>>) dst(%dma_wait3A_677 : memref<8192xf32, #tpu.memory_space<hbm>>)
    %dma_wait3A_680 = arith.constant 0 : i32
    %dma_wait3A_681 = arith.constant 32768 : i32
    %dma_wait3A_682 = tpu.memref_slice %arg9[%dma_wait3A_681] : memref<40960xf32, #tpu.memory_space<vmem>> -> memref<8192xf32, #tpu.memory_space<vmem>>
    %dma_wait3A_683 = tpu.memref_slice %arg4[%add3A_643] : memref<32768000xf32, #tpu.memory_space<hbm>> -> memref<8192xf32, #tpu.memory_space<hbm>>
    %dma_wait3A_684 = tpu.memref_slice %arg12[%dma_wait3A_680] : memref<2x!tpu.dma_semaphore, #tpu.memory_space<semaphore_mem>> -> memref<1x!tpu.dma_semaphore, #tpu.memory_space<semaphore_mem>>
    %dma_wait3A_685 = tpu.memref_squeeze %dma_wait3A_684 : memref<1x!tpu.dma_semaphore, #tpu.memory_space<semaphore_mem>> -> memref<!tpu.dma_semaphore, #tpu.memory_space<semaphore_mem>>
    %dma_wait3A_686 = tpu.memref_slice %arg4[%add3A_643] : memref<32768000xf32, #tpu.memory_space<hbm>> -> memref<8192xf32, #tpu.memory_space<hbm>>
    %dma_wait3A_687 = arith.constant 32768 : i32
    %dma_wait3A_688 = tpu.memref_slice %arg9[%dma_wait3A_687] : memref<40960xf32, #tpu.memory_space<vmem>> -> memref<8192xf32, #tpu.memory_space<vmem>>
    tpu.wait_dma2 semaphore(%dma_wait3A_685 : memref<!tpu.dma_semaphore, #tpu.memory_space<semaphore_mem>>) src(%dma_wait3A_688 : memref<8192xf32, #tpu.memory_space<vmem>>) dst(%dma_wait3A_686 : memref<8192xf32, #tpu.memory_space<hbm>>)
    %broadcast_in_dim3A_689 = arith.constant 0 : i32
    %broadcast_in_dim3A_690 = vector.broadcast %broadcast_in_dim3A_689 : i32 to vector<16xi32>
    %broadcast_in_dim3A_691 = arith.constant 1 : i32
    %broadcast_in_dim3A_692 = vector.broadcast %broadcast_in_dim3A_691 : i32 to vector<16xi32>
    %broadcast_in_dim3A_693 = arith.constant 2 : i32
    %broadcast_in_dim3A_694 = vector.broadcast %broadcast_in_dim3A_693 : i32 to vector<16xi32>
    %broadcast_in_dim3A_695 = arith.constant 3 : i32
    %broadcast_in_dim3A_696 = vector.broadcast %broadcast_in_dim3A_695 : i32 to vector<16xi32>
    %broadcast_in_dim3A_697 = arith.constant 4 : i32
    %broadcast_in_dim3A_698 = vector.broadcast %broadcast_in_dim3A_697 : i32 to vector<16xi32>
    %parallel_loop3A_699 = arith.constant 0 : i32
    %parallel_loop3A_700 = arith.constant 512 : i32
    %parallel_loop3A_701 = arith.constant 1 : i32
    scf.for %parallel_loop3A_897 = %parallel_loop3A_699 to %parallel_loop3A_700 step %parallel_loop3A_701  : i32 {
      %parallel_loop3A_898 = arith.constant 16 : i32
      %parallel_loop3A_899 = arith.muli %parallel_loop3A_897, %parallel_loop3A_898 : i32
      %parallel_loop3A_900 = arith.index_cast %parallel_loop3A_899 : i32 to index
      %parallel_loop3A_901 = tpu.vector_load %arg7[%parallel_loop3A_900] {strides = array<i32>} : memref<8192xi32, #tpu.memory_space<vmem>>, vector<16xi32>,
      %parallel_loop3A_902 = tpu.vector_load_idx %arg5[%broadcast_in_dim3A_690, %parallel_loop3A_901] : memref<5x512xf32, #tpu.memory_space<vmem>>[vector<16xi32>, vector<16xi32>], vector<16xf32>,
      %parallel_loop3A_903 = arith.constant 16 : i32
      %parallel_loop3A_904 = arith.muli %parallel_loop3A_897, %parallel_loop3A_903 : i32
      %parallel_loop3A_905 = arith.constant 0 : i32
      %parallel_loop3A_906 = arith.addi %parallel_loop3A_905, %parallel_loop3A_904 : i32
      %parallel_loop3A_907 = arith.index_cast %parallel_loop3A_906 : i32 to index
      %parallel_loop3A_908 = tpu.vector_load %arg9[%parallel_loop3A_907] {strides = array<i32>} : memref<40960xf32, #tpu.memory_space<vmem>>, vector<16xf32>,
      tpu.vector_store %arg9[%parallel_loop3A_907], %parallel_loop3A_902 {strides = array<i32>} : memref<40960xf32, #tpu.memory_space<vmem>>, vector<16xf32>,
      %parallel_loop3A_909 = tpu.vector_load_idx %arg5[%broadcast_in_dim3A_692, %parallel_loop3A_901] : memref<5x512xf32, #tpu.memory_space<vmem>>[vector<16xi32>, vector<16xi32>], vector<16xf32>,
      %parallel_loop3A_910 = arith.constant 16 : i32
      %parallel_loop3A_911 = arith.muli %parallel_loop3A_897, %parallel_loop3A_910 : i32
      %parallel_loop3A_912 = arith.constant 8192 : i32
      %parallel_loop3A_913 = arith.addi %parallel_loop3A_912, %parallel_loop3A_911 : i32
      %parallel_loop3A_914 = arith.index_cast %parallel_loop3A_913 : i32 to index
      %parallel_loop3A_915 = tpu.vector_load %arg9[%parallel_loop3A_914] {strides = array<i32>} : memref<40960xf32, #tpu.memory_space<vmem>>, vector<16xf32>,
      tpu.vector_store %arg9[%parallel_loop3A_914], %parallel_loop3A_909 {strides = array<i32>} : memref<40960xf32, #tpu.memory_space<vmem>>, vector<16xf32>,
      %parallel_loop3A_916 = tpu.vector_load_idx %arg5[%broadcast_in_dim3A_694, %parallel_loop3A_901] : memref<5x512xf32, #tpu.memory_space<vmem>>[vector<16xi32>, vector<16xi32>], vector<16xf32>,
      %parallel_loop3A_917 = arith.constant 16 : i32
      %parallel_loop3A_918 = arith.muli %parallel_loop3A_897, %parallel_loop3A_917 : i32
      %parallel_loop3A_919 = arith.constant 16384 : i32
      %parallel_loop3A_920 = arith.addi %parallel_loop3A_919, %parallel_loop3A_918 : i32
      %parallel_loop3A_921 = arith.index_cast %parallel_loop3A_920 : i32 to index
      %parallel_loop3A_922 = tpu.vector_load %arg9[%parallel_loop3A_921] {strides = array<i32>} : memref<40960xf32, #tpu.memory_space<vmem>>, vector<16xf32>,
      tpu.vector_store %arg9[%parallel_loop3A_921], %parallel_loop3A_916 {strides = array<i32>} : memref<40960xf32, #tpu.memory_space<vmem>>, vector<16xf32>,
      %parallel_loop3A_923 = tpu.vector_load_idx %arg5[%broadcast_in_dim3A_696, %parallel_loop3A_901] : memref<5x512xf32, #tpu.memory_space<vmem>>[vector<16xi32>, vector<16xi32>], vector<16xf32>,
      %parallel_loop3A_924 = arith.constant 16 : i32
      %parallel_loop3A_925 = arith.muli %parallel_loop3A_897, %parallel_loop3A_924 : i32
      %parallel_loop3A_926 = arith.constant 24576 : i32
      %parallel_loop3A_927 = arith.addi %parallel_loop3A_926, %parallel_loop3A_925 : i32
      %parallel_loop3A_928 = arith.index_cast %parallel_loop3A_927 : i32 to index
      %parallel_loop3A_929 = tpu.vector_load %arg9[%parallel_loop3A_928] {strides = array<i32>} : memref<40960xf32, #tpu.memory_space<vmem>>, vector<16xf32>,
      tpu.vector_store %arg9[%parallel_loop3A_928], %parallel_loop3A_923 {strides = array<i32>} : memref<40960xf32, #tpu.memory_space<vmem>>, vector<16xf32>,
      %parallel_loop3A_930 = tpu.vector_load_idx %arg5[%broadcast_in_dim3A_698, %parallel_loop3A_901] : memref<5x512xf32, #tpu.memory_space<vmem>>[vector<16xi32>, vector<16xi32>], vector<16xf32>,
      %parallel_loop3A_931 = arith.constant 16 : i32
      %parallel_loop3A_932 = arith.muli %parallel_loop3A_897, %parallel_loop3A_931 : i32
      %parallel_loop3A_933 = arith.constant 32768 : i32
      %parallel_loop3A_934 = arith.addi %parallel_loop3A_933, %parallel_loop3A_932 : i32
      %parallel_loop3A_935 = arith.index_cast %parallel_loop3A_934 : i32 to index
      %parallel_loop3A_936 = tpu.vector_load %arg9[%parallel_loop3A_935] {strides = array<i32>} : memref<40960xf32, #tpu.memory_space<vmem>>, vector<16xf32>,
      tpu.vector_store %arg9[%parallel_loop3A_935], %parallel_loop3A_930 {strides = array<i32>} : memref<40960xf32, #tpu.memory_space<vmem>>, vector<16xf32>,
    } {sc.loop_unroll_factor = 4 : i64, sc.parallel_access}
    %mul3A_702 = arith.constant 8192 : i32
    %mul3A_703 = arith.muli %add3A, %mul3A_702 : i32
    %add3A_704 = arith.constant 31457280 : i32
    %add3A_705 = arith.addi %add3A_704, %mul3A_703 : i32
    %mul3A_706 = arith.constant 8192 : i32
    %mul3A_707 = arith.muli %add3A, %mul3A_706 : i32
    %add3A_708 = arith.constant 31719424 : i32
    %add3A_709 = arith.addi %add3A_708, %mul3A_707 : i32
    %mul3A_710 = arith.constant 8192 : i32
    %mul3A_711 = arith.muli %add3A, %mul3A_710 : i32
    %add3A_712 = arith.constant 31981568 : i32
    %add3A_713 = arith.addi %add3A_712, %mul3A_711 : i32
    %mul3A_714 = arith.constant 8192 : i32
    %mul3A_715 = arith.muli %add3A, %mul3A_714 : i32
    %add3A_716 = arith.constant 32243712 : i32
    %add3A_717 = arith.addi %add3A_716, %mul3A_715 : i32
    %mul3A_718 = arith.constant 8192 : i32
    %mul3A_719 = arith.muli %add3A, %mul3A_718 : i32
    %add3A_720 = arith.constant 32505856 : i32
    %add3A_721 = arith.addi %add3A_720, %mul3A_719 : i32
    %dma_start3A_722 = arith.constant 0 : i32
    %dma_start3A_723 = arith.constant 0 : i32
    %dma_start3A_724 = tpu.memref_slice %arg9[%dma_start3A_723] : memref<40960xf32, #tpu.memory_space<vmem>> -> memref<8192xf32, #tpu.memory_space<vmem>>
    %dma_start3A_725 = tpu.memref_slice %arg4[%add3A_705] : memref<32768000xf32, #tpu.memory_space<hbm>> -> memref<8192xf32, #tpu.memory_space<hbm>>
    %dma_start3A_726 = tpu.memref_slice %arg12[%dma_start3A_722] : memref<2x!tpu.dma_semaphore, #tpu.memory_space<semaphore_mem>> -> memref<1x!tpu.dma_semaphore, #tpu.memory_space<semaphore_mem>>
    %dma_start3A_727 = tpu.memref_squeeze %dma_start3A_726 : memref<1x!tpu.dma_semaphore, #tpu.memory_space<semaphore_mem>> -> memref<!tpu.dma_semaphore, #tpu.memory_space<semaphore_mem>>
    %dma_start3A_728 = tpu.memref_slice %arg4[%add3A_705] : memref<32768000xf32, #tpu.memory_space<hbm>> -> memref<8192xf32, #tpu.memory_space<hbm>>
    %dma_start3A_729 = arith.constant 0 : i32
    %dma_start3A_730 = tpu.memref_slice %arg9[%dma_start3A_729] : memref<40960xf32, #tpu.memory_space<vmem>> -> memref<8192xf32, #tpu.memory_space<vmem>>
    tpu.enqueue_dma source(%dma_start3A_730 : memref<8192xf32, #tpu.memory_space<vmem>>) target(%dma_start3A_728 : memref<8192xf32, #tpu.memory_space<hbm>>) target_semaphore(%dma_start3A_727 : memref<!tpu.dma_semaphore, #tpu.memory_space<semaphore_mem>>)
    %dma_start3A_731 = arith.constant 0 : i32
    %dma_start3A_732 = arith.constant 8192 : i32
    %dma_start3A_733 = tpu.memref_slice %arg9[%dma_start3A_732] : memref<40960xf32, #tpu.memory_space<vmem>> -> memref<8192xf32, #tpu.memory_space<vmem>>
    %dma_start3A_734 = tpu.memref_slice %arg4[%add3A_709] : memref<32768000xf32, #tpu.memory_space<hbm>> -> memref<8192xf32, #tpu.memory_space<hbm>>
    %dma_start3A_735 = tpu.memref_slice %arg12[%dma_start3A_731] : memref<2x!tpu.dma_semaphore, #tpu.memory_space<semaphore_mem>> -> memref<1x!tpu.dma_semaphore, #tpu.memory_space<semaphore_mem>>
    %dma_start3A_736 = tpu.memref_squeeze %dma_start3A_735 : memref<1x!tpu.dma_semaphore, #tpu.memory_space<semaphore_mem>> -> memref<!tpu.dma_semaphore, #tpu.memory_space<semaphore_mem>>
    %dma_start3A_737 = tpu.memref_slice %arg4[%add3A_709] : memref<32768000xf32, #tpu.memory_space<hbm>> -> memref<8192xf32, #tpu.memory_space<hbm>>
    %dma_start3A_738 = arith.constant 8192 : i32
    %dma_start3A_739 = tpu.memref_slice %arg9[%dma_start3A_738] : memref<40960xf32, #tpu.memory_space<vmem>> -> memref<8192xf32, #tpu.memory_space<vmem>>
    tpu.enqueue_dma source(%dma_start3A_739 : memref<8192xf32, #tpu.memory_space<vmem>>) target(%dma_start3A_737 : memref<8192xf32, #tpu.memory_space<hbm>>) target_semaphore(%dma_start3A_736 : memref<!tpu.dma_semaphore, #tpu.memory_space<semaphore_mem>>)
    %dma_start3A_740 = arith.constant 0 : i32
    %dma_start3A_741 = arith.constant 16384 : i32
    %dma_start3A_742 = tpu.memref_slice %arg9[%dma_start3A_741] : memref<40960xf32, #tpu.memory_space<vmem>> -> memref<8192xf32, #tpu.memory_space<vmem>>
    %dma_start3A_743 = tpu.memref_slice %arg4[%add3A_713] : memref<32768000xf32, #tpu.memory_space<hbm>> -> memref<8192xf32, #tpu.memory_space<hbm>>
    %dma_start3A_744 = tpu.memref_slice %arg12[%dma_start3A_740] : memref<2x!tpu.dma_semaphore, #tpu.memory_space<semaphore_mem>> -> memref<1x!tpu.dma_semaphore, #tpu.memory_space<semaphore_mem>>
    %dma_start3A_745 = tpu.memref_squeeze %dma_start3A_744 : memref<1x!tpu.dma_semaphore, #tpu.memory_space<semaphore_mem>> -> memref<!tpu.dma_semaphore, #tpu.memory_space<semaphore_mem>>
    %dma_start3A_746 = tpu.memref_slice %arg4[%add3A_713] : memref<32768000xf32, #tpu.memory_space<hbm>> -> memref<8192xf32, #tpu.memory_space<hbm>>
    %dma_start3A_747 = arith.constant 16384 : i32
    %dma_start3A_748 = tpu.memref_slice %arg9[%dma_start3A_747] : memref<40960xf32, #tpu.memory_space<vmem>> -> memref<8192xf32, #tpu.memory_space<vmem>>
    tpu.enqueue_dma source(%dma_start3A_748 : memref<8192xf32, #tpu.memory_space<vmem>>) target(%dma_start3A_746 : memref<8192xf32, #tpu.memory_space<hbm>>) target_semaphore(%dma_start3A_745 : memref<!tpu.dma_semaphore, #tpu.memory_space<semaphore_mem>>)
    %dma_start3A_749 = arith.constant 0 : i32
    %dma_start3A_750 = arith.constant 24576 : i32
    %dma_start3A_751 = tpu.memref_slice %arg9[%dma_start3A_750] : memref<40960xf32, #tpu.memory_space<vmem>> -> memref<8192xf32, #tpu.memory_space<vmem>>
    %dma_start3A_752 = tpu.memref_slice %arg4[%add3A_717] : memref<32768000xf32, #tpu.memory_space<hbm>> -> memref<8192xf32, #tpu.memory_space<hbm>>
    %dma_start3A_753 = tpu.memref_slice %arg12[%dma_start3A_749] : memref<2x!tpu.dma_semaphore, #tpu.memory_space<semaphore_mem>> -> memref<1x!tpu.dma_semaphore, #tpu.memory_space<semaphore_mem>>
    %dma_start3A_754 = tpu.memref_squeeze %dma_start3A_753 : memref<1x!tpu.dma_semaphore, #tpu.memory_space<semaphore_mem>> -> memref<!tpu.dma_semaphore, #tpu.memory_space<semaphore_mem>>
    %dma_start3A_755 = tpu.memref_slice %arg4[%add3A_717] : memref<32768000xf32, #tpu.memory_space<hbm>> -> memref<8192xf32, #tpu.memory_space<hbm>>
    %dma_start3A_756 = arith.constant 24576 : i32
    %dma_start3A_757 = tpu.memref_slice %arg9[%dma_start3A_756] : memref<40960xf32, #tpu.memory_space<vmem>> -> memref<8192xf32, #tpu.memory_space<vmem>>
    tpu.enqueue_dma source(%dma_start3A_757 : memref<8192xf32, #tpu.memory_space<vmem>>) target(%dma_start3A_755 : memref<8192xf32, #tpu.memory_space<hbm>>) target_semaphore(%dma_start3A_754 : memref<!tpu.dma_semaphore, #tpu.memory_space<semaphore_mem>>)
    %dma_start3A_758 = arith.constant 0 : i32
    %dma_start3A_759 = arith.constant 32768 : i32
    %dma_start3A_760 = tpu.memref_slice %arg9[%dma_start3A_759] : memref<40960xf32, #tpu.memory_space<vmem>> -> memref<8192xf32, #tpu.memory_space<vmem>>
    %dma_start3A_761 = tpu.memref_slice %arg4[%add3A_721] : memref<32768000xf32, #tpu.memory_space<hbm>> -> memref<8192xf32, #tpu.memory_space<hbm>>
    %dma_start3A_762 = tpu.memref_slice %arg12[%dma_start3A_758] : memref<2x!tpu.dma_semaphore, #tpu.memory_space<semaphore_mem>> -> memref<1x!tpu.dma_semaphore, #tpu.memory_space<semaphore_mem>>
    %dma_start3A_763 = tpu.memref_squeeze %dma_start3A_762 : memref<1x!tpu.dma_semaphore, #tpu.memory_space<semaphore_mem>> -> memref<!tpu.dma_semaphore, #tpu.memory_space<semaphore_mem>>
    %dma_start3A_764 = tpu.memref_slice %arg4[%add3A_721] : memref<32768000xf32, #tpu.memory_space<hbm>> -> memref<8192xf32, #tpu.memory_space<hbm>>
    %dma_start3A_765 = arith.constant 32768 : i32
    %dma_start3A_766 = tpu.memref_slice %arg9[%dma_start3A_765] : memref<40960xf32, #tpu.memory_space<vmem>> -> memref<8192xf32, #tpu.memory_space<vmem>>
    tpu.enqueue_dma source(%dma_start3A_766 : memref<8192xf32, #tpu.memory_space<vmem>>) target(%dma_start3A_764 : memref<8192xf32, #tpu.memory_space<hbm>>) target_semaphore(%dma_start3A_763 : memref<!tpu.dma_semaphore, #tpu.memory_space<semaphore_mem>>)
    %mul3A_767 = arith.constant 8192 : i32
    %mul3A_768 = arith.muli %add3A, %mul3A_767 : i32
    %add3A_769 = arith.constant 31457280 : i32
    %add3A_770 = arith.addi %add3A_769, %mul3A_768 : i32
    %mul3A_771 = arith.constant 8192 : i32
    %mul3A_772 = arith.muli %add3A, %mul3A_771 : i32
    %add3A_773 = arith.constant 31719424 : i32
    %add3A_774 = arith.addi %add3A_773, %mul3A_772 : i32
    %mul3A_775 = arith.constant 8192 : i32
    %mul3A_776 = arith.muli %add3A, %mul3A_775 : i32
    %add3A_777 = arith.constant 31981568 : i32
    %add3A_778 = arith.addi %add3A_777, %mul3A_776 : i32
    %mul3A_779 = arith.constant 8192 : i32
    %mul3A_780 = arith.muli %add3A, %mul3A_779 : i32
    %add3A_781 = arith.constant 32243712 : i32
    %add3A_782 = arith.addi %add3A_781, %mul3A_780 : i32
    %mul3A_783 = arith.constant 8192 : i32
    %mul3A_784 = arith.muli %add3A, %mul3A_783 : i32
    %add3A_785 = arith.constant 32505856 : i32
    %add3A_786 = arith.addi %add3A_785, %mul3A_784 : i32
    %dma_wait3A_787 = arith.constant 0 : i32
    %dma_wait3A_788 = arith.constant 0 : i32
    %dma_wait3A_789 = tpu.memref_slice %arg9[%dma_wait3A_788] : memref<40960xf32, #tpu.memory_space<vmem>> -> memref<8192xf32, #tpu.memory_space<vmem>>
    %dma_wait3A_790 = tpu.memref_slice %arg4[%add3A_770] : memref<32768000xf32, #tpu.memory_space<hbm>> -> memref<8192xf32, #tpu.memory_space<hbm>>
    %dma_wait3A_791 = tpu.memref_slice %arg12[%dma_wait3A_787] : memref<2x!tpu.dma_semaphore, #tpu.memory_space<semaphore_mem>> -> memref<1x!tpu.dma_semaphore, #tpu.memory_space<semaphore_mem>>
    %dma_wait3A_792 = tpu.memref_squeeze %dma_wait3A_791 : memref<1x!tpu.dma_semaphore, #tpu.memory_space<semaphore_mem>> -> memref<!tpu.dma_semaphore, #tpu.memory_space<semaphore_mem>>
    %dma_wait3A_793 = tpu.memref_slice %arg4[%add3A_770] : memref<32768000xf32, #tpu.memory_space<hbm>> -> memref<8192xf32, #tpu.memory_space<hbm>>
    %dma_wait3A_794 = arith.constant 0 : i32
    %dma_wait3A_795 = tpu.memref_slice %arg9[%dma_wait3A_794] : memref<40960xf32, #tpu.memory_space<vmem>> -> memref<8192xf32, #tpu.memory_space<vmem>>
    tpu.wait_dma2 semaphore(%dma_wait3A_792 : memref<!tpu.dma_semaphore, #tpu.memory_space<semaphore_mem>>) src(%dma_wait3A_795 : memref<8192xf32, #tpu.memory_space<vmem>>) dst(%dma_wait3A_793 : memref<8192xf32, #tpu.memory_space<hbm>>)
    %dma_wait3A_796 = arith.constant 0 : i32
    %dma_wait3A_797 = arith.constant 8192 : i32
    %dma_wait3A_798 = tpu.memref_slice %arg9[%dma_wait3A_797] : memref<40960xf32, #tpu.memory_space<vmem>> -> memref<8192xf32, #tpu.memory_space<vmem>>
    %dma_wait3A_799 = tpu.memref_slice %arg4[%add3A_774] : memref<32768000xf32, #tpu.memory_space<hbm>> -> memref<8192xf32, #tpu.memory_space<hbm>>
    %dma_wait3A_800 = tpu.memref_slice %arg12[%dma_wait3A_796] : memref<2x!tpu.dma_semaphore, #tpu.memory_space<semaphore_mem>> -> memref<1x!tpu.dma_semaphore, #tpu.memory_space<semaphore_mem>>
    %dma_wait3A_801 = tpu.memref_squeeze %dma_wait3A_800 : memref<1x!tpu.dma_semaphore, #tpu.memory_space<semaphore_mem>> -> memref<!tpu.dma_semaphore, #tpu.memory_space<semaphore_mem>>
    %dma_wait3A_802 = tpu.memref_slice %arg4[%add3A_774] : memref<32768000xf32, #tpu.memory_space<hbm>> -> memref<8192xf32, #tpu.memory_space<hbm>>
    %dma_wait3A_803 = arith.constant 8192 : i32
    %dma_wait3A_804 = tpu.memref_slice %arg9[%dma_wait3A_803] : memref<40960xf32, #tpu.memory_space<vmem>> -> memref<8192xf32, #tpu.memory_space<vmem>>
    tpu.wait_dma2 semaphore(%dma_wait3A_801 : memref<!tpu.dma_semaphore, #tpu.memory_space<semaphore_mem>>) src(%dma_wait3A_804 : memref<8192xf32, #tpu.memory_space<vmem>>) dst(%dma_wait3A_802 : memref<8192xf32, #tpu.memory_space<hbm>>)
    %dma_wait3A_805 = arith.constant 0 : i32
    %dma_wait3A_806 = arith.constant 16384 : i32
    %dma_wait3A_807 = tpu.memref_slice %arg9[%dma_wait3A_806] : memref<40960xf32, #tpu.memory_space<vmem>> -> memref<8192xf32, #tpu.memory_space<vmem>>
    %dma_wait3A_808 = tpu.memref_slice %arg4[%add3A_778] : memref<32768000xf32, #tpu.memory_space<hbm>> -> memref<8192xf32, #tpu.memory_space<hbm>>
    %dma_wait3A_809 = tpu.memref_slice %arg12[%dma_wait3A_805] : memref<2x!tpu.dma_semaphore, #tpu.memory_space<semaphore_mem>> -> memref<1x!tpu.dma_semaphore, #tpu.memory_space<semaphore_mem>>
    %dma_wait3A_810 = tpu.memref_squeeze %dma_wait3A_809 : memref<1x!tpu.dma_semaphore, #tpu.memory_space<semaphore_mem>> -> memref<!tpu.dma_semaphore, #tpu.memory_space<semaphore_mem>>
    %dma_wait3A_811 = tpu.memref_slice %arg4[%add3A_778] : memref<32768000xf32, #tpu.memory_space<hbm>> -> memref<8192xf32, #tpu.memory_space<hbm>>
    %dma_wait3A_812 = arith.constant 16384 : i32
    %dma_wait3A_813 = tpu.memref_slice %arg9[%dma_wait3A_812] : memref<40960xf32, #tpu.memory_space<vmem>> -> memref<8192xf32, #tpu.memory_space<vmem>>
    tpu.wait_dma2 semaphore(%dma_wait3A_810 : memref<!tpu.dma_semaphore, #tpu.memory_space<semaphore_mem>>) src(%dma_wait3A_813 : memref<8192xf32, #tpu.memory_space<vmem>>) dst(%dma_wait3A_811 : memref<8192xf32, #tpu.memory_space<hbm>>)
    %dma_wait3A_814 = arith.constant 0 : i32
    %dma_wait3A_815 = arith.constant 24576 : i32
    %dma_wait3A_816 = tpu.memref_slice %arg9[%dma_wait3A_815] : memref<40960xf32, #tpu.memory_space<vmem>> -> memref<8192xf32, #tpu.memory_space<vmem>>
    %dma_wait3A_817 = tpu.memref_slice %arg4[%add3A_782] : memref<32768000xf32, #tpu.memory_space<hbm>> -> memref<8192xf32, #tpu.memory_space<hbm>>
    %dma_wait3A_818 = tpu.memref_slice %arg12[%dma_wait3A_814] : memref<2x!tpu.dma_semaphore, #tpu.memory_space<semaphore_mem>> -> memref<1x!tpu.dma_semaphore, #tpu.memory_space<semaphore_mem>>
    %dma_wait3A_819 = tpu.memref_squeeze %dma_wait3A_818 : memref<1x!tpu.dma_semaphore, #tpu.memory_space<semaphore_mem>> -> memref<!tpu.dma_semaphore, #tpu.memory_space<semaphore_mem>>
    %dma_wait3A_820 = tpu.memref_slice %arg4[%add3A_782] : memref<32768000xf32, #tpu.memory_space<hbm>> -> memref<8192xf32, #tpu.memory_space<hbm>>
    %dma_wait3A_821 = arith.constant 24576 : i32
    %dma_wait3A_822 = tpu.memref_slice %arg9[%dma_wait3A_821] : memref<40960xf32, #tpu.memory_space<vmem>> -> memref<8192xf32, #tpu.memory_space<vmem>>
    tpu.wait_dma2 semaphore(%dma_wait3A_819 : memref<!tpu.dma_semaphore, #tpu.memory_space<semaphore_mem>>) src(%dma_wait3A_822 : memref<8192xf32, #tpu.memory_space<vmem>>) dst(%dma_wait3A_820 : memref<8192xf32, #tpu.memory_space<hbm>>)
    %dma_wait3A_823 = arith.constant 0 : i32
    %dma_wait3A_824 = arith.constant 32768 : i32
    %dma_wait3A_825 = tpu.memref_slice %arg9[%dma_wait3A_824] : memref<40960xf32, #tpu.memory_space<vmem>> -> memref<8192xf32, #tpu.memory_space<vmem>>
    %dma_wait3A_826 = tpu.memref_slice %arg4[%add3A_786] : memref<32768000xf32, #tpu.memory_space<hbm>> -> memref<8192xf32, #tpu.memory_space<hbm>>
    %dma_wait3A_827 = tpu.memref_slice %arg12[%dma_wait3A_823] : memref<2x!tpu.dma_semaphore, #tpu.memory_space<semaphore_mem>> -> memref<1x!tpu.dma_semaphore, #tpu.memory_space<semaphore_mem>>
    %dma_wait3A_828 = tpu.memref_squeeze %dma_wait3A_827 : memref<1x!tpu.dma_semaphore, #tpu.memory_space<semaphore_mem>> -> memref<!tpu.dma_semaphore, #tpu.memory_space<semaphore_mem>>
    %dma_wait3A_829 = tpu.memref_slice %arg4[%add3A_786] : memref<32768000xf32, #tpu.memory_space<hbm>> -> memref<8192xf32, #tpu.memory_space<hbm>>
    %dma_wait3A_830 = arith.constant 32768 : i32
    %dma_wait3A_831 = tpu.memref_slice %arg9[%dma_wait3A_830] : memref<40960xf32, #tpu.memory_space<vmem>> -> memref<8192xf32, #tpu.memory_space<vmem>>
    tpu.wait_dma2 semaphore(%dma_wait3A_828 : memref<!tpu.dma_semaphore, #tpu.memory_space<semaphore_mem>>) src(%dma_wait3A_831 : memref<8192xf32, #tpu.memory_space<vmem>>) dst(%dma_wait3A_829 : memref<8192xf32, #tpu.memory_space<hbm>>)
    %mul3A_832 = arith.constant 8192 : i32
    %mul3A_833 = arith.muli %add3A, %mul3A_832 : i32
    %add3A_834 = arith.constant 30146560 : i32
    %add3A_835 = arith.addi %add3A_834, %mul3A_833 : i32
    %mul3A_836 = arith.constant 8192 : i32
    %mul3A_837 = arith.muli %add3A, %mul3A_836 : i32
    %add3A_838 = arith.constant 30408704 : i32
    %add3A_839 = arith.addi %add3A_838, %mul3A_837 : i32
    %mul3A_840 = arith.constant 8192 : i32
    %mul3A_841 = arith.muli %add3A, %mul3A_840 : i32
    %add3A_842 = arith.constant 30670848 : i32
    %add3A_843 = arith.addi %add3A_842, %mul3A_841 : i32
    %mul3A_844 = arith.constant 8192 : i32
    %mul3A_845 = arith.muli %add3A, %mul3A_844 : i32
    %add3A_846 = arith.constant 30932992 : i32
    %add3A_847 = arith.addi %add3A_846, %mul3A_845 : i32
    %mul3A_848 = arith.constant 8192 : i32
    %mul3A_849 = arith.muli %add3A, %mul3A_848 : i32
    %add3A_850 = arith.constant 31195136 : i32
    %add3A_851 = arith.addi %add3A_850, %mul3A_849 : i32
    %dma_wait3A_852 = arith.constant 1 : i32
    %dma_wait3A_853 = arith.constant 0 : i32
    %dma_wait3A_854 = tpu.memref_slice %arg10[%dma_wait3A_853] : memref<40960xf32, #tpu.memory_space<vmem>> -> memref<8192xf32, #tpu.memory_space<vmem>>
    %dma_wait3A_855 = tpu.memref_slice %arg4[%add3A_835] : memref<32768000xf32, #tpu.memory_space<hbm>> -> memref<8192xf32, #tpu.memory_space<hbm>>
    %dma_wait3A_856 = tpu.memref_slice %arg12[%dma_wait3A_852] : memref<2x!tpu.dma_semaphore, #tpu.memory_space<semaphore_mem>> -> memref<1x!tpu.dma_semaphore, #tpu.memory_space<semaphore_mem>>
    %dma_wait3A_857 = tpu.memref_squeeze %dma_wait3A_856 : memref<1x!tpu.dma_semaphore, #tpu.memory_space<semaphore_mem>> -> memref<!tpu.dma_semaphore, #tpu.memory_space<semaphore_mem>>
    %dma_wait3A_858 = tpu.memref_slice %arg4[%add3A_835] : memref<32768000xf32, #tpu.memory_space<hbm>> -> memref<8192xf32, #tpu.memory_space<hbm>>
    %dma_wait3A_859 = arith.constant 0 : i32
    %dma_wait3A_860 = tpu.memref_slice %arg10[%dma_wait3A_859] : memref<40960xf32, #tpu.memory_space<vmem>> -> memref<8192xf32, #tpu.memory_space<vmem>>
    tpu.wait_dma2 semaphore(%dma_wait3A_857 : memref<!tpu.dma_semaphore, #tpu.memory_space<semaphore_mem>>) src(%dma_wait3A_860 : memref<8192xf32, #tpu.memory_space<vmem>>) dst(%dma_wait3A_858 : memref<8192xf32, #tpu.memory_space<hbm>>)
    %dma_wait3A_861 = arith.constant 1 : i32
    %dma_wait3A_862 = arith.constant 8192 : i32
    %dma_wait3A_863 = tpu.memref_slice %arg10[%dma_wait3A_862] : memref<40960xf32, #tpu.memory_space<vmem>> -> memref<8192xf32, #tpu.memory_space<vmem>>
    %dma_wait3A_864 = tpu.memref_slice %arg4[%add3A_839] : memref<32768000xf32, #tpu.memory_space<hbm>> -> memref<8192xf32, #tpu.memory_space<hbm>>
    %dma_wait3A_865 = tpu.memref_slice %arg12[%dma_wait3A_861] : memref<2x!tpu.dma_semaphore, #tpu.memory_space<semaphore_mem>> -> memref<1x!tpu.dma_semaphore, #tpu.memory_space<semaphore_mem>>
    %dma_wait3A_866 = tpu.memref_squeeze %dma_wait3A_865 : memref<1x!tpu.dma_semaphore, #tpu.memory_space<semaphore_mem>> -> memref<!tpu.dma_semaphore, #tpu.memory_space<semaphore_mem>>
    %dma_wait3A_867 = tpu.memref_slice %arg4[%add3A_839] : memref<32768000xf32, #tpu.memory_space<hbm>> -> memref<8192xf32, #tpu.memory_space<hbm>>
    %dma_wait3A_868 = arith.constant 8192 : i32
    %dma_wait3A_869 = tpu.memref_slice %arg10[%dma_wait3A_868] : memref<40960xf32, #tpu.memory_space<vmem>> -> memref<8192xf32, #tpu.memory_space<vmem>>
    tpu.wait_dma2 semaphore(%dma_wait3A_866 : memref<!tpu.dma_semaphore, #tpu.memory_space<semaphore_mem>>) src(%dma_wait3A_869 : memref<8192xf32, #tpu.memory_space<vmem>>) dst(%dma_wait3A_867 : memref<8192xf32, #tpu.memory_space<hbm>>)
    %dma_wait3A_870 = arith.constant 1 : i32
    %dma_wait3A_871 = arith.constant 16384 : i32
    %dma_wait3A_872 = tpu.memref_slice %arg10[%dma_wait3A_871] : memref<40960xf32, #tpu.memory_space<vmem>> -> memref<8192xf32, #tpu.memory_space<vmem>>
    %dma_wait3A_873 = tpu.memref_slice %arg4[%add3A_843] : memref<32768000xf32, #tpu.memory_space<hbm>> -> memref<8192xf32, #tpu.memory_space<hbm>>
    %dma_wait3A_874 = tpu.memref_slice %arg12[%dma_wait3A_870] : memref<2x!tpu.dma_semaphore, #tpu.memory_space<semaphore_mem>> -> memref<1x!tpu.dma_semaphore, #tpu.memory_space<semaphore_mem>>
    %dma_wait3A_875 = tpu.memref_squeeze %dma_wait3A_874 : memref<1x!tpu.dma_semaphore, #tpu.memory_space<semaphore_mem>> -> memref<!tpu.dma_semaphore, #tpu.memory_space<semaphore_mem>>
    %dma_wait3A_876 = tpu.memref_slice %arg4[%add3A_843] : memref<32768000xf32, #tpu.memory_space<hbm>> -> memref<8192xf32, #tpu.memory_space<hbm>>
    %dma_wait3A_877 = arith.constant 16384 : i32
    %dma_wait3A_878 = tpu.memref_slice %arg10[%dma_wait3A_877] : memref<40960xf32, #tpu.memory_space<vmem>> -> memref<8192xf32, #tpu.memory_space<vmem>>
    tpu.wait_dma2 semaphore(%dma_wait3A_875 : memref<!tpu.dma_semaphore, #tpu.memory_space<semaphore_mem>>) src(%dma_wait3A_878 : memref<8192xf32, #tpu.memory_space<vmem>>) dst(%dma_wait3A_876 : memref<8192xf32, #tpu.memory_space<hbm>>)
    %dma_wait3A_879 = arith.constant 1 : i32
    %dma_wait3A_880 = arith.constant 24576 : i32
    %dma_wait3A_881 = tpu.memref_slice %arg10[%dma_wait3A_880] : memref<40960xf32, #tpu.memory_space<vmem>> -> memref<8192xf32, #tpu.memory_space<vmem>>
    %dma_wait3A_882 = tpu.memref_slice %arg4[%add3A_847] : memref<32768000xf32, #tpu.memory_space<hbm>> -> memref<8192xf32, #tpu.memory_space<hbm>>
    %dma_wait3A_883 = tpu.memref_slice %arg12[%dma_wait3A_879] : memref<2x!tpu.dma_semaphore, #tpu.memory_space<semaphore_mem>> -> memref<1x!tpu.dma_semaphore, #tpu.memory_space<semaphore_mem>>
    %dma_wait3A_884 = tpu.memref_squeeze %dma_wait3A_883 : memref<1x!tpu.dma_semaphore, #tpu.memory_space<semaphore_mem>> -> memref<!tpu.dma_semaphore, #tpu.memory_space<semaphore_mem>>
    %dma_wait3A_885 = tpu.memref_slice %arg4[%add3A_847] : memref<32768000xf32, #tpu.memory_space<hbm>> -> memref<8192xf32, #tpu.memory_space<hbm>>
    %dma_wait3A_886 = arith.constant 24576 : i32
    %dma_wait3A_887 = tpu.memref_slice %arg10[%dma_wait3A_886] : memref<40960xf32, #tpu.memory_space<vmem>> -> memref<8192xf32, #tpu.memory_space<vmem>>
    tpu.wait_dma2 semaphore(%dma_wait3A_884 : memref<!tpu.dma_semaphore, #tpu.memory_space<semaphore_mem>>) src(%dma_wait3A_887 : memref<8192xf32, #tpu.memory_space<vmem>>) dst(%dma_wait3A_885 : memref<8192xf32, #tpu.memory_space<hbm>>)
    %dma_wait3A_888 = arith.constant 1 : i32
    %dma_wait3A_889 = arith.constant 32768 : i32
    %dma_wait3A_890 = tpu.memref_slice %arg10[%dma_wait3A_889] : memref<40960xf32, #tpu.memory_space<vmem>> -> memref<8192xf32, #tpu.memory_space<vmem>>
    %dma_wait3A_891 = tpu.memref_slice %arg4[%add3A_851] : memref<32768000xf32, #tpu.memory_space<hbm>> -> memref<8192xf32, #tpu.memory_space<hbm>>
    %dma_wait3A_892 = tpu.memref_slice %arg12[%dma_wait3A_888] : memref<2x!tpu.dma_semaphore, #tpu.memory_space<semaphore_mem>> -> memref<1x!tpu.dma_semaphore, #tpu.memory_space<semaphore_mem>>
    %dma_wait3A_893 = tpu.memref_squeeze %dma_wait3A_892 : memref<1x!tpu.dma_semaphore, #tpu.memory_space<semaphore_mem>> -> memref<!tpu.dma_semaphore, #tpu.memory_space<semaphore_mem>>
    %dma_wait3A_894 = tpu.memref_slice %arg4[%add3A_851] : memref<32768000xf32, #tpu.memory_space<hbm>> -> memref<8192xf32, #tpu.memory_space<hbm>>
    %dma_wait3A_895 = arith.constant 32768 : i32
    %dma_wait3A_896 = tpu.memref_slice %arg10[%dma_wait3A_895] : memref<40960xf32, #tpu.memory_space<vmem>> -> memref<8192xf32, #tpu.memory_space<vmem>>
    tpu.wait_dma2 semaphore(%dma_wait3A_893 : memref<!tpu.dma_semaphore, #tpu.memory_space<semaphore_mem>>) src(%dma_wait3A_896 : memref<8192xf32, #tpu.memory_space<vmem>>) dst(%dma_wait3A_894 : memref<8192xf32, #tpu.memory_space<hbm>>)
    return
  }
}

module attributes {stable_mosaic.version = 14 : i64} {
  func.func @_predict_body(%arg0: memref<15360x128xf32, #tpu.memory_space<vmem>>, %arg1: memref<2560x1xi32, #tpu.memory_space<vmem>>, %arg2: memref<5x12800xf32, #tpu.memory_space<vmem>>) attributes {dimension_semantics = [], scalar_prefetch = 0 : i64, scratch_operands = 0 : i64, tpu.core_type = #tpu.core_type<tc>} {
    %get3A = arith.constant 0 : index
    %get3A_0 = arith.constant 0 : index
    %get3A_1 = vector.load %arg0[%get3A, %get3A_0] : memref<15360x128xf32, #tpu.memory_space<vmem>>, vector<2560x128xf32>
    %get3A_2 = arith.constant 2560 : index
    %get3A_3 = arith.constant 0 : index
    %get3A_4 = vector.load %arg0[%get3A_2, %get3A_3] : memref<15360x128xf32, #tpu.memory_space<vmem>>, vector<12800x128xf32>
    %get3A_5 = arith.constant 0 : index
    %get3A_6 = arith.constant 0 : index
    %get3A_7 = vector.load %arg1[%get3A_5, %get3A_6] : memref<2560x1xi32, #tpu.memory_space<vmem>>, vector<2560x1xi32>
    %iota3A = tpu.iota {dimensions = array<i32: 1>} : vector<2560x5xi32>
    %eq3A = vector.broadcast %get3A_7 : vector<2560x1xi32> to vector<2560x5xi32>
    %eq3A_8 = arith.cmpi eq, %eq3A, %iota3A : vector<2560x5xi32>
    %convert_element_type3A = arith.extui %eq3A_8 : vector<2560x5xi1> to vector<2560x5xi32>
    %convert_element_type3A_9 = arith.sitofp %convert_element_type3A : vector<2560x5xi32> to vector<2560x5xf32>
    %dot_general3A = arith.constant dense<0.000000e+00> : vector<5x128xf32>
    %dot_general3A_10 = tpu.matmul %convert_element_type3A_9, %get3A_1, %dot_general3A {dimension_numbers = #tpu.dot_dimension_numbers<[0], [0], [1], [1], [0, 1, 1, 1], [], []>, precision = #tpu.contract_precision<fp32>, transpose_lhs_hint = false} : vector<2560x5xf32>, vector<2560x128xf32>, vector<5x128xf32> -> vector<5x128xf32>
    %reduce_sum3A = arith.constant dense<0.000000e+00> : vector<5xf32>
    %reduce_sum3A_11 = vector.multi_reduction <add>, %convert_element_type3A_9, %reduce_sum3A [0] : vector<2560x5xf32> to vector<5xf32>
    %max3A = arith.constant 1.000000e+00 : f32
    %max3A_12 = vector.broadcast %max3A : f32 to vector<5xf32>
    %max3A_13 = arith.maximumf %reduce_sum3A_11, %max3A_12 : vector<5xf32>
    %broadcast_in_dim3A = vector.shape_cast %max3A_13 : vector<5xf32> to vector<5x1xf32>
    %div3A = vector.broadcast %broadcast_in_dim3A : vector<5x1xf32> to vector<5x128xf32>
    %div3A_14 = arith.divf %dot_general3A_10, %div3A : vector<5x128xf32>
    %mul3A = arith.mulf %div3A_14, %div3A_14 : vector<5x128xf32>
    %reduce_sum3A_15 = arith.constant dense<0.000000e+00> : vector<5xf32>
    %reduce_sum3A_16 = vector.multi_reduction <add>, %mul3A, %reduce_sum3A_15 [1] : vector<5x128xf32> to vector<5xf32>
    %broadcast_in_dim3A_17 = vector.shape_cast %reduce_sum3A_16 : vector<5xf32> to vector<5x1xf32>
    %dot_general3A_18 = arith.constant dense<0.000000e+00> : vector<5x12800xf32>
    %dot_general3A_19 = tpu.matmul %div3A_14, %get3A_4, %dot_general3A_18 {dimension_numbers = #tpu.dot_dimension_numbers<[1], [1], [0], [0], [0, 0, 1, 0], [], []>, precision = #tpu.contract_precision<fp32>, transpose_lhs_hint = false} : vector<5x128xf32>, vector<12800x128xf32>, vector<5x12800xf32> -> vector<5x12800xf32>
    %mul3A_20 = arith.constant 2.000000e+00 : f32
    %mul3A_21 = vector.broadcast %mul3A_20 : f32 to vector<5x12800xf32>
    %mul3A_22 = arith.mulf %mul3A_21, %dot_general3A_19 : vector<5x12800xf32>
    %sub3A = vector.broadcast %broadcast_in_dim3A_17 : vector<5x1xf32> to vector<5x12800xf32>
    %sub3A_23 = arith.subf %mul3A_22, %sub3A : vector<5x12800xf32>
    %reduce_max3A = arith.constant dense<0xFF800000> : vector<12800xf32>
    %reduce_max3A_24 = vector.multi_reduction <maximumf>, %sub3A_23, %reduce_max3A [0] : vector<5x12800xf32> to vector<12800xf32>
    %broadcast_in_dim3A_25 = vector.shape_cast %reduce_max3A_24 : vector<12800xf32> to vector<1x12800xf32>
    %sub3A_26 = vector.broadcast %broadcast_in_dim3A_25 : vector<1x12800xf32> to vector<5x12800xf32>
    %sub3A_27 = arith.subf %sub3A_23, %sub3A_26 : vector<5x12800xf32>
    %exp3A = math.exp %sub3A_27 : vector<5x12800xf32>
    %reduce_sum3A_28 = arith.constant dense<0.000000e+00> : vector<12800xf32>
    %reduce_sum3A_29 = vector.multi_reduction <add>, %exp3A, %reduce_sum3A_28 [0] : vector<5x12800xf32> to vector<12800xf32>
    %broadcast_in_dim3A_30 = vector.shape_cast %reduce_sum3A_29 : vector<12800xf32> to vector<1x12800xf32>
    %div3A_31 = vector.broadcast %broadcast_in_dim3A_30 : vector<1x12800xf32> to vector<5x12800xf32>
    %div3A_32 = arith.divf %exp3A, %div3A_31 : vector<5x12800xf32>
    %swap3A = arith.constant 0 : index
    %swap3A_33 = arith.constant 0 : index
    %swap3A_34 = vector.load %arg2[%swap3A, %swap3A_33] : memref<5x12800xf32, #tpu.memory_space<vmem>>, vector<5x12800xf32>
    tpu.vector_store %arg2[%swap3A, %swap3A_33], %div3A_32 {strides = array<i32>} : memref<5x12800xf32, #tpu.memory_space<vmem>>, vector<5x12800xf32>,
    return
  }
}

</mosaic_0001>

<sc_bundles>
// kernel: kernel.4.cloned.1.call-start
scs
__scs_entry_jumppad:
0x0: {  	(pc) =	sbr.rel $0x88, $3  }
0x1: {  	(tag) =	ssettag $0x0;
	lr =	simm.s32 $0x1  }
0x2: {  	[smem:$0x3F9E] =	sst lr;
	_ =	strace $0xD0000000  }
0x3: {  	_ = 	snop  }
0x4: {  	_ = 	snop  }
0x5: {  	_ = 	snop  }
0x6: {  	_ = 	snop  }
0x7: {  	_ = 	snop  }
__scs_overlays_trampoline_lowered:
0x8: {  	[smem:$0x3FAD] =	sst s0  }
0x9: {  	[smem:$0x3FAE] =	sst s1  }
0xa: {  	[smem:$0x3FAF] =	sst s2  }
0xb: {  	[smem:$0x3FB0] =	sst s3  }
0xc: {  	[smem:$0x3FB1] =	sst s4  }
0xd: {  	[smem:$0x3FB2] =	sst s5  }
0xe: {  	[smem:$0x3FB3] =	sst s6  }
0xf: {  	[smem:$0x3FB4] =	sst s7  }
0x10: {  	[smem:$0x3FB5] =	sst s8  }
0x11: {  	[smem:$0x3FB6] =	sst s9;
	s0 =	simm.s32 @!p0 $0x0  }
0x12: {  	s1 =	sld [smem:$0x3F9C];
	s0 =	simm.s32 @p0 $0x1  }
0x13: {  	[smem:$0x3FB7] =	sst s0;
	s0 =	simm.s32 @!p1 $0x0  }
0x14: {  	s2 =	sld [smem:$0x3F9B];
	s0 =	simm.s32 @p1 $0x1  }
0x15: {  	[smem:$0x3FB8] =	sst s0;
	s0 =	simm.s32 @!p2 $0x0  }
0x16: {  	s3 =	sld [smem:$0x3FDB];
	s0 =	simm.s32 @p2 $0x1  }
0x17: {  	s4 =	simm.s32 $0x1BF5;
	[smem:$0x3FBA] =	sst s0  }
0x18: {  	s0 =	sld [smem:$0x3F9D];
	_ =	swait.ge [sflag:s4], $0x0  }
0x19: {  	s7 =	sld [smem:$0x3F9E]  }
0x1a: {  	s8 =	sadd.s32 $0xFFFFE003, lr  }
0x1b: {  	s9 =	sadd.s32 $0xFFFFFEF7, lr;
	s5 =	simm.s32 $0xFFFFFFFF;
	p2 =	slt.u32 s8, $0xFFFFF086  }
0x1c: {  	p1 =	slt.u32 s9, $0xF7A;
	s5 =	simm.s32 @!p2 $0x0  }
0x1d: {  	s5 =	simm.s32 @p1 $0x1;
	p0 =	seq.s32 s7, s2  }
0x1e: {  	s7 =	smul.u32 @!p0 $0xF7A, s2;
	p2 =	seq.s32 @!p0 s5, $0x0  }
0x1f: {  	s9 =	smul.u32 $0xF7A, s1;
	s8 =	simm.s32 @!p0 $0x1BF5;
	p2 =	por !p2, p0  }
0x20: {  	[sflag:s8] =	ssyncset.s32 @!p0 $0xFFFFF086;
	s6 =	sadd.s32 @!p0 s3, s7;
	s7 =	simm.s32 @!p0 $0x108  }
0x21: {  	s3 =	sadd.s32 s3, s9;
	s6 =	sadd.s32 @!p0 $0x88, s6;
	s7 =	simm.s32 @p2 $0x1082  }
0x22: {  	[simem:s7], [sflag:s8] =	dma.local @!p0 [hbm:s6], $0xF7A  }
0x23: {  	s9 =	sor.u32 $0xD0000000, s2;
	s6 =	simm.s32 $0x108;
	_ =	swait.ge @!p0 [sflag:s8], $0x0  }
0x24: {  	s3 =	sadd.s32 $0x88, s3;
	s6 =	simm.s32 @!p1 $0x1082;
	[sflag:s4] =	ssyncset.s32 $0xFFFFF086  }
0x25: {  	[simem:s6], [sflag:s4] =	dma.local [hbm:s3], $0xF7A  }
0x26: {  	[smem:$0x3F9E] =	sst s1;
	(tag) =	ssettag s2;
	_ =	strace s9  }
0x27: {  	s1 =	sld [smem:$0x3FAE]  }
0x28: {  	s2 =	sld [smem:$0x3FAF]  }
0x29: {  	s4 =	sld [smem:$0x3FB1]  }
0x2a: {  	p0 =	seq.s32 s5, $0x0;
	s5 =	sld [smem:$0x3FB2]  }
0x2b: {  	s6 =	sld [smem:$0x3FB3]  }
0x2c: {  	s7 =	sld [smem:$0x3FB4]  }
0x2d: {  	s3 =	simm.s32 $0x108;
	s8 =	sld [smem:$0x3FB5]  }
0x2e: {  	s3 =	simm.s32 @!p0 $0x1082;
	s9 =	sld [smem:$0x3FB6]  }
0x2f: {  	lr =	sadd.s32 s0, s3;
	s0 =	sld [smem:$0x3FAD]  }
0x30: {  	s3 =	sld [smem:$0x3FB0]  }
0x31: {  	[smem:$0x3FB9] =	sst s10  }
0x32: {  	s10 =	sld [smem:$0x3FB7];
	_ =	sdelay $0x3  }
0x33: {  	p0 =	seq.s32 s10, $0x1;
	s10 =	sld [smem:$0x3FB9];
	_ =	sdelay $0x3  }
0x34: {  	[smem:$0x3FB9] =	sst s10  }
0x35: {  	s10 =	sld [smem:$0x3FB8];
	_ =	sdelay $0x3  }
0x36: {  	p1 =	seq.s32 s10, $0x1;
	s10 =	sld [smem:$0x3FB9];
	_ =	sdelay $0x3  }
0x37: {  	[smem:$0x3FB9] =	sst s10  }
0x38: {  	s10 =	sld [smem:$0x3FBA]  }
0x39: {  	_ = 	snop;
	(pc) =	sbr.ind lr, $3  }
0x3a: {  	_ = 	snop  }
0x3b: {  	_ = 	snop  }
0x3c: {  	p2 =	seq.s32 s10, $0x1;
	s10 =	sld [smem:$0x3FB9]  }
0x3d: {  	_ =	shalt  }
0x3e: {  	_ =	shalt  }
0x3f: {  	_ =	shalt  }
0x40: {  	_ =	shalt  }
0x41: {  	_ =	shalt  }
0x42: {  	_ =	shalt  }
0x43: {  	_ =	shalt  }
0x44: {  	_ =	shalt  }
0x45: {  	_ =	shalt  }
0x46: {  	_ =	shalt  }
0x47: {  	_ =	shalt  }
0x48: {  	_ =	shalt  }
0x49: {  	_ =	shalt  }
0x4a: {  	_ =	shalt  }
0x4b: {  	_ =	shalt  }
0x4c: {  	_ =	shalt  }
0x4d: {  	_ =	shalt  }
0x4e: {  	_ =	shalt  }
0x4f: {  	_ =	shalt  }
0x50: {  	_ =	shalt  }
0x51: {  	_ =	shalt  }
0x52: {  	_ =	shalt  }
0x53: {  	_ =	shalt  }
0x54: {  	_ =	shalt  }
0x55: {  	_ =	shalt  }
0x56: {  	_ =	shalt  }
0x57: {  	_ =	shalt  }
0x58: {  	_ =	shalt  }
0x59: {  	_ =	shalt  }
0x5a: {  	_ =	shalt  }
0x5b: {  	_ =	shalt  }
0x5c: {  	_ =	shalt  }
0x5d: {  	_ =	shalt  }
0x5e: {  	_ =	shalt  }
0x5f: {  	_ =	shalt  }
0x60: {  	_ =	shalt  }
0x61: {  	_ =	shalt  }
0x62: {  	_ =	shalt  }
0x63: {  	_ =	shalt  }
0x64: {  	_ =	shalt  }
0x65: {  	_ =	shalt  }
0x66: {  	_ =	shalt  }
0x67: {  	_ =	shalt  }
0x68: {  	_ =	shalt  }
0x69: {  	_ =	shalt  }
0x6a: {  	_ =	shalt  }
0x6b: {  	_ =	shalt  }
0x6c: {  	_ =	shalt  }
0x6d: {  	_ =	shalt  }
0x6e: {  	_ =	shalt  }
0x6f: {  	_ =	shalt  }
0x70: {  	_ =	shalt  }
0x71: {  	_ =	shalt  }
0x72: {  	_ =	shalt  }
0x73: {  	_ =	shalt  }
0x74: {  	_ =	shalt  }
0x75: {  	_ =	shalt  }
0x76: {  	_ =	shalt  }
0x77: {  	_ =	shalt  }
0x78: {  	_ =	shalt  }
0x79: {  	_ =	shalt  }
0x7a: {  	_ =	shalt  }
0x7b: {  	_ =	shalt  }
0x7c: {  	_ =	shalt  }
0x7d: {  	_ =	shalt  }
0x7e: {  	_ =	shalt  }
0x7f: {  	_ =	shalt  }
0x80: {  	_ =	shalt  }
0x81: {  	_ =	shalt  }
0x82: {  	_ =	shalt  }
0x83: {  	_ =	shalt  }
0x84: {  	_ =	shalt  }
0x85: {  	_ =	shalt  }
0x86: {  	_ =	shalt  }
0x87: {  	_ =	shalt  }
.Lfunc_end0:
.L_simem_size_0:
called_computation_lowered:
.L_overlay_start_0:
0x88: {  	s2 =	sld [smem:$0x3FD9]  }
0x89: {  	s3 =	sld [smem:$0x3FFE];
	_ =	sdelay $0x1  }
0x8a: {  	s1 =	srdreg.scid  }
0x8b: {  	s0 =	sand.u32 $0x1, s1  }
0x8c: {  	s15 =	sshll.u32 s0, $0xA;
	s2 =	sadd.s32 s3, s2  }
0x8d: {  	s2 =	sadd.s32 s2, s15  }
0x8e: {  	[smem:$0x3FC5] =	sst s2  }
0x8f: {  	_ = 	snop  }
0x90: {  	s2 =	sld [smem:$0x3FD0];
	_ =	sdelay $0x2  }
0x91: {  	s4 =	simm.s32 $0xA;
	s5 =	simm.s32 $0x10;
	s16 =	sld [smem:$0x3FC7]  }
0x92: {  	[smem:s5], [sflag:s4] =	dma.local [hbm:s2], $0x1  }
0x93: {  	_ =	swait.eq [sflag:s4], $0x1  }
0x94: {  	[sflag:s4] =	ssyncset.done $0x0  }
0x95: {  	s17 =	sld [smem:$0x10];
	[sflag:s4] =	ssyncadd.s32 $0xFFFFFFFF  }
0x96: {  	s18 =	sld [smem:$0x11];
	(tm) =	ssettm $0x1  }
0x97: {  	s19 =	sld [smem:$0x3FFB];
	_ =	sdelay $0x3  }
0x98: {  	_ =	strace s19  }
0x99: {  	s5 =	sld [smem:$0x3FFC];
	_ =	sdelay $0x3  }
0x9a: {  	_ =	strace s5  }
0x9b: {  	s5 =	sld [smem:$0x3FFD];
	_ =	sdelay $0x3  }
0x9c: {  	_ =	strace s5  }
0x9d: {  	_ =	strace $0x8FFFFFFF  }
0x9e: {  	s20 =	sld [smem:$0x3FDB];
	_ =	sdelay $0x1  }
0x9f: {  	s6 =	simm.s32 $_scs_section_size  }
0xa0: {  	s7 =	simm.s32 $_size__tile_overlayer_lowered;
	s8 =	simm.s32 $_tile_overlayer_lowered  }
0xa1: {  	s23 =	simm.s32 $0x1BFF;
	s22 =	sshll.u32 s8, $0x1;
	s5 =	sadd.s32 s6, s20  }
0xa2: {  	s9 =	simm.s32 $0x0;
	s21 =	sshll.u32 s7, $0x1;
	s7 =	sadd.s32 s22, s5  }
0xa3: {  	[timem:s9], [sflag:s23] =	dma.local [hbm:s7], s21  }
0xa4: {  	_ =	swait.ge [sflag:s23], s21  }
0xa5: {  	s6 =	ssub.s32 $0x0, s21;
	[sflag:s23] =	ssyncset.done $0x0  }
0xa6: {  	[sflag:s23] =	ssyncadd.s32 s6;
	_ =	sdelay $0x1  }
0xa7: {  	s24 =	simm.s32 $0x1B8B  }
0xa8: {  	_ =	swait.ge [sflag:s24], $0x1  }
0xa9: {  	[sflag:s24] =	ssyncset.done $0x0  }
0xaa: {  	s25 =	simm.s32 $0x1B8E;
	[sflag:s24] =	ssyncadd.s32 $0xFFFFFFFF  }
0xab: {  	s26 =	simm.s32 $execute0_lowered;
	[smem:$0x3FD2] =	sst s25  }
0xac: {  	s6 =	sshll.u32 s26, $0x1;
	_ =	strace $0x80000046;
	[dreg:$0x1] =	wrdreg $0xFFFFFFFF  }
0xad: {  	s28 =	simm.s32 $_size_execute0_lowered;
	s5 =	sadd.s32 s5, s6;
	[dreg:$0x0] =	wrdreg $0x0  }
0xae: {  	s6 =	sshll.u32 s28, $0x1;
	[dreg:$0x2] =	wrdreg s5  }
0xaf: {  	[dreg:$0x3] =	wrdreg s6  }
0xb0: {  	[dreg:$0x4] =	wrdreg $0xC0  }
0xb1: {  	_ =	task [dreg:s9], $0x5FFFF  }
0xb2: {  	[dreg:$0x1] =	wrdreg $0xFFFFFFFF  }
0xb3: {  	[dreg:$0x0] =	wrdreg $0x60  }
0xb4: {  	[dreg:$0x2] =	wrdreg s18  }
0xb5: {  	[dreg:$0x3] =	wrdreg s16  }
0xb6: {  	[dreg:$0x4] =	wrdreg s17  }
0xb7: {  	[dreg:$0x5] =	wrdreg $0x9  }
0xb8: {  	_ =	task.clear_ibuf [dreg:s9], $0x6FFFF;
	_ =	strace $0x90000046  }
0xb9: {  	s29 =	simm.s32 $0x9;
	_ =	strace $0x80000048  }
0xba: {  	_ =	swait.ge [sflag:s29], $0x1  }
0xbb: {  	[sflag:s29] =	ssyncadd.s32 $0xFFFFFFFF  }
0xbc: {  	_ =	strace $0x90000048  }
0xbd: {  	_ =	sfence  }
0xbe: {  	s30 =	sld [smem:$0x0];
	_ =	sdelay $0x2  }
0xbf: {  	s31 =	sshll.u32 s1, $0xD;
	s1 =	sshrl.u32 s1, $0x2  }
0xc0: {  	s3 =	sand.u32 $0x4000, s31;
	s1 =	sadd.s32 s1, s30  }
0xc1: {  	s0 =	sor.u32 s3, s0;
	s1 =	sshll.u32 s1, $0x11  }
0xc2: {  	s0 =	sor.u32 s1, s0  }
0xc3: {  	s0 =	sadd.s32 $0x8F2B, s0  }
0xc4: {  	[sflag:s0] =	ssyncadd.remote.s32 $0x1  }
0xc5: {  	_ =	sfence.sel $0xFFFF  }
0xc6: {  	[dreg:$0x0] =	wrdreg $0xFFFFFFFF;
	(pc) =	sbr.abs _section_cstart, $3  }
0xc7: {  	[dreg:$0x1] =	wrdreg $0xFFFFFFFF  }
0xc8: {  	_ =	task.clear_ibuf [dreg:s9], $0x2FFFF;
	_ =	strace $0x9FFFFFFF  }
0xc9: {  	(tm) =	ssettm $0x7FFFFFFF  }
tec
execute0_lowered:
.L_overlay_start_1:
0x0: {  	(tag) =	ssettag $0x1  }
0x1: {  	s8 =	rddreg [dreg:$0x0]  }
0x2: {  	s9 =	rddreg [dreg:$0x1];
	s0 =	srdreg.scid  }
0x3: {  	s4 =	rddreg [dreg:$0x2];
	s1 =	stileid.u32;
	s5 =	simm.s32 $0x0  }
0x4: {  	s0 =	sand.u32 $0x1, s0;
	s1 =	sshll.u32 s1, $0xE;
	[smem:$0x7FF] =	sst s5  }
0x5: {  	s25 =	sadd.s32 $0x200, s8;
	s2 =	sshll.u32 s0, $0xD;
	s0 =	ssub.s32 $0x2, s0  }
0x6: {  	_ =	strace $0x80000047;
	s12 =	sor.u32 s2, s1;
	s23 =	sshrl.u32 s0, $0x1  }
0x7: {  	[dreg:$0x5] =	wrdreg s25;
	s0 =	ssub.s32 s0, s23;
	s23 =	sor.u32 $0x80000, s12  }
0x8: {  	s2 =	sshrl.u32 s12, $0x3;
	s0 =	smax.u32 s0, $0x1;
	[dreg:$0x15] =	wrdreg s23  }
0x9: {  	s24 =	sor.u32 $0x28000, s2;
	s10 =	sadd.s32 s4, s2;
	[dreg:$0x14] =	wrdreg s0  }
0xa: {  	s26 =	sor.u32 $0x30000, s2;
	s3 =	sadd.s32 s9, s24;
	[dreg:$0x7] =	wrdreg s10  }
0xb: {  	s7 =	sadd.s32 s9, s26;
	[dreg:$0x4] =	wrdreg s3  }
0xc: {  	s14 =	sadd.s32 $0x10000, s10;
	[dreg:$0x6] =	wrdreg s7  }
0xd: {  	s15 =	sadd.s32 $0x18000, s10;
	[dreg:$0x9] =	wrdreg s14  }
0xe: {  	s17 =	sor.u32 $0x38000, s2;
	s16 =	sadd.s32 $0x20000, s10;
	[dreg:$0xa] =	wrdreg s15  }
0xf: {  	s11 =	sadd.s32 s9, s17;
	[dreg:$0xb] =	wrdreg s16  }
0x10: {  	s1 =	sadd.s32 s4, s24;
	[dreg:$0xc] =	wrdreg s11  }
0x11: {  	s18 =	sor.u32 $0x40000, s2;
	s19 =	sadd.s32 s4, s17;
	[dreg:$0xd] =	wrdreg s1  }
0x12: {  	s20 =	sadd.s32 s4, s18;
	[dreg:$0xf] =	wrdreg s19  }
0x13: {  	s21 =	sadd.s32 $0x48000, s10;
	[dreg:$0x10] =	wrdreg s20  }
0x14: {  	s24 =	sadd.s32 $0x370000, s10;
	[dreg:$0x11] =	wrdreg s21  }
0x15: {  	s25 =	sadd.s32 $0x378000, s10;
	[dreg:$0x16] =	wrdreg s24  }
0x16: {  	s13 =	sadd.s32 $0x8000, s4;
	s17 =	sadd.s32 $0x3A0000, s10;
	[dreg:$0x17] =	wrdreg s25  }
0x17: {  	s6 =	smov.u32 s13;
	s23 =	sadd.s32 $0x3D0000, s10;
	[dreg:$0x1d] =	wrdreg s17  }
0x18: {  	s29 =	sor.u32 $0xC0000, s12;
	s7 =	sadd.s32 s2, s13;
	[smem:$0x7FB] =	sst s23  }
0x19: {  	s30 =	sor.u32 $0x100000, s12;
	s3 =	sadd.s32 s4, s26;
	[dreg:$0x8] =	wrdreg s7  }
0x1a: {  	s22 =	sadd.s32 s2, s9;
	s1 =	sadd.s32 s9, s18;
	[dreg:$0xe] =	wrdreg s3  }
0x1b: {  	s11 =	smov.u32 s9;
	s9 =	sadd.s32 $0x380000, s10;
	[dreg:$0x12] =	wrdreg s1  }
0x1c: {  	s31 =	sor.u32 $0x1C0000, s12;
	s13 =	sadd.s32 $0x390000, s10;
	[dreg:$0x18] =	wrdreg s9  }
0x1d: {  	s28 =	smov.u32 s12;
	s14 =	sadd.s32 $0x3000, s8;
	[dreg:$0x1a] =	wrdreg s13  }
0x1e: {  	s0 =	sor.u32 $0x180000, s12;
	s15 =	sadd.s32 $0x398000, s10;
	[dreg:$0x1b] =	wrdreg s14  }
0x1f: {  	s16 =	sadd.s32 $0x400, s8;
	s18 =	sadd.s32 $0x3A8000, s10;
	[dreg:$0x1c] =	wrdreg s15  }
0x20: {  	s26 =	sadd.s32 $0x600, s8;
	s19 =	sadd.s32 $0x3B0000, s10;
	[dreg:$0x1e] =	wrdreg s18  }
0x21: {  	s2 =	sor.u32 $0x240000, s12;
	s20 =	sadd.s32 $0x3B8000, s10;
	[dreg:$0x1f] =	wrdreg s19  }
0x22: {  	s21 =	sadd.s32 $0x3C0000, s10;
	s24 =	sadd.s32 $0x3D8000, s10;
	[smem:$0x7F8] =	sst s20  }
0x23: {  	s25 =	sadd.s32 $0x3E0000, s10;
	s8 =	simm.s32 $0x0;
	[smem:$0x7F9] =	sst s21  }
0x24: {  	s1 =	sadd.s32 $0xE8000, s22;
	s7 =	sor.u32 $0x140000, s12;
	[smem:$0x7FC] =	sst s24  }
0x25: {  	s22 =	sadd.s32 $0x3C8000, s10;
	[smem:$0x7FD] =	sst s25;
	s14 =	simm.s32 $0x1  }
0x26: {  	s21 =	simm.s32 $0x2;
	s13 =	simm.s32 $0x4;
	[dreg:$0x13] =	wrdreg s1  }
0x27: {  	s1 =	sor.u32 $0x200000, s12;
	s12 =	sadd.s32 $0x388000, s10;
	[smem:$0x7FA] =	sst s22  }
0x28: {  	s10 =	simm.s32 $0x3;
	[dreg:$0x19] =	wrdreg s12;
	s12 =	simm.s32 $0x1000  }
.LBB2_1:
0x29: {  	[smem:$0x7F7] =	sst s8  }
0x2a: {  	s3 =	rddreg [dreg:$0x0]  }
0x2b: {  	[tilespmem:s5], [sflag:$0x1] =	stream.linear.gather [hbm4b:s3+s5], $0x1000, $0x38;
	[tilespmem:$0x1A000] =	vst v63  }
0x2c: {  	s20 =	rddreg [dreg:$0x4];
	s22 =	simm.s32 $0x2000  }
0x2d: {  	[tilespmem:s22], [sflag:$0x1] =	stream.linear.gather [hbm4b:s20+s5], $0x2000, $0x38;
	[tilespmem:$0x1A000] =	vst v63  }
0x2e: {  	s23 =	rddreg [dreg:$0x5]  }
0x2f: {  	[tilespmem:s12], [sflag:$0x2] =	stream.linear.gather [hbm4b:s23+s5], $0x1000, $0x38;
	[tilespmem:$0x1A000] =	vst v63  }
0x30: {  	s24 =	rddreg [dreg:$0x6];
	s25 =	simm.s32 $0x4000  }
0x31: {  	[tilespmem:s25], [sflag:$0x2] =	stream.linear.gather [hbm4b:s24+s5], $0x2000, $0x38;
	[tilespmem:$0x1A000] =	vst v63  }
0x32: {  	_ =	swait.ge [sflag:s14], $0x1000  }
0x33: {  	[sflag:s14] =	ssyncset.done $0x0  }
0x34: {  	[sflag:s14] =	ssyncadd.s32 $0xFFFFF000  }
0x35: {  	_ =	swait.ge [sflag:s14], $0x2000  }
0x36: {  	[sflag:s14] =	ssyncset.done $0x0  }
0x37: {  	s8 =	simm.s32 $0x0;
	[sflag:s14] =	ssyncadd.s32 $0xFFFFE000  }
0x38: {  	v0 =	vld [tilespmem:s8+$0x2030]  }
0x39: {  	v1 =	vld [tilespmem:s8+$0x2000];
	_ =	sdelay $0x2  }
0x3a: {  	v2 =	vld [tilespmem:s8+$0x2010]  }
0x3b: {  	v3 =	vld [tilespmem:s8+$0x2020];
	v4 =	vshll.u32 v0, $0x3  }
0x3c: {  	v5 =	vshll.u32 v1, $0x3;
	v0 =	vand.u32 $0x7F, v0;
	v4 =	vand.u32 $0xFFFFFC00, v4  }
0x3d: {  	v1 =	vand.u32 $0x7F, v1;
	v5 =	vand.u32 $0xFFFFFC00, v5;
	v4 =	vor.u32 v0, v4  }
0x3e: {  	v1 =	vor.u32 v1, v5  }
0x3f: {  	v0 =	vshll.u32 v2, $0x3  }
0x40: {  	v2 =	vand.u32 $0x7F, v2;
	v5 =	vshll.u32 v3, $0x3;
	v0 =	vand.u32 $0xFFFFFC00, v0  }
0x41: {  	v3 =	vand.u32 $0x7F, v3;
	v6 =	vor.u32 v2, v0;
	v0 =	vand.u32 $0xFFFFFC00, v5  }
0x42: {  	v3 =	vor.u32 v3, v0;
	v0 =	vld.idx.msk [tilespmem:v4+s5+$0x0], $0xffff  }
0x43: {  	v5 =	vor.u32 $0x80, v4;
	v2 =	vld.idx.msk [tilespmem:v1+s5+$0x0], $0xffff  }
0x44: {  	v7 =	vor.u32 $0x80, v1;
	_ =	sdelay $0x1  }
0x45: {  	s9 =	simm.s32 $0x40;
	v8 =	vld.idx.msk [tilespmem:v6+s5+$0x0], $0xffff  }
0x46: {  	v12 =	vld [tilespmem:s9+$0x2010];
	[tilespmem:s8+$0x6030] =	vst v0  }
0x47: {  	[tilespmem:s8+$0x6000] =	vst v2;
	v0 =	vld.idx.msk [tilespmem:v5+s5+$0x0], $0xffff  }
0x48: {  	v2 =	vld.idx.msk [tilespmem:v7+s5+$0x0], $0xffff;
	v5 =	vor.u32 $0x100, v4  }
0x49: {  	v9 =	vor.u32 $0x80, v6;
	v7 =	vld [tilespmem:s9+$0x2030]  }
0x4a: {  	[tilespmem:s8+$0x6010] =	vst v8;
	v8 =	vld [tilespmem:s9+$0x2000]  }
0x4b: {  	v10 =	vld.idx.msk [tilespmem:v3+s5+$0x0], $0xffff  }
0x4c: {  	v15 =	vld [tilespmem:s9+$0x2020];
	v11 =	vor.u32 $0x80, v3;
	[tilespmem:s8+$0x8030] =	vst v0  }
0x4d: {  	v13 =	vor.u32 $0x100, v1;
	v5 =	vld.idx.msk [tilespmem:v5+s5+$0x0], $0xffff  }
0x4e: {  	v16 =	vor.u32 $0x180, v4;
	v14 =	vor.u32 $0x100, v6;
	v9 =	vld.idx.msk [tilespmem:v9+s5+$0x0], $0xffff;
	v0 =	vshll.u32 v7, $0x3  }
0x4f: {  	v7 =	vand.u32 $0x7F, v7;
	v17 =	vshll.u32 v8, $0x3;
	v0 =	vand.u32 $0xFFFFFC00, v0  }
0x50: {  	s15 =	sand.u32 $0x1FC0, s5;
	[tilespmem:s8+$0x6020] =	vst v10;
	v8 =	vand.u32 $0x7F, v8;
	v10 =	vand.u32 $0xFFFFFC00, v17;
	v0 =	vor.u32 v7, v0  }
0x51: {  	[tilespmem:s15+$0x8000] =	vst v2;
	v2 =	vld.idx.msk [tilespmem:v11+s5+$0x0], $0xffff;
	v7 =	vor.u32 v8, v10;
	v8 =	vshll.u32 v12, $0x3  }
0x52: {  	v11 =	vld.idx.msk [tilespmem:v13+s5+$0x0], $0xffff;
	v10 =	vor.u32 $0x100, v3;
	v12 =	vand.u32 $0x7F, v12;
	[tilespmem:s8+$0xA030] =	vst v5;
	v5 =	vand.u32 $0xFFFFFC00, v8  }
0x53: {  	[tilespmem:s8+$0x8010] =	vst v9;
	v8 =	vshll.u32 v15, $0x3;
	v9 =	vld.idx.msk [tilespmem:v16+s5+$0x0], $0xffff;
	v20 =	vor.u32 v12, v5  }
0x54: {  	v4 =	vor.u32 $0x200, v4;
	v5 =	vld.idx.msk [tilespmem:v14+s5+$0x0], $0xffff;
	v12 =	vand.u32 $0x7F, v15;
	v8 =	vand.u32 $0xFFFFFC00, v8  }
0x55: {  	v21 =	vor.u32 v12, v8;
	v8 =	vld.idx.msk [tilespmem:v0+s5+$0x0], $0xffff  }
0x56: {  	[tilespmem:s8+$0x8020] =	vst v2;
	v12 =	vor.u32 $0x180, v1;
	v13 =	vld.idx.msk [tilespmem:v7+s5+$0x0], $0xffff  }
0x57: {  	v14 =	vor.u32 $0x80, v0;
	v10 =	vld.idx.msk [tilespmem:v10+s5+$0x0], $0xffff  }
0x58: {  	v18 =	vor.u32 $0x80, v7;
	v22 =	vld.idx.msk [tilespmem:v20+s5+$0x0], $0xffff;
	[tilespmem:s8+$0xC030] =	vst v9  }
0x59: {  	v23 =	vor.u32 $0x180, v6;
	[tilespmem:s15+$0xA000] =	vst v11;
	v24 =	vld.idx.msk [tilespmem:v4+s5+$0x0], $0xffff  }
0x5a: {  	v25 =	vor.u32 $0x80, v20;
	[tilespmem:s8+$0xA010] =	vst v5;
	v16 =	vld.idx.msk [tilespmem:v21+s5+$0x0], $0xffff  }
0x5b: {  	v2 =	vor.u32 $0x200, v1;
	v1 =	vor.u32 $0x200, v6;
	v4 =	vor.u32 $0x180, v3;
	[tilespmem:s9+$0x6030] =	vst v8;
	v15 =	vld.idx.msk [tilespmem:v12+s5+$0x0], $0xffff  }
0x5c: {  	v11 =	vor.u32 $0x100, v20;
	v6 =	vor.u32 $0x180, v7;
	v9 =	vor.u32 $0x200, v7;
	[tilespmem:s9+$0x6000] =	vst v13;
	v17 =	vld.idx.msk [tilespmem:v14+s5+$0x0], $0xffff  }
0x5d: {  	v12 =	vor.u32 $0x100, v7;
	v13 =	vor.u32 $0x80, v21;
	[tilespmem:s8+$0xA020] =	vst v10;
	v8 =	vor.u32 $0x100, v21;
	v19 =	vld.idx.msk [tilespmem:v18+s5+$0x0], $0xffff  }
0x5e: {  	v7 =	vor.u32 $0x200, v21;
	v14 =	vor.u32 $0x180, v21;
	v18 =	vld.idx.msk [tilespmem:v23+s5+$0x0], $0xffff;
	v21 =	vor.u32 $0x100, v0;
	[tilespmem:s9+$0x6010] =	vst v22  }
0x5f: {  	s17 =	simm.s32 $0x4;
	s18 =	simm.s32 $0x0;
	s22 =	simm.s32 $0x200;
	v5 =	vor.u32 $0x180, v20;
	v3 =	vor.u32 $0x200, v3;
	v10 =	vor.u32 $0x200, v20;
	v20 =	vld.idx.msk [tilespmem:v25+s5+$0x0], $0xffff;
	[tilespmem:s8+$0xE030] =	vst v24  }
.LBB2_2:
0x60: {  	s19 =	sshra.s32 s22, $0x2;
	s17 =	sadd.s32 $0x4, s17;
	[tilespmem:s9+$0x6020] =	vst v16;
	v16 =	vld.idx.msk [tilespmem:v4+s5+$0x0], $0xffff;
	v4 =	vmov v14  }
0x61: {  	s18 =	sadd.s32 $0x40, s18;
	v14 =	vld [tilespmem:s19+$0x2030];
	p0 =	slt.u32 s17, $0x1FC;
	[tilespmem:s15+$0xC000] =	vst v15  }
0x62: {  	s20 =	sand.u32 $0x1FC0, s18;
	v15 =	vld [tilespmem:s19+$0x2000];
	[tilespmem:s9+$0x8030] =	vst v17  }
0x63: {  	[tilespmem:s20+$0x8000] =	vst v19;
	v17 =	vld.idx.msk [tilespmem:v21+s5+$0x0], $0xffff  }
0x64: {  	v19 =	vld [tilespmem:s19+$0x2010];
	[tilespmem:s8+$0xC010] =	vst v18  }
0x65: {  	v18 =	vld [tilespmem:s19+$0x2020];
	[tilespmem:s9+$0x8010] =	vst v20;
	v20 =	vor.u32 $0x180, v0  }
0x66: {  	v21 =	vshll.u32 v14, $0x3;
	v13 =	vld.idx.msk [tilespmem:v13+s5+$0x0], $0xffff;
	[tilespmem:s8+$0xC020] =	vst v16  }
0x67: {  	v14 =	vand.u32 $0x7F, v14;
	v16 =	vshll.u32 v15, $0x3;
	v21 =	vand.u32 $0xFFFFFC00, v21;
	v22 =	vld.idx.msk [tilespmem:v12+s5+$0x0], $0xffff  }
0x68: {  	v12 =	vand.u32 $0x7F, v15;
	v15 =	vand.u32 $0xFFFFFC00, v16;
	v14 =	vor.u32 v14, v21;
	v16 =	vld.idx.msk [tilespmem:v11+s5+$0x0], $0xffff  }
0x69: {  	v15 =	vor.u32 v12, v15;
	v11 =	vand.u32 $0x7F, v19;
	v12 =	vshll.u32 v19, $0x3;
	[tilespmem:s9+$0xA030] =	vst v17;
	v17 =	vld.idx.msk [tilespmem:v2+s5+$0x0], $0xffff;
	v2 =	vmovc v9  }
0x6a: {  	v9 =	vand.u32 $0xFFFFFC00, v12;
	v12 =	vand.u32 $0x7F, v18;
	v18 =	vshll.u32 v18, $0x3;
	v19 =	vld.idx.msk [tilespmem:v20+s5+$0x0], $0xffff  }
0x6b: {  	v20 =	vor.u32 $0x80, v15;
	v21 =	vor.u32 v11, v9;
	v9 =	vand.u32 $0xFFFFFC00, v18;
	v18 =	vld.idx.msk [tilespmem:v1+s5+$0x0], $0xffff;
	v1 =	vmovc v10  }
0x6c: {  	v25 =	vor.u32 $0x200, v0;
	v0 =	vmovc v14;
	v23 =	vor.u32 $0x80, v21;
	v24 =	vor.u32 v12, v9;
	[tilespmem:s9+$0x8020] =	vst v13;
	v26 =	vld.idx.msk [tilespmem:v3+s5+$0x0], $0xffff  }
0x6d: {  	v12 =	vor.u32 $0x100, v15;
	v11 =	vor.u32 $0x100, v21;
	v3 =	vmovc v7;
	v13 =	vor.u32 $0x80, v24;
	v27 =	vld.idx.msk [tilespmem:v14+s5+$0x0], $0xffff;
	[tilespmem:s20+$0xA000] =	vst v22  }
0x6e: {  	v28 =	vor.u32 $0x180, v15;
	v29 =	vor.u32 $0x180, v21;
	v7 =	vor.u32 $0x100, v24;
	v22 =	vld.idx.msk [tilespmem:v15+s5+$0x0], $0xffff;
	[tilespmem:s9+$0xA010] =	vst v16  }
0x6f: {  	v30 =	vor.u32 $0x80, v0;
	v9 =	vor.u32 $0x200, v15;
	v14 =	vor.u32 $0x180, v24;
	v31 =	vld.idx.msk [tilespmem:v8+s5+$0x0], $0xffff;
	[tilespmem:s15+$0xE000] =	vst v17;
	v8 =	vmovc v7;
	s15 =	smov.u32 s20  }
0x70: {  	v10 =	vor.u32 $0x200, v21;
	v7 =	vor.u32 $0x200, v24;
	v32 =	vld.idx.msk [tilespmem:v21+s5+$0x0], $0xffff;
	[tilespmem:s9+$0xC030] =	vst v19  }
0x71: {  	v25 =	vld.idx.msk [tilespmem:v25+s5+$0x0], $0xffff;
	[tilespmem:s8+$0xE010] =	vst v18  }
0x72: {  	v16 =	vld.idx.msk [tilespmem:v24+s5+$0x0], $0xffff;
	[tilespmem:s8+$0xE020] =	vst v26;
	s8 =	smov.u32 s9;
	s9 =	smov.u32 s19  }
.Ltmp0:
0x73: {  	[tilespmem:s9+$0x6030] =	vst v27;
	v15 =	vld.idx.msk [tilespmem:v6+s5+$0x0], $0xffff;
	v6 =	vmov v28;
	(pc) =	sbr.rel @p0 .LBB2_2-.Ltmp0, $4  }
0x74: {  	[tilespmem:s9+$0x6000] =	vst v22;
	v17 =	vld.idx.msk [tilespmem:v30+s5+$0x0], $0xffff  }
0x75: {  	v19 =	vld.idx.msk [tilespmem:v20+s5+$0x0], $0xffff;
	[tilespmem:s8+$0xA020] =	vst v31  }
0x76: {  	v21 =	vor.u32 $0x100, v0;
	[tilespmem:s9+$0x6010] =	vst v32;
	v18 =	vld.idx.msk [tilespmem:v5+s5+$0x0], $0xffff;
	v5 =	vmov v29  }
0x77: {  	s22 =	sadd.s32 $0x100, s22;
	v20 =	vld.idx.msk [tilespmem:v23+s5+$0x0], $0xffff;
	[tilespmem:s8+$0xE030] =	vst v25  }
0x78: {  	_ =	sdelay $0x2  }
0x79: {  	[tilespmem:s9+$0x6020] =	vst v16  }
0x7a: {  	v13 =	vld.idx.msk [tilespmem:v13+s5+$0x0], $0xffff  }
0x7b: {  	s3 =	sadd.s32 $0x40, s18  }
0x7c: {  	s3 =	sand.u32 $0x1FC0, s3;
	[tilespmem:s9+$0x8030] =	vst v17  }
0x7d: {  	[tilespmem:s3+$0x8000] =	vst v19;
	v16 =	vld.idx.msk [tilespmem:v21+s5+$0x0], $0xffff  }
0x7e: {  	v17 =	vor.u32 $0x180, v0;
	v12 =	vld.idx.msk [tilespmem:v12+s5+$0x0], $0xffff;
	[tilespmem:s9+$0x8010] =	vst v20  }
0x7f: {  	v11 =	vld.idx.msk [tilespmem:v11+s5+$0x0], $0xffff;
	[tilespmem:s9+$0x8020] =	vst v13  }
0x80: {  	[tilespmem:s15+$0xC000] =	vst v15;
	v8 =	vld.idx.msk [tilespmem:v8+s5+$0x0], $0xffff  }
0x81: {  	v4 =	vld.idx.msk [tilespmem:v4+s5+$0x0], $0xffff;
	[tilespmem:s8+$0xC010] =	vst v18  }
0x82: {  	v2 =	vld.idx.msk [tilespmem:v2+s5+$0x0], $0xffff;
	[tilespmem:s9+$0xA030] =	vst v16  }
0x83: {  	v13 =	vld.idx.msk [tilespmem:v17+s5+$0x0], $0xffff;
	[tilespmem:s3+$0xA000] =	vst v12  }
0x84: {  	v0 =	vor.u32 $0x200, v0;
	v6 =	vld.idx.msk [tilespmem:v6+s5+$0x0], $0xffff;
	[tilespmem:s9+$0xA010] =	vst v11  }
0x85: {  	v5 =	vld.idx.msk [tilespmem:v5+s5+$0x0], $0xffff;
	[tilespmem:s9+$0xA020] =	vst v8  }
0x86: {  	[tilespmem:s8+$0xC020] =	vst v4;
	v4 =	vld.idx.msk [tilespmem:v14+s5+$0x0], $0xffff  }
0x87: {  	v1 =	vld.idx.msk [tilespmem:v1+s5+$0x0], $0xffff;
	[tilespmem:s15+$0xE000] =	vst v2  }
0x88: {  	v2 =	vld.idx.msk [tilespmem:v3+s5+$0x0], $0xffff;
	[tilespmem:s9+$0xC030] =	vst v13  }
0x89: {  	v0 =	vld.idx.msk [tilespmem:v0+s5+$0x0], $0xffff;
	[tilespmem:s3+$0xC000] =	vst v6  }
0x8a: {  	v3 =	vld.idx.msk [tilespmem:v9+s5+$0x0], $0xffff;
	[tilespmem:s9+$0xC010] =	vst v5  }
0x8b: {  	[tilespmem:s9+$0xC020] =	vst v4;
	v4 =	vld.idx.msk [tilespmem:v10+s5+$0x0], $0xffff  }
0x8c: {  	[tilespmem:s8+$0xE010] =	vst v1;
	v1 =	vld.idx.msk [tilespmem:v7+s5+$0x0], $0xffff  }
0x8d: {  	[tilespmem:s8+$0xE020] =	vst v2  }
0x8e: {  	[tilespmem:s9+$0xE030] =	vst v0  }
0x8f: {  	[tilespmem:s3+$0xE000] =	vst v3  }
0x90: {  	[tilespmem:s9+$0xE010] =	vst v4  }
0x91: {  	[tilespmem:s9+$0xE020] =	vst v1  }
0x92: {  	s25 =	simm.s32 $0x6000;
	s9 =	simm.s32 $0x0;
	s3 =	rddreg [dreg:$0x7]  }
0x93: {  	[hbm4b:s3+s9] =	stream.linear.scatter [tilespmem:s25], [sflag:$0x3], $0x2000, $0x38;
	[tilespmem:$0x1A000] =	vst v63  }
0x94: {  	s15 =	simm.s32 $0x8000;
	s8 =	rddreg [dreg:$0x8]  }
0x95: {  	[hbm4b:s8+s9] =	stream.linear.scatter [tilespmem:s15], [sflag:$0x3], $0x2000, $0x38;
	[tilespmem:$0x1A000] =	vst v63  }
0x96: {  	s18 =	simm.s32 $0xA000;
	s17 =	rddreg [dreg:$0x9]  }
0x97: {  	[hbm4b:s17+s9] =	stream.linear.scatter [tilespmem:s18], [sflag:$0x3], $0x2000, $0x38;
	[tilespmem:$0x1A000] =	vst v63  }
0x98: {  	s20 =	simm.s32 $0xC000;
	s19 =	rddreg [dreg:$0xa]  }
0x99: {  	[hbm4b:s19+s9] =	stream.linear.scatter [tilespmem:s20], [sflag:$0x3], $0x2000, $0x38;
	[tilespmem:$0x1A000] =	vst v63  }
0x9a: {  	s23 =	simm.s32 $0xE000;
	s22 =	rddreg [dreg:$0xb]  }
0x9b: {  	[hbm4b:s22+s9] =	stream.linear.scatter [tilespmem:s23], [sflag:$0x3], $0x2000, $0x38;
	[tilespmem:$0x1A000] =	vst v63  }
0x9c: {  	_ = 	snop  }
0x9d: {  	[tilespmem:s9], [sflag:$0x1] =	stream.linear.gather [hbm4b:s16+s9], $0x1000, $0x38;
	[tilespmem:$0x1A000] =	vst v63  }
0x9e: {  	s24 =	rddreg [dreg:$0xc];
	s25 =	simm.s32 $0x2000  }
0x9f: {  	[tilespmem:s25], [sflag:$0x1] =	stream.linear.gather [hbm4b:s24+s9], $0x2000, $0x38;
	[tilespmem:$0x1A000] =	vst v63  }
0xa0: {  	_ =	swait.ge [sflag:s21], $0x1000  }
0xa1: {  	[sflag:s21] =	ssyncset.done $0x0  }
0xa2: {  	[sflag:s21] =	ssyncadd.s32 $0xFFFFF000  }
0xa3: {  	_ =	swait.ge [sflag:s21], $0x2000  }
0xa4: {  	[sflag:s21] =	ssyncset.done $0x0  }
0xa5: {  	s8 =	simm.s32 $0x0;
	[sflag:s21] =	ssyncadd.s32 $0xFFFFE000  }
0xa6: {  	v0 =	vld [tilespmem:s8+$0x4030]  }
0xa7: {  	v1 =	vld [tilespmem:s8+$0x4000];
	_ =	sdelay $0x2  }
0xa8: {  	v2 =	vld [tilespmem:s8+$0x4010]  }
0xa9: {  	v3 =	vld [tilespmem:s8+$0x4020];
	v4 =	vshll.u32 v0, $0x3  }
0xaa: {  	v5 =	vshll.u32 v1, $0x3;
	v0 =	vand.u32 $0x7F, v0;
	v4 =	vand.u32 $0xFFFFFC00, v4  }
0xab: {  	v1 =	vand.u32 $0x7F, v1;
	v5 =	vand.u32 $0xFFFFFC00, v5;
	v4 =	vor.u32 v0, v4  }
0xac: {  	v1 =	vor.u32 v1, v5  }
0xad: {  	v0 =	vshll.u32 v2, $0x3  }
0xae: {  	v2 =	vand.u32 $0x7F, v2;
	v5 =	vshll.u32 v3, $0x3;
	v0 =	vand.u32 $0xFFFFFC00, v0  }
0xaf: {  	v3 =	vand.u32 $0x7F, v3;
	v6 =	vor.u32 v2, v0;
	v0 =	vand.u32 $0xFFFFFC00, v5  }
0xb0: {  	v3 =	vor.u32 v3, v0;
	v0 =	vld.idx.msk [tilespmem:v4+s12+$0x0], $0xffff  }
0xb1: {  	v5 =	vor.u32 $0x80, v4;
	v2 =	vld.idx.msk [tilespmem:v1+s12+$0x0], $0xffff  }
0xb2: {  	v7 =	vor.u32 $0x80, v1;
	_ =	sdelay $0x1  }
0xb3: {  	s15 =	simm.s32 $0x40;
	v8 =	vld.idx.msk [tilespmem:v6+s12+$0x0], $0xffff  }
0xb4: {  	v12 =	vld [tilespmem:s15+$0x4010];
	[tilespmem:s8+$0x10030] =	vst v0  }
0xb5: {  	[tilespmem:s8+$0x10000] =	vst v2;
	v0 =	vld.idx.msk [tilespmem:v5+s12+$0x0], $0xffff  }
0xb6: {  	v2 =	vld.idx.msk [tilespmem:v7+s12+$0x0], $0xffff;
	v5 =	vor.u32 $0x100, v4  }
0xb7: {  	v9 =	vor.u32 $0x80, v6;
	v7 =	vld [tilespmem:s15+$0x4030]  }
0xb8: {  	[tilespmem:s8+$0x10010] =	vst v8;
	v8 =	vld [tilespmem:s15+$0x4000]  }
0xb9: {  	v10 =	vld.idx.msk [tilespmem:v3+s12+$0x0], $0xffff  }
0xba: {  	v15 =	vld [tilespmem:s15+$0x4020];
	v11 =	vor.u32 $0x80, v3;
	[tilespmem:s8+$0x12030] =	vst v0  }
0xbb: {  	v13 =	vor.u32 $0x100, v1;
	v5 =	vld.idx.msk [tilespmem:v5+s12+$0x0], $0xffff  }
0xbc: {  	v16 =	vor.u32 $0x180, v4;
	v14 =	vor.u32 $0x100, v6;
	v9 =	vld.idx.msk [tilespmem:v9+s12+$0x0], $0xffff;
	v0 =	vshll.u32 v7, $0x3  }
0xbd: {  	v7 =	vand.u32 $0x7F, v7;
	v17 =	vshll.u32 v8, $0x3;
	v0 =	vand.u32 $0xFFFFFC00, v0  }
0xbe: {  	s22 =	sand.u32 $0x1FC0, s9;
	[tilespmem:s8+$0x10020] =	vst v10;
	v8 =	vand.u32 $0x7F, v8;
	v10 =	vand.u32 $0xFFFFFC00, v17;
	v0 =	vor.u32 v7, v0  }
0xbf: {  	[tilespmem:s22+$0x12000] =	vst v2;
	v2 =	vld.idx.msk [tilespmem:v11+s12+$0x0], $0xffff;
	v7 =	vor.u32 v8, v10;
	v8 =	vshll.u32 v12, $0x3  }
0xc0: {  	v11 =	vld.idx.msk [tilespmem:v13+s12+$0x0], $0xffff;
	v10 =	vor.u32 $0x100, v3;
	v12 =	vand.u32 $0x7F, v12;
	[tilespmem:s8+$0x14030] =	vst v5;
	v5 =	vand.u32 $0xFFFFFC00, v8  }
0xc1: {  	[tilespmem:s8+$0x12010] =	vst v9;
	v8 =	vshll.u32 v15, $0x3;
	v9 =	vld.idx.msk [tilespmem:v16+s12+$0x0], $0xffff;
	v20 =	vor.u32 v12, v5  }
0xc2: {  	v4 =	vor.u32 $0x200, v4;
	v5 =	vld.idx.msk [tilespmem:v14+s12+$0x0], $0xffff;
	v12 =	vand.u32 $0x7F, v15;
	v8 =	vand.u32 $0xFFFFFC00, v8  }
0xc3: {  	v21 =	vor.u32 v12, v8;
	v8 =	vld.idx.msk [tilespmem:v0+s12+$0x0], $0xffff  }
0xc4: {  	[tilespmem:s8+$0x12020] =	vst v2;
	v12 =	vor.u32 $0x180, v1;
	v13 =	vld.idx.msk [tilespmem:v7+s12+$0x0], $0xffff  }
0xc5: {  	v14 =	vor.u32 $0x80, v0;
	v10 =	vld.idx.msk [tilespmem:v10+s12+$0x0], $0xffff  }
0xc6: {  	v18 =	vor.u32 $0x80, v7;
	v22 =	vld.idx.msk [tilespmem:v20+s12+$0x0], $0xffff;
	[tilespmem:s8+$0x16030] =	vst v9  }
0xc7: {  	v23 =	vor.u32 $0x180, v6;
	[tilespmem:s22+$0x14000] =	vst v11;
	v24 =	vld.idx.msk [tilespmem:v4+s12+$0x0], $0xffff  }
0xc8: {  	v25 =	vor.u32 $0x80, v20;
	[tilespmem:s8+$0x14010] =	vst v5;
	v16 =	vld.idx.msk [tilespmem:v21+s12+$0x0], $0xffff  }
0xc9: {  	v2 =	vor.u32 $0x200, v1;
	v1 =	vor.u32 $0x200, v6;
	v4 =	vor.u32 $0x180, v3;
	[tilespmem:s15+$0x10030] =	vst v8;
	v15 =	vld.idx.msk [tilespmem:v12+s12+$0x0], $0xffff  }
0xca: {  	v11 =	vor.u32 $0x100, v20;
	v6 =	vor.u32 $0x180, v7;
	v9 =	vor.u32 $0x200, v7;
	[tilespmem:s15+$0x10000] =	vst v13;
	v17 =	vld.idx.msk [tilespmem:v14+s12+$0x0], $0xffff  }
0xcb: {  	v12 =	vor.u32 $0x100, v7;
	v13 =	vor.u32 $0x80, v21;
	[tilespmem:s8+$0x14020] =	vst v10;
	v8 =	vor.u32 $0x100, v21;
	v19 =	vld.idx.msk [tilespmem:v18+s12+$0x0], $0xffff  }
0xcc: {  	v7 =	vor.u32 $0x200, v21;
	v14 =	vor.u32 $0x180, v21;
	v18 =	vld.idx.msk [tilespmem:v23+s12+$0x0], $0xffff;
	v21 =	vor.u32 $0x100, v0;
	[tilespmem:s15+$0x10010] =	vst v22  }
0xcd: {  	s17 =	simm.s32 $0x4;
	s18 =	simm.s32 $0x200;
	v5 =	vor.u32 $0x180, v20;
	v3 =	vor.u32 $0x200, v3;
	v10 =	vor.u32 $0x200, v20;
	v20 =	vld.idx.msk [tilespmem:v25+s12+$0x0], $0xffff;
	[tilespmem:s8+$0x18030] =	vst v24  }
.LBB2_4:
0xce: {  	s19 =	sshra.s32 s18, $0x2;
	s17 =	sadd.s32 $0x4, s17;
	[tilespmem:s15+$0x10020] =	vst v16;
	v16 =	vld.idx.msk [tilespmem:v4+s12+$0x0], $0xffff;
	v4 =	vmov v14  }
0xcf: {  	s9 =	sadd.s32 $0x40, s9;
	v14 =	vld [tilespmem:s19+$0x4030];
	p0 =	slt.u32 s17, $0x1FC;
	[tilespmem:s22+$0x16000] =	vst v15  }
0xd0: {  	s20 =	sand.u32 $0x1FC0, s9;
	v15 =	vld [tilespmem:s19+$0x4000];
	[tilespmem:s15+$0x12030] =	vst v17  }
0xd1: {  	[tilespmem:s20+$0x12000] =	vst v19;
	v17 =	vld.idx.msk [tilespmem:v21+s12+$0x0], $0xffff  }
0xd2: {  	v19 =	vld [tilespmem:s19+$0x4010];
	[tilespmem:s8+$0x16010] =	vst v18  }
0xd3: {  	v18 =	vld [tilespmem:s19+$0x4020];
	[tilespmem:s15+$0x12010] =	vst v20;
	v20 =	vor.u32 $0x180, v0  }
0xd4: {  	v21 =	vshll.u32 v14, $0x3;
	v13 =	vld.idx.msk [tilespmem:v13+s12+$0x0], $0xffff;
	[tilespmem:s8+$0x16020] =	vst v16  }
0xd5: {  	v14 =	vand.u32 $0x7F, v14;
	v16 =	vshll.u32 v15, $0x3;
	v21 =	vand.u32 $0xFFFFFC00, v21;
	v22 =	vld.idx.msk [tilespmem:v12+s12+$0x0], $0xffff  }
0xd6: {  	v12 =	vand.u32 $0x7F, v15;
	v15 =	vand.u32 $0xFFFFFC00, v16;
	v14 =	vor.u32 v14, v21;
	v16 =	vld.idx.msk [tilespmem:v11+s12+$0x0], $0xffff  }
0xd7: {  	v15 =	vor.u32 v12, v15;
	v11 =	vand.u32 $0x7F, v19;
	v12 =	vshll.u32 v19, $0x3;
	[tilespmem:s15+$0x14030] =	vst v17;
	v17 =	vld.idx.msk [tilespmem:v2+s12+$0x0], $0xffff;
	v2 =	vmovc v9  }
0xd8: {  	v9 =	vand.u32 $0xFFFFFC00, v12;
	v12 =	vand.u32 $0x7F, v18;
	v18 =	vshll.u32 v18, $0x3;
	v19 =	vld.idx.msk [tilespmem:v20+s12+$0x0], $0xffff  }
0xd9: {  	v20 =	vor.u32 $0x80, v15;
	v21 =	vor.u32 v11, v9;
	v9 =	vand.u32 $0xFFFFFC00, v18;
	v18 =	vld.idx.msk [tilespmem:v1+s12+$0x0], $0xffff;
	v1 =	vmovc v10  }
0xda: {  	v25 =	vor.u32 $0x200, v0;
	v0 =	vmovc v14;
	v23 =	vor.u32 $0x80, v21;
	v24 =	vor.u32 v12, v9;
	[tilespmem:s15+$0x12020] =	vst v13;
	v26 =	vld.idx.msk [tilespmem:v3+s12+$0x0], $0xffff  }
0xdb: {  	v12 =	vor.u32 $0x100, v15;
	v11 =	vor.u32 $0x100, v21;
	v3 =	vmovc v7;
	v13 =	vor.u32 $0x80, v24;
	v27 =	vld.idx.msk [tilespmem:v14+s12+$0x0], $0xffff;
	[tilespmem:s20+$0x14000] =	vst v22  }
0xdc: {  	v28 =	vor.u32 $0x180, v15;
	v29 =	vor.u32 $0x180, v21;
	v7 =	vor.u32 $0x100, v24;
	v22 =	vld.idx.msk [tilespmem:v15+s12+$0x0], $0xffff;
	[tilespmem:s15+$0x14010] =	vst v16  }
0xdd: {  	v30 =	vor.u32 $0x80, v0;
	v9 =	vor.u32 $0x200, v15;
	v14 =	vor.u32 $0x180, v24;
	v31 =	vld.idx.msk [tilespmem:v8+s12+$0x0], $0xffff;
	[tilespmem:s22+$0x18000] =	vst v17;
	v8 =	vmovc v7;
	s22 =	smov.u32 s20  }
0xde: {  	v10 =	vor.u32 $0x200, v21;
	v7 =	vor.u32 $0x200, v24;
	v32 =	vld.idx.msk [tilespmem:v21+s12+$0x0], $0xffff;
	[tilespmem:s15+$0x16030] =	vst v19  }
0xdf: {  	v25 =	vld.idx.msk [tilespmem:v25+s12+$0x0], $0xffff;
	[tilespmem:s8+$0x18010] =	vst v18  }
0xe0: {  	v16 =	vld.idx.msk [tilespmem:v24+s12+$0x0], $0xffff;
	[tilespmem:s8+$0x18020] =	vst v26;
	s8 =	smov.u32 s15;
	s15 =	smov.u32 s19  }
.Ltmp1:
0xe1: {  	[tilespmem:s15+$0x10030] =	vst v27;
	v15 =	vld.idx.msk [tilespmem:v6+s12+$0x0], $0xffff;
	v6 =	vmov v28;
	(pc) =	sbr.rel @p0 .LBB2_4-.Ltmp1, $4  }
0xe2: {  	[tilespmem:s15+$0x10000] =	vst v22;
	v17 =	vld.idx.msk [tilespmem:v30+s12+$0x0], $0xffff  }
0xe3: {  	v19 =	vld.idx.msk [tilespmem:v20+s12+$0x0], $0xffff;
	[tilespmem:s8+$0x14020] =	vst v31  }
0xe4: {  	v21 =	vor.u32 $0x100, v0;
	[tilespmem:s15+$0x10010] =	vst v32;
	v18 =	vld.idx.msk [tilespmem:v5+s12+$0x0], $0xffff;
	v5 =	vmov v29  }
0xe5: {  	s18 =	sadd.s32 $0x100, s18;
	v20 =	vld.idx.msk [tilespmem:v23+s12+$0x0], $0xffff;
	[tilespmem:s8+$0x18030] =	vst v25  }
0xe6: {  	_ =	sdelay $0x2  }
0xe7: {  	[tilespmem:s15+$0x10020] =	vst v16  }
0xe8: {  	v13 =	vld.idx.msk [tilespmem:v13+s12+$0x0], $0xffff  }
0xe9: {  	s3 =	sadd.s32 $0x40, s9  }
0xea: {  	s3 =	sand.u32 $0x1FC0, s3;
	[tilespmem:s15+$0x12030] =	vst v17  }
0xeb: {  	[tilespmem:s3+$0x12000] =	vst v19;
	v55 =	vld.idx.msk [tilespmem:v21+s12+$0x0], $0xffff  }
0xec: {  	v56 =	vor.u32 $0x180, v0;
	v12 =	vld.idx.msk [tilespmem:v12+s12+$0x0], $0xffff;
	[tilespmem:s15+$0x12010] =	vst v20  }
0xed: {  	v11 =	vld.idx.msk [tilespmem:v11+s12+$0x0], $0xffff;
	[tilespmem:s15+$0x12020] =	vst v13  }
0xee: {  	[tilespmem:s22+$0x16000] =	vst v15;
	v8 =	vld.idx.msk [tilespmem:v8+s12+$0x0], $0xffff  }
0xef: {  	v4 =	vld.idx.msk [tilespmem:v4+s12+$0x0], $0xffff;
	[tilespmem:s8+$0x16010] =	vst v18  }
0xf0: {  	v2 =	vld.idx.msk [tilespmem:v2+s12+$0x0], $0xffff;
	[tilespmem:s15+$0x14030] =	vst v55  }
0xf1: {  	v57 =	vld.idx.msk [tilespmem:v56+s12+$0x0], $0xffff;
	[tilespmem:s3+$0x14000] =	vst v12  }
0xf2: {  	v58 =	vor.u32 $0x200, v0;
	v6 =	vld.idx.msk [tilespmem:v6+s12+$0x0], $0xffff;
	[tilespmem:s15+$0x14010] =	vst v11  }
0xf3: {  	v5 =	vld.idx.msk [tilespmem:v5+s12+$0x0], $0xffff;
	[tilespmem:s15+$0x14020] =	vst v8  }
0xf4: {  	[tilespmem:s8+$0x16020] =	vst v4;
	v59 =	vld.idx.msk [tilespmem:v14+s12+$0x0], $0xffff  }
0xf5: {  	v1 =	vld.idx.msk [tilespmem:v1+s12+$0x0], $0xffff;
	[tilespmem:s22+$0x18000] =	vst v2  }
0xf6: {  	v60 =	vld.idx.msk [tilespmem:v3+s12+$0x0], $0xffff;
	[tilespmem:s15+$0x16030] =	vst v57  }
0xf7: {  	v0 =	vld.idx.msk [tilespmem:v58+s12+$0x0], $0xffff;
	[tilespmem:s3+$0x16000] =	vst v6  }
0xf8: {  	v61 =	vld.idx.msk [tilespmem:v9+s12+$0x0], $0xffff;
	[tilespmem:s15+$0x16010] =	vst v5  }
0xf9: {  	v62 =	vld.idx.msk [tilespmem:v10+s12+$0x0], $0xffff;
	[tilespmem:s15+$0x16020] =	vst v59  }
0xfa: {  	[tilespmem:s8+$0x18010] =	vst v1;
	v63 =	vld.idx.msk [tilespmem:v7+s12+$0x0], $0xffff  }
0xfb: {  	[tilespmem:s8+$0x18020] =	vst v60  }
0xfc: {  	[tilespmem:s15+$0x18030] =	vst v0  }
0xfd: {  	[tilespmem:s3+$0x18000] =	vst v61  }
0xfe: {  	[tilespmem:s15+$0x18010] =	vst v62  }
0xff: {  	[tilespmem:s15+$0x18020] =	vst v63  }
0x100: {  	s25 =	simm.s32 $0x10000;
	s3 =	rddreg [dreg:$0xd]  }
0x101: {  	[hbm4b:s3+s5] =	stream.linear.scatter [tilespmem:s25], [sflag:$0x4], $0x2000, $0x38;
	[tilespmem:$0x1A000] =	vst v63  }
0x102: {  	s15 =	simm.s32 $0x12000;
	s9 =	rddreg [dreg:$0xe]  }
0x103: {  	[hbm4b:s9+s5] =	stream.linear.scatter [tilespmem:s15], [sflag:$0x4], $0x2000, $0x38;
	[tilespmem:$0x1A000] =	vst v63  }
0x104: {  	s18 =	simm.s32 $0x14000;
	s17 =	rddreg [dreg:$0xf]  }
0x105: {  	[hbm4b:s17+s5] =	stream.linear.scatter [tilespmem:s18], [sflag:$0x4], $0x2000, $0x38;
	[tilespmem:$0x1A000] =	vst v63  }
0x106: {  	s20 =	simm.s32 $0x16000;
	s19 =	rddreg [dreg:$0x10]  }
0x107: {  	[hbm4b:s19+s5] =	stream.linear.scatter [tilespmem:s20], [sflag:$0x4], $0x2000, $0x38;
	[tilespmem:$0x1A000] =	vst v63  }
0x108: {  	s23 =	simm.s32 $0x18000;
	s22 =	rddreg [dreg:$0x11]  }
0x109: {  	[hbm4b:s22+s5] =	stream.linear.scatter [tilespmem:s23], [sflag:$0x4], $0x2000, $0x38;
	[tilespmem:$0x1A000] =	vst v63  }
0x10a: {  	_ = 	snop  }
0x10b: {  	[tilespmem:s12], [sflag:$0x2] =	stream.linear.gather [hbm4b:s26+s5], $0x1000, $0x38;
	[tilespmem:$0x1A000] =	vst v63  }
0x10c: {  	s24 =	rddreg [dreg:$0x12];
	s25 =	simm.s32 $0x4000;
	s22 =	simm.s32 $0x1  }
0x10d: {  	[tilespmem:s25], [sflag:$0x2] =	stream.linear.gather [hbm4b:s24+s5], $0x2000, $0x38;
	[tilespmem:$0x1A000] =	vst v63  }
.LBB2_6:
0x10e: {  	_ =	swait.ge [sflag:s14], $0x1000  }
0x10f: {  	[sflag:s14] =	ssyncset.done $0x0  }
0x110: {  	[sflag:s14] =	ssyncadd.s32 $0xFFFFF000  }
0x111: {  	_ =	swait.ge [sflag:s14], $0x2000  }
0x112: {  	[sflag:s14] =	ssyncset.done $0x0  }
0x113: {  	[sflag:s14] =	ssyncadd.s32 $0xFFFFE000  }
0x114: {  	_ =	swait.ge [sflag:s10], $0x2000  }
0x115: {  	[sflag:s10] =	ssyncset.done $0x0  }
0x116: {  	[sflag:s10] =	ssyncadd.s32 $0xFFFFE000  }
0x117: {  	_ =	swait.ge [sflag:s10], $0x2000  }
0x118: {  	[sflag:s10] =	ssyncset.done $0x0  }
0x119: {  	[sflag:s10] =	ssyncadd.s32 $0xFFFFE000  }
0x11a: {  	_ =	swait.ge [sflag:s10], $0x2000  }
0x11b: {  	[sflag:s10] =	ssyncset.done $0x0  }
0x11c: {  	[sflag:s10] =	ssyncadd.s32 $0xFFFFE000  }
0x11d: {  	_ =	swait.ge [sflag:s10], $0x2000  }
0x11e: {  	[sflag:s10] =	ssyncset.done $0x0  }
0x11f: {  	[sflag:s10] =	ssyncadd.s32 $0xFFFFE000  }
0x120: {  	_ =	swait.ge [sflag:s10], $0x2000  }
0x121: {  	[sflag:s10] =	ssyncset.done $0x0  }
0x122: {  	s8 =	simm.s32 $0x0;
	[sflag:s10] =	ssyncadd.s32 $0xFFFFE000  }
0x123: {  	v0 =	vld [tilespmem:s8+$0x2030]  }
0x124: {  	v1 =	vld [tilespmem:s8+$0x2000];
	_ =	sdelay $0x2  }
0x125: {  	v2 =	vld [tilespmem:s8+$0x2010]  }
0x126: {  	v3 =	vld [tilespmem:s8+$0x2020];
	v4 =	vshll.u32 v0, $0x3  }
0x127: {  	v5 =	vshll.u32 v1, $0x3;
	v0 =	vand.u32 $0x7F, v0;
	v4 =	vand.u32 $0xFFFFFC00, v4  }
0x128: {  	v1 =	vand.u32 $0x7F, v1;
	v5 =	vand.u32 $0xFFFFFC00, v5;
	v4 =	vor.u32 v0, v4  }
0x129: {  	v1 =	vor.u32 v1, v5  }
0x12a: {  	v0 =	vshll.u32 v2, $0x3  }
0x12b: {  	v2 =	vand.u32 $0x7F, v2;
	v5 =	vshll.u32 v3, $0x3;
	v0 =	vand.u32 $0xFFFFFC00, v0  }
0x12c: {  	v3 =	vand.u32 $0x7F, v3;
	v6 =	vor.u32 v2, v0;
	v0 =	vand.u32 $0xFFFFFC00, v5  }
0x12d: {  	v3 =	vor.u32 v3, v0;
	v0 =	vld.idx.msk [tilespmem:v4+s5+$0x0], $0xffff  }
0x12e: {  	v5 =	vor.u32 $0x80, v4;
	v2 =	vld.idx.msk [tilespmem:v1+s5+$0x0], $0xffff  }
0x12f: {  	v7 =	vor.u32 $0x80, v1;
	_ =	sdelay $0x1  }
0x130: {  	s9 =	simm.s32 $0x40;
	v8 =	vld.idx.msk [tilespmem:v6+s5+$0x0], $0xffff  }
0x131: {  	v12 =	vld [tilespmem:s9+$0x2010];
	[tilespmem:s8+$0x6030] =	vst v0  }
0x132: {  	[tilespmem:s8+$0x6000] =	vst v2;
	v0 =	vld.idx.msk [tilespmem:v5+s5+$0x0], $0xffff  }
0x133: {  	v2 =	vld.idx.msk [tilespmem:v7+s5+$0x0], $0xffff;
	v5 =	vor.u32 $0x100, v4  }
0x134: {  	v9 =	vor.u32 $0x80, v6;
	v7 =	vld [tilespmem:s9+$0x2030]  }
0x135: {  	[tilespmem:s8+$0x6010] =	vst v8;
	v8 =	vld [tilespmem:s9+$0x2000]  }
0x136: {  	v10 =	vld.idx.msk [tilespmem:v3+s5+$0x0], $0xffff  }
0x137: {  	v15 =	vld [tilespmem:s9+$0x2020];
	v11 =	vor.u32 $0x80, v3;
	[tilespmem:s8+$0x8030] =	vst v0  }
0x138: {  	v13 =	vor.u32 $0x100, v1;
	v5 =	vld.idx.msk [tilespmem:v5+s5+$0x0], $0xffff  }
0x139: {  	v16 =	vor.u32 $0x180, v4;
	v14 =	vor.u32 $0x100, v6;
	v9 =	vld.idx.msk [tilespmem:v9+s5+$0x0], $0xffff;
	v0 =	vshll.u32 v7, $0x3  }
0x13a: {  	s17 =	simm.s32 $0x0;
	v7 =	vand.u32 $0x7F, v7;
	v17 =	vshll.u32 v8, $0x3;
	v0 =	vand.u32 $0xFFFFFC00, v0  }
0x13b: {  	s15 =	sand.u32 $0x1FC0, s17;
	[tilespmem:s8+$0x6020] =	vst v10;
	v8 =	vand.u32 $0x7F, v8;
	v10 =	vand.u32 $0xFFFFFC00, v17;
	v0 =	vor.u32 v7, v0  }
0x13c: {  	[tilespmem:s15+$0x8000] =	vst v2;
	v2 =	vld.idx.msk [tilespmem:v11+s5+$0x0], $0xffff;
	v7 =	vor.u32 v8, v10;
	v8 =	vshll.u32 v12, $0x3  }
0x13d: {  	v11 =	vld.idx.msk [tilespmem:v13+s5+$0x0], $0xffff;
	v10 =	vor.u32 $0x100, v3;
	v12 =	vand.u32 $0x7F, v12;
	[tilespmem:s8+$0xA030] =	vst v5;
	v5 =	vand.u32 $0xFFFFFC00, v8  }
0x13e: {  	[tilespmem:s8+$0x8010] =	vst v9;
	v8 =	vshll.u32 v15, $0x3;
	v9 =	vld.idx.msk [tilespmem:v16+s5+$0x0], $0xffff;
	v20 =	vor.u32 v12, v5  }
0x13f: {  	v4 =	vor.u32 $0x200, v4;
	v5 =	vld.idx.msk [tilespmem:v14+s5+$0x0], $0xffff;
	v12 =	vand.u32 $0x7F, v15;
	v8 =	vand.u32 $0xFFFFFC00, v8  }
0x140: {  	v21 =	vor.u32 v12, v8;
	v8 =	vld.idx.msk [tilespmem:v0+s5+$0x0], $0xffff  }
0x141: {  	[tilespmem:s8+$0x8020] =	vst v2;
	v12 =	vor.u32 $0x180, v1;
	v13 =	vld.idx.msk [tilespmem:v7+s5+$0x0], $0xffff  }
0x142: {  	v14 =	vor.u32 $0x80, v0;
	v10 =	vld.idx.msk [tilespmem:v10+s5+$0x0], $0xffff  }
0x143: {  	v18 =	vor.u32 $0x80, v7;
	v22 =	vld.idx.msk [tilespmem:v20+s5+$0x0], $0xffff;
	[tilespmem:s8+$0xC030] =	vst v9  }
0x144: {  	v23 =	vor.u32 $0x180, v6;
	[tilespmem:s15+$0xA000] =	vst v11;
	v24 =	vld.idx.msk [tilespmem:v4+s5+$0x0], $0xffff  }
0x145: {  	v25 =	vor.u32 $0x80, v20;
	[tilespmem:s8+$0xA010] =	vst v5;
	v16 =	vld.idx.msk [tilespmem:v21+s5+$0x0], $0xffff  }
0x146: {  	v2 =	vor.u32 $0x200, v1;
	v1 =	vor.u32 $0x200, v6;
	v4 =	vor.u32 $0x180, v3;
	[tilespmem:s9+$0x6030] =	vst v8;
	v15 =	vld.idx.msk [tilespmem:v12+s5+$0x0], $0xffff  }
0x147: {  	v11 =	vor.u32 $0x100, v20;
	v6 =	vor.u32 $0x180, v7;
	v9 =	vor.u32 $0x200, v7;
	[tilespmem:s9+$0x6000] =	vst v13;
	v17 =	vld.idx.msk [tilespmem:v14+s5+$0x0], $0xffff  }
0x148: {  	v12 =	vor.u32 $0x100, v7;
	v13 =	vor.u32 $0x80, v21;
	[tilespmem:s8+$0xA020] =	vst v10;
	v8 =	vor.u32 $0x100, v21;
	v19 =	vld.idx.msk [tilespmem:v18+s5+$0x0], $0xffff  }
0x149: {  	v7 =	vor.u32 $0x200, v21;
	v14 =	vor.u32 $0x180, v21;
	v18 =	vld.idx.msk [tilespmem:v23+s5+$0x0], $0xffff;
	v21 =	vor.u32 $0x100, v0;
	[tilespmem:s9+$0x6010] =	vst v22  }
0x14a: {  	s23 =	simm.s32 $0x4;
	s18 =	simm.s32 $0x200;
	v5 =	vor.u32 $0x180, v20;
	v3 =	vor.u32 $0x200, v3;
	v10 =	vor.u32 $0x200, v20;
	v20 =	vld.idx.msk [tilespmem:v25+s5+$0x0], $0xffff;
	[tilespmem:s8+$0xE030] =	vst v24  }
.LBB2_7:
0x14b: {  	s19 =	sshra.s32 s18, $0x2;
	s23 =	sadd.s32 $0x4, s23;
	[tilespmem:s9+$0x6020] =	vst v16;
	v16 =	vld.idx.msk [tilespmem:v4+s5+$0x0], $0xffff;
	v4 =	vmov v14  }
0x14c: {  	s17 =	sadd.s32 $0x40, s17;
	v14 =	vld [tilespmem:s19+$0x2030];
	p0 =	slt.u32 s23, $0x1FC;
	[tilespmem:s15+$0xC000] =	vst v15  }
0x14d: {  	s20 =	sand.u32 $0x1FC0, s17;
	v15 =	vld [tilespmem:s19+$0x2000];
	[tilespmem:s9+$0x8030] =	vst v17  }
0x14e: {  	[tilespmem:s20+$0x8000] =	vst v19;
	v17 =	vld.idx.msk [tilespmem:v21+s5+$0x0], $0xffff  }
0x14f: {  	v19 =	vld [tilespmem:s19+$0x2010];
	[tilespmem:s8+$0xC010] =	vst v18  }
0x150: {  	v18 =	vld [tilespmem:s19+$0x2020];
	[tilespmem:s9+$0x8010] =	vst v20;
	v20 =	vor.u32 $0x180, v0  }
0x151: {  	v21 =	vshll.u32 v14, $0x3;
	v13 =	vld.idx.msk [tilespmem:v13+s5+$0x0], $0xffff;
	[tilespmem:s8+$0xC020] =	vst v16  }
0x152: {  	v14 =	vand.u32 $0x7F, v14;
	v16 =	vshll.u32 v15, $0x3;
	v21 =	vand.u32 $0xFFFFFC00, v21;
	v22 =	vld.idx.msk [tilespmem:v12+s5+$0x0], $0xffff  }
0x153: {  	v12 =	vand.u32 $0x7F, v15;
	v15 =	vand.u32 $0xFFFFFC00, v16;
	v14 =	vor.u32 v14, v21;
	v16 =	vld.idx.msk [tilespmem:v11+s5+$0x0], $0xffff  }
0x154: {  	v15 =	vor.u32 v12, v15;
	v11 =	vand.u32 $0x7F, v19;
	v12 =	vshll.u32 v19, $0x3;
	[tilespmem:s9+$0xA030] =	vst v17;
	v17 =	vld.idx.msk [tilespmem:v2+s5+$0x0], $0xffff;
	v2 =	vmovc v9  }
0x155: {  	v9 =	vand.u32 $0xFFFFFC00, v12;
	v12 =	vand.u32 $0x7F, v18;
	v18 =	vshll.u32 v18, $0x3;
	v19 =	vld.idx.msk [tilespmem:v20+s5+$0x0], $0xffff  }
0x156: {  	v20 =	vor.u32 $0x80, v15;
	v21 =	vor.u32 v11, v9;
	v9 =	vand.u32 $0xFFFFFC00, v18;
	v18 =	vld.idx.msk [tilespmem:v1+s5+$0x0], $0xffff;
	v1 =	vmovc v10  }
0x157: {  	v25 =	vor.u32 $0x200, v0;
	v0 =	vmovc v14;
	v23 =	vor.u32 $0x80, v21;
	v24 =	vor.u32 v12, v9;
	[tilespmem:s9+$0x8020] =	vst v13;
	v26 =	vld.idx.msk [tilespmem:v3+s5+$0x0], $0xffff  }
0x158: {  	v12 =	vor.u32 $0x100, v15;
	v11 =	vor.u32 $0x100, v21;
	v3 =	vmovc v7;
	v13 =	vor.u32 $0x80, v24;
	v27 =	vld.idx.msk [tilespmem:v14+s5+$0x0], $0xffff;
	[tilespmem:s20+$0xA000] =	vst v22  }
0x159: {  	v28 =	vor.u32 $0x180, v15;
	v29 =	vor.u32 $0x180, v21;
	v7 =	vor.u32 $0x100, v24;
	v22 =	vld.idx.msk [tilespmem:v15+s5+$0x0], $0xffff;
	[tilespmem:s9+$0xA010] =	vst v16  }
0x15a: {  	v30 =	vor.u32 $0x80, v0;
	v9 =	vor.u32 $0x200, v15;
	v14 =	vor.u32 $0x180, v24;
	v31 =	vld.idx.msk [tilespmem:v8+s5+$0x0], $0xffff;
	[tilespmem:s15+$0xE000] =	vst v17;
	v8 =	vmovc v7;
	s15 =	smov.u32 s20  }
0x15b: {  	v10 =	vor.u32 $0x200, v21;
	v7 =	vor.u32 $0x200, v24;
	v32 =	vld.idx.msk [tilespmem:v21+s5+$0x0], $0xffff;
	[tilespmem:s9+$0xC030] =	vst v19  }
0x15c: {  	v25 =	vld.idx.msk [tilespmem:v25+s5+$0x0], $0xffff;
	[tilespmem:s8+$0xE010] =	vst v18  }
0x15d: {  	v16 =	vld.idx.msk [tilespmem:v24+s5+$0x0], $0xffff;
	[tilespmem:s8+$0xE020] =	vst v26;
	s8 =	smov.u32 s9;
	s9 =	smov.u32 s19  }
.Ltmp2:
0x15e: {  	[tilespmem:s9+$0x6030] =	vst v27;
	v15 =	vld.idx.msk [tilespmem:v6+s5+$0x0], $0xffff;
	v6 =	vmov v28;
	(pc) =	sbr.rel @p0 .LBB2_7-.Ltmp2, $4  }
0x15f: {  	[tilespmem:s9+$0x6000] =	vst v22;
	v17 =	vld.idx.msk [tilespmem:v30+s5+$0x0], $0xffff  }
0x160: {  	v19 =	vld.idx.msk [tilespmem:v20+s5+$0x0], $0xffff;
	[tilespmem:s8+$0xA020] =	vst v31  }
0x161: {  	v21 =	vor.u32 $0x100, v0;
	[tilespmem:s9+$0x6010] =	vst v32;
	v18 =	vld.idx.msk [tilespmem:v5+s5+$0x0], $0xffff;
	v5 =	vmov v29  }
0x162: {  	s18 =	sadd.s32 $0x100, s18;
	v20 =	vld.idx.msk [tilespmem:v23+s5+$0x0], $0xffff;
	[tilespmem:s8+$0xE030] =	vst v25  }
0x163: {  	_ =	sdelay $0x2  }
0x164: {  	[tilespmem:s9+$0x6020] =	vst v16  }
0x165: {  	v13 =	vld.idx.msk [tilespmem:v13+s5+$0x0], $0xffff  }
0x166: {  	s3 =	sadd.s32 $0x40, s17  }
0x167: {  	s3 =	sand.u32 $0x1FC0, s3;
	[tilespmem:s9+$0x8030] =	vst v17  }
0x168: {  	[tilespmem:s3+$0x8000] =	vst v19;
	v16 =	vld.idx.msk [tilespmem:v21+s5+$0x0], $0xffff  }
0x169: {  	v17 =	vor.u32 $0x180, v0;
	v12 =	vld.idx.msk [tilespmem:v12+s5+$0x0], $0xffff;
	[tilespmem:s9+$0x8010] =	vst v20  }
0x16a: {  	v11 =	vld.idx.msk [tilespmem:v11+s5+$0x0], $0xffff;
	[tilespmem:s9+$0x8020] =	vst v13  }
0x16b: {  	[tilespmem:s15+$0xC000] =	vst v15;
	v8 =	vld.idx.msk [tilespmem:v8+s5+$0x0], $0xffff  }
0x16c: {  	v4 =	vld.idx.msk [tilespmem:v4+s5+$0x0], $0xffff;
	[tilespmem:s8+$0xC010] =	vst v18  }
0x16d: {  	v2 =	vld.idx.msk [tilespmem:v2+s5+$0x0], $0xffff;
	[tilespmem:s9+$0xA030] =	vst v16  }
0x16e: {  	v13 =	vld.idx.msk [tilespmem:v17+s5+$0x0], $0xffff;
	[tilespmem:s3+$0xA000] =	vst v12  }
0x16f: {  	v0 =	vor.u32 $0x200, v0;
	v6 =	vld.idx.msk [tilespmem:v6+s5+$0x0], $0xffff;
	[tilespmem:s9+$0xA010] =	vst v11  }
0x170: {  	v5 =	vld.idx.msk [tilespmem:v5+s5+$0x0], $0xffff;
	[tilespmem:s9+$0xA020] =	vst v8  }
0x171: {  	[tilespmem:s8+$0xC020] =	vst v4;
	v4 =	vld.idx.msk [tilespmem:v14+s5+$0x0], $0xffff  }
0x172: {  	v1 =	vld.idx.msk [tilespmem:v1+s5+$0x0], $0xffff;
	[tilespmem:s15+$0xE000] =	vst v2  }
0x173: {  	v2 =	vld.idx.msk [tilespmem:v3+s5+$0x0], $0xffff;
	[tilespmem:s9+$0xC030] =	vst v13  }
0x174: {  	v0 =	vld.idx.msk [tilespmem:v0+s5+$0x0], $0xffff;
	[tilespmem:s3+$0xC000] =	vst v6  }
0x175: {  	v3 =	vld.idx.msk [tilespmem:v9+s5+$0x0], $0xffff;
	[tilespmem:s9+$0xC010] =	vst v5  }
0x176: {  	[tilespmem:s9+$0xC020] =	vst v4;
	v4 =	vld.idx.msk [tilespmem:v10+s5+$0x0], $0xffff  }
0x177: {  	[tilespmem:s8+$0xE010] =	vst v1;
	v1 =	vld.idx.msk [tilespmem:v7+s5+$0x0], $0xffff  }
0x178: {  	s23 =	smul.u32 $0x280000, s22;
	[tilespmem:s8+$0xE020] =	vst v2  }
0x179: {  	[tilespmem:s9+$0xE030] =	vst v0  }
0x17a: {  	s18 =	sor.u32 s28, s23;
	[tilespmem:s3+$0xE000] =	vst v3  }
0x17b: {  	s3 =	sshrl.u32 s18, $0x3;
	[tilespmem:s9+$0xE010] =	vst v4  }
0x17c: {  	s20 =	simm.s32 $0x6000;
	s8 =	simm.s32 $0x0;
	s19 =	sadd.s32 s4, s3;
	[tilespmem:s9+$0xE020] =	vst v1  }
0x17d: {  	[hbm4b:s19+s8] =	stream.linear.scatter [tilespmem:s20], [sflag:$0x3], $0x2000, $0x38;
	[tilespmem:$0x1A000] =	vst v63  }
0x17e: {  	s25 =	simm.s32 $0x8000;
	s18 =	sadd.s32 s29, s23;
	s24 =	rddreg [dreg:$0x15]  }
0x17f: {  	s3 =	sadd.s32 s3, s6;
	s19 =	simm.s32 $0xA000;
	s9 =	sadd.s32 s24, s23  }
0x180: {  	[hbm4b:s3+s8] =	stream.linear.scatter [tilespmem:s25], [sflag:$0x3], $0x2000, $0x38;
	[tilespmem:$0x1A000] =	vst v63  }
0x181: {  	s20 =	sshrl.u32 s18, $0x3;
	s24 =	sadd.s32 s30, s23;
	s17 =	sshrl.u32 s9, $0x3  }
0x182: {  	s25 =	simm.s32 $0xC000;
	s15 =	sshrl.u32 s24, $0x3;
	s3 =	sadd.s32 s4, s17  }
0x183: {  	[hbm4b:s3+s8] =	stream.linear.scatter [tilespmem:s19], [sflag:$0x3], $0x2000, $0x38;
	[tilespmem:$0x1A000] =	vst v63  }
0x184: {  	s24 =	sshll.u32 s22, $0x13;
	s17 =	simm.s32 $0xE000;
	s3 =	sadd.s32 s4, s20  }
0x185: {  	[hbm4b:s3+s8] =	stream.linear.scatter [tilespmem:s25], [sflag:$0x3], $0x2000, $0x38;
	[tilespmem:$0x1A000] =	vst v63  }
0x186: {  	s18 =	sadd.s32 s31, s24;
	s3 =	sadd.s32 s4, s15;
	s25 =	sshll.u32 s22, $0xA  }
0x187: {  	[hbm4b:s3+s8] =	stream.linear.scatter [tilespmem:s17], [sflag:$0x3], $0x2000, $0x38;
	[tilespmem:$0x1A000] =	vst v63  }
0x188: {  	s19 =	sadd.s32 s25, s16;
	s3 =	sshrl.u32 s18, $0x3  }
0x189: {  	[tilespmem:s8], [sflag:$0x1] =	stream.linear.gather [hbm4b:s19+s8], $0x1000, $0x38;
	[tilespmem:$0x1A000] =	vst v63  }
0x18a: {  	s20 =	simm.s32 $0x2000;
	s3 =	sadd.s32 s11, s3  }
0x18b: {  	[tilespmem:s20], [sflag:$0x1] =	stream.linear.gather [hbm4b:s3+s8], $0x2000, $0x38;
	[tilespmem:$0x1A000] =	vst v63  }
0x18c: {  	_ =	swait.ge [sflag:s21], $0x1000  }
0x18d: {  	[sflag:s21] =	ssyncset.done $0x0  }
0x18e: {  	[sflag:s21] =	ssyncadd.s32 $0xFFFFF000  }
0x18f: {  	_ =	swait.ge [sflag:s21], $0x2000  }
0x190: {  	[sflag:s21] =	ssyncset.done $0x0  }
0x191: {  	[sflag:s21] =	ssyncadd.s32 $0xFFFFE000  }
0x192: {  	_ =	swait.ge [sflag:s13], $0x2000  }
0x193: {  	[sflag:s13] =	ssyncset.done $0x0  }
0x194: {  	[sflag:s13] =	ssyncadd.s32 $0xFFFFE000  }
0x195: {  	_ =	swait.ge [sflag:s13], $0x2000  }
0x196: {  	[sflag:s13] =	ssyncset.done $0x0  }
0x197: {  	[sflag:s13] =	ssyncadd.s32 $0xFFFFE000  }
0x198: {  	_ =	swait.ge [sflag:s13], $0x2000  }
0x199: {  	[sflag:s13] =	ssyncset.done $0x0  }
0x19a: {  	[sflag:s13] =	ssyncadd.s32 $0xFFFFE000  }
0x19b: {  	_ =	swait.ge [sflag:s13], $0x2000  }
0x19c: {  	[sflag:s13] =	ssyncset.done $0x0  }
0x19d: {  	[sflag:s13] =	ssyncadd.s32 $0xFFFFE000  }
0x19e: {  	_ =	swait.ge [sflag:s13], $0x2000  }
0x19f: {  	[sflag:s13] =	ssyncset.done $0x0  }
0x1a0: {  	s9 =	simm.s32 $0x0;
	[sflag:s13] =	ssyncadd.s32 $0xFFFFE000  }
0x1a1: {  	v0 =	vld [tilespmem:s9+$0x4030]  }
0x1a2: {  	v1 =	vld [tilespmem:s9+$0x4000];
	_ =	sdelay $0x2  }
0x1a3: {  	v2 =	vld [tilespmem:s9+$0x4010]  }
0x1a4: {  	v3 =	vld [tilespmem:s9+$0x4020];
	v4 =	vshll.u32 v0, $0x3  }
0x1a5: {  	v5 =	vshll.u32 v1, $0x3;
	v0 =	vand.u32 $0x7F, v0;
	v4 =	vand.u32 $0xFFFFFC00, v4  }
0x1a6: {  	v1 =	vand.u32 $0x7F, v1;
	v5 =	vand.u32 $0xFFFFFC00, v5;
	v4 =	vor.u32 v0, v4  }
0x1a7: {  	v1 =	vor.u32 v1, v5  }
0x1a8: {  	v0 =	vshll.u32 v2, $0x3  }
0x1a9: {  	v2 =	vand.u32 $0x7F, v2;
	v5 =	vshll.u32 v3, $0x3;
	v0 =	vand.u32 $0xFFFFFC00, v0  }
0x1aa: {  	v3 =	vand.u32 $0x7F, v3;
	v6 =	vor.u32 v2, v0;
	v0 =	vand.u32 $0xFFFFFC00, v5  }
0x1ab: {  	v3 =	vor.u32 v3, v0;
	v0 =	vld.idx.msk [tilespmem:v4+s12+$0x0], $0xffff  }
0x1ac: {  	v5 =	vor.u32 $0x80, v4;
	v2 =	vld.idx.msk [tilespmem:v1+s12+$0x0], $0xffff  }
0x1ad: {  	v7 =	vor.u32 $0x80, v1;
	_ =	sdelay $0x1  }
0x1ae: {  	s15 =	simm.s32 $0x40;
	v8 =	vld.idx.msk [tilespmem:v6+s12+$0x0], $0xffff  }
0x1af: {  	v12 =	vld [tilespmem:s15+$0x4010];
	[tilespmem:s9+$0x10030] =	vst v0  }
0x1b0: {  	[tilespmem:s9+$0x10000] =	vst v2;
	v0 =	vld.idx.msk [tilespmem:v5+s12+$0x0], $0xffff  }
0x1b1: {  	v2 =	vld.idx.msk [tilespmem:v7+s12+$0x0], $0xffff;
	v5 =	vor.u32 $0x100, v4  }
0x1b2: {  	v9 =	vor.u32 $0x80, v6;
	v7 =	vld [tilespmem:s15+$0x4030]  }
0x1b3: {  	[tilespmem:s9+$0x10010] =	vst v8;
	v8 =	vld [tilespmem:s15+$0x4000]  }
0x1b4: {  	v10 =	vld.idx.msk [tilespmem:v3+s12+$0x0], $0xffff  }
0x1b5: {  	v15 =	vld [tilespmem:s15+$0x4020];
	v11 =	vor.u32 $0x80, v3;
	[tilespmem:s9+$0x12030] =	vst v0  }
0x1b6: {  	v13 =	vor.u32 $0x100, v1;
	v5 =	vld.idx.msk [tilespmem:v5+s12+$0x0], $0xffff  }
0x1b7: {  	v16 =	vor.u32 $0x180, v4;
	v14 =	vor.u32 $0x100, v6;
	v9 =	vld.idx.msk [tilespmem:v9+s12+$0x0], $0xffff;
	v0 =	vshll.u32 v7, $0x3  }
0x1b8: {  	v7 =	vand.u32 $0x7F, v7;
	v17 =	vshll.u32 v8, $0x3;
	v0 =	vand.u32 $0xFFFFFC00, v0  }
0x1b9: {  	s17 =	sand.u32 $0x1FC0, s8;
	[tilespmem:s9+$0x10020] =	vst v10;
	v8 =	vand.u32 $0x7F, v8;
	v10 =	vand.u32 $0xFFFFFC00, v17;
	v0 =	vor.u32 v7, v0  }
0x1ba: {  	[tilespmem:s17+$0x12000] =	vst v2;
	v2 =	vld.idx.msk [tilespmem:v11+s12+$0x0], $0xffff;
	v7 =	vor.u32 v8, v10;
	v8 =	vshll.u32 v12, $0x3  }
0x1bb: {  	v11 =	vld.idx.msk [tilespmem:v13+s12+$0x0], $0xffff;
	v10 =	vor.u32 $0x100, v3;
	v12 =	vand.u32 $0x7F, v12;
	[tilespmem:s9+$0x14030] =	vst v5;
	v5 =	vand.u32 $0xFFFFFC00, v8  }
0x1bc: {  	[tilespmem:s9+$0x12010] =	vst v9;
	v8 =	vshll.u32 v15, $0x3;
	v9 =	vld.idx.msk [tilespmem:v16+s12+$0x0], $0xffff;
	v20 =	vor.u32 v12, v5  }
0x1bd: {  	v4 =	vor.u32 $0x200, v4;
	v5 =	vld.idx.msk [tilespmem:v14+s12+$0x0], $0xffff;
	v12 =	vand.u32 $0x7F, v15;
	v8 =	vand.u32 $0xFFFFFC00, v8  }
0x1be: {  	v21 =	vor.u32 v12, v8;
	v8 =	vld.idx.msk [tilespmem:v0+s12+$0x0], $0xffff  }
0x1bf: {  	[tilespmem:s9+$0x12020] =	vst v2;
	v12 =	vor.u32 $0x180, v1;
	v13 =	vld.idx.msk [tilespmem:v7+s12+$0x0], $0xffff  }
0x1c0: {  	v14 =	vor.u32 $0x80, v0;
	v10 =	vld.idx.msk [tilespmem:v10+s12+$0x0], $0xffff  }
0x1c1: {  	v18 =	vor.u32 $0x80, v7;
	v22 =	vld.idx.msk [tilespmem:v20+s12+$0x0], $0xffff;
	[tilespmem:s9+$0x16030] =	vst v9  }
0x1c2: {  	v23 =	vor.u32 $0x180, v6;
	[tilespmem:s17+$0x14000] =	vst v11;
	v24 =	vld.idx.msk [tilespmem:v4+s12+$0x0], $0xffff  }
0x1c3: {  	v25 =	vor.u32 $0x80, v20;
	[tilespmem:s9+$0x14010] =	vst v5;
	v16 =	vld.idx.msk [tilespmem:v21+s12+$0x0], $0xffff  }
0x1c4: {  	v2 =	vor.u32 $0x200, v1;
	v1 =	vor.u32 $0x200, v6;
	v4 =	vor.u32 $0x180, v3;
	[tilespmem:s15+$0x10030] =	vst v8;
	v15 =	vld.idx.msk [tilespmem:v12+s12+$0x0], $0xffff  }
0x1c5: {  	v11 =	vor.u32 $0x100, v20;
	v6 =	vor.u32 $0x180, v7;
	v9 =	vor.u32 $0x200, v7;
	[tilespmem:s15+$0x10000] =	vst v13;
	v17 =	vld.idx.msk [tilespmem:v14+s12+$0x0], $0xffff  }
0x1c6: {  	v12 =	vor.u32 $0x100, v7;
	v13 =	vor.u32 $0x80, v21;
	[tilespmem:s9+$0x14020] =	vst v10;
	v8 =	vor.u32 $0x100, v21;
	v19 =	vld.idx.msk [tilespmem:v18+s12+$0x0], $0xffff  }
0x1c7: {  	v7 =	vor.u32 $0x200, v21;
	v14 =	vor.u32 $0x180, v21;
	v18 =	vld.idx.msk [tilespmem:v23+s12+$0x0], $0xffff;
	v21 =	vor.u32 $0x100, v0;
	[tilespmem:s15+$0x10010] =	vst v22  }
0x1c8: {  	s18 =	simm.s32 $0x4;
	s19 =	simm.s32 $0x200;
	v5 =	vor.u32 $0x180, v20;
	v3 =	vor.u32 $0x200, v3;
	v10 =	vor.u32 $0x200, v20;
	v20 =	vld.idx.msk [tilespmem:v25+s12+$0x0], $0xffff;
	[tilespmem:s9+$0x18030] =	vst v24  }
.LBB2_9:
0x1c9: {  	s20 =	sshra.s32 s19, $0x2;
	s18 =	sadd.s32 $0x4, s18;
	[tilespmem:s15+$0x10020] =	vst v16;
	v16 =	vld.idx.msk [tilespmem:v4+s12+$0x0], $0xffff;
	v4 =	vmov v14  }
0x1ca: {  	s8 =	sadd.s32 $0x40, s8;
	v14 =	vld [tilespmem:s20+$0x4030];
	p0 =	slt.u32 s18, $0x1FC;
	[tilespmem:s17+$0x16000] =	vst v15  }
0x1cb: {  	s3 =	sand.u32 $0x1FC0, s8;
	v15 =	vld [tilespmem:s20+$0x4000];
	[tilespmem:s15+$0x12030] =	vst v17  }
0x1cc: {  	[tilespmem:s3+$0x12000] =	vst v19;
	v17 =	vld.idx.msk [tilespmem:v21+s12+$0x0], $0xffff  }
0x1cd: {  	v19 =	vld [tilespmem:s20+$0x4010];
	[tilespmem:s9+$0x16010] =	vst v18  }
0x1ce: {  	v18 =	vld [tilespmem:s20+$0x4020];
	[tilespmem:s15+$0x12010] =	vst v20;
	v20 =	vor.u32 $0x180, v0  }
0x1cf: {  	v21 =	vshll.u32 v14, $0x3;
	v13 =	vld.idx.msk [tilespmem:v13+s12+$0x0], $0xffff;
	[tilespmem:s9+$0x16020] =	vst v16  }
0x1d0: {  	v14 =	vand.u32 $0x7F, v14;
	v16 =	vshll.u32 v15, $0x3;
	v21 =	vand.u32 $0xFFFFFC00, v21;
	v22 =	vld.idx.msk [tilespmem:v12+s12+$0x0], $0xffff  }
0x1d1: {  	v12 =	vand.u32 $0x7F, v15;
	v15 =	vand.u32 $0xFFFFFC00, v16;
	v14 =	vor.u32 v14, v21;
	v16 =	vld.idx.msk [tilespmem:v11+s12+$0x0], $0xffff  }
0x1d2: {  	v15 =	vor.u32 v12, v15;
	v11 =	vand.u32 $0x7F, v19;
	v12 =	vshll.u32 v19, $0x3;
	[tilespmem:s15+$0x14030] =	vst v17;
	v17 =	vld.idx.msk [tilespmem:v2+s12+$0x0], $0xffff;
	v2 =	vmovc v9  }
0x1d3: {  	v9 =	vand.u32 $0xFFFFFC00, v12;
	v12 =	vand.u32 $0x7F, v18;
	v18 =	vshll.u32 v18, $0x3;
	v19 =	vld.idx.msk [tilespmem:v20+s12+$0x0], $0xffff  }
0x1d4: {  	v20 =	vor.u32 $0x80, v15;
	v21 =	vor.u32 v11, v9;
	v9 =	vand.u32 $0xFFFFFC00, v18;
	v18 =	vld.idx.msk [tilespmem:v1+s12+$0x0], $0xffff;
	v1 =	vmovc v10  }
0x1d5: {  	v25 =	vor.u32 $0x200, v0;
	v0 =	vmovc v14;
	v23 =	vor.u32 $0x80, v21;
	v24 =	vor.u32 v12, v9;
	[tilespmem:s15+$0x12020] =	vst v13;
	v26 =	vld.idx.msk [tilespmem:v3+s12+$0x0], $0xffff  }
0x1d6: {  	v12 =	vor.u32 $0x100, v15;
	v11 =	vor.u32 $0x100, v21;
	v3 =	vmovc v7;
	v13 =	vor.u32 $0x80, v24;
	v27 =	vld.idx.msk [tilespmem:v14+s12+$0x0], $0xffff;
	[tilespmem:s3+$0x14000] =	vst v22  }
0x1d7: {  	v28 =	vor.u32 $0x180, v15;
	v29 =	vor.u32 $0x180, v21;
	v7 =	vor.u32 $0x100, v24;
	v22 =	vld.idx.msk [tilespmem:v15+s12+$0x0], $0xffff;
	[tilespmem:s15+$0x14010] =	vst v16  }
0x1d8: {  	v30 =	vor.u32 $0x80, v0;
	v9 =	vor.u32 $0x200, v15;
	v14 =	vor.u32 $0x180, v24;
	v31 =	vld.idx.msk [tilespmem:v8+s12+$0x0], $0xffff;
	[tilespmem:s17+$0x18000] =	vst v17;
	v8 =	vmovc v7;
	s17 =	smov.u32 s3  }
0x1d9: {  	v10 =	vor.u32 $0x200, v21;
	v7 =	vor.u32 $0x200, v24;
	v32 =	vld.idx.msk [tilespmem:v21+s12+$0x0], $0xffff;
	[tilespmem:s15+$0x16030] =	vst v19  }
0x1da: {  	v25 =	vld.idx.msk [tilespmem:v25+s12+$0x0], $0xffff;
	[tilespmem:s9+$0x18010] =	vst v18  }
0x1db: {  	v16 =	vld.idx.msk [tilespmem:v24+s12+$0x0], $0xffff;
	[tilespmem:s9+$0x18020] =	vst v26;
	s9 =	smov.u32 s15;
	s15 =	smov.u32 s20  }
.Ltmp3:
0x1dc: {  	[tilespmem:s15+$0x10030] =	vst v27;
	v15 =	vld.idx.msk [tilespmem:v6+s12+$0x0], $0xffff;
	v6 =	vmov v28;
	(pc) =	sbr.rel @p0 .LBB2_9-.Ltmp3, $4  }
0x1dd: {  	[tilespmem:s15+$0x10000] =	vst v22;
	v17 =	vld.idx.msk [tilespmem:v30+s12+$0x0], $0xffff  }
0x1de: {  	v19 =	vld.idx.msk [tilespmem:v20+s12+$0x0], $0xffff;
	[tilespmem:s9+$0x14020] =	vst v31  }
0x1df: {  	v21 =	vor.u32 $0x100, v0;
	[tilespmem:s15+$0x10010] =	vst v32;
	v18 =	vld.idx.msk [tilespmem:v5+s12+$0x0], $0xffff;
	v5 =	vmov v29  }
0x1e0: {  	s19 =	sadd.s32 $0x100, s19;
	v20 =	vld.idx.msk [tilespmem:v23+s12+$0x0], $0xffff;
	[tilespmem:s9+$0x18030] =	vst v25  }
0x1e1: {  	_ =	sdelay $0x2  }
0x1e2: {  	[tilespmem:s15+$0x10020] =	vst v16  }
0x1e3: {  	v13 =	vld.idx.msk [tilespmem:v13+s12+$0x0], $0xffff  }
0x1e4: {  	s3 =	sadd.s32 $0x40, s8  }
0x1e5: {  	s3 =	sand.u32 $0x1FC0, s3;
	[tilespmem:s15+$0x12030] =	vst v17  }
0x1e6: {  	[tilespmem:s3+$0x12000] =	vst v19;
	v55 =	vld.idx.msk [tilespmem:v21+s12+$0x0], $0xffff  }
0x1e7: {  	v56 =	vor.u32 $0x180, v0;
	v12 =	vld.idx.msk [tilespmem:v12+s12+$0x0], $0xffff;
	[tilespmem:s15+$0x12010] =	vst v20  }
0x1e8: {  	v11 =	vld.idx.msk [tilespmem:v11+s12+$0x0], $0xffff;
	[tilespmem:s15+$0x12020] =	vst v13  }
0x1e9: {  	[tilespmem:s17+$0x16000] =	vst v15;
	v8 =	vld.idx.msk [tilespmem:v8+s12+$0x0], $0xffff  }
0x1ea: {  	v4 =	vld.idx.msk [tilespmem:v4+s12+$0x0], $0xffff;
	[tilespmem:s9+$0x16010] =	vst v18  }
0x1eb: {  	v2 =	vld.idx.msk [tilespmem:v2+s12+$0x0], $0xffff;
	[tilespmem:s15+$0x14030] =	vst v55  }
0x1ec: {  	v57 =	vld.idx.msk [tilespmem:v56+s12+$0x0], $0xffff;
	[tilespmem:s3+$0x14000] =	vst v12  }
0x1ed: {  	v58 =	vor.u32 $0x200, v0;
	v6 =	vld.idx.msk [tilespmem:v6+s12+$0x0], $0xffff;
	[tilespmem:s15+$0x14010] =	vst v11  }
0x1ee: {  	v5 =	vld.idx.msk [tilespmem:v5+s12+$0x0], $0xffff;
	[tilespmem:s15+$0x14020] =	vst v8  }
0x1ef: {  	[tilespmem:s9+$0x16020] =	vst v4;
	v59 =	vld.idx.msk [tilespmem:v14+s12+$0x0], $0xffff  }
0x1f0: {  	v1 =	vld.idx.msk [tilespmem:v1+s12+$0x0], $0xffff;
	[tilespmem:s17+$0x18000] =	vst v2  }
0x1f1: {  	v60 =	vld.idx.msk [tilespmem:v3+s12+$0x0], $0xffff;
	[tilespmem:s15+$0x16030] =	vst v57  }
0x1f2: {  	v0 =	vld.idx.msk [tilespmem:v58+s12+$0x0], $0xffff;
	[tilespmem:s3+$0x16000] =	vst v6  }
0x1f3: {  	v61 =	vld.idx.msk [tilespmem:v9+s12+$0x0], $0xffff;
	[tilespmem:s15+$0x16010] =	vst v5  }
0x1f4: {  	v62 =	vld.idx.msk [tilespmem:v10+s12+$0x0], $0xffff;
	[tilespmem:s15+$0x16020] =	vst v59  }
0x1f5: {  	[tilespmem:s9+$0x18010] =	vst v1;
	v63 =	vld.idx.msk [tilespmem:v7+s12+$0x0], $0xffff  }
0x1f6: {  	[tilespmem:s9+$0x18020] =	vst v60  }
0x1f7: {  	s18 =	sadd.s32 s7, s23;
	[tilespmem:s15+$0x18030] =	vst v0  }
0x1f8: {  	s19 =	sadd.s32 s0, s23;
	s20 =	simm.s32 $0x10000;
	s22 =	sadd.s32 $0x1, s22;
	[tilespmem:s3+$0x18000] =	vst v61  }
0x1f9: {  	s17 =	simm.s32 $0x12000;
	s9 =	sshrl.u32 s19, $0x3;
	s3 =	sshrl.u32 s18, $0x3;
	[tilespmem:s15+$0x18010] =	vst v62  }
0x1fa: {  	s19 =	sadd.s32 s1, s23;
	s3 =	sadd.s32 s4, s3;
	[tilespmem:s15+$0x18020] =	vst v63;
	s15 =	sadd.s32 s31, s23  }
0x1fb: {  	[hbm4b:s3+s5] =	stream.linear.scatter [tilespmem:s20], [sflag:$0x4], $0x2000, $0x38;
	[tilespmem:$0x1A000] =	vst v63  }
0x1fc: {  	s3 =	sadd.s32 s4, s9;
	s18 =	sshrl.u32 s15, $0x3;
	s20 =	simm.s32 $0x14000  }
0x1fd: {  	[hbm4b:s3+s5] =	stream.linear.scatter [tilespmem:s17], [sflag:$0x4], $0x2000, $0x38;
	[tilespmem:$0x1A000] =	vst v63  }
0x1fe: {  	s15 =	sshrl.u32 s19, $0x3;
	s3 =	sadd.s32 s4, s18;
	s17 =	sadd.s32 s2, s23  }
0x1ff: {  	[hbm4b:s3+s5] =	stream.linear.scatter [tilespmem:s20], [sflag:$0x4], $0x2000, $0x38;
	[tilespmem:$0x1A000] =	vst v63  }
0x200: {  	s18 =	simm.s32 $0x16000;
	s19 =	sshrl.u32 s17, $0x3;
	s3 =	sadd.s32 s4, s15  }
0x201: {  	[hbm4b:s3+s5] =	stream.linear.scatter [tilespmem:s18], [sflag:$0x4], $0x2000, $0x38;
	[tilespmem:$0x1A000] =	vst v63  }
0x202: {  	p0 =	sne.s32 s22, $0xB;
	s20 =	simm.s32 $0x18000;
	s3 =	sadd.s32 s4, s19  }
0x203: {  	[hbm4b:s3+s5] =	stream.linear.scatter [tilespmem:s20], [sflag:$0x4], $0x2000, $0x38;
	[tilespmem:$0x1A000] =	vst v63  }
.Ltmp4:
0x204: {  	s23 =	sadd.s32 s1, s24;
	(pc) =	sbr.rel @p0 .LBB2_6-.Ltmp4, $4  }
0x205: {  	s24 =	sadd.s32 s25, s26;
	s3 =	sshrl.u32 s23, $0x3  }
0x206: {  	[tilespmem:s12], [sflag:$0x2] =	stream.linear.gather [hbm4b:s24+s5], $0x1000, $0x38;
	[tilespmem:$0x1A000] =	vst v63  }
0x207: {  	s25 =	simm.s32 $0x4000;
	s3 =	sadd.s32 s11, s3  }
0x208: {  	[tilespmem:s25], [sflag:$0x2] =	stream.linear.gather [hbm4b:s3+s5], $0x2000, $0x38;
	[tilespmem:$0x1A000] =	vst v63  }
0x209: {  	_ =	swait.ge [sflag:s14], $0x1000  }
0x20a: {  	[sflag:s14] =	ssyncset.done $0x0  }
0x20b: {  	[sflag:s14] =	ssyncadd.s32 $0xFFFFF000  }
0x20c: {  	_ =	swait.ge [sflag:s14], $0x2000  }
0x20d: {  	[sflag:s14] =	ssyncset.done $0x0  }
0x20e: {  	[sflag:s14] =	ssyncadd.s32 $0xFFFFE000  }
0x20f: {  	_ =	swait.ge [sflag:s10], $0x2000  }
0x210: {  	[sflag:s10] =	ssyncset.done $0x0  }
0x211: {  	[sflag:s10] =	ssyncadd.s32 $0xFFFFE000  }
0x212: {  	_ =	swait.ge [sflag:s10], $0x2000  }
0x213: {  	[sflag:s10] =	ssyncset.done $0x0  }
0x214: {  	[sflag:s10] =	ssyncadd.s32 $0xFFFFE000  }
0x215: {  	_ =	swait.ge [sflag:s10], $0x2000  }
0x216: {  	[sflag:s10] =	ssyncset.done $0x0  }
0x217: {  	[sflag:s10] =	ssyncadd.s32 $0xFFFFE000  }
0x218: {  	_ =	swait.ge [sflag:s10], $0x2000  }
0x219: {  	[sflag:s10] =	ssyncset.done $0x0  }
0x21a: {  	[sflag:s10] =	ssyncadd.s32 $0xFFFFE000  }
0x21b: {  	_ =	swait.ge [sflag:s10], $0x2000  }
0x21c: {  	[sflag:s10] =	ssyncset.done $0x0  }
0x21d: {  	s8 =	simm.s32 $0x0;
	[sflag:s10] =	ssyncadd.s32 $0xFFFFE000  }
0x21e: {  	v0 =	vld [tilespmem:s8+$0x2030]  }
0x21f: {  	v1 =	vld [tilespmem:s8+$0x2000];
	_ =	sdelay $0x2  }
0x220: {  	v2 =	vld [tilespmem:s8+$0x2010]  }
0x221: {  	v3 =	vld [tilespmem:s8+$0x2020];
	v4 =	vshll.u32 v0, $0x3  }
0x222: {  	v5 =	vshll.u32 v1, $0x3;
	v0 =	vand.u32 $0x7F, v0;
	v4 =	vand.u32 $0xFFFFFC00, v4  }
0x223: {  	v1 =	vand.u32 $0x7F, v1;
	v5 =	vand.u32 $0xFFFFFC00, v5;
	v4 =	vor.u32 v0, v4  }
0x224: {  	v1 =	vor.u32 v1, v5  }
0x225: {  	v0 =	vshll.u32 v2, $0x3  }
0x226: {  	v2 =	vand.u32 $0x7F, v2;
	v5 =	vshll.u32 v3, $0x3;
	v0 =	vand.u32 $0xFFFFFC00, v0  }
0x227: {  	v3 =	vand.u32 $0x7F, v3;
	v6 =	vor.u32 v2, v0;
	v0 =	vand.u32 $0xFFFFFC00, v5  }
0x228: {  	v3 =	vor.u32 v3, v0;
	v0 =	vld.idx.msk [tilespmem:v4+s5+$0x0], $0xffff  }
0x229: {  	v5 =	vor.u32 $0x80, v4;
	v2 =	vld.idx.msk [tilespmem:v1+s5+$0x0], $0xffff  }
0x22a: {  	v7 =	vor.u32 $0x80, v1;
	_ =	sdelay $0x1  }
0x22b: {  	s9 =	simm.s32 $0x40;
	v8 =	vld.idx.msk [tilespmem:v6+s5+$0x0], $0xffff  }
0x22c: {  	v12 =	vld [tilespmem:s9+$0x2010];
	[tilespmem:s8+$0x6030] =	vst v0  }
0x22d: {  	[tilespmem:s8+$0x6000] =	vst v2;
	v0 =	vld.idx.msk [tilespmem:v5+s5+$0x0], $0xffff  }
0x22e: {  	v2 =	vld.idx.msk [tilespmem:v7+s5+$0x0], $0xffff;
	v5 =	vor.u32 $0x100, v4  }
0x22f: {  	v9 =	vor.u32 $0x80, v6;
	v7 =	vld [tilespmem:s9+$0x2030]  }
0x230: {  	[tilespmem:s8+$0x6010] =	vst v8;
	v8 =	vld [tilespmem:s9+$0x2000]  }
0x231: {  	v10 =	vld.idx.msk [tilespmem:v3+s5+$0x0], $0xffff  }
0x232: {  	v15 =	vld [tilespmem:s9+$0x2020];
	v11 =	vor.u32 $0x80, v3;
	[tilespmem:s8+$0x8030] =	vst v0  }
0x233: {  	v13 =	vor.u32 $0x100, v1;
	v5 =	vld.idx.msk [tilespmem:v5+s5+$0x0], $0xffff  }
0x234: {  	v16 =	vor.u32 $0x180, v4;
	v14 =	vor.u32 $0x100, v6;
	v9 =	vld.idx.msk [tilespmem:v9+s5+$0x0], $0xffff;
	v0 =	vshll.u32 v7, $0x3  }
0x235: {  	s17 =	simm.s32 $0x0;
	v7 =	vand.u32 $0x7F, v7;
	v17 =	vshll.u32 v8, $0x3;
	v0 =	vand.u32 $0xFFFFFC00, v0  }
0x236: {  	s15 =	sand.u32 $0x1FC0, s17;
	[tilespmem:s8+$0x6020] =	vst v10;
	v8 =	vand.u32 $0x7F, v8;
	v10 =	vand.u32 $0xFFFFFC00, v17;
	v0 =	vor.u32 v7, v0  }
0x237: {  	[tilespmem:s15+$0x8000] =	vst v2;
	v2 =	vld.idx.msk [tilespmem:v11+s5+$0x0], $0xffff;
	v7 =	vor.u32 v8, v10;
	v8 =	vshll.u32 v12, $0x3  }
0x238: {  	v11 =	vld.idx.msk [tilespmem:v13+s5+$0x0], $0xffff;
	v10 =	vor.u32 $0x100, v3;
	v12 =	vand.u32 $0x7F, v12;
	[tilespmem:s8+$0xA030] =	vst v5;
	v5 =	vand.u32 $0xFFFFFC00, v8  }
0x239: {  	[tilespmem:s8+$0x8010] =	vst v9;
	v8 =	vshll.u32 v15, $0x3;
	v9 =	vld.idx.msk [tilespmem:v16+s5+$0x0], $0xffff;
	v20 =	vor.u32 v12, v5  }
0x23a: {  	v4 =	vor.u32 $0x200, v4;
	v5 =	vld.idx.msk [tilespmem:v14+s5+$0x0], $0xffff;
	v12 =	vand.u32 $0x7F, v15;
	v8 =	vand.u32 $0xFFFFFC00, v8  }
0x23b: {  	v21 =	vor.u32 v12, v8;
	v8 =	vld.idx.msk [tilespmem:v0+s5+$0x0], $0xffff  }
0x23c: {  	[tilespmem:s8+$0x8020] =	vst v2;
	v12 =	vor.u32 $0x180, v1;
	v13 =	vld.idx.msk [tilespmem:v7+s5+$0x0], $0xffff  }
0x23d: {  	v14 =	vor.u32 $0x80, v0;
	v10 =	vld.idx.msk [tilespmem:v10+s5+$0x0], $0xffff  }
0x23e: {  	v18 =	vor.u32 $0x80, v7;
	v22 =	vld.idx.msk [tilespmem:v20+s5+$0x0], $0xffff;
	[tilespmem:s8+$0xC030] =	vst v9  }
0x23f: {  	v23 =	vor.u32 $0x180, v6;
	[tilespmem:s15+$0xA000] =	vst v11;
	v24 =	vld.idx.msk [tilespmem:v4+s5+$0x0], $0xffff  }
0x240: {  	v25 =	vor.u32 $0x80, v20;
	[tilespmem:s8+$0xA010] =	vst v5;
	v16 =	vld.idx.msk [tilespmem:v21+s5+$0x0], $0xffff  }
0x241: {  	v2 =	vor.u32 $0x200, v1;
	v1 =	vor.u32 $0x200, v6;
	v4 =	vor.u32 $0x180, v3;
	[tilespmem:s9+$0x6030] =	vst v8;
	v15 =	vld.idx.msk [tilespmem:v12+s5+$0x0], $0xffff  }
0x242: {  	v11 =	vor.u32 $0x100, v20;
	v6 =	vor.u32 $0x180, v7;
	v9 =	vor.u32 $0x200, v7;
	[tilespmem:s9+$0x6000] =	vst v13;
	v17 =	vld.idx.msk [tilespmem:v14+s5+$0x0], $0xffff  }
0x243: {  	v12 =	vor.u32 $0x100, v7;
	v13 =	vor.u32 $0x80, v21;
	[tilespmem:s8+$0xA020] =	vst v10;
	v8 =	vor.u32 $0x100, v21;
	v19 =	vld.idx.msk [tilespmem:v18+s5+$0x0], $0xffff  }
0x244: {  	v7 =	vor.u32 $0x200, v21;
	v14 =	vor.u32 $0x180, v21;
	v18 =	vld.idx.msk [tilespmem:v23+s5+$0x0], $0xffff;
	v21 =	vor.u32 $0x100, v0;
	[tilespmem:s9+$0x6010] =	vst v22  }
0x245: {  	s18 =	simm.s32 $0x4;
	s19 =	simm.s32 $0x200;
	v5 =	vor.u32 $0x180, v20;
	v3 =	vor.u32 $0x200, v3;
	v10 =	vor.u32 $0x200, v20;
	v20 =	vld.idx.msk [tilespmem:v25+s5+$0x0], $0xffff;
	[tilespmem:s8+$0xE030] =	vst v24  }
.LBB2_12:
0x246: {  	s20 =	sshra.s32 s19, $0x2;
	s18 =	sadd.s32 $0x4, s18;
	[tilespmem:s9+$0x6020] =	vst v16;
	v16 =	vld.idx.msk [tilespmem:v4+s5+$0x0], $0xffff;
	v4 =	vmov v14  }
0x247: {  	s17 =	sadd.s32 $0x40, s17;
	v14 =	vld [tilespmem:s20+$0x2030];
	p0 =	slt.u32 s18, $0x1FC;
	[tilespmem:s15+$0xC000] =	vst v15  }
0x248: {  	s3 =	sand.u32 $0x1FC0, s17;
	v15 =	vld [tilespmem:s20+$0x2000];
	[tilespmem:s9+$0x8030] =	vst v17  }
0x249: {  	[tilespmem:s3+$0x8000] =	vst v19;
	v17 =	vld.idx.msk [tilespmem:v21+s5+$0x0], $0xffff  }
0x24a: {  	v19 =	vld [tilespmem:s20+$0x2010];
	[tilespmem:s8+$0xC010] =	vst v18  }
0x24b: {  	v18 =	vld [tilespmem:s20+$0x2020];
	[tilespmem:s9+$0x8010] =	vst v20;
	v20 =	vor.u32 $0x180, v0  }
0x24c: {  	v21 =	vshll.u32 v14, $0x3;
	v13 =	vld.idx.msk [tilespmem:v13+s5+$0x0], $0xffff;
	[tilespmem:s8+$0xC020] =	vst v16  }
0x24d: {  	v14 =	vand.u32 $0x7F, v14;
	v16 =	vshll.u32 v15, $0x3;
	v21 =	vand.u32 $0xFFFFFC00, v21;
	v22 =	vld.idx.msk [tilespmem:v12+s5+$0x0], $0xffff  }
0x24e: {  	v12 =	vand.u32 $0x7F, v15;
	v15 =	vand.u32 $0xFFFFFC00, v16;
	v14 =	vor.u32 v14, v21;
	v16 =	vld.idx.msk [tilespmem:v11+s5+$0x0], $0xffff  }
0x24f: {  	v15 =	vor.u32 v12, v15;
	v11 =	vand.u32 $0x7F, v19;
	v12 =	vshll.u32 v19, $0x3;
	[tilespmem:s9+$0xA030] =	vst v17;
	v17 =	vld.idx.msk [tilespmem:v2+s5+$0x0], $0xffff;
	v2 =	vmovc v9  }
0x250: {  	v9 =	vand.u32 $0xFFFFFC00, v12;
	v12 =	vand.u32 $0x7F, v18;
	v18 =	vshll.u32 v18, $0x3;
	v19 =	vld.idx.msk [tilespmem:v20+s5+$0x0], $0xffff  }
0x251: {  	v20 =	vor.u32 $0x80, v15;
	v21 =	vor.u32 v11, v9;
	v9 =	vand.u32 $0xFFFFFC00, v18;
	v18 =	vld.idx.msk [tilespmem:v1+s5+$0x0], $0xffff;
	v1 =	vmovc v10  }
0x252: {  	v25 =	vor.u32 $0x200, v0;
	v0 =	vmovc v14;
	v23 =	vor.u32 $0x80, v21;
	v24 =	vor.u32 v12, v9;
	[tilespmem:s9+$0x8020] =	vst v13;
	v26 =	vld.idx.msk [tilespmem:v3+s5+$0x0], $0xffff  }
0x253: {  	v12 =	vor.u32 $0x100, v15;
	v11 =	vor.u32 $0x100, v21;
	v3 =	vmovc v7;
	v13 =	vor.u32 $0x80, v24;
	v27 =	vld.idx.msk [tilespmem:v14+s5+$0x0], $0xffff;
	[tilespmem:s3+$0xA000] =	vst v22  }
0x254: {  	v28 =	vor.u32 $0x180, v15;
	v29 =	vor.u32 $0x180, v21;
	v7 =	vor.u32 $0x100, v24;
	v22 =	vld.idx.msk [tilespmem:v15+s5+$0x0], $0xffff;
	[tilespmem:s9+$0xA010] =	vst v16  }
0x255: {  	v30 =	vor.u32 $0x80, v0;
	v9 =	vor.u32 $0x200, v15;
	v14 =	vor.u32 $0x180, v24;
	v31 =	vld.idx.msk [tilespmem:v8+s5+$0x0], $0xffff;
	[tilespmem:s15+$0xE000] =	vst v17;
	v8 =	vmovc v7;
	s15 =	smov.u32 s3  }
0x256: {  	v10 =	vor.u32 $0x200, v21;
	v7 =	vor.u32 $0x200, v24;
	v32 =	vld.idx.msk [tilespmem:v21+s5+$0x0], $0xffff;
	[tilespmem:s9+$0xC030] =	vst v19  }
0x257: {  	v25 =	vld.idx.msk [tilespmem:v25+s5+$0x0], $0xffff;
	[tilespmem:s8+$0xE010] =	vst v18  }
0x258: {  	v16 =	vld.idx.msk [tilespmem:v24+s5+$0x0], $0xffff;
	[tilespmem:s8+$0xE020] =	vst v26;
	s8 =	smov.u32 s9;
	s9 =	smov.u32 s20  }
.Ltmp5:
0x259: {  	[tilespmem:s9+$0x6030] =	vst v27;
	v15 =	vld.idx.msk [tilespmem:v6+s5+$0x0], $0xffff;
	v6 =	vmov v28;
	(pc) =	sbr.rel @p0 .LBB2_12-.Ltmp5, $4  }
0x25a: {  	[tilespmem:s9+$0x6000] =	vst v22;
	v17 =	vld.idx.msk [tilespmem:v30+s5+$0x0], $0xffff  }
0x25b: {  	v19 =	vld.idx.msk [tilespmem:v20+s5+$0x0], $0xffff;
	[tilespmem:s8+$0xA020] =	vst v31  }
0x25c: {  	v21 =	vor.u32 $0x100, v0;
	[tilespmem:s9+$0x6010] =	vst v32;
	v18 =	vld.idx.msk [tilespmem:v5+s5+$0x0], $0xffff;
	v5 =	vmov v29  }
0x25d: {  	s19 =	sadd.s32 $0x100, s19;
	v20 =	vld.idx.msk [tilespmem:v23+s5+$0x0], $0xffff;
	[tilespmem:s8+$0xE030] =	vst v25  }
0x25e: {  	_ =	sdelay $0x2  }
0x25f: {  	[tilespmem:s9+$0x6020] =	vst v16  }
0x260: {  	v13 =	vld.idx.msk [tilespmem:v13+s5+$0x0], $0xffff  }
0x261: {  	s3 =	sadd.s32 $0x40, s17  }
0x262: {  	s3 =	sand.u32 $0x1FC0, s3;
	[tilespmem:s9+$0x8030] =	vst v17  }
0x263: {  	[tilespmem:s3+$0x8000] =	vst v19;
	v16 =	vld.idx.msk [tilespmem:v21+s5+$0x0], $0xffff  }
0x264: {  	v17 =	vor.u32 $0x180, v0;
	v12 =	vld.idx.msk [tilespmem:v12+s5+$0x0], $0xffff;
	[tilespmem:s9+$0x8010] =	vst v20  }
0x265: {  	v11 =	vld.idx.msk [tilespmem:v11+s5+$0x0], $0xffff;
	[tilespmem:s9+$0x8020] =	vst v13  }
0x266: {  	[tilespmem:s15+$0xC000] =	vst v15;
	v8 =	vld.idx.msk [tilespmem:v8+s5+$0x0], $0xffff  }
0x267: {  	v4 =	vld.idx.msk [tilespmem:v4+s5+$0x0], $0xffff;
	[tilespmem:s8+$0xC010] =	vst v18  }
0x268: {  	v2 =	vld.idx.msk [tilespmem:v2+s5+$0x0], $0xffff;
	[tilespmem:s9+$0xA030] =	vst v16  }
0x269: {  	v13 =	vld.idx.msk [tilespmem:v17+s5+$0x0], $0xffff;
	[tilespmem:s3+$0xA000] =	vst v12  }
0x26a: {  	v0 =	vor.u32 $0x200, v0;
	v6 =	vld.idx.msk [tilespmem:v6+s5+$0x0], $0xffff;
	[tilespmem:s9+$0xA010] =	vst v11  }
0x26b: {  	v5 =	vld.idx.msk [tilespmem:v5+s5+$0x0], $0xffff;
	[tilespmem:s9+$0xA020] =	vst v8  }
0x26c: {  	[tilespmem:s8+$0xC020] =	vst v4;
	v4 =	vld.idx.msk [tilespmem:v14+s5+$0x0], $0xffff  }
0x26d: {  	v1 =	vld.idx.msk [tilespmem:v1+s5+$0x0], $0xffff;
	[tilespmem:s15+$0xE000] =	vst v2  }
0x26e: {  	v2 =	vld.idx.msk [tilespmem:v3+s5+$0x0], $0xffff;
	[tilespmem:s9+$0xC030] =	vst v13  }
0x26f: {  	v0 =	vld.idx.msk [tilespmem:v0+s5+$0x0], $0xffff;
	[tilespmem:s3+$0xC000] =	vst v6  }
0x270: {  	v3 =	vld.idx.msk [tilespmem:v9+s5+$0x0], $0xffff;
	[tilespmem:s9+$0xC010] =	vst v5  }
0x271: {  	[tilespmem:s9+$0xC020] =	vst v4;
	v4 =	vld.idx.msk [tilespmem:v10+s5+$0x0], $0xffff  }
0x272: {  	[tilespmem:s8+$0xE010] =	vst v1;
	v1 =	vld.idx.msk [tilespmem:v7+s5+$0x0], $0xffff  }
0x273: {  	[tilespmem:s8+$0xE020] =	vst v2  }
0x274: {  	[tilespmem:s9+$0xE030] =	vst v0  }
0x275: {  	[tilespmem:s3+$0xE000] =	vst v3  }
0x276: {  	[tilespmem:s9+$0xE010] =	vst v4  }
0x277: {  	[tilespmem:s9+$0xE020] =	vst v1  }
0x278: {  	s23 =	simm.s32 $0x6000;
	s9 =	simm.s32 $0x0;
	s3 =	rddreg [dreg:$0x16]  }
0x279: {  	[hbm4b:s3+s9] =	stream.linear.scatter [tilespmem:s23], [sflag:$0x3], $0x2000, $0x38;
	[tilespmem:$0x1A000] =	vst v63  }
0x27a: {  	s25 =	simm.s32 $0x8000;
	s24 =	rddreg [dreg:$0x17]  }
0x27b: {  	[hbm4b:s24+s9] =	stream.linear.scatter [tilespmem:s25], [sflag:$0x3], $0x2000, $0x38;
	[tilespmem:$0x1A000] =	vst v63  }
0x27c: {  	s17 =	simm.s32 $0xA000;
	s15 =	rddreg [dreg:$0x18]  }
0x27d: {  	[hbm4b:s15+s9] =	stream.linear.scatter [tilespmem:s17], [sflag:$0x3], $0x2000, $0x38;
	[tilespmem:$0x1A000] =	vst v63  }
0x27e: {  	s19 =	simm.s32 $0xC000;
	s18 =	rddreg [dreg:$0x19]  }
0x27f: {  	[hbm4b:s18+s9] =	stream.linear.scatter [tilespmem:s19], [sflag:$0x3], $0x2000, $0x38;
	[tilespmem:$0x1A000] =	vst v63  }
0x280: {  	s22 =	simm.s32 $0xE000;
	s20 =	rddreg [dreg:$0x1a]  }
0x281: {  	[hbm4b:s20+s9] =	stream.linear.scatter [tilespmem:s22], [sflag:$0x3], $0x2000, $0x38;
	[tilespmem:$0x1A000] =	vst v63  }
0x282: {  	s23 =	rddreg [dreg:$0x1b]  }
0x283: {  	[tilespmem:s9], [sflag:$0x1] =	stream.linear.gather [hbm4b:s23+s9], $0x1000, $0x38;
	[tilespmem:$0x1A000] =	vst v63  }
0x284: {  	s24 =	rddreg [dreg:$0x13];
	s25 =	simm.s32 $0x2000  }
0x285: {  	[tilespmem:s25], [sflag:$0x1] =	stream.linear.gather [hbm4b:s24+s9], $0x2000, $0x38;
	[tilespmem:$0x1A000] =	vst v63  }
0x286: {  	_ =	swait.ge [sflag:s21], $0x1000  }
0x287: {  	[sflag:s21] =	ssyncset.done $0x0  }
0x288: {  	[sflag:s21] =	ssyncadd.s32 $0xFFFFF000  }
0x289: {  	_ =	swait.ge [sflag:s21], $0x2000  }
0x28a: {  	[sflag:s21] =	ssyncset.done $0x0  }
0x28b: {  	[sflag:s21] =	ssyncadd.s32 $0xFFFFE000  }
0x28c: {  	_ =	swait.ge [sflag:s13], $0x2000  }
0x28d: {  	[sflag:s13] =	ssyncset.done $0x0  }
0x28e: {  	[sflag:s13] =	ssyncadd.s32 $0xFFFFE000  }
0x28f: {  	_ =	swait.ge [sflag:s13], $0x2000  }
0x290: {  	[sflag:s13] =	ssyncset.done $0x0  }
0x291: {  	[sflag:s13] =	ssyncadd.s32 $0xFFFFE000  }
0x292: {  	_ =	swait.ge [sflag:s13], $0x2000  }
0x293: {  	[sflag:s13] =	ssyncset.done $0x0  }
0x294: {  	[sflag:s13] =	ssyncadd.s32 $0xFFFFE000  }
0x295: {  	_ =	swait.ge [sflag:s13], $0x2000  }
0x296: {  	[sflag:s13] =	ssyncset.done $0x0  }
0x297: {  	[sflag:s13] =	ssyncadd.s32 $0xFFFFE000  }
0x298: {  	_ =	swait.ge [sflag:s13], $0x2000  }
0x299: {  	[sflag:s13] =	ssyncset.done $0x0  }
0x29a: {  	s8 =	simm.s32 $0x0;
	[sflag:s13] =	ssyncadd.s32 $0xFFFFE000  }
0x29b: {  	v0 =	vld [tilespmem:s8+$0x4030]  }
0x29c: {  	v1 =	vld [tilespmem:s8+$0x4000];
	_ =	sdelay $0x2  }
0x29d: {  	v2 =	vld [tilespmem:s8+$0x4010]  }
0x29e: {  	v3 =	vld [tilespmem:s8+$0x4020];
	v4 =	vshll.u32 v0, $0x3  }
0x29f: {  	v5 =	vshll.u32 v1, $0x3;
	v0 =	vand.u32 $0x7F, v0;
	v4 =	vand.u32 $0xFFFFFC00, v4  }
0x2a0: {  	v1 =	vand.u32 $0x7F, v1;
	v5 =	vand.u32 $0xFFFFFC00, v5;
	v4 =	vor.u32 v0, v4  }
0x2a1: {  	v1 =	vor.u32 v1, v5  }
0x2a2: {  	v0 =	vshll.u32 v2, $0x3  }
0x2a3: {  	v2 =	vand.u32 $0x7F, v2;
	v5 =	vshll.u32 v3, $0x3;
	v0 =	vand.u32 $0xFFFFFC00, v0  }
0x2a4: {  	v3 =	vand.u32 $0x7F, v3;
	v6 =	vor.u32 v2, v0;
	v0 =	vand.u32 $0xFFFFFC00, v5  }
0x2a5: {  	v3 =	vor.u32 v3, v0;
	v0 =	vld.idx.msk [tilespmem:v4+s12+$0x0], $0xffff  }
0x2a6: {  	v5 =	vor.u32 $0x80, v4;
	v2 =	vld.idx.msk [tilespmem:v1+s12+$0x0], $0xffff  }
0x2a7: {  	v7 =	vor.u32 $0x80, v1;
	_ =	sdelay $0x1  }
0x2a8: {  	s15 =	simm.s32 $0x40;
	v8 =	vld.idx.msk [tilespmem:v6+s12+$0x0], $0xffff  }
0x2a9: {  	v12 =	vld [tilespmem:s15+$0x4010];
	[tilespmem:s8+$0x10030] =	vst v0  }
0x2aa: {  	[tilespmem:s8+$0x10000] =	vst v2;
	v0 =	vld.idx.msk [tilespmem:v5+s12+$0x0], $0xffff  }
0x2ab: {  	v2 =	vld.idx.msk [tilespmem:v7+s12+$0x0], $0xffff;
	v5 =	vor.u32 $0x100, v4  }
0x2ac: {  	v9 =	vor.u32 $0x80, v6;
	v7 =	vld [tilespmem:s15+$0x4030]  }
0x2ad: {  	[tilespmem:s8+$0x10010] =	vst v8;
	v8 =	vld [tilespmem:s15+$0x4000]  }
0x2ae: {  	v10 =	vld.idx.msk [tilespmem:v3+s12+$0x0], $0xffff  }
0x2af: {  	v15 =	vld [tilespmem:s15+$0x4020];
	v11 =	vor.u32 $0x80, v3;
	[tilespmem:s8+$0x12030] =	vst v0  }
0x2b0: {  	v13 =	vor.u32 $0x100, v1;
	v5 =	vld.idx.msk [tilespmem:v5+s12+$0x0], $0xffff  }
0x2b1: {  	v16 =	vor.u32 $0x180, v4;
	v14 =	vor.u32 $0x100, v6;
	v9 =	vld.idx.msk [tilespmem:v9+s12+$0x0], $0xffff;
	v0 =	vshll.u32 v7, $0x3  }
0x2b2: {  	v7 =	vand.u32 $0x7F, v7;
	v17 =	vshll.u32 v8, $0x3;
	v0 =	vand.u32 $0xFFFFFC00, v0  }
0x2b3: {  	s17 =	sand.u32 $0x1FC0, s9;
	[tilespmem:s8+$0x10020] =	vst v10;
	v8 =	vand.u32 $0x7F, v8;
	v10 =	vand.u32 $0xFFFFFC00, v17;
	v0 =	vor.u32 v7, v0  }
0x2b4: {  	[tilespmem:s17+$0x12000] =	vst v2;
	v2 =	vld.idx.msk [tilespmem:v11+s12+$0x0], $0xffff;
	v7 =	vor.u32 v8, v10;
	v8 =	vshll.u32 v12, $0x3  }
0x2b5: {  	v11 =	vld.idx.msk [tilespmem:v13+s12+$0x0], $0xffff;
	v10 =	vor.u32 $0x100, v3;
	v12 =	vand.u32 $0x7F, v12;
	[tilespmem:s8+$0x14030] =	vst v5;
	v5 =	vand.u32 $0xFFFFFC00, v8  }
0x2b6: {  	[tilespmem:s8+$0x12010] =	vst v9;
	v8 =	vshll.u32 v15, $0x3;
	v9 =	vld.idx.msk [tilespmem:v16+s12+$0x0], $0xffff;
	v20 =	vor.u32 v12, v5  }
0x2b7: {  	v4 =	vor.u32 $0x200, v4;
	v5 =	vld.idx.msk [tilespmem:v14+s12+$0x0], $0xffff;
	v12 =	vand.u32 $0x7F, v15;
	v8 =	vand.u32 $0xFFFFFC00, v8  }
0x2b8: {  	v21 =	vor.u32 v12, v8;
	v8 =	vld.idx.msk [tilespmem:v0+s12+$0x0], $0xffff  }
0x2b9: {  	[tilespmem:s8+$0x12020] =	vst v2;
	v12 =	vor.u32 $0x180, v1;
	v13 =	vld.idx.msk [tilespmem:v7+s12+$0x0], $0xffff  }
0x2ba: {  	v14 =	vor.u32 $0x80, v0;
	v10 =	vld.idx.msk [tilespmem:v10+s12+$0x0], $0xffff  }
0x2bb: {  	v18 =	vor.u32 $0x80, v7;
	v22 =	vld.idx.msk [tilespmem:v20+s12+$0x0], $0xffff;
	[tilespmem:s8+$0x16030] =	vst v9  }
0x2bc: {  	v23 =	vor.u32 $0x180, v6;
	[tilespmem:s17+$0x14000] =	vst v11;
	v24 =	vld.idx.msk [tilespmem:v4+s12+$0x0], $0xffff  }
0x2bd: {  	v25 =	vor.u32 $0x80, v20;
	[tilespmem:s8+$0x14010] =	vst v5;
	v16 =	vld.idx.msk [tilespmem:v21+s12+$0x0], $0xffff  }
0x2be: {  	v2 =	vor.u32 $0x200, v1;
	v1 =	vor.u32 $0x200, v6;
	v4 =	vor.u32 $0x180, v3;
	[tilespmem:s15+$0x10030] =	vst v8;
	v15 =	vld.idx.msk [tilespmem:v12+s12+$0x0], $0xffff  }
0x2bf: {  	v11 =	vor.u32 $0x100, v20;
	v6 =	vor.u32 $0x180, v7;
	v9 =	vor.u32 $0x200, v7;
	[tilespmem:s15+$0x10000] =	vst v13;
	v17 =	vld.idx.msk [tilespmem:v14+s12+$0x0], $0xffff  }
0x2c0: {  	v12 =	vor.u32 $0x100, v7;
	v13 =	vor.u32 $0x80, v21;
	[tilespmem:s8+$0x14020] =	vst v10;
	v8 =	vor.u32 $0x100, v21;
	v19 =	vld.idx.msk [tilespmem:v18+s12+$0x0], $0xffff  }
0x2c1: {  	v7 =	vor.u32 $0x200, v21;
	v14 =	vor.u32 $0x180, v21;
	v18 =	vld.idx.msk [tilespmem:v23+s12+$0x0], $0xffff;
	v21 =	vor.u32 $0x100, v0;
	[tilespmem:s15+$0x10010] =	vst v22  }
0x2c2: {  	s18 =	simm.s32 $0x4;
	s19 =	simm.s32 $0x200;
	v5 =	vor.u32 $0x180, v20;
	v3 =	vor.u32 $0x200, v3;
	v10 =	vor.u32 $0x200, v20;
	v20 =	vld.idx.msk [tilespmem:v25+s12+$0x0], $0xffff;
	[tilespmem:s8+$0x18030] =	vst v24  }
.LBB2_14:
0x2c3: {  	s20 =	sshra.s32 s19, $0x2;
	s18 =	sadd.s32 $0x4, s18;
	[tilespmem:s15+$0x10020] =	vst v16;
	v16 =	vld.idx.msk [tilespmem:v4+s12+$0x0], $0xffff;
	v4 =	vmov v14  }
0x2c4: {  	s9 =	sadd.s32 $0x40, s9;
	v14 =	vld [tilespmem:s20+$0x4030];
	p0 =	slt.u32 s18, $0x1FC;
	[tilespmem:s17+$0x16000] =	vst v15  }
0x2c5: {  	s3 =	sand.u32 $0x1FC0, s9;
	v15 =	vld [tilespmem:s20+$0x4000];
	[tilespmem:s15+$0x12030] =	vst v17  }
0x2c6: {  	[tilespmem:s3+$0x12000] =	vst v19;
	v17 =	vld.idx.msk [tilespmem:v21+s12+$0x0], $0xffff  }
0x2c7: {  	v19 =	vld [tilespmem:s20+$0x4010];
	[tilespmem:s8+$0x16010] =	vst v18  }
0x2c8: {  	v18 =	vld [tilespmem:s20+$0x4020];
	[tilespmem:s15+$0x12010] =	vst v20;
	v20 =	vor.u32 $0x180, v0  }
0x2c9: {  	v21 =	vshll.u32 v14, $0x3;
	v13 =	vld.idx.msk [tilespmem:v13+s12+$0x0], $0xffff;
	[tilespmem:s8+$0x16020] =	vst v16  }
0x2ca: {  	v14 =	vand.u32 $0x7F, v14;
	v16 =	vshll.u32 v15, $0x3;
	v21 =	vand.u32 $0xFFFFFC00, v21;
	v22 =	vld.idx.msk [tilespmem:v12+s12+$0x0], $0xffff  }
0x2cb: {  	v12 =	vand.u32 $0x7F, v15;
	v15 =	vand.u32 $0xFFFFFC00, v16;
	v14 =	vor.u32 v14, v21;
	v16 =	vld.idx.msk [tilespmem:v11+s12+$0x0], $0xffff  }
0x2cc: {  	v15 =	vor.u32 v12, v15;
	v11 =	vand.u32 $0x7F, v19;
	v12 =	vshll.u32 v19, $0x3;
	[tilespmem:s15+$0x14030] =	vst v17;
	v17 =	vld.idx.msk [tilespmem:v2+s12+$0x0], $0xffff;
	v2 =	vmovc v9  }
0x2cd: {  	v9 =	vand.u32 $0xFFFFFC00, v12;
	v12 =	vand.u32 $0x7F, v18;
	v18 =	vshll.u32 v18, $0x3;
	v19 =	vld.idx.msk [tilespmem:v20+s12+$0x0], $0xffff  }
0x2ce: {  	v20 =	vor.u32 $0x80, v15;
	v21 =	vor.u32 v11, v9;
	v9 =	vand.u32 $0xFFFFFC00, v18;
	v18 =	vld.idx.msk [tilespmem:v1+s12+$0x0], $0xffff;
	v1 =	vmovc v10  }
0x2cf: {  	v25 =	vor.u32 $0x200, v0;
	v0 =	vmovc v14;
	v23 =	vor.u32 $0x80, v21;
	v24 =	vor.u32 v12, v9;
	[tilespmem:s15+$0x12020] =	vst v13;
	v26 =	vld.idx.msk [tilespmem:v3+s12+$0x0], $0xffff  }
0x2d0: {  	v12 =	vor.u32 $0x100, v15;
	v11 =	vor.u32 $0x100, v21;
	v3 =	vmovc v7;
	v13 =	vor.u32 $0x80, v24;
	v27 =	vld.idx.msk [tilespmem:v14+s12+$0x0], $0xffff;
	[tilespmem:s3+$0x14000] =	vst v22  }
0x2d1: {  	v28 =	vor.u32 $0x180, v15;
	v29 =	vor.u32 $0x180, v21;
	v7 =	vor.u32 $0x100, v24;
	v22 =	vld.idx.msk [tilespmem:v15+s12+$0x0], $0xffff;
	[tilespmem:s15+$0x14010] =	vst v16  }
0x2d2: {  	v30 =	vor.u32 $0x80, v0;
	v9 =	vor.u32 $0x200, v15;
	v14 =	vor.u32 $0x180, v24;
	v31 =	vld.idx.msk [tilespmem:v8+s12+$0x0], $0xffff;
	[tilespmem:s17+$0x18000] =	vst v17;
	v8 =	vmovc v7;
	s17 =	smov.u32 s3  }
0x2d3: {  	v10 =	vor.u32 $0x200, v21;
	v7 =	vor.u32 $0x200, v24;
	v32 =	vld.idx.msk [tilespmem:v21+s12+$0x0], $0xffff;
	[tilespmem:s15+$0x16030] =	vst v19  }
0x2d4: {  	v25 =	vld.idx.msk [tilespmem:v25+s12+$0x0], $0xffff;
	[tilespmem:s8+$0x18010] =	vst v18  }
0x2d5: {  	v16 =	vld.idx.msk [tilespmem:v24+s12+$0x0], $0xffff;
	[tilespmem:s8+$0x18020] =	vst v26;
	s8 =	smov.u32 s15;
	s15 =	smov.u32 s20  }
.Ltmp6:
0x2d6: {  	[tilespmem:s15+$0x10030] =	vst v27;
	v15 =	vld.idx.msk [tilespmem:v6+s12+$0x0], $0xffff;
	v6 =	vmov v28;
	(pc) =	sbr.rel @p0 .LBB2_14-.Ltmp6, $4  }
0x2d7: {  	[tilespmem:s15+$0x10000] =	vst v22;
	v17 =	vld.idx.msk [tilespmem:v30+s12+$0x0], $0xffff  }
0x2d8: {  	v19 =	vld.idx.msk [tilespmem:v20+s12+$0x0], $0xffff;
	[tilespmem:s8+$0x14020] =	vst v31  }
0x2d9: {  	v21 =	vor.u32 $0x100, v0;
	[tilespmem:s15+$0x10010] =	vst v32;
	v18 =	vld.idx.msk [tilespmem:v5+s12+$0x0], $0xffff;
	v5 =	vmov v29  }
0x2da: {  	s19 =	sadd.s32 $0x100, s19;
	v20 =	vld.idx.msk [tilespmem:v23+s12+$0x0], $0xffff;
	[tilespmem:s8+$0x18030] =	vst v25  }
0x2db: {  	_ =	sdelay $0x2  }
0x2dc: {  	[tilespmem:s15+$0x10020] =	vst v16  }
0x2dd: {  	v13 =	vld.idx.msk [tilespmem:v13+s12+$0x0], $0xffff  }
0x2de: {  	s3 =	sadd.s32 $0x40, s9  }
0x2df: {  	s3 =	sand.u32 $0x1FC0, s3;
	[tilespmem:s15+$0x12030] =	vst v17  }
0x2e0: {  	[tilespmem:s3+$0x12000] =	vst v19;
	v16 =	vld.idx.msk [tilespmem:v21+s12+$0x0], $0xffff  }
0x2e1: {  	v17 =	vor.u32 $0x180, v0;
	v12 =	vld.idx.msk [tilespmem:v12+s12+$0x0], $0xffff;
	[tilespmem:s15+$0x12010] =	vst v20  }
0x2e2: {  	v11 =	vld.idx.msk [tilespmem:v11+s12+$0x0], $0xffff;
	[tilespmem:s15+$0x12020] =	vst v13  }
0x2e3: {  	[tilespmem:s17+$0x16000] =	vst v15;
	v8 =	vld.idx.msk [tilespmem:v8+s12+$0x0], $0xffff  }
0x2e4: {  	v4 =	vld.idx.msk [tilespmem:v4+s12+$0x0], $0xffff;
	[tilespmem:s8+$0x16010] =	vst v18  }
0x2e5: {  	v2 =	vld.idx.msk [tilespmem:v2+s12+$0x0], $0xffff;
	[tilespmem:s15+$0x14030] =	vst v16  }
0x2e6: {  	v13 =	vld.idx.msk [tilespmem:v17+s12+$0x0], $0xffff;
	[tilespmem:s3+$0x14000] =	vst v12  }
0x2e7: {  	v0 =	vor.u32 $0x200, v0;
	v6 =	vld.idx.msk [tilespmem:v6+s12+$0x0], $0xffff;
	[tilespmem:s15+$0x14010] =	vst v11  }
0x2e8: {  	v5 =	vld.idx.msk [tilespmem:v5+s12+$0x0], $0xffff;
	[tilespmem:s15+$0x14020] =	vst v8  }
0x2e9: {  	[tilespmem:s8+$0x16020] =	vst v4;
	v4 =	vld.idx.msk [tilespmem:v14+s12+$0x0], $0xffff  }
0x2ea: {  	v1 =	vld.idx.msk [tilespmem:v1+s12+$0x0], $0xffff;
	[tilespmem:s17+$0x18000] =	vst v2  }
0x2eb: {  	v2 =	vld.idx.msk [tilespmem:v3+s12+$0x0], $0xffff;
	[tilespmem:s15+$0x16030] =	vst v13  }
0x2ec: {  	v0 =	vld.idx.msk [tilespmem:v0+s12+$0x0], $0xffff;
	[tilespmem:s3+$0x16000] =	vst v6  }
0x2ed: {  	v3 =	vld.idx.msk [tilespmem:v9+s12+$0x0], $0xffff;
	[tilespmem:s15+$0x16010] =	vst v5  }
0x2ee: {  	[tilespmem:s15+$0x16020] =	vst v4;
	v4 =	vld.idx.msk [tilespmem:v10+s12+$0x0], $0xffff  }
0x2ef: {  	[tilespmem:s8+$0x18010] =	vst v1;
	v1 =	vld.idx.msk [tilespmem:v7+s12+$0x0], $0xffff  }
0x2f0: {  	[tilespmem:s8+$0x18020] =	vst v2  }
0x2f1: {  	[tilespmem:s15+$0x18030] =	vst v0  }
0x2f2: {  	[tilespmem:s3+$0x18000] =	vst v3  }
0x2f3: {  	[tilespmem:s15+$0x18010] =	vst v4  }
0x2f4: {  	[tilespmem:s15+$0x18020] =	vst v1  }
0x2f5: {  	s3 =	rddreg [dreg:$0x1c]  }
0x2f6: {  	s9 =	simm.s32 $0x0;
	s15 =	simm.s32 $0x10000;
	s17 =	rddreg [dreg:$0x1d]  }
0x2f7: {  	[hbm4b:s3+s9] =	stream.linear.scatter [tilespmem:s15], [sflag:$0x4], $0x2000, $0x38;
	[tilespmem:$0x1A000] =	vst v63  }
0x2f8: {  	s18 =	simm.s32 $0x12000;
	s19 =	rddreg [dreg:$0x1e]  }
0x2f9: {  	[hbm4b:s17+s9] =	stream.linear.scatter [tilespmem:s18], [sflag:$0x4], $0x2000, $0x38;
	[tilespmem:$0x1A000] =	vst v63  }
0x2fa: {  	s20 =	simm.s32 $0x14000;
	s22 =	rddreg [dreg:$0x1f]  }
0x2fb: {  	[hbm4b:s19+s9] =	stream.linear.scatter [tilespmem:s20], [sflag:$0x4], $0x2000, $0x38;
	[tilespmem:$0x1A000] =	vst v63  }
0x2fc: {  	s23 =	simm.s32 $0x16000;
	s24 =	sld [smem:$0x7F8]  }
0x2fd: {  	[hbm4b:s22+s9] =	stream.linear.scatter [tilespmem:s23], [sflag:$0x4], $0x2000, $0x38;
	[tilespmem:$0x1A000] =	vst v63  }
0x2fe: {  	s25 =	simm.s32 $0x18000  }
0x2ff: {  	[hbm4b:s24+s9] =	stream.linear.scatter [tilespmem:s25], [sflag:$0x4], $0x2000, $0x38;
	[tilespmem:$0x1A000] =	vst v63  }
0x300: {  	_ =	swait.ge [sflag:s14], $0x1000  }
0x301: {  	[sflag:s14] =	ssyncset.done $0x0  }
0x302: {  	[sflag:s14] =	ssyncadd.s32 $0xFFFFF000  }
0x303: {  	_ =	swait.ge [sflag:s14], $0x2000  }
0x304: {  	[sflag:s14] =	ssyncset.done $0x0  }
0x305: {  	[sflag:s14] =	ssyncadd.s32 $0xFFFFE000  }
0x306: {  	_ =	swait.ge [sflag:s10], $0x2000  }
0x307: {  	[sflag:s10] =	ssyncset.done $0x0  }
0x308: {  	[sflag:s10] =	ssyncadd.s32 $0xFFFFE000  }
0x309: {  	_ =	swait.ge [sflag:s10], $0x2000  }
0x30a: {  	[sflag:s10] =	ssyncset.done $0x0  }
0x30b: {  	[sflag:s10] =	ssyncadd.s32 $0xFFFFE000  }
0x30c: {  	_ =	swait.ge [sflag:s10], $0x2000  }
0x30d: {  	[sflag:s10] =	ssyncset.done $0x0  }
0x30e: {  	[sflag:s10] =	ssyncadd.s32 $0xFFFFE000  }
0x30f: {  	_ =	swait.ge [sflag:s10], $0x2000  }
0x310: {  	[sflag:s10] =	ssyncset.done $0x0  }
0x311: {  	[sflag:s10] =	ssyncadd.s32 $0xFFFFE000  }
0x312: {  	_ =	swait.ge [sflag:s10], $0x2000  }
0x313: {  	[sflag:s10] =	ssyncset.done $0x0  }
0x314: {  	s8 =	simm.s32 $0x0;
	[sflag:s10] =	ssyncadd.s32 $0xFFFFE000  }
0x315: {  	v0 =	vld [tilespmem:s8+$0x2030]  }
0x316: {  	v1 =	vld [tilespmem:s8+$0x2000];
	_ =	sdelay $0x2  }
0x317: {  	v2 =	vld [tilespmem:s8+$0x2010]  }
0x318: {  	v3 =	vld [tilespmem:s8+$0x2020];
	v4 =	vshll.u32 v0, $0x3  }
0x319: {  	v5 =	vshll.u32 v1, $0x3;
	v0 =	vand.u32 $0x7F, v0;
	v4 =	vand.u32 $0xFFFFFC00, v4  }
0x31a: {  	v1 =	vand.u32 $0x7F, v1;
	v5 =	vand.u32 $0xFFFFFC00, v5;
	v4 =	vor.u32 v0, v4  }
0x31b: {  	v1 =	vor.u32 v1, v5  }
0x31c: {  	v0 =	vshll.u32 v2, $0x3  }
0x31d: {  	v2 =	vand.u32 $0x7F, v2;
	v5 =	vshll.u32 v3, $0x3;
	v0 =	vand.u32 $0xFFFFFC00, v0  }
0x31e: {  	v3 =	vand.u32 $0x7F, v3;
	v6 =	vor.u32 v2, v0;
	v0 =	vand.u32 $0xFFFFFC00, v5  }
0x31f: {  	v3 =	vor.u32 v3, v0;
	v0 =	vld.idx.msk [tilespmem:v4+s5+$0x0], $0xffff  }
0x320: {  	v5 =	vor.u32 $0x80, v4;
	v2 =	vld.idx.msk [tilespmem:v1+s5+$0x0], $0xffff  }
0x321: {  	v7 =	vor.u32 $0x80, v1;
	_ =	sdelay $0x1  }
0x322: {  	s15 =	simm.s32 $0x40;
	v8 =	vld.idx.msk [tilespmem:v6+s5+$0x0], $0xffff  }
0x323: {  	v12 =	vld [tilespmem:s15+$0x2010];
	[tilespmem:s8+$0x6030] =	vst v0  }
0x324: {  	[tilespmem:s8+$0x6000] =	vst v2;
	v0 =	vld.idx.msk [tilespmem:v5+s5+$0x0], $0xffff  }
0x325: {  	v2 =	vld.idx.msk [tilespmem:v7+s5+$0x0], $0xffff;
	v5 =	vor.u32 $0x100, v4  }
0x326: {  	v9 =	vor.u32 $0x80, v6;
	v7 =	vld [tilespmem:s15+$0x2030]  }
0x327: {  	[tilespmem:s8+$0x6010] =	vst v8;
	v8 =	vld [tilespmem:s15+$0x2000]  }
0x328: {  	v10 =	vld.idx.msk [tilespmem:v3+s5+$0x0], $0xffff  }
0x329: {  	v15 =	vld [tilespmem:s15+$0x2020];
	v11 =	vor.u32 $0x80, v3;
	[tilespmem:s8+$0x8030] =	vst v0  }
0x32a: {  	v13 =	vor.u32 $0x100, v1;
	v5 =	vld.idx.msk [tilespmem:v5+s5+$0x0], $0xffff  }
0x32b: {  	v16 =	vor.u32 $0x180, v4;
	v14 =	vor.u32 $0x100, v6;
	v9 =	vld.idx.msk [tilespmem:v9+s5+$0x0], $0xffff;
	v0 =	vshll.u32 v7, $0x3  }
0x32c: {  	v7 =	vand.u32 $0x7F, v7;
	v17 =	vshll.u32 v8, $0x3;
	v0 =	vand.u32 $0xFFFFFC00, v0  }
0x32d: {  	s17 =	sand.u32 $0x1FC0, s9;
	[tilespmem:s8+$0x6020] =	vst v10;
	v8 =	vand.u32 $0x7F, v8;
	v10 =	vand.u32 $0xFFFFFC00, v17;
	v0 =	vor.u32 v7, v0  }
0x32e: {  	[tilespmem:s17+$0x8000] =	vst v2;
	v2 =	vld.idx.msk [tilespmem:v11+s5+$0x0], $0xffff;
	v7 =	vor.u32 v8, v10;
	v8 =	vshll.u32 v12, $0x3  }
0x32f: {  	v11 =	vld.idx.msk [tilespmem:v13+s5+$0x0], $0xffff;
	v10 =	vor.u32 $0x100, v3;
	v12 =	vand.u32 $0x7F, v12;
	[tilespmem:s8+$0xA030] =	vst v5;
	v5 =	vand.u32 $0xFFFFFC00, v8  }
0x330: {  	[tilespmem:s8+$0x8010] =	vst v9;
	v8 =	vshll.u32 v15, $0x3;
	v9 =	vld.idx.msk [tilespmem:v16+s5+$0x0], $0xffff;
	v20 =	vor.u32 v12, v5  }
0x331: {  	v4 =	vor.u32 $0x200, v4;
	v5 =	vld.idx.msk [tilespmem:v14+s5+$0x0], $0xffff;
	v12 =	vand.u32 $0x7F, v15;
	v8 =	vand.u32 $0xFFFFFC00, v8  }
0x332: {  	v21 =	vor.u32 v12, v8;
	v8 =	vld.idx.msk [tilespmem:v0+s5+$0x0], $0xffff  }
0x333: {  	[tilespmem:s8+$0x8020] =	vst v2;
	v12 =	vor.u32 $0x180, v1;
	v13 =	vld.idx.msk [tilespmem:v7+s5+$0x0], $0xffff  }
0x334: {  	v14 =	vor.u32 $0x80, v0;
	v10 =	vld.idx.msk [tilespmem:v10+s5+$0x0], $0xffff  }
0x335: {  	v18 =	vor.u32 $0x80, v7;
	v22 =	vld.idx.msk [tilespmem:v20+s5+$0x0], $0xffff;
	[tilespmem:s8+$0xC030] =	vst v9  }
0x336: {  	v23 =	vor.u32 $0x180, v6;
	[tilespmem:s17+$0xA000] =	vst v11;
	v24 =	vld.idx.msk [tilespmem:v4+s5+$0x0], $0xffff  }
0x337: {  	v25 =	vor.u32 $0x80, v20;
	[tilespmem:s8+$0xA010] =	vst v5;
	v16 =	vld.idx.msk [tilespmem:v21+s5+$0x0], $0xffff  }
0x338: {  	v2 =	vor.u32 $0x200, v1;
	v1 =	vor.u32 $0x200, v6;
	v4 =	vor.u32 $0x180, v3;
	[tilespmem:s15+$0x6030] =	vst v8;
	v15 =	vld.idx.msk [tilespmem:v12+s5+$0x0], $0xffff  }
0x339: {  	v11 =	vor.u32 $0x100, v20;
	v6 =	vor.u32 $0x180, v7;
	v9 =	vor.u32 $0x200, v7;
	[tilespmem:s15+$0x6000] =	vst v13;
	v17 =	vld.idx.msk [tilespmem:v14+s5+$0x0], $0xffff  }
0x33a: {  	v12 =	vor.u32 $0x100, v7;
	v13 =	vor.u32 $0x80, v21;
	[tilespmem:s8+$0xA020] =	vst v10;
	v8 =	vor.u32 $0x100, v21;
	v19 =	vld.idx.msk [tilespmem:v18+s5+$0x0], $0xffff  }
0x33b: {  	v7 =	vor.u32 $0x200, v21;
	v14 =	vor.u32 $0x180, v21;
	v18 =	vld.idx.msk [tilespmem:v23+s5+$0x0], $0xffff;
	v21 =	vor.u32 $0x100, v0;
	[tilespmem:s15+$0x6010] =	vst v22  }
0x33c: {  	s18 =	simm.s32 $0x4;
	s19 =	simm.s32 $0x200;
	v5 =	vor.u32 $0x180, v20;
	v3 =	vor.u32 $0x200, v3;
	v10 =	vor.u32 $0x200, v20;
	v20 =	vld.idx.msk [tilespmem:v25+s5+$0x0], $0xffff;
	[tilespmem:s8+$0xE030] =	vst v24  }
.LBB2_16:
0x33d: {  	s20 =	sshra.s32 s19, $0x2;
	s18 =	sadd.s32 $0x4, s18;
	[tilespmem:s15+$0x6020] =	vst v16;
	v16 =	vld.idx.msk [tilespmem:v4+s5+$0x0], $0xffff;
	v4 =	vmov v14  }
0x33e: {  	s9 =	sadd.s32 $0x40, s9;
	v14 =	vld [tilespmem:s20+$0x2030];
	p0 =	slt.u32 s18, $0x1FC;
	[tilespmem:s17+$0xC000] =	vst v15  }
0x33f: {  	s3 =	sand.u32 $0x1FC0, s9;
	v15 =	vld [tilespmem:s20+$0x2000];
	[tilespmem:s15+$0x8030] =	vst v17  }
0x340: {  	[tilespmem:s3+$0x8000] =	vst v19;
	v17 =	vld.idx.msk [tilespmem:v21+s5+$0x0], $0xffff  }
0x341: {  	v19 =	vld [tilespmem:s20+$0x2010];
	[tilespmem:s8+$0xC010] =	vst v18  }
0x342: {  	v18 =	vld [tilespmem:s20+$0x2020];
	[tilespmem:s15+$0x8010] =	vst v20;
	v20 =	vor.u32 $0x180, v0  }
0x343: {  	v21 =	vshll.u32 v14, $0x3;
	v13 =	vld.idx.msk [tilespmem:v13+s5+$0x0], $0xffff;
	[tilespmem:s8+$0xC020] =	vst v16  }
0x344: {  	v14 =	vand.u32 $0x7F, v14;
	v16 =	vshll.u32 v15, $0x3;
	v21 =	vand.u32 $0xFFFFFC00, v21;
	v22 =	vld.idx.msk [tilespmem:v12+s5+$0x0], $0xffff  }
0x345: {  	v12 =	vand.u32 $0x7F, v15;
	v15 =	vand.u32 $0xFFFFFC00, v16;
	v14 =	vor.u32 v14, v21;
	v16 =	vld.idx.msk [tilespmem:v11+s5+$0x0], $0xffff  }
0x346: {  	v15 =	vor.u32 v12, v15;
	v11 =	vand.u32 $0x7F, v19;
	v12 =	vshll.u32 v19, $0x3;
	[tilespmem:s15+$0xA030] =	vst v17;
	v17 =	vld.idx.msk [tilespmem:v2+s5+$0x0], $0xffff;
	v2 =	vmovc v9  }
0x347: {  	v9 =	vand.u32 $0xFFFFFC00, v12;
	v12 =	vand.u32 $0x7F, v18;
	v18 =	vshll.u32 v18, $0x3;
	v19 =	vld.idx.msk [tilespmem:v20+s5+$0x0], $0xffff  }
0x348: {  	v20 =	vor.u32 $0x80, v15;
	v21 =	vor.u32 v11, v9;
	v9 =	vand.u32 $0xFFFFFC00, v18;
	v18 =	vld.idx.msk [tilespmem:v1+s5+$0x0], $0xffff;
	v1 =	vmovc v10  }
0x349: {  	v25 =	vor.u32 $0x200, v0;
	v0 =	vmovc v14;
	v23 =	vor.u32 $0x80, v21;
	v24 =	vor.u32 v12, v9;
	[tilespmem:s15+$0x8020] =	vst v13;
	v26 =	vld.idx.msk [tilespmem:v3+s5+$0x0], $0xffff  }
0x34a: {  	v12 =	vor.u32 $0x100, v15;
	v11 =	vor.u32 $0x100, v21;
	v3 =	vmovc v7;
	v13 =	vor.u32 $0x80, v24;
	v27 =	vld.idx.msk [tilespmem:v14+s5+$0x0], $0xffff;
	[tilespmem:s3+$0xA000] =	vst v22  }
0x34b: {  	v28 =	vor.u32 $0x180, v15;
	v29 =	vor.u32 $0x180, v21;
	v7 =	vor.u32 $0x100, v24;
	v22 =	vld.idx.msk [tilespmem:v15+s5+$0x0], $0xffff;
	[tilespmem:s15+$0xA010] =	vst v16  }
0x34c: {  	v30 =	vor.u32 $0x80, v0;
	v9 =	vor.u32 $0x200, v15;
	v14 =	vor.u32 $0x180, v24;
	v31 =	vld.idx.msk [tilespmem:v8+s5+$0x0], $0xffff;
	[tilespmem:s17+$0xE000] =	vst v17;
	v8 =	vmovc v7;
	s17 =	smov.u32 s3  }
0x34d: {  	v10 =	vor.u32 $0x200, v21;
	v7 =	vor.u32 $0x200, v24;
	v32 =	vld.idx.msk [tilespmem:v21+s5+$0x0], $0xffff;
	[tilespmem:s15+$0xC030] =	vst v19  }
0x34e: {  	v25 =	vld.idx.msk [tilespmem:v25+s5+$0x0], $0xffff;
	[tilespmem:s8+$0xE010] =	vst v18  }
0x34f: {  	v16 =	vld.idx.msk [tilespmem:v24+s5+$0x0], $0xffff;
	[tilespmem:s8+$0xE020] =	vst v26;
	s8 =	smov.u32 s15;
	s15 =	smov.u32 s20  }
.Ltmp7:
0x350: {  	[tilespmem:s15+$0x6030] =	vst v27;
	v15 =	vld.idx.msk [tilespmem:v6+s5+$0x0], $0xffff;
	v6 =	vmov v28;
	(pc) =	sbr.rel @p0 .LBB2_16-.Ltmp7, $4  }
0x351: {  	[tilespmem:s15+$0x6000] =	vst v22;
	v17 =	vld.idx.msk [tilespmem:v30+s5+$0x0], $0xffff  }
0x352: {  	v19 =	vld.idx.msk [tilespmem:v20+s5+$0x0], $0xffff;
	[tilespmem:s8+$0xA020] =	vst v31  }
0x353: {  	v21 =	vor.u32 $0x100, v0;
	[tilespmem:s15+$0x6010] =	vst v32;
	v18 =	vld.idx.msk [tilespmem:v5+s5+$0x0], $0xffff;
	v5 =	vmov v29  }
0x354: {  	s19 =	sadd.s32 $0x100, s19;
	v20 =	vld.idx.msk [tilespmem:v23+s5+$0x0], $0xffff;
	[tilespmem:s8+$0xE030] =	vst v25  }
0x355: {  	_ =	sdelay $0x2  }
0x356: {  	[tilespmem:s15+$0x6020] =	vst v16  }
0x357: {  	v13 =	vld.idx.msk [tilespmem:v13+s5+$0x0], $0xffff  }
0x358: {  	s3 =	sadd.s32 $0x40, s9  }
0x359: {  	s3 =	sand.u32 $0x1FC0, s3;
	[tilespmem:s15+$0x8030] =	vst v17  }
0x35a: {  	[tilespmem:s3+$0x8000] =	vst v19;
	v55 =	vld.idx.msk [tilespmem:v21+s5+$0x0], $0xffff  }
0x35b: {  	v56 =	vor.u32 $0x180, v0;
	v12 =	vld.idx.msk [tilespmem:v12+s5+$0x0], $0xffff;
	[tilespmem:s15+$0x8010] =	vst v20  }
0x35c: {  	v11 =	vld.idx.msk [tilespmem:v11+s5+$0x0], $0xffff;
	[tilespmem:s15+$0x8020] =	vst v13  }
0x35d: {  	[tilespmem:s17+$0xC000] =	vst v15;
	v8 =	vld.idx.msk [tilespmem:v8+s5+$0x0], $0xffff  }
0x35e: {  	v4 =	vld.idx.msk [tilespmem:v4+s5+$0x0], $0xffff;
	[tilespmem:s8+$0xC010] =	vst v18  }
0x35f: {  	v2 =	vld.idx.msk [tilespmem:v2+s5+$0x0], $0xffff;
	[tilespmem:s15+$0xA030] =	vst v55  }
0x360: {  	v57 =	vld.idx.msk [tilespmem:v56+s5+$0x0], $0xffff;
	[tilespmem:s3+$0xA000] =	vst v12  }
0x361: {  	v58 =	vor.u32 $0x200, v0;
	v6 =	vld.idx.msk [tilespmem:v6+s5+$0x0], $0xffff;
	[tilespmem:s15+$0xA010] =	vst v11  }
0x362: {  	v5 =	vld.idx.msk [tilespmem:v5+s5+$0x0], $0xffff;
	[tilespmem:s15+$0xA020] =	vst v8  }
0x363: {  	[tilespmem:s8+$0xC020] =	vst v4;
	v59 =	vld.idx.msk [tilespmem:v14+s5+$0x0], $0xffff  }
0x364: {  	v1 =	vld.idx.msk [tilespmem:v1+s5+$0x0], $0xffff;
	[tilespmem:s17+$0xE000] =	vst v2  }
0x365: {  	v60 =	vld.idx.msk [tilespmem:v3+s5+$0x0], $0xffff;
	[tilespmem:s15+$0xC030] =	vst v57  }
0x366: {  	v0 =	vld.idx.msk [tilespmem:v58+s5+$0x0], $0xffff;
	[tilespmem:s3+$0xC000] =	vst v6  }
0x367: {  	v61 =	vld.idx.msk [tilespmem:v9+s5+$0x0], $0xffff;
	[tilespmem:s15+$0xC010] =	vst v5  }
0x368: {  	v62 =	vld.idx.msk [tilespmem:v10+s5+$0x0], $0xffff;
	[tilespmem:s15+$0xC020] =	vst v59  }
0x369: {  	[tilespmem:s8+$0xE010] =	vst v1;
	v63 =	vld.idx.msk [tilespmem:v7+s5+$0x0], $0xffff  }
0x36a: {  	[tilespmem:s8+$0xE020] =	vst v60  }
0x36b: {  	[tilespmem:s15+$0xE030] =	vst v0  }
0x36c: {  	[tilespmem:s3+$0xE000] =	vst v61  }
0x36d: {  	[tilespmem:s15+$0xE010] =	vst v62  }
0x36e: {  	[tilespmem:s15+$0xE020] =	vst v63  }
0x36f: {  	s3 =	sld [smem:$0x7F9];
	_ =	sdelay $0x1  }
0x370: {  	s25 =	simm.s32 $0x6000;
	s9 =	sld [smem:$0x7FA]  }
0x371: {  	[hbm4b:s3+s5] =	stream.linear.scatter [tilespmem:s25], [sflag:$0x3], $0x2000, $0x38;
	[tilespmem:$0x1A000] =	vst v63  }
0x372: {  	s15 =	simm.s32 $0x8000;
	s17 =	sld [smem:$0x7FB]  }
0x373: {  	[hbm4b:s9+s5] =	stream.linear.scatter [tilespmem:s15], [sflag:$0x3], $0x2000, $0x38;
	[tilespmem:$0x1A000] =	vst v63  }
0x374: {  	s18 =	simm.s32 $0xA000;
	s19 =	sld [smem:$0x7FC]  }
0x375: {  	[hbm4b:s17+s5] =	stream.linear.scatter [tilespmem:s18], [sflag:$0x3], $0x2000, $0x38;
	[tilespmem:$0x1A000] =	vst v63  }
0x376: {  	s20 =	simm.s32 $0xC000;
	s22 =	sld [smem:$0x7FD]  }
0x377: {  	[hbm4b:s19+s5] =	stream.linear.scatter [tilespmem:s20], [sflag:$0x3], $0x2000, $0x38;
	[tilespmem:$0x1A000] =	vst v63  }
0x378: {  	s23 =	simm.s32 $0xE000  }
0x379: {  	[hbm4b:s22+s5] =	stream.linear.scatter [tilespmem:s23], [sflag:$0x3], $0x2000, $0x38;
	[tilespmem:$0x1A000] =	vst v63  }
0x37a: {  	_ =	swait.ge [sflag:s10], $0x2000  }
0x37b: {  	[sflag:s10] =	ssyncset.done $0x0  }
0x37c: {  	[sflag:s10] =	ssyncadd.s32 $0xFFFFE000  }
0x37d: {  	_ =	swait.ge [sflag:s10], $0x2000  }
0x37e: {  	[sflag:s10] =	ssyncset.done $0x0  }
0x37f: {  	[sflag:s10] =	ssyncadd.s32 $0xFFFFE000  }
0x380: {  	_ =	swait.ge [sflag:s10], $0x2000  }
0x381: {  	[sflag:s10] =	ssyncset.done $0x0  }
0x382: {  	[sflag:s10] =	ssyncadd.s32 $0xFFFFE000  }
0x383: {  	_ =	swait.ge [sflag:s10], $0x2000  }
0x384: {  	[sflag:s10] =	ssyncset.done $0x0  }
0x385: {  	[sflag:s10] =	ssyncadd.s32 $0xFFFFE000  }
0x386: {  	_ =	swait.ge [sflag:s10], $0x2000  }
0x387: {  	[sflag:s10] =	ssyncset.done $0x0  }
0x388: {  	[sflag:s10] =	ssyncadd.s32 $0xFFFFE000  }
0x389: {  	_ =	swait.ge [sflag:s13], $0x2000  }
0x38a: {  	[sflag:s13] =	ssyncset.done $0x0  }
0x38b: {  	[sflag:s13] =	ssyncadd.s32 $0xFFFFE000  }
0x38c: {  	_ =	swait.ge [sflag:s13], $0x2000  }
0x38d: {  	[sflag:s13] =	ssyncset.done $0x0  }
0x38e: {  	[sflag:s13] =	ssyncadd.s32 $0xFFFFE000  }
0x38f: {  	_ =	swait.ge [sflag:s13], $0x2000  }
0x390: {  	[sflag:s13] =	ssyncset.done $0x0  }
0x391: {  	[sflag:s13] =	ssyncadd.s32 $0xFFFFE000  }
0x392: {  	_ =	swait.ge [sflag:s13], $0x2000  }
0x393: {  	[sflag:s13] =	ssyncset.done $0x0  }
0x394: {  	[sflag:s13] =	ssyncadd.s32 $0xFFFFE000  }
0x395: {  	_ =	swait.ge [sflag:s13], $0x2000  }
0x396: {  	s24 =	sld [smem:$0x7F7];
	_ =	sdelay $0x2  }
0x397: {  	s25 =	rddreg [dreg:$0x14];
	s8 =	sadd.s32 $0x1, s24  }
0x398: {  	p0 =	sne.s32 s8, s25  }
.Ltmp8:
0x399: {  	_ = 	snop;
	(pc) =	sbr.rel @p0 .LBB2_1-.Ltmp8, $3  }
0x39a: {  	_ =	sdelay $0x1  }
0x39b: {  	[sflag:s13] =	ssyncset.done $0x0  }
0x39c: {  	[sflag:s13] =	ssyncadd.s32 $0xFFFFE000  }
0x39d: {  	_ =	sfence.sel $0x180000  }
0x39e: {  	[bflag:$0x0] =	sbarrier.arrive $0xFFFF  }
0x39f: {  	_ =	strace $0x90000047  }
0x3a0: {  	s0 =	stileid.u32;
	[bflag:$0x2] =	sbarrier.arrive $0xFFFF  }
0x3a1: {  	p0 =	sne.s32 s0, $0x0;
	s0 =	rddreg [dreg:$0x3]  }
0x3a2: {  	s0 =	sadd.s32 @!p0 $0x100000, s0  }
0x3a3: {  	[sflag:s0] =	ssyncadd.tile.s32 @!p0 $0x1;
	_ =	shalt  }
.Lfunc_end2:
_tile_overlayer_lowered:
.L_overlay_start_2:
0x3a4: {  	(tag) =	ssettag $0x2  }
0x3a5: {  	s0 =	rddreg [dreg:$0x0];
	s2 =	stileid.u32  }
0x3a6: {  	s1 =	rddreg [dreg:$0x1];
	p0 =	sne.s32 s2, $0x0  }
0x3a7: {  	s3 =	rddreg [dreg:$0x2];
	[bflag:$0x3] =	sbarrier.arrive $0xFFFF;
	s2 =	simm.s32 @!p0 $0x1C05  }
0x3a8: {  	[timem:s3], [sflag:s2] =	dma.local @!p0 [hbm:s0], s1  }
0x3a9: {  	s0 =	simm.s32 @!p0 $0x5  }
0x3aa: {  	_ =	swait.ge @!p0 [sflag:s0], s1  }
0x3ab: {  	s1 =	ssub.s32 @!p0 $0x0, s1;
	[sflag:s0] =	ssyncset.done @!p0 $0x0  }
0x3ac: {  	[sflag:s0] =	ssyncadd.s32 @!p0 s1  }
0x3ad: {  	[bflag:$0x3] =	sbarrier.arrive $0xFFFF  }
0x3ae: {  	_ =	shalt  }

</sc_bundles>
